<compile_context>
chip_gen: v7x
topology: tpu7x:2x2x1
jax: 0.10.2.dev20260603
libtpu: 0.0.44.dev20260713+nightly
codegen_flags: <defaults>
</compile_context>

<pallas_src>
import functools

import jax
import jax.numpy as jnp
from jax import lax
from jax.experimental import pallas as pl
from jax.experimental.pallas import tpu as pltpu
from jax.experimental.pallas import tpu_sc as plsc

N = 10000
NPAD = 10240
NC, NS = 2, 16
B = 64
T = 336
CT = 56
TER = 112
CTER = 56
BE = 96
E_COL = NS * T * B
E_EDG = NC * NS * TER * BE
RPT = NPAD // NS
BR = 1024

_MESH = plsc.VectorSubcoreMesh(core_axis_name="c", subcore_axis_name="s")



def _pipeline_chunk(g_hbm, acc, sidx, didx, bufs, sems, n):
    nb = len(bufs)
    for i in range(nb):
        pltpu.async_copy(g_hbm.at[sidx.at[i]], bufs[i], sems[i])

    @pl.loop(0, n, step=nb)
    def _(j):
        for i in range(nb):
            pltpu.make_async_copy(g_hbm.at[sidx.at[j + i]],
                                  bufs[i], sems[i]).wait()
            pltpu.sync_copy(bufs[i], acc.at[didx.at[j + i]], add=True)

            @pl.when(j + nb + i < n)
            def _(i=i):
                pltpu.async_copy(g_hbm.at[sidx.at[j + nb + i]],
                                 bufs[i], sems[i])


@functools.partial(
    pl.kernel,
    out_type=jax.ShapeDtypeStruct((NC, NPAD, 128), jnp.float32),
    mesh=_MESH,
    scratch_types=[
        pltpu.VMEM((CT, B), jnp.int32),
        pltpu.VMEM((CT, B), jnp.int32),
        pltpu.VMEM((B, 128), jnp.float32),
        pltpu.VMEM((B, 128), jnp.float32),
        pltpu.VMEM((B, 128), jnp.float32),
        pltpu.VMEM((B, 128), jnp.float32),
        pltpu.SemaphoreType.DMA,
        pltpu.SemaphoreType.DMA,
        pltpu.SemaphoreType.DMA,
        pltpu.SemaphoreType.DMA,
        pltpu.VMEM_SHARED((NPAD, 128), jnp.float32),
    ],
)
def _scatter_col(g_hbm, src_hbm, dst_hbm, zeros_hbm, out,
                 sidx, didx, buf0, buf1, buf2, buf3,
                 sem0, sem1, sem2, sem3, acc):
    c = lax.axis_index("c")
    s = lax.axis_index("s")
    pltpu.sync_copy(zeros_hbm, acc.at[pl.ds(s * RPT, RPT)])
    plsc.subcore_barrier()

    for k in range(T // CT):
        pltpu.sync_copy(src_hbm.at[c, s, pl.ds(k * CT, CT)], sidx)
        pltpu.sync_copy(dst_hbm.at[s, pl.ds(k * CT, CT)], didx)
        _pipeline_chunk(g_hbm, acc, sidx, didx,
                        (buf0, buf1, buf2, buf3),
                        (sem0, sem1, sem2, sem3), CT)

    plsc.subcore_barrier()
    pltpu.sync_copy(acc.at[pl.ds(s * RPT, RPT)],
                    out.at[c, pl.ds(s * RPT, RPT), :])


@functools.partial(
    pl.kernel,
    out_type=jax.ShapeDtypeStruct((NC, NPAD, 128), jnp.float32),
    mesh=_MESH,
    scratch_types=[
        pltpu.VMEM((CTER, BE), jnp.int32),
        pltpu.VMEM((CTER, BE), jnp.int32),
        pltpu.VMEM((BE, 128), jnp.float32),
        pltpu.VMEM((BE, 128), jnp.float32),
        pltpu.SemaphoreType.DMA,
        pltpu.SemaphoreType.DMA,
        pltpu.VMEM_SHARED((NPAD, 128), jnp.float32),
    ],
)
def _scatter_edge(g_hbm, src_hbm, dst_hbm, zeros_hbm, out,
                  sidx, didx, buf0, buf1, sem0, sem1, acc):
    c = lax.axis_index("c")
    s = lax.axis_index("s")
    wid = c * NS + s
    pltpu.sync_copy(zeros_hbm, acc.at[pl.ds(s * RPT, RPT)])
    plsc.subcore_barrier()

    for k in range(TER // CTER):
        pltpu.sync_copy(src_hbm.at[wid, pl.ds(k * CTER, CTER)], sidx)
        pltpu.sync_copy(dst_hbm.at[wid, pl.ds(k * CTER, CTER)], didx)
        _pipeline_chunk(g_hbm, acc, sidx, didx,
                        (buf0, buf1), (sem0, sem1), CTER)

    plsc.subcore_barrier()
    pltpu.sync_copy(acc.at[pl.ds(s * RPT, RPT)],
                    out.at[c, pl.ds(s * RPT, RPT), :])


@functools.partial(
    pl.kernel,
    out_type=jax.ShapeDtypeStruct((NC, NPAD, 128), jnp.float32),
    mesh=_MESH,
    scratch_types=[
        pltpu.VMEM((TER, BE), jnp.int32),
        pltpu.VMEM((BE, 128), jnp.float32),
        pltpu.VMEM_SHARED((NPAD, 128), jnp.float32),
    ],
)
def _deg_scatter(dst_hbm, zeros_hbm, ones_hbm, out, didx, ones_v, acc):
    c = lax.axis_index("c")
    s = lax.axis_index("s")
    wid = c * NS + s
    pltpu.sync_copy(zeros_hbm, acc.at[pl.ds(s * RPT, RPT)])
    pltpu.sync_copy(ones_hbm, ones_v)
    pltpu.sync_copy(dst_hbm.at[wid], didx)
    plsc.subcore_barrier()

    @pl.loop(0, TER)
    def _(j):
        pltpu.sync_copy(ones_v, acc.at[didx.at[j]], add=True)

    plsc.subcore_barrier()
    pltpu.sync_copy(acc.at[pl.ds(s * RPT, RPT)],
                    out.at[c, pl.ds(s * RPT, RPT), :])



def _k1_body(x_ref, deg_ref, dis_ref, z_ref):
    deg = deg_ref[0, :, 0:1] + deg_ref[1, :, 0:1]
    dis = jnp.where(deg > 0.0, lax.rsqrt(deg), 0.0)
    dis_ref[...] = dis
    z_ref[...] = x_ref[...] * dis


def _k1(h, deg_parts):
    grid = NPAD // BR
    return pl.pallas_call(
        _k1_body,
        grid=(grid,),
        in_specs=[
            pl.BlockSpec((BR, 128), lambda i: (i, 0)),
            pl.BlockSpec((NC, BR, 128), lambda i: (0, i, 0)),
        ],
        out_specs=[
            pl.BlockSpec((BR, 1), lambda i: (i, 0)),
            pl.BlockSpec((BR, 128), lambda i: (i, 0)),
        ],
        out_shape=[
            jax.ShapeDtypeStruct((NPAD, 1), jnp.float32),
            jax.ShapeDtypeStruct((NPAD, 128), jnp.float32),
        ],
    )(h, deg_parts)


def _k2_body(p_ref, dis_ref, b_ref, w1_ref, w2_ref, g_ref):
    dis = dis_ref[...]
    agg = p_ref[0, :, :] + p_ref[1, :, :]
    s1 = jax.nn.relu(jnp.dot(agg, w1_ref[...],
                             preferred_element_type=jnp.float32,
                             precision=lax.Precision.HIGHEST) * dis + b_ref[...])
    hw = (jnp.dot(s1[:, :128], w2_ref[:128, :],
                  preferred_element_type=jnp.float32,
                  precision=lax.Precision.HIGHEST)
          + jnp.dot(s1[:, 128:], w2_ref[128:, :],
                    preferred_element_type=jnp.float32,
                    precision=lax.Precision.HIGHEST)) * dis
    g_ref[0, :, :] = hw[:, :128]
    g_ref[1, :, :] = hw[:, 128:]


def _k2(p, dis, b1, W1, W2):
    grid = NPAD // BR
    return pl.pallas_call(
        _k2_body,
        grid=(grid,),
        in_specs=[
            pl.BlockSpec((NC, BR, 128), lambda i: (0, i, 0)),
            pl.BlockSpec((BR, 1), lambda i: (i, 0)),
            pl.BlockSpec((1, 256), lambda i: (0, 0)),
            pl.BlockSpec((128, 256), lambda i: (0, 0)),
            pl.BlockSpec((256, 256), lambda i: (0, 0)),
        ],
        out_specs=pl.BlockSpec((NC, BR, 128), lambda i: (0, i, 0)),
        out_shape=jax.ShapeDtypeStruct((NC, NPAD, 128), jnp.float32),
    )(p, dis, b1, W1, W2)


def _mk_mid_body(split_out):
    def body(a_ref, dis_ref, b_ref, w_ref, g_ref):
        dis = dis_ref[...]
        s0 = jax.nn.relu(a_ref[0, :, :] * dis + b_ref[:, :128])
        s1 = jax.nn.relu(a_ref[1, :, :] * dis + b_ref[:, 128:])
        hw = (jnp.dot(s0, w_ref[:128, :],
                      preferred_element_type=jnp.float32,
                      precision=lax.Precision.HIGHEST)
              + jnp.dot(s1, w_ref[128:, :],
                        preferred_element_type=jnp.float32,
                        precision=lax.Precision.HIGHEST)) * dis
        if split_out:
            g_ref[0, :, :] = hw[:, :128]
            g_ref[1, :, :] = hw[:, 128:]
        else:
            g_ref[...] = hw
    return body


def _mid(a, dis, b, W, split_out):
    grid = NPAD // BR
    dout = W.shape[1]
    if split_out:
        out_spec = pl.BlockSpec((NC, BR, 128), lambda i: (0, i, 0))
        out_shape = jax.ShapeDtypeStruct((NC, NPAD, 128), jnp.float32)
    else:
        out_spec = pl.BlockSpec((BR, dout), lambda i: (i, 0))
        out_shape = jax.ShapeDtypeStruct((NPAD, dout), jnp.float32)
    return pl.pallas_call(
        _mk_mid_body(split_out),
        grid=(grid,),
        in_specs=[
            pl.BlockSpec((NC, BR, 128), lambda i: (0, i, 0)),
            pl.BlockSpec((BR, 1), lambda i: (i, 0)),
            pl.BlockSpec((1, 256), lambda i: (0, 0)),
            pl.BlockSpec((256, dout), lambda i: (0, 0)),
        ],
        out_specs=out_spec,
        out_shape=out_shape,
    )(a, dis, b, W)


def _k4_body(a_ref, dis_ref, b_ref, o_ref):
    a = a_ref[0, :, :] + a_ref[1, :, :]
    o_ref[...] = jax.nn.relu(a * dis_ref[...] + b_ref[...])


def _k4(a, dis, b3):
    grid = NPAD // BR
    return pl.pallas_call(
        _k4_body,
        grid=(grid,),
        in_specs=[
            pl.BlockSpec((NC, BR, 128), lambda i: (0, i, 0)),
            pl.BlockSpec((BR, 1), lambda i: (i, 0)),
            pl.BlockSpec((1, 128), lambda i: (0, 0)),
        ],
        out_specs=pl.BlockSpec((BR, 128), lambda i: (i, 0)),
        out_shape=jax.ShapeDtypeStruct((NPAD, 128), jnp.float32),
    )(a, dis, b3)



def _pad_edges(src, dst, total):
    npad = total - src.shape[0]
    pad_src = (jnp.arange(npad, dtype=jnp.int32) * 181) % N
    pad_dst = N + (jnp.arange(npad, dtype=jnp.int32) % (NPAD - N))
    return (jnp.concatenate([src, pad_src]), jnp.concatenate([dst, pad_dst]))


def kernel(x, batch_edge_index, W1, b1, W2, b2, W3, b3):
    n_batch, n_points, _ = x.shape
    h0 = jnp.pad(x.reshape(-1, x.shape[-1]), ((0, NPAD - N), (0, 0)))

    loop = jnp.arange(N, dtype=jnp.int32)
    src = jnp.concatenate([batch_edge_index[0], loop])
    dst = jnp.concatenate([batch_edge_index[1], loop])

    srcc, dstc = _pad_edges(src, dst, E_COL)
    src_col = srcc.reshape(NS, T, B)
    src_off = jnp.stack([src_col, src_col + NPAD])
    dst_col = dstc.reshape(NS, T, B)

    src_edge = srcc.reshape(NC * NS, TER, BE)
    dst_edge = dstc.reshape(NC * NS, TER, BE)

    zeros128 = jnp.zeros((RPT, 128), jnp.float32)
    ones_b = jnp.ones((BE, 128), jnp.float32)

    deg_parts = _deg_scatter(dst_edge, zeros128, ones_b)
    dis, z = _k1(h0, deg_parts)
    p1 = _scatter_edge(z, src_edge, dst_edge, zeros128)
    g2 = _k2(p1, dis, b1.reshape(1, 256), W1, W2)
    a2 = _scatter_col(g2.reshape(NC * NPAD, 128), src_off, dst_col, zeros128)
    g3 = _mid(a2, dis, b2.reshape(1, 256), W3, split_out=False)
    a3 = _scatter_edge(g3, src_edge, dst_edge, zeros128)
    out = _k4(a3, dis, b3.reshape(1, 128))
    return out[:N].reshape(n_batch, n_points, -1)

# --- scband reference (transcript-rebuilt; emitter-appended) ---
"""Pipeline reference for scband-gcn-62852551410182 (READ-ONLY COPY).

The authoritative reference and input builder live on the scoring server;
editing this copy changes nothing except your own understanding.
"""

import jax, jax.numpy as jnp
import numpy as np

N_NODES = 10000
N_EDGES = 320000
D_IN = 128
D_HID = 256
D_OUT = 128


def setup_inputs(seed: int = 0) -> dict:
    key = jax.random.key(seed)
    ks = jax.random.split(key, 10)
    x = jax.random.normal(ks[0], (4, 2500, D_IN), dtype=jnp.float32)
    # int32 used for portability on CPU jax without x64; values in [0, N_NODES)
    batch_edge_index = jax.random.randint(ks[1], (2, N_EDGES), 0, N_NODES, dtype=jnp.int32)
    def glorot(k, fan_in, fan_out):
        s = jnp.sqrt(6.0 / (fan_in + fan_out))
        return jax.random.uniform(k, (fan_in, fan_out), dtype=jnp.float32, minval=-s, maxval=s)
    W1 = glorot(ks[2], D_IN, D_HID)
    b1 = jnp.zeros((D_HID,), dtype=jnp.float32)
    W2 = glorot(ks[3], D_HID, D_HID)
    b2 = jnp.zeros((D_HID,), dtype=jnp.float32)
    W3 = glorot(ks[4], D_HID, D_OUT)
    b3 = jnp.zeros((D_OUT,), dtype=jnp.float32)
    return {"x": x, "batch_edge_index": batch_edge_index, "W1": W1, "b1": b1, "W2": W2, "b2": b2, "W3": W3, "b3": b3}


def _gcn_conv(h, src, dst, n, W, b):
    # PyG GCNConv: add self-loops (already appended by caller), sym-normalize, aggregate
    hw = h @ W
    deg = jnp.zeros((n,), dtype=hw.dtype).at[dst].add(1.0)
    dis = jnp.where(deg > 0, 1.0 / jnp.sqrt(deg), 0.0)
    norm = dis[src] * dis[dst]
    msg = hw[src] * norm[:, None]
    out = jnp.zeros((n, hw.shape[1]), dtype=hw.dtype).at[dst].add(msg)
    return out + b


def reference(x, batch_edge_index, W1, b1, W2, b2, W3, b3):
    n_batch, n_points, _ = x.shape
    h = x.reshape(-1, x.shape[-1])
    n = h.shape[0]
    loop = jnp.arange(n, dtype=batch_edge_index.dtype)
    src = jnp.concatenate([batch_edge_index[0], loop])
    dst = jnp.concatenate([batch_edge_index[1], loop])
    # dropout layers are identity in eval mode
    h = jax.nn.relu(_gcn_conv(h, src, dst, n, W1, b1))
    h = jax.nn.relu(_gcn_conv(h, src, dst, n, W2, b2))
    h = jax.nn.relu(_gcn_conv(h, src, dst, n, W3, b3))
    return h.reshape(n_batch, n_points, -1)

if __name__ == "__main__":
    import jax
    _d = setup_inputs()
    print(jax.jit(kernel)(*tuple(_d.values())))

</pallas_src>

<mosaic_0001>
#map = affine_map<(d0, d1) -> (0, 0)>
#map1 = affine_map<(d0, d1) -> (0, 0, 0)>
module attributes {stable_mosaic.version = 14 : i64} {
  func.func @_scatter_edge(%arg0: i32, %arg1: i32, %arg2: memref<10240x128xf32, #tpu.memory_space<hbm>>, %arg3: memref<32x112x96xi32, #tpu.memory_space<hbm>>, %arg4: memref<32x112x96xi32, #tpu.memory_space<hbm>>, %arg5: memref<640x128xf32, #tpu.memory_space<hbm>>, %arg6: memref<2x10240x128xf32, #tpu.memory_space<hbm>>, %arg7: memref<56x96xi32, #tpu.memory_space<vmem>>, %arg8: memref<56x96xi32, #tpu.memory_space<vmem>>, %arg9: memref<96x128xf32, #tpu.memory_space<vmem>>, %arg10: memref<96x128xf32, #tpu.memory_space<vmem>>, %arg11: memref<!tpu.dma_semaphore, #tpu.memory_space<semaphore_mem>>, %arg12: memref<!tpu.dma_semaphore, #tpu.memory_space<semaphore_mem>>, %arg13: memref<10240x128xf32, #tpu.memory_space<vmem_shared>>) attributes {dimension_semantics = [#tpu.dimension_semantics<core_parallel>, #tpu.dimension_semantics<subcore_parallel>], iteration_bounds = array<i64: 2, 16>, scalar_prefetch = 0 : i64, scratch_operands = 7 : i64, tpu.core_type = #tpu.core_type<sc_vector_subcore>, window_params = [{transform_indices = #map}, {transform_indices = #map1}, {transform_indices = #map1}, {transform_indices = #map}, {transform_indices = #map1}]} {
    %mul3A = arith.constant 16 : i32
    %mul3A_0 = arith.muli %arg0, %mul3A : i32
    %add3A = arith.addi %mul3A_0, %arg1 : i32
    %mul3A_1 = arith.constant 640 : i32
    %mul3A_2 = arith.muli %arg1, %mul3A_1 : i32
    "tpu.region"() ({
      %run_scoped3A = tpu.sem_alloc : memref<!tpu.dma_semaphore, #tpu.memory_space<semaphore_mem>>
      %dma_start3A_44 = arith.constant 0 : i32
      %dma_start3A_45 = tpu.memref_slice %arg13[%mul3A_2, %dma_start3A_44] : memref<10240x128xf32, #tpu.memory_space<vmem_shared>> -> memref<640x128xf32, #tpu.memory_space<vmem_shared>>
      tpu.enqueue_dma source(%arg5 : memref<640x128xf32, #tpu.memory_space<hbm>>) target(%dma_start3A_45 : memref<640x128xf32, #tpu.memory_space<vmem_shared>>) target_semaphore(%run_scoped3A : memref<!tpu.dma_semaphore, #tpu.memory_space<semaphore_mem>>)
      %dma_wait3A = arith.constant 0 : i32
      %dma_wait3A_46 = tpu.memref_slice %arg13[%mul3A_2, %dma_wait3A] : memref<10240x128xf32, #tpu.memory_space<vmem_shared>> -> memref<640x128xf32, #tpu.memory_space<vmem_shared>>
      tpu.wait_dma2 semaphore(%run_scoped3A : memref<!tpu.dma_semaphore, #tpu.memory_space<semaphore_mem>>) src(%arg5 : memref<640x128xf32, #tpu.memory_space<hbm>>) dst(%dma_wait3A_46 : memref<640x128xf32, #tpu.memory_space<vmem_shared>>)
      tpu.yield
    }) : () -> ()
    %barrier3A = arith.constant 0 : index
    tpu.barrier barrier_id(%barrier3A)
    "tpu.region"() ({
      %run_scoped3A = tpu.sem_alloc : memref<!tpu.dma_semaphore, #tpu.memory_space<semaphore_mem>>
      %dma_start3A_44 = arith.constant 0 : i32
      %dma_start3A_45 = arith.constant 0 : i32
      %dma_start3A_46 = tpu.memref_slice %arg3[%add3A, %dma_start3A_44, %dma_start3A_45] : memref<32x112x96xi32, #tpu.memory_space<hbm>> -> memref<1x56x96xi32, #tpu.memory_space<hbm>>
      %dma_start3A_47 = tpu.memref_squeeze %dma_start3A_46 : memref<1x56x96xi32, #tpu.memory_space<hbm>> -> memref<56x96xi32, #tpu.memory_space<hbm>>
      %dma_start3A_48 = arith.constant 0 : i32
      %dma_start3A_49 = arith.constant 0 : i32
      %dma_start3A_50 = tpu.memref_slice %arg3[%add3A, %dma_start3A_48, %dma_start3A_49] : memref<32x112x96xi32, #tpu.memory_space<hbm>> -> memref<1x56x96xi32, #tpu.memory_space<hbm>>
      %dma_start3A_51 = tpu.memref_squeeze %dma_start3A_50 : memref<1x56x96xi32, #tpu.memory_space<hbm>> -> memref<56x96xi32, #tpu.memory_space<hbm>>
      tpu.enqueue_dma source(%dma_start3A_51 : memref<56x96xi32, #tpu.memory_space<hbm>>) target(%arg7 : memref<56x96xi32, #tpu.memory_space<vmem>>) target_semaphore(%run_scoped3A : memref<!tpu.dma_semaphore, #tpu.memory_space<semaphore_mem>>)
      %dma_wait3A = arith.constant 0 : i32
      %dma_wait3A_52 = arith.constant 0 : i32
      %dma_wait3A_53 = tpu.memref_slice %arg3[%add3A, %dma_wait3A, %dma_wait3A_52] : memref<32x112x96xi32, #tpu.memory_space<hbm>> -> memref<1x56x96xi32, #tpu.memory_space<hbm>>
      %dma_wait3A_54 = tpu.memref_squeeze %dma_wait3A_53 : memref<1x56x96xi32, #tpu.memory_space<hbm>> -> memref<56x96xi32, #tpu.memory_space<hbm>>
      %dma_wait3A_55 = arith.constant 0 : i32
      %dma_wait3A_56 = arith.constant 0 : i32
      %dma_wait3A_57 = tpu.memref_slice %arg3[%add3A, %dma_wait3A_55, %dma_wait3A_56] : memref<32x112x96xi32, #tpu.memory_space<hbm>> -> memref<1x56x96xi32, #tpu.memory_space<hbm>>
      %dma_wait3A_58 = tpu.memref_squeeze %dma_wait3A_57 : memref<1x56x96xi32, #tpu.memory_space<hbm>> -> memref<56x96xi32, #tpu.memory_space<hbm>>
      tpu.wait_dma2 semaphore(%run_scoped3A : memref<!tpu.dma_semaphore, #tpu.memory_space<semaphore_mem>>) src(%dma_wait3A_58 : memref<56x96xi32, #tpu.memory_space<hbm>>) dst(%arg7 : memref<56x96xi32, #tpu.memory_space<vmem>>)
      tpu.yield
    }) : () -> ()
    "tpu.region"() ({
      %run_scoped3A = tpu.sem_alloc : memref<!tpu.dma_semaphore, #tpu.memory_space<semaphore_mem>>
      %dma_start3A_44 = arith.constant 0 : i32
      %dma_start3A_45 = arith.constant 0 : i32
      %dma_start3A_46 = tpu.memref_slice %arg4[%add3A, %dma_start3A_44, %dma_start3A_45] : memref<32x112x96xi32, #tpu.memory_space<hbm>> -> memref<1x56x96xi32, #tpu.memory_space<hbm>>
      %dma_start3A_47 = tpu.memref_squeeze %dma_start3A_46 : memref<1x56x96xi32, #tpu.memory_space<hbm>> -> memref<56x96xi32, #tpu.memory_space<hbm>>
      %dma_start3A_48 = arith.constant 0 : i32
      %dma_start3A_49 = arith.constant 0 : i32
      %dma_start3A_50 = tpu.memref_slice %arg4[%add3A, %dma_start3A_48, %dma_start3A_49] : memref<32x112x96xi32, #tpu.memory_space<hbm>> -> memref<1x56x96xi32, #tpu.memory_space<hbm>>
      %dma_start3A_51 = tpu.memref_squeeze %dma_start3A_50 : memref<1x56x96xi32, #tpu.memory_space<hbm>> -> memref<56x96xi32, #tpu.memory_space<hbm>>
      tpu.enqueue_dma source(%dma_start3A_51 : memref<56x96xi32, #tpu.memory_space<hbm>>) target(%arg8 : memref<56x96xi32, #tpu.memory_space<vmem>>) target_semaphore(%run_scoped3A : memref<!tpu.dma_semaphore, #tpu.memory_space<semaphore_mem>>)
      %dma_wait3A = arith.constant 0 : i32
      %dma_wait3A_52 = arith.constant 0 : i32
      %dma_wait3A_53 = tpu.memref_slice %arg4[%add3A, %dma_wait3A, %dma_wait3A_52] : memref<32x112x96xi32, #tpu.memory_space<hbm>> -> memref<1x56x96xi32, #tpu.memory_space<hbm>>
      %dma_wait3A_54 = tpu.memref_squeeze %dma_wait3A_53 : memref<1x56x96xi32, #tpu.memory_space<hbm>> -> memref<56x96xi32, #tpu.memory_space<hbm>>
      %dma_wait3A_55 = arith.constant 0 : i32
      %dma_wait3A_56 = arith.constant 0 : i32
      %dma_wait3A_57 = tpu.memref_slice %arg4[%add3A, %dma_wait3A_55, %dma_wait3A_56] : memref<32x112x96xi32, #tpu.memory_space<hbm>> -> memref<1x56x96xi32, #tpu.memory_space<hbm>>
      %dma_wait3A_58 = tpu.memref_squeeze %dma_wait3A_57 : memref<1x56x96xi32, #tpu.memory_space<hbm>> -> memref<56x96xi32, #tpu.memory_space<hbm>>
      tpu.wait_dma2 semaphore(%run_scoped3A : memref<!tpu.dma_semaphore, #tpu.memory_space<semaphore_mem>>) src(%dma_wait3A_58 : memref<56x96xi32, #tpu.memory_space<hbm>>) dst(%arg8 : memref<56x96xi32, #tpu.memory_space<vmem>>)
      tpu.yield
    }) : () -> ()
    %dma_start3A = arith.constant 0 : i32
    %dma_start3A_3 = arith.constant 0 : i32
    %dma_start3A_4 = tpu.memref_slice %arg7[%dma_start3A, %dma_start3A_3] : memref<56x96xi32, #tpu.memory_space<vmem>> -> memref<1x96xi32, #tpu.memory_space<vmem>>
    %dma_start3A_5 = tpu.memref_squeeze %dma_start3A_4 : memref<1x96xi32, #tpu.memory_space<vmem>> -> memref<96xi32, #tpu.memory_space<vmem>>
    %dma_start3A_6 = arith.constant 0 : i32
    %dma_start3A_7 = arith.constant 0 : i32
    %dma_start3A_8 = tpu.memref_slice %arg2[%dma_start3A_6, %dma_start3A_7] : memref<10240x128xf32, #tpu.memory_space<hbm>> -> memref<10240x128xf32, #tpu.memory_space<hbm>>
    tpu.enqueue_indirect_dma source(%dma_start3A_8 : memref<10240x128xf32, #tpu.memory_space<hbm>>) target(%arg9 : memref<96x128xf32, #tpu.memory_space<vmem>>) offsets(%dma_start3A_5 : memref<96xi32, #tpu.memory_space<vmem>>) semaphore(%arg11 : memref<!tpu.dma_semaphore, #tpu.memory_space<semaphore_mem>>)
    %dma_start3A_9 = arith.constant 1 : i32
    %dma_start3A_10 = arith.constant 0 : i32
    %dma_start3A_11 = tpu.memref_slice %arg7[%dma_start3A_9, %dma_start3A_10] : memref<56x96xi32, #tpu.memory_space<vmem>> -> memref<1x96xi32, #tpu.memory_space<vmem>>
    %dma_start3A_12 = tpu.memref_squeeze %dma_start3A_11 : memref<1x96xi32, #tpu.memory_space<vmem>> -> memref<96xi32, #tpu.memory_space<vmem>>
    %dma_start3A_13 = arith.constant 0 : i32
    %dma_start3A_14 = arith.constant 0 : i32
    %dma_start3A_15 = tpu.memref_slice %arg2[%dma_start3A_13, %dma_start3A_14] : memref<10240x128xf32, #tpu.memory_space<hbm>> -> memref<10240x128xf32, #tpu.memory_space<hbm>>
    tpu.enqueue_indirect_dma source(%dma_start3A_15 : memref<10240x128xf32, #tpu.memory_space<hbm>>) target(%arg10 : memref<96x128xf32, #tpu.memory_space<vmem>>) offsets(%dma_start3A_12 : memref<96xi32, #tpu.memory_space<vmem>>) semaphore(%arg12 : memref<!tpu.dma_semaphore, #tpu.memory_space<semaphore_mem>>)
    %scan3A = arith.constant 0 : i32
    %scan3A_16 = arith.constant 28 : i32
    %scan3A_17 = arith.addi %scan3A, %scan3A_16 : i32
    %scan3A_18 = arith.constant 1 : i32
    scf.for %scan3A_44 = %scan3A to %scan3A_17 step %scan3A_18  : i32 {
      %mul3A_45 = arith.constant 2 : i32
      %mul3A_46 = arith.muli %scan3A_44, %mul3A_45 : i32
      %add3A_47 = arith.constant 0 : i32
      %add3A_48 = arith.addi %add3A_47, %mul3A_46 : i32
      %add3A_49 = arith.constant 0 : i32
      %add3A_50 = arith.addi %add3A_48, %add3A_49 : i32
      %dma_wait3A = arith.constant 0 : i32
      %dma_wait3A_51 = tpu.memref_slice %arg7[%add3A_50, %dma_wait3A] : memref<56x96xi32, #tpu.memory_space<vmem>> -> memref<1x96xi32, #tpu.memory_space<vmem>>
      %dma_wait3A_52 = tpu.memref_squeeze %dma_wait3A_51 : memref<1x96xi32, #tpu.memory_space<vmem>> -> memref<96xi32, #tpu.memory_space<vmem>>
      %dma_wait3A_53 = arith.constant 0 : i32
      %dma_wait3A_54 = arith.constant 0 : i32
      %dma_wait3A_55 = tpu.memref_slice %arg2[%dma_wait3A_53, %dma_wait3A_54] : memref<10240x128xf32, #tpu.memory_space<hbm>> -> memref<10240x128xf32, #tpu.memory_space<hbm>>
      tpu.wait_indirect_dma semaphore(%arg11 : memref<!tpu.dma_semaphore, #tpu.memory_space<semaphore_mem>>) src(%dma_wait3A_55 : memref<10240x128xf32, #tpu.memory_space<hbm>>) dst(%arg9 : memref<96x128xf32, #tpu.memory_space<vmem>>)
      %add3A_56 = arith.constant 0 : i32
      %add3A_57 = arith.addi %add3A_48, %add3A_56 : i32
      "tpu.region"() ({
        %run_scoped3A = tpu.sem_alloc : memref<!tpu.dma_semaphore, #tpu.memory_space<semaphore_mem>>
        %dma_start3A_83 = arith.constant 0 : i32
        %dma_start3A_84 = tpu.memref_slice %arg8[%add3A_57, %dma_start3A_83] : memref<56x96xi32, #tpu.memory_space<vmem>> -> memref<1x96xi32, #tpu.memory_space<vmem>>
        %dma_start3A_85 = tpu.memref_squeeze %dma_start3A_84 : memref<1x96xi32, #tpu.memory_space<vmem>> -> memref<96xi32, #tpu.memory_space<vmem>>
        %dma_start3A_86 = arith.constant 0 : i32
        %dma_start3A_87 = arith.constant 0 : i32
        %dma_start3A_88 = tpu.memref_slice %arg13[%dma_start3A_86, %dma_start3A_87] : memref<10240x128xf32, #tpu.memory_space<vmem_shared>> -> memref<10240x128xf32, #tpu.memory_space<vmem_shared>>
        tpu.enqueue_indirect_dma source(%arg9 : memref<96x128xf32, #tpu.memory_space<vmem>>) target(%dma_start3A_88 : memref<10240x128xf32, #tpu.memory_space<vmem_shared>>) offsets(%dma_start3A_85 : memref<96xi32, #tpu.memory_space<vmem>>) semaphore(%run_scoped3A : memref<!tpu.dma_semaphore, #tpu.memory_space<semaphore_mem>>) {add = true}
        %dma_wait3A_89 = arith.constant 0 : i32
        %dma_wait3A_90 = tpu.memref_slice %arg8[%add3A_57, %dma_wait3A_89] : memref<56x96xi32, #tpu.memory_space<vmem>> -> memref<1x96xi32, #tpu.memory_space<vmem>>
        %dma_wait3A_91 = tpu.memref_squeeze %dma_wait3A_90 : memref<1x96xi32, #tpu.memory_space<vmem>> -> memref<96xi32, #tpu.memory_space<vmem>>
        %dma_wait3A_92 = arith.constant 0 : i32
        %dma_wait3A_93 = arith.constant 0 : i32
        %dma_wait3A_94 = tpu.memref_slice %arg13[%dma_wait3A_92, %dma_wait3A_93] : memref<10240x128xf32, #tpu.memory_space<vmem_shared>> -> memref<10240x128xf32, #tpu.memory_space<vmem_shared>>
        tpu.wait_indirect_dma semaphore(%run_scoped3A : memref<!tpu.dma_semaphore, #tpu.memory_space<semaphore_mem>>) src(%arg9 : memref<96x128xf32, #tpu.memory_space<vmem>>) dst(%dma_wait3A_94 : memref<10240x128xf32, #tpu.memory_space<vmem_shared>>)
        tpu.yield
      }) : () -> ()
      %add3A_58 = arith.constant 2 : i32
      %add3A_59 = arith.addi %add3A_48, %add3A_58 : i32
      %add3A_60 = arith.constant 0 : i32
      %add3A_61 = arith.addi %add3A_59, %add3A_60 : i32
      %lt3A = arith.constant 56 : i32
      %lt3A_62 = arith.cmpi slt, %add3A_61, %lt3A : i32
      %convert_element_type3A = arith.extui %lt3A_62 : i1 to i32
      %cond3A = arith.constant 0 : i32
      %cond3A_63 = arith.cmpi ne, %convert_element_type3A, %cond3A : i32
      scf.if %cond3A_63 {
        %add3A_83 = arith.constant 2 : i32
        %add3A_84 = arith.addi %add3A_48, %add3A_83 : i32
        %add3A_85 = arith.constant 0 : i32
        %add3A_86 = arith.addi %add3A_84, %add3A_85 : i32
        %dma_start3A_87 = arith.constant 0 : i32
        %dma_start3A_88 = tpu.memref_slice %arg7[%add3A_86, %dma_start3A_87] : memref<56x96xi32, #tpu.memory_space<vmem>> -> memref<1x96xi32, #tpu.memory_space<vmem>>
        %dma_start3A_89 = tpu.memref_squeeze %dma_start3A_88 : memref<1x96xi32, #tpu.memory_space<vmem>> -> memref<96xi32, #tpu.memory_space<vmem>>
        %dma_start3A_90 = arith.constant 0 : i32
        %dma_start3A_91 = arith.constant 0 : i32
        %dma_start3A_92 = tpu.memref_slice %arg2[%dma_start3A_90, %dma_start3A_91] : memref<10240x128xf32, #tpu.memory_space<hbm>> -> memref<10240x128xf32, #tpu.memory_space<hbm>>
        tpu.enqueue_indirect_dma source(%dma_start3A_92 : memref<10240x128xf32, #tpu.memory_space<hbm>>) target(%arg9 : memref<96x128xf32, #tpu.memory_space<vmem>>) offsets(%dma_start3A_89 : memref<96xi32, #tpu.memory_space<vmem>>) semaphore(%arg11 : memref<!tpu.dma_semaphore, #tpu.memory_space<semaphore_mem>>)
      } else {
      }
      %add3A_64 = arith.constant 1 : i32
      %add3A_65 = arith.addi %add3A_48, %add3A_64 : i32
      %dma_wait3A_66 = arith.constant 0 : i32
      %dma_wait3A_67 = tpu.memref_slice %arg7[%add3A_65, %dma_wait3A_66] : memref<56x96xi32, #tpu.memory_space<vmem>> -> memref<1x96xi32, #tpu.memory_space<vmem>>
      %dma_wait3A_68 = tpu.memref_squeeze %dma_wait3A_67 : memref<1x96xi32, #tpu.memory_space<vmem>> -> memref<96xi32, #tpu.memory_space<vmem>>
      %dma_wait3A_69 = arith.constant 0 : i32
      %dma_wait3A_70 = arith.constant 0 : i32
      %dma_wait3A_71 = tpu.memref_slice %arg2[%dma_wait3A_69, %dma_wait3A_70] : memref<10240x128xf32, #tpu.memory_space<hbm>> -> memref<10240x128xf32, #tpu.memory_space<hbm>>
      tpu.wait_indirect_dma semaphore(%arg12 : memref<!tpu.dma_semaphore, #tpu.memory_space<semaphore_mem>>) src(%dma_wait3A_71 : memref<10240x128xf32, #tpu.memory_space<hbm>>) dst(%arg10 : memref<96x128xf32, #tpu.memory_space<vmem>>)
      %add3A_72 = arith.constant 1 : i32
      %add3A_73 = arith.addi %add3A_48, %add3A_72 : i32
      "tpu.region"() ({
        %run_scoped3A = tpu.sem_alloc : memref<!tpu.dma_semaphore, #tpu.memory_space<semaphore_mem>>
        %dma_start3A_83 = arith.constant 0 : i32
        %dma_start3A_84 = tpu.memref_slice %arg8[%add3A_73, %dma_start3A_83] : memref<56x96xi32, #tpu.memory_space<vmem>> -> memref<1x96xi32, #tpu.memory_space<vmem>>
        %dma_start3A_85 = tpu.memref_squeeze %dma_start3A_84 : memref<1x96xi32, #tpu.memory_space<vmem>> -> memref<96xi32, #tpu.memory_space<vmem>>
        %dma_start3A_86 = arith.constant 0 : i32
        %dma_start3A_87 = arith.constant 0 : i32
        %dma_start3A_88 = tpu.memref_slice %arg13[%dma_start3A_86, %dma_start3A_87] : memref<10240x128xf32, #tpu.memory_space<vmem_shared>> -> memref<10240x128xf32, #tpu.memory_space<vmem_shared>>
        tpu.enqueue_indirect_dma source(%arg10 : memref<96x128xf32, #tpu.memory_space<vmem>>) target(%dma_start3A_88 : memref<10240x128xf32, #tpu.memory_space<vmem_shared>>) offsets(%dma_start3A_85 : memref<96xi32, #tpu.memory_space<vmem>>) semaphore(%run_scoped3A : memref<!tpu.dma_semaphore, #tpu.memory_space<semaphore_mem>>) {add = true}
        %dma_wait3A_89 = arith.constant 0 : i32
        %dma_wait3A_90 = tpu.memref_slice %arg8[%add3A_73, %dma_wait3A_89] : memref<56x96xi32, #tpu.memory_space<vmem>> -> memref<1x96xi32, #tpu.memory_space<vmem>>
        %dma_wait3A_91 = tpu.memref_squeeze %dma_wait3A_90 : memref<1x96xi32, #tpu.memory_space<vmem>> -> memref<96xi32, #tpu.memory_space<vmem>>
        %dma_wait3A_92 = arith.constant 0 : i32
        %dma_wait3A_93 = arith.constant 0 : i32
        %dma_wait3A_94 = tpu.memref_slice %arg13[%dma_wait3A_92, %dma_wait3A_93] : memref<10240x128xf32, #tpu.memory_space<vmem_shared>> -> memref<10240x128xf32, #tpu.memory_space<vmem_shared>>
        tpu.wait_indirect_dma semaphore(%run_scoped3A : memref<!tpu.dma_semaphore, #tpu.memory_space<semaphore_mem>>) src(%arg10 : memref<96x128xf32, #tpu.memory_space<vmem>>) dst(%dma_wait3A_94 : memref<10240x128xf32, #tpu.memory_space<vmem_shared>>)
        tpu.yield
      }) : () -> ()
      %add3A_74 = arith.constant 2 : i32
      %add3A_75 = arith.addi %add3A_48, %add3A_74 : i32
      %add3A_76 = arith.constant 1 : i32
      %add3A_77 = arith.addi %add3A_75, %add3A_76 : i32
      %lt3A_78 = arith.constant 56 : i32
      %lt3A_79 = arith.cmpi slt, %add3A_77, %lt3A_78 : i32
      %convert_element_type3A_80 = arith.extui %lt3A_79 : i1 to i32
      %cond3A_81 = arith.constant 0 : i32
      %cond3A_82 = arith.cmpi ne, %convert_element_type3A_80, %cond3A_81 : i32
      scf.if %cond3A_82 {
        %add3A_83 = arith.constant 2 : i32
        %add3A_84 = arith.addi %add3A_48, %add3A_83 : i32
        %add3A_85 = arith.constant 1 : i32
        %add3A_86 = arith.addi %add3A_84, %add3A_85 : i32
        %dma_start3A_87 = arith.constant 0 : i32
        %dma_start3A_88 = tpu.memref_slice %arg7[%add3A_86, %dma_start3A_87] : memref<56x96xi32, #tpu.memory_space<vmem>> -> memref<1x96xi32, #tpu.memory_space<vmem>>
        %dma_start3A_89 = tpu.memref_squeeze %dma_start3A_88 : memref<1x96xi32, #tpu.memory_space<vmem>> -> memref<96xi32, #tpu.memory_space<vmem>>
        %dma_start3A_90 = arith.constant 0 : i32
        %dma_start3A_91 = arith.constant 0 : i32
        %dma_start3A_92 = tpu.memref_slice %arg2[%dma_start3A_90, %dma_start3A_91] : memref<10240x128xf32, #tpu.memory_space<hbm>> -> memref<10240x128xf32, #tpu.memory_space<hbm>>
        tpu.enqueue_indirect_dma source(%dma_start3A_92 : memref<10240x128xf32, #tpu.memory_space<hbm>>) target(%arg10 : memref<96x128xf32, #tpu.memory_space<vmem>>) offsets(%dma_start3A_89 : memref<96xi32, #tpu.memory_space<vmem>>) semaphore(%arg12 : memref<!tpu.dma_semaphore, #tpu.memory_space<semaphore_mem>>)
      } else {
      }
    }
    %scan3A_19 = arith.constant 28 : i32
    "tpu.region"() ({
      %run_scoped3A = tpu.sem_alloc : memref<!tpu.dma_semaphore, #tpu.memory_space<semaphore_mem>>
      %dma_start3A_44 = arith.constant 56 : i32
      %dma_start3A_45 = arith.constant 0 : i32
      %dma_start3A_46 = tpu.memref_slice %arg3[%add3A, %dma_start3A_44, %dma_start3A_45] : memref<32x112x96xi32, #tpu.memory_space<hbm>> -> memref<1x56x96xi32, #tpu.memory_space<hbm>>
      %dma_start3A_47 = tpu.memref_squeeze %dma_start3A_46 : memref<1x56x96xi32, #tpu.memory_space<hbm>> -> memref<56x96xi32, #tpu.memory_space<hbm>>
      %dma_start3A_48 = arith.constant 56 : i32
      %dma_start3A_49 = arith.constant 0 : i32
      %dma_start3A_50 = tpu.memref_slice %arg3[%add3A, %dma_start3A_48, %dma_start3A_49] : memref<32x112x96xi32, #tpu.memory_space<hbm>> -> memref<1x56x96xi32, #tpu.memory_space<hbm>>
      %dma_start3A_51 = tpu.memref_squeeze %dma_start3A_50 : memref<1x56x96xi32, #tpu.memory_space<hbm>> -> memref<56x96xi32, #tpu.memory_space<hbm>>
      tpu.enqueue_dma source(%dma_start3A_51 : memref<56x96xi32, #tpu.memory_space<hbm>>) target(%arg7 : memref<56x96xi32, #tpu.memory_space<vmem>>) target_semaphore(%run_scoped3A : memref<!tpu.dma_semaphore, #tpu.memory_space<semaphore_mem>>)
      %dma_wait3A = arith.constant 56 : i32
      %dma_wait3A_52 = arith.constant 0 : i32
      %dma_wait3A_53 = tpu.memref_slice %arg3[%add3A, %dma_wait3A, %dma_wait3A_52] : memref<32x112x96xi32, #tpu.memory_space<hbm>> -> memref<1x56x96xi32, #tpu.memory_space<hbm>>
      %dma_wait3A_54 = tpu.memref_squeeze %dma_wait3A_53 : memref<1x56x96xi32, #tpu.memory_space<hbm>> -> memref<56x96xi32, #tpu.memory_space<hbm>>
      %dma_wait3A_55 = arith.constant 56 : i32
      %dma_wait3A_56 = arith.constant 0 : i32
      %dma_wait3A_57 = tpu.memref_slice %arg3[%add3A, %dma_wait3A_55, %dma_wait3A_56] : memref<32x112x96xi32, #tpu.memory_space<hbm>> -> memref<1x56x96xi32, #tpu.memory_space<hbm>>
      %dma_wait3A_58 = tpu.memref_squeeze %dma_wait3A_57 : memref<1x56x96xi32, #tpu.memory_space<hbm>> -> memref<56x96xi32, #tpu.memory_space<hbm>>
      tpu.wait_dma2 semaphore(%run_scoped3A : memref<!tpu.dma_semaphore, #tpu.memory_space<semaphore_mem>>) src(%dma_wait3A_58 : memref<56x96xi32, #tpu.memory_space<hbm>>) dst(%arg7 : memref<56x96xi32, #tpu.memory_space<vmem>>)
      tpu.yield
    }) : () -> ()
    "tpu.region"() ({
      %run_scoped3A = tpu.sem_alloc : memref<!tpu.dma_semaphore, #tpu.memory_space<semaphore_mem>>
      %dma_start3A_44 = arith.constant 56 : i32
      %dma_start3A_45 = arith.constant 0 : i32
      %dma_start3A_46 = tpu.memref_slice %arg4[%add3A, %dma_start3A_44, %dma_start3A_45] : memref<32x112x96xi32, #tpu.memory_space<hbm>> -> memref<1x56x96xi32, #tpu.memory_space<hbm>>
      %dma_start3A_47 = tpu.memref_squeeze %dma_start3A_46 : memref<1x56x96xi32, #tpu.memory_space<hbm>> -> memref<56x96xi32, #tpu.memory_space<hbm>>
      %dma_start3A_48 = arith.constant 56 : i32
      %dma_start3A_49 = arith.constant 0 : i32
      %dma_start3A_50 = tpu.memref_slice %arg4[%add3A, %dma_start3A_48, %dma_start3A_49] : memref<32x112x96xi32, #tpu.memory_space<hbm>> -> memref<1x56x96xi32, #tpu.memory_space<hbm>>
      %dma_start3A_51 = tpu.memref_squeeze %dma_start3A_50 : memref<1x56x96xi32, #tpu.memory_space<hbm>> -> memref<56x96xi32, #tpu.memory_space<hbm>>
      tpu.enqueue_dma source(%dma_start3A_51 : memref<56x96xi32, #tpu.memory_space<hbm>>) target(%arg8 : memref<56x96xi32, #tpu.memory_space<vmem>>) target_semaphore(%run_scoped3A : memref<!tpu.dma_semaphore, #tpu.memory_space<semaphore_mem>>)
      %dma_wait3A = arith.constant 56 : i32
      %dma_wait3A_52 = arith.constant 0 : i32
      %dma_wait3A_53 = tpu.memref_slice %arg4[%add3A, %dma_wait3A, %dma_wait3A_52] : memref<32x112x96xi32, #tpu.memory_space<hbm>> -> memref<1x56x96xi32, #tpu.memory_space<hbm>>
      %dma_wait3A_54 = tpu.memref_squeeze %dma_wait3A_53 : memref<1x56x96xi32, #tpu.memory_space<hbm>> -> memref<56x96xi32, #tpu.memory_space<hbm>>
      %dma_wait3A_55 = arith.constant 56 : i32
      %dma_wait3A_56 = arith.constant 0 : i32
      %dma_wait3A_57 = tpu.memref_slice %arg4[%add3A, %dma_wait3A_55, %dma_wait3A_56] : memref<32x112x96xi32, #tpu.memory_space<hbm>> -> memref<1x56x96xi32, #tpu.memory_space<hbm>>
      %dma_wait3A_58 = tpu.memref_squeeze %dma_wait3A_57 : memref<1x56x96xi32, #tpu.memory_space<hbm>> -> memref<56x96xi32, #tpu.memory_space<hbm>>
      tpu.wait_dma2 semaphore(%run_scoped3A : memref<!tpu.dma_semaphore, #tpu.memory_space<semaphore_mem>>) src(%dma_wait3A_58 : memref<56x96xi32, #tpu.memory_space<hbm>>) dst(%arg8 : memref<56x96xi32, #tpu.memory_space<vmem>>)
      tpu.yield
    }) : () -> ()
    %dma_start3A_20 = arith.constant 0 : i32
    %dma_start3A_21 = arith.constant 0 : i32
    %dma_start3A_22 = tpu.memref_slice %arg7[%dma_start3A_20, %dma_start3A_21] : memref<56x96xi32, #tpu.memory_space<vmem>> -> memref<1x96xi32, #tpu.memory_space<vmem>>
    %dma_start3A_23 = tpu.memref_squeeze %dma_start3A_22 : memref<1x96xi32, #tpu.memory_space<vmem>> -> memref<96xi32, #tpu.memory_space<vmem>>
    %dma_start3A_24 = arith.constant 0 : i32
    %dma_start3A_25 = arith.constant 0 : i32
    %dma_start3A_26 = tpu.memref_slice %arg2[%dma_start3A_24, %dma_start3A_25] : memref<10240x128xf32, #tpu.memory_space<hbm>> -> memref<10240x128xf32, #tpu.memory_space<hbm>>
    tpu.enqueue_indirect_dma source(%dma_start3A_26 : memref<10240x128xf32, #tpu.memory_space<hbm>>) target(%arg9 : memref<96x128xf32, #tpu.memory_space<vmem>>) offsets(%dma_start3A_23 : memref<96xi32, #tpu.memory_space<vmem>>) semaphore(%arg11 : memref<!tpu.dma_semaphore, #tpu.memory_space<semaphore_mem>>)
    %dma_start3A_27 = arith.constant 1 : i32
    %dma_start3A_28 = arith.constant 0 : i32
    %dma_start3A_29 = tpu.memref_slice %arg7[%dma_start3A_27, %dma_start3A_28] : memref<56x96xi32, #tpu.memory_space<vmem>> -> memref<1x96xi32, #tpu.memory_space<vmem>>
    %dma_start3A_30 = tpu.memref_squeeze %dma_start3A_29 : memref<1x96xi32, #tpu.memory_space<vmem>> -> memref<96xi32, #tpu.memory_space<vmem>>
    %dma_start3A_31 = arith.constant 0 : i32
    %dma_start3A_32 = arith.constant 0 : i32
    %dma_start3A_33 = tpu.memref_slice %arg2[%dma_start3A_31, %dma_start3A_32] : memref<10240x128xf32, #tpu.memory_space<hbm>> -> memref<10240x128xf32, #tpu.memory_space<hbm>>
    tpu.enqueue_indirect_dma source(%dma_start3A_33 : memref<10240x128xf32, #tpu.memory_space<hbm>>) target(%arg10 : memref<96x128xf32, #tpu.memory_space<vmem>>) offsets(%dma_start3A_30 : memref<96xi32, #tpu.memory_space<vmem>>) semaphore(%arg12 : memref<!tpu.dma_semaphore, #tpu.memory_space<semaphore_mem>>)
    %scan3A_34 = arith.constant 0 : i32
    %scan3A_35 = arith.constant 28 : i32
    %scan3A_36 = arith.addi %scan3A_34, %scan3A_35 : i32
    %scan3A_37 = arith.constant 1 : i32
    scf.for %scan3A_44 = %scan3A_34 to %scan3A_36 step %scan3A_37  : i32 {
      %mul3A_45 = arith.constant 2 : i32
      %mul3A_46 = arith.muli %scan3A_44, %mul3A_45 : i32
      %add3A_47 = arith.constant 0 : i32
      %add3A_48 = arith.addi %add3A_47, %mul3A_46 : i32
      %add3A_49 = arith.constant 0 : i32
      %add3A_50 = arith.addi %add3A_48, %add3A_49 : i32
      %dma_wait3A = arith.constant 0 : i32
      %dma_wait3A_51 = tpu.memref_slice %arg7[%add3A_50, %dma_wait3A] : memref<56x96xi32, #tpu.memory_space<vmem>> -> memref<1x96xi32, #tpu.memory_space<vmem>>
      %dma_wait3A_52 = tpu.memref_squeeze %dma_wait3A_51 : memref<1x96xi32, #tpu.memory_space<vmem>> -> memref<96xi32, #tpu.memory_space<vmem>>
      %dma_wait3A_53 = arith.constant 0 : i32
      %dma_wait3A_54 = arith.constant 0 : i32
      %dma_wait3A_55 = tpu.memref_slice %arg2[%dma_wait3A_53, %dma_wait3A_54] : memref<10240x128xf32, #tpu.memory_space<hbm>> -> memref<10240x128xf32, #tpu.memory_space<hbm>>
      tpu.wait_indirect_dma semaphore(%arg11 : memref<!tpu.dma_semaphore, #tpu.memory_space<semaphore_mem>>) src(%dma_wait3A_55 : memref<10240x128xf32, #tpu.memory_space<hbm>>) dst(%arg9 : memref<96x128xf32, #tpu.memory_space<vmem>>)
      %add3A_56 = arith.constant 0 : i32
      %add3A_57 = arith.addi %add3A_48, %add3A_56 : i32
      "tpu.region"() ({
        %run_scoped3A = tpu.sem_alloc : memref<!tpu.dma_semaphore, #tpu.memory_space<semaphore_mem>>
        %dma_start3A_83 = arith.constant 0 : i32
        %dma_start3A_84 = tpu.memref_slice %arg8[%add3A_57, %dma_start3A_83] : memref<56x96xi32, #tpu.memory_space<vmem>> -> memref<1x96xi32, #tpu.memory_space<vmem>>
        %dma_start3A_85 = tpu.memref_squeeze %dma_start3A_84 : memref<1x96xi32, #tpu.memory_space<vmem>> -> memref<96xi32, #tpu.memory_space<vmem>>
        %dma_start3A_86 = arith.constant 0 : i32
        %dma_start3A_87 = arith.constant 0 : i32
        %dma_start3A_88 = tpu.memref_slice %arg13[%dma_start3A_86, %dma_start3A_87] : memref<10240x128xf32, #tpu.memory_space<vmem_shared>> -> memref<10240x128xf32, #tpu.memory_space<vmem_shared>>
        tpu.enqueue_indirect_dma source(%arg9 : memref<96x128xf32, #tpu.memory_space<vmem>>) target(%dma_start3A_88 : memref<10240x128xf32, #tpu.memory_space<vmem_shared>>) offsets(%dma_start3A_85 : memref<96xi32, #tpu.memory_space<vmem>>) semaphore(%run_scoped3A : memref<!tpu.dma_semaphore, #tpu.memory_space<semaphore_mem>>) {add = true}
        %dma_wait3A_89 = arith.constant 0 : i32
        %dma_wait3A_90 = tpu.memref_slice %arg8[%add3A_57, %dma_wait3A_89] : memref<56x96xi32, #tpu.memory_space<vmem>> -> memref<1x96xi32, #tpu.memory_space<vmem>>
        %dma_wait3A_91 = tpu.memref_squeeze %dma_wait3A_90 : memref<1x96xi32, #tpu.memory_space<vmem>> -> memref<96xi32, #tpu.memory_space<vmem>>
        %dma_wait3A_92 = arith.constant 0 : i32
        %dma_wait3A_93 = arith.constant 0 : i32
        %dma_wait3A_94 = tpu.memref_slice %arg13[%dma_wait3A_92, %dma_wait3A_93] : memref<10240x128xf32, #tpu.memory_space<vmem_shared>> -> memref<10240x128xf32, #tpu.memory_space<vmem_shared>>
        tpu.wait_indirect_dma semaphore(%run_scoped3A : memref<!tpu.dma_semaphore, #tpu.memory_space<semaphore_mem>>) src(%arg9 : memref<96x128xf32, #tpu.memory_space<vmem>>) dst(%dma_wait3A_94 : memref<10240x128xf32, #tpu.memory_space<vmem_shared>>)
        tpu.yield
      }) : () -> ()
      %add3A_58 = arith.constant 2 : i32
      %add3A_59 = arith.addi %add3A_48, %add3A_58 : i32
      %add3A_60 = arith.constant 0 : i32
      %add3A_61 = arith.addi %add3A_59, %add3A_60 : i32
      %lt3A = arith.constant 56 : i32
      %lt3A_62 = arith.cmpi slt, %add3A_61, %lt3A : i32
      %convert_element_type3A = arith.extui %lt3A_62 : i1 to i32
      %cond3A = arith.constant 0 : i32
      %cond3A_63 = arith.cmpi ne, %convert_element_type3A, %cond3A : i32
      scf.if %cond3A_63 {
        %add3A_83 = arith.constant 2 : i32
        %add3A_84 = arith.addi %add3A_48, %add3A_83 : i32
        %add3A_85 = arith.constant 0 : i32
        %add3A_86 = arith.addi %add3A_84, %add3A_85 : i32
        %dma_start3A_87 = arith.constant 0 : i32
        %dma_start3A_88 = tpu.memref_slice %arg7[%add3A_86, %dma_start3A_87] : memref<56x96xi32, #tpu.memory_space<vmem>> -> memref<1x96xi32, #tpu.memory_space<vmem>>
        %dma_start3A_89 = tpu.memref_squeeze %dma_start3A_88 : memref<1x96xi32, #tpu.memory_space<vmem>> -> memref<96xi32, #tpu.memory_space<vmem>>
        %dma_start3A_90 = arith.constant 0 : i32
        %dma_start3A_91 = arith.constant 0 : i32
        %dma_start3A_92 = tpu.memref_slice %arg2[%dma_start3A_90, %dma_start3A_91] : memref<10240x128xf32, #tpu.memory_space<hbm>> -> memref<10240x128xf32, #tpu.memory_space<hbm>>
        tpu.enqueue_indirect_dma source(%dma_start3A_92 : memref<10240x128xf32, #tpu.memory_space<hbm>>) target(%arg9 : memref<96x128xf32, #tpu.memory_space<vmem>>) offsets(%dma_start3A_89 : memref<96xi32, #tpu.memory_space<vmem>>) semaphore(%arg11 : memref<!tpu.dma_semaphore, #tpu.memory_space<semaphore_mem>>)
      } else {
      }
      %add3A_64 = arith.constant 1 : i32
      %add3A_65 = arith.addi %add3A_48, %add3A_64 : i32
      %dma_wait3A_66 = arith.constant 0 : i32
      %dma_wait3A_67 = tpu.memref_slice %arg7[%add3A_65, %dma_wait3A_66] : memref<56x96xi32, #tpu.memory_space<vmem>> -> memref<1x96xi32, #tpu.memory_space<vmem>>
      %dma_wait3A_68 = tpu.memref_squeeze %dma_wait3A_67 : memref<1x96xi32, #tpu.memory_space<vmem>> -> memref<96xi32, #tpu.memory_space<vmem>>
      %dma_wait3A_69 = arith.constant 0 : i32
      %dma_wait3A_70 = arith.constant 0 : i32
      %dma_wait3A_71 = tpu.memref_slice %arg2[%dma_wait3A_69, %dma_wait3A_70] : memref<10240x128xf32, #tpu.memory_space<hbm>> -> memref<10240x128xf32, #tpu.memory_space<hbm>>
      tpu.wait_indirect_dma semaphore(%arg12 : memref<!tpu.dma_semaphore, #tpu.memory_space<semaphore_mem>>) src(%dma_wait3A_71 : memref<10240x128xf32, #tpu.memory_space<hbm>>) dst(%arg10 : memref<96x128xf32, #tpu.memory_space<vmem>>)
      %add3A_72 = arith.constant 1 : i32
      %add3A_73 = arith.addi %add3A_48, %add3A_72 : i32
      "tpu.region"() ({
        %run_scoped3A = tpu.sem_alloc : memref<!tpu.dma_semaphore, #tpu.memory_space<semaphore_mem>>
        %dma_start3A_83 = arith.constant 0 : i32
        %dma_start3A_84 = tpu.memref_slice %arg8[%add3A_73, %dma_start3A_83] : memref<56x96xi32, #tpu.memory_space<vmem>> -> memref<1x96xi32, #tpu.memory_space<vmem>>
        %dma_start3A_85 = tpu.memref_squeeze %dma_start3A_84 : memref<1x96xi32, #tpu.memory_space<vmem>> -> memref<96xi32, #tpu.memory_space<vmem>>
        %dma_start3A_86 = arith.constant 0 : i32
        %dma_start3A_87 = arith.constant 0 : i32
        %dma_start3A_88 = tpu.memref_slice %arg13[%dma_start3A_86, %dma_start3A_87] : memref<10240x128xf32, #tpu.memory_space<vmem_shared>> -> memref<10240x128xf32, #tpu.memory_space<vmem_shared>>
        tpu.enqueue_indirect_dma source(%arg10 : memref<96x128xf32, #tpu.memory_space<vmem>>) target(%dma_start3A_88 : memref<10240x128xf32, #tpu.memory_space<vmem_shared>>) offsets(%dma_start3A_85 : memref<96xi32, #tpu.memory_space<vmem>>) semaphore(%run_scoped3A : memref<!tpu.dma_semaphore, #tpu.memory_space<semaphore_mem>>) {add = true}
        %dma_wait3A_89 = arith.constant 0 : i32
        %dma_wait3A_90 = tpu.memref_slice %arg8[%add3A_73, %dma_wait3A_89] : memref<56x96xi32, #tpu.memory_space<vmem>> -> memref<1x96xi32, #tpu.memory_space<vmem>>
        %dma_wait3A_91 = tpu.memref_squeeze %dma_wait3A_90 : memref<1x96xi32, #tpu.memory_space<vmem>> -> memref<96xi32, #tpu.memory_space<vmem>>
        %dma_wait3A_92 = arith.constant 0 : i32
        %dma_wait3A_93 = arith.constant 0 : i32
        %dma_wait3A_94 = tpu.memref_slice %arg13[%dma_wait3A_92, %dma_wait3A_93] : memref<10240x128xf32, #tpu.memory_space<vmem_shared>> -> memref<10240x128xf32, #tpu.memory_space<vmem_shared>>
        tpu.wait_indirect_dma semaphore(%run_scoped3A : memref<!tpu.dma_semaphore, #tpu.memory_space<semaphore_mem>>) src(%arg10 : memref<96x128xf32, #tpu.memory_space<vmem>>) dst(%dma_wait3A_94 : memref<10240x128xf32, #tpu.memory_space<vmem_shared>>)
        tpu.yield
      }) : () -> ()
      %add3A_74 = arith.constant 2 : i32
      %add3A_75 = arith.addi %add3A_48, %add3A_74 : i32
      %add3A_76 = arith.constant 1 : i32
      %add3A_77 = arith.addi %add3A_75, %add3A_76 : i32
      %lt3A_78 = arith.constant 56 : i32
      %lt3A_79 = arith.cmpi slt, %add3A_77, %lt3A_78 : i32
      %convert_element_type3A_80 = arith.extui %lt3A_79 : i1 to i32
      %cond3A_81 = arith.constant 0 : i32
      %cond3A_82 = arith.cmpi ne, %convert_element_type3A_80, %cond3A_81 : i32
      scf.if %cond3A_82 {
        %add3A_83 = arith.constant 2 : i32
        %add3A_84 = arith.addi %add3A_48, %add3A_83 : i32
        %add3A_85 = arith.constant 1 : i32
        %add3A_86 = arith.addi %add3A_84, %add3A_85 : i32
        %dma_start3A_87 = arith.constant 0 : i32
        %dma_start3A_88 = tpu.memref_slice %arg7[%add3A_86, %dma_start3A_87] : memref<56x96xi32, #tpu.memory_space<vmem>> -> memref<1x96xi32, #tpu.memory_space<vmem>>
        %dma_start3A_89 = tpu.memref_squeeze %dma_start3A_88 : memref<1x96xi32, #tpu.memory_space<vmem>> -> memref<96xi32, #tpu.memory_space<vmem>>
        %dma_start3A_90 = arith.constant 0 : i32
        %dma_start3A_91 = arith.constant 0 : i32
        %dma_start3A_92 = tpu.memref_slice %arg2[%dma_start3A_90, %dma_start3A_91] : memref<10240x128xf32, #tpu.memory_space<hbm>> -> memref<10240x128xf32, #tpu.memory_space<hbm>>
        tpu.enqueue_indirect_dma source(%dma_start3A_92 : memref<10240x128xf32, #tpu.memory_space<hbm>>) target(%arg10 : memref<96x128xf32, #tpu.memory_space<vmem>>) offsets(%dma_start3A_89 : memref<96xi32, #tpu.memory_space<vmem>>) semaphore(%arg12 : memref<!tpu.dma_semaphore, #tpu.memory_space<semaphore_mem>>)
      } else {
      }
    }
    %scan3A_38 = arith.constant 28 : i32
    %barrier3A_39 = arith.constant 0 : index
    tpu.barrier barrier_id(%barrier3A_39)
    %mul3A_40 = arith.constant 640 : i32
    %mul3A_41 = arith.muli %arg1, %mul3A_40 : i32
    %mul3A_42 = arith.constant 640 : i32
    %mul3A_43 = arith.muli %arg1, %mul3A_42 : i32
    "tpu.region"() ({
      %run_scoped3A = tpu.sem_alloc : memref<!tpu.dma_semaphore, #tpu.memory_space<semaphore_mem>>
      %dma_start3A_44 = arith.constant 0 : i32
      %dma_start3A_45 = tpu.memref_slice %arg6[%arg0, %mul3A_43, %dma_start3A_44] : memref<2x10240x128xf32, #tpu.memory_space<hbm>> -> memref<1x640x128xf32, #tpu.memory_space<hbm>>
      %dma_start3A_46 = tpu.memref_squeeze %dma_start3A_45 : memref<1x640x128xf32, #tpu.memory_space<hbm>> -> memref<640x128xf32, #tpu.memory_space<hbm>>
      %dma_start3A_47 = arith.constant 0 : i32
      %dma_start3A_48 = tpu.memref_slice %arg13[%mul3A_41, %dma_start3A_47] : memref<10240x128xf32, #tpu.memory_space<vmem_shared>> -> memref<640x128xf32, #tpu.memory_space<vmem_shared>>
      tpu.enqueue_dma source(%dma_start3A_48 : memref<640x128xf32, #tpu.memory_space<vmem_shared>>) target(%dma_start3A_46 : memref<640x128xf32, #tpu.memory_space<hbm>>) target_semaphore(%run_scoped3A : memref<!tpu.dma_semaphore, #tpu.memory_space<semaphore_mem>>)
      %dma_wait3A = arith.constant 0 : i32
      %dma_wait3A_49 = tpu.memref_slice %arg6[%arg0, %mul3A_43, %dma_wait3A] : memref<2x10240x128xf32, #tpu.memory_space<hbm>> -> memref<1x640x128xf32, #tpu.memory_space<hbm>>
      %dma_wait3A_50 = tpu.memref_squeeze %dma_wait3A_49 : memref<1x640x128xf32, #tpu.memory_space<hbm>> -> memref<640x128xf32, #tpu.memory_space<hbm>>
      %dma_wait3A_51 = arith.constant 0 : i32
      %dma_wait3A_52 = tpu.memref_slice %arg13[%mul3A_41, %dma_wait3A_51] : memref<10240x128xf32, #tpu.memory_space<vmem_shared>> -> memref<640x128xf32, #tpu.memory_space<vmem_shared>>
      tpu.wait_dma2 semaphore(%run_scoped3A : memref<!tpu.dma_semaphore, #tpu.memory_space<semaphore_mem>>) src(%dma_wait3A_52 : memref<640x128xf32, #tpu.memory_space<vmem_shared>>) dst(%dma_wait3A_50 : memref<640x128xf32, #tpu.memory_space<hbm>>)
      tpu.yield
    }) : () -> ()
    return
  }
}

#map = affine_map<(d0, d1) -> (0, 0, 0)>
#map1 = affine_map<(d0, d1) -> (0, 0)>
module attributes {stable_mosaic.version = 14 : i64} {
  func.func @_deg_scatter(%arg0: i32, %arg1: i32, %arg2: memref<32x112x96xi32, #tpu.memory_space<hbm>>, %arg3: memref<640x128xf32, #tpu.memory_space<hbm>>, %arg4: memref<96x128xf32, #tpu.memory_space<hbm>>, %arg5: memref<2x10240x128xf32, #tpu.memory_space<hbm>>, %arg6: memref<112x96xi32, #tpu.memory_space<vmem>>, %arg7: memref<96x128xf32, #tpu.memory_space<vmem>>, %arg8: memref<10240x128xf32, #tpu.memory_space<vmem_shared>>) attributes {dimension_semantics = [#tpu.dimension_semantics<core_parallel>, #tpu.dimension_semantics<subcore_parallel>], iteration_bounds = array<i64: 2, 16>, scalar_prefetch = 0 : i64, scratch_operands = 3 : i64, tpu.core_type = #tpu.core_type<sc_vector_subcore>, window_params = [{transform_indices = #map}, {transform_indices = #map1}, {transform_indices = #map1}, {transform_indices = #map}]} {
    %mul3A = arith.constant 16 : i32
    %mul3A_0 = arith.muli %arg0, %mul3A : i32
    %add3A = arith.addi %mul3A_0, %arg1 : i32
    %mul3A_1 = arith.constant 640 : i32
    %mul3A_2 = arith.muli %arg1, %mul3A_1 : i32
    "tpu.region"() ({
      %run_scoped3A = tpu.sem_alloc : memref<!tpu.dma_semaphore, #tpu.memory_space<semaphore_mem>>
      %dma_start3A = arith.constant 0 : i32
      %dma_start3A_12 = tpu.memref_slice %arg8[%mul3A_2, %dma_start3A] : memref<10240x128xf32, #tpu.memory_space<vmem_shared>> -> memref<640x128xf32, #tpu.memory_space<vmem_shared>>
      tpu.enqueue_dma source(%arg3 : memref<640x128xf32, #tpu.memory_space<hbm>>) target(%dma_start3A_12 : memref<640x128xf32, #tpu.memory_space<vmem_shared>>) target_semaphore(%run_scoped3A : memref<!tpu.dma_semaphore, #tpu.memory_space<semaphore_mem>>)
      %dma_wait3A = arith.constant 0 : i32
      %dma_wait3A_13 = tpu.memref_slice %arg8[%mul3A_2, %dma_wait3A] : memref<10240x128xf32, #tpu.memory_space<vmem_shared>> -> memref<640x128xf32, #tpu.memory_space<vmem_shared>>
      tpu.wait_dma2 semaphore(%run_scoped3A : memref<!tpu.dma_semaphore, #tpu.memory_space<semaphore_mem>>) src(%arg3 : memref<640x128xf32, #tpu.memory_space<hbm>>) dst(%dma_wait3A_13 : memref<640x128xf32, #tpu.memory_space<vmem_shared>>)
      tpu.yield
    }) : () -> ()
    "tpu.region"() ({
      %run_scoped3A = tpu.sem_alloc : memref<!tpu.dma_semaphore, #tpu.memory_space<semaphore_mem>>
      tpu.enqueue_dma source(%arg4 : memref<96x128xf32, #tpu.memory_space<hbm>>) target(%arg7 : memref<96x128xf32, #tpu.memory_space<vmem>>) target_semaphore(%run_scoped3A : memref<!tpu.dma_semaphore, #tpu.memory_space<semaphore_mem>>)
      tpu.wait_dma2 semaphore(%run_scoped3A : memref<!tpu.dma_semaphore, #tpu.memory_space<semaphore_mem>>) src(%arg4 : memref<96x128xf32, #tpu.memory_space<hbm>>) dst(%arg7 : memref<96x128xf32, #tpu.memory_space<vmem>>)
      tpu.yield
    }) : () -> ()
    "tpu.region"() ({
      %run_scoped3A = tpu.sem_alloc : memref<!tpu.dma_semaphore, #tpu.memory_space<semaphore_mem>>
      %dma_start3A = arith.constant 0 : i32
      %dma_start3A_12 = arith.constant 0 : i32
      %dma_start3A_13 = tpu.memref_slice %arg2[%add3A, %dma_start3A, %dma_start3A_12] : memref<32x112x96xi32, #tpu.memory_space<hbm>> -> memref<1x112x96xi32, #tpu.memory_space<hbm>>
      %dma_start3A_14 = tpu.memref_squeeze %dma_start3A_13 : memref<1x112x96xi32, #tpu.memory_space<hbm>> -> memref<112x96xi32, #tpu.memory_space<hbm>>
      %dma_start3A_15 = arith.constant 0 : i32
      %dma_start3A_16 = arith.constant 0 : i32
      %dma_start3A_17 = tpu.memref_slice %arg2[%add3A, %dma_start3A_15, %dma_start3A_16] : memref<32x112x96xi32, #tpu.memory_space<hbm>> -> memref<1x112x96xi32, #tpu.memory_space<hbm>>
      %dma_start3A_18 = tpu.memref_squeeze %dma_start3A_17 : memref<1x112x96xi32, #tpu.memory_space<hbm>> -> memref<112x96xi32, #tpu.memory_space<hbm>>
      tpu.enqueue_dma source(%dma_start3A_18 : memref<112x96xi32, #tpu.memory_space<hbm>>) target(%arg6 : memref<112x96xi32, #tpu.memory_space<vmem>>) target_semaphore(%run_scoped3A : memref<!tpu.dma_semaphore, #tpu.memory_space<semaphore_mem>>)
      %dma_wait3A = arith.constant 0 : i32
      %dma_wait3A_19 = arith.constant 0 : i32
      %dma_wait3A_20 = tpu.memref_slice %arg2[%add3A, %dma_wait3A, %dma_wait3A_19] : memref<32x112x96xi32, #tpu.memory_space<hbm>> -> memref<1x112x96xi32, #tpu.memory_space<hbm>>
      %dma_wait3A_21 = tpu.memref_squeeze %dma_wait3A_20 : memref<1x112x96xi32, #tpu.memory_space<hbm>> -> memref<112x96xi32, #tpu.memory_space<hbm>>
      %dma_wait3A_22 = arith.constant 0 : i32
      %dma_wait3A_23 = arith.constant 0 : i32
      %dma_wait3A_24 = tpu.memref_slice %arg2[%add3A, %dma_wait3A_22, %dma_wait3A_23] : memref<32x112x96xi32, #tpu.memory_space<hbm>> -> memref<1x112x96xi32, #tpu.memory_space<hbm>>
      %dma_wait3A_25 = tpu.memref_squeeze %dma_wait3A_24 : memref<1x112x96xi32, #tpu.memory_space<hbm>> -> memref<112x96xi32, #tpu.memory_space<hbm>>
      tpu.wait_dma2 semaphore(%run_scoped3A : memref<!tpu.dma_semaphore, #tpu.memory_space<semaphore_mem>>) src(%dma_wait3A_25 : memref<112x96xi32, #tpu.memory_space<hbm>>) dst(%arg6 : memref<112x96xi32, #tpu.memory_space<vmem>>)
      tpu.yield
    }) : () -> ()
    %barrier3A = arith.constant 0 : index
    tpu.barrier barrier_id(%barrier3A)
    %scan3A = arith.constant 0 : i32
    %scan3A_3 = arith.constant 112 : i32
    %scan3A_4 = arith.addi %scan3A, %scan3A_3 : i32
    %scan3A_5 = arith.constant 1 : i32
    scf.for %scan3A_12 = %scan3A to %scan3A_4 step %scan3A_5  : i32 {
      %mul3A_13 = arith.constant 1 : i32
      %mul3A_14 = arith.muli %scan3A_12, %mul3A_13 : i32
      %add3A_15 = arith.constant 0 : i32
      %add3A_16 = arith.addi %add3A_15, %mul3A_14 : i32
      "tpu.region"() ({
        %run_scoped3A = tpu.sem_alloc : memref<!tpu.dma_semaphore, #tpu.memory_space<semaphore_mem>>
        %dma_start3A = arith.constant 0 : i32
        %dma_start3A_17 = tpu.memref_slice %arg6[%add3A_16, %dma_start3A] : memref<112x96xi32, #tpu.memory_space<vmem>> -> memref<1x96xi32, #tpu.memory_space<vmem>>
        %dma_start3A_18 = tpu.memref_squeeze %dma_start3A_17 : memref<1x96xi32, #tpu.memory_space<vmem>> -> memref<96xi32, #tpu.memory_space<vmem>>
        %dma_start3A_19 = arith.constant 0 : i32
        %dma_start3A_20 = arith.constant 0 : i32
        %dma_start3A_21 = tpu.memref_slice %arg8[%dma_start3A_19, %dma_start3A_20] : memref<10240x128xf32, #tpu.memory_space<vmem_shared>> -> memref<10240x128xf32, #tpu.memory_space<vmem_shared>>
        tpu.enqueue_indirect_dma source(%arg7 : memref<96x128xf32, #tpu.memory_space<vmem>>) target(%dma_start3A_21 : memref<10240x128xf32, #tpu.memory_space<vmem_shared>>) offsets(%dma_start3A_18 : memref<96xi32, #tpu.memory_space<vmem>>) semaphore(%run_scoped3A : memref<!tpu.dma_semaphore, #tpu.memory_space<semaphore_mem>>) {add = true}
        %dma_wait3A = arith.constant 0 : i32
        %dma_wait3A_22 = tpu.memref_slice %arg6[%add3A_16, %dma_wait3A] : memref<112x96xi32, #tpu.memory_space<vmem>> -> memref<1x96xi32, #tpu.memory_space<vmem>>
        %dma_wait3A_23 = tpu.memref_squeeze %dma_wait3A_22 : memref<1x96xi32, #tpu.memory_space<vmem>> -> memref<96xi32, #tpu.memory_space<vmem>>
        %dma_wait3A_24 = arith.constant 0 : i32
        %dma_wait3A_25 = arith.constant 0 : i32
        %dma_wait3A_26 = tpu.memref_slice %arg8[%dma_wait3A_24, %dma_wait3A_25] : memref<10240x128xf32, #tpu.memory_space<vmem_shared>> -> memref<10240x128xf32, #tpu.memory_space<vmem_shared>>
        tpu.wait_indirect_dma semaphore(%run_scoped3A : memref<!tpu.dma_semaphore, #tpu.memory_space<semaphore_mem>>) src(%arg7 : memref<96x128xf32, #tpu.memory_space<vmem>>) dst(%dma_wait3A_26 : memref<10240x128xf32, #tpu.memory_space<vmem_shared>>)
        tpu.yield
      }) : () -> ()
    }
    %scan3A_6 = arith.constant 112 : i32
    %barrier3A_7 = arith.constant 0 : index
    tpu.barrier barrier_id(%barrier3A_7)
    %mul3A_8 = arith.constant 640 : i32
    %mul3A_9 = arith.muli %arg1, %mul3A_8 : i32
    %mul3A_10 = arith.constant 640 : i32
    %mul3A_11 = arith.muli %arg1, %mul3A_10 : i32
    "tpu.region"() ({
      %run_scoped3A = tpu.sem_alloc : memref<!tpu.dma_semaphore, #tpu.memory_space<semaphore_mem>>
      %dma_start3A = arith.constant 0 : i32
      %dma_start3A_12 = tpu.memref_slice %arg5[%arg0, %mul3A_11, %dma_start3A] : memref<2x10240x128xf32, #tpu.memory_space<hbm>> -> memref<1x640x128xf32, #tpu.memory_space<hbm>>
      %dma_start3A_13 = tpu.memref_squeeze %dma_start3A_12 : memref<1x640x128xf32, #tpu.memory_space<hbm>> -> memref<640x128xf32, #tpu.memory_space<hbm>>
      %dma_start3A_14 = arith.constant 0 : i32
      %dma_start3A_15 = tpu.memref_slice %arg8[%mul3A_9, %dma_start3A_14] : memref<10240x128xf32, #tpu.memory_space<vmem_shared>> -> memref<640x128xf32, #tpu.memory_space<vmem_shared>>
      tpu.enqueue_dma source(%dma_start3A_15 : memref<640x128xf32, #tpu.memory_space<vmem_shared>>) target(%dma_start3A_13 : memref<640x128xf32, #tpu.memory_space<hbm>>) target_semaphore(%run_scoped3A : memref<!tpu.dma_semaphore, #tpu.memory_space<semaphore_mem>>)
      %dma_wait3A = arith.constant 0 : i32
      %dma_wait3A_16 = tpu.memref_slice %arg5[%arg0, %mul3A_11, %dma_wait3A] : memref<2x10240x128xf32, #tpu.memory_space<hbm>> -> memref<1x640x128xf32, #tpu.memory_space<hbm>>
      %dma_wait3A_17 = tpu.memref_squeeze %dma_wait3A_16 : memref<1x640x128xf32, #tpu.memory_space<hbm>> -> memref<640x128xf32, #tpu.memory_space<hbm>>
      %dma_wait3A_18 = arith.constant 0 : i32
      %dma_wait3A_19 = tpu.memref_slice %arg8[%mul3A_9, %dma_wait3A_18] : memref<10240x128xf32, #tpu.memory_space<vmem_shared>> -> memref<640x128xf32, #tpu.memory_space<vmem_shared>>
      tpu.wait_dma2 semaphore(%run_scoped3A : memref<!tpu.dma_semaphore, #tpu.memory_space<semaphore_mem>>) src(%dma_wait3A_19 : memref<640x128xf32, #tpu.memory_space<vmem_shared>>) dst(%dma_wait3A_17 : memref<640x128xf32, #tpu.memory_space<hbm>>)
      tpu.yield
    }) : () -> ()
    return
  }
}

#map = affine_map<(d0, d1) -> (0, 0)>
#map1 = affine_map<(d0, d1) -> (0, 0, 0, 0)>
#map2 = affine_map<(d0, d1) -> (0, 0, 0)>
module attributes {stable_mosaic.version = 14 : i64} {
  func.func @_scatter_col(%arg0: i32, %arg1: i32, %arg2: memref<20480x128xf32, #tpu.memory_space<hbm>>, %arg3: memref<2x16x336x64xi32, #tpu.memory_space<hbm>>, %arg4: memref<16x336x64xi32, #tpu.memory_space<hbm>>, %arg5: memref<640x128xf32, #tpu.memory_space<hbm>>, %arg6: memref<2x10240x128xf32, #tpu.memory_space<hbm>>, %arg7: memref<56x64xi32, #tpu.memory_space<vmem>>, %arg8: memref<56x64xi32, #tpu.memory_space<vmem>>, %arg9: memref<64x128xf32, #tpu.memory_space<vmem>>, %arg10: memref<64x128xf32, #tpu.memory_space<vmem>>, %arg11: memref<64x128xf32, #tpu.memory_space<vmem>>, %arg12: memref<64x128xf32, #tpu.memory_space<vmem>>, %arg13: memref<!tpu.dma_semaphore, #tpu.memory_space<semaphore_mem>>, %arg14: memref<!tpu.dma_semaphore, #tpu.memory_space<semaphore_mem>>, %arg15: memref<!tpu.dma_semaphore, #tpu.memory_space<semaphore_mem>>, %arg16: memref<!tpu.dma_semaphore, #tpu.memory_space<semaphore_mem>>, %arg17: memref<10240x128xf32, #tpu.memory_space<vmem_shared>>) attributes {dimension_semantics = [#tpu.dimension_semantics<core_parallel>, #tpu.dimension_semantics<subcore_parallel>], iteration_bounds = array<i64: 2, 16>, scalar_prefetch = 0 : i64, scratch_operands = 11 : i64, tpu.core_type = #tpu.core_type<sc_vector_subcore>, window_params = [{transform_indices = #map}, {transform_indices = #map1}, {transform_indices = #map2}, {transform_indices = #map}, {transform_indices = #map2}]} {
    %mul3A = arith.constant 640 : i32
    %mul3A_0 = arith.muli %arg1, %mul3A : i32
    "tpu.region"() ({
      %run_scoped3A = tpu.sem_alloc : memref<!tpu.dma_semaphore, #tpu.memory_space<semaphore_mem>>
      %dma_start3A_202 = arith.constant 0 : i32
      %dma_start3A_203 = tpu.memref_slice %arg17[%mul3A_0, %dma_start3A_202] : memref<10240x128xf32, #tpu.memory_space<vmem_shared>> -> memref<640x128xf32, #tpu.memory_space<vmem_shared>>
      tpu.enqueue_dma source(%arg5 : memref<640x128xf32, #tpu.memory_space<hbm>>) target(%dma_start3A_203 : memref<640x128xf32, #tpu.memory_space<vmem_shared>>) target_semaphore(%run_scoped3A : memref<!tpu.dma_semaphore, #tpu.memory_space<semaphore_mem>>)
      %dma_wait3A = arith.constant 0 : i32
      %dma_wait3A_204 = tpu.memref_slice %arg17[%mul3A_0, %dma_wait3A] : memref<10240x128xf32, #tpu.memory_space<vmem_shared>> -> memref<640x128xf32, #tpu.memory_space<vmem_shared>>
      tpu.wait_dma2 semaphore(%run_scoped3A : memref<!tpu.dma_semaphore, #tpu.memory_space<semaphore_mem>>) src(%arg5 : memref<640x128xf32, #tpu.memory_space<hbm>>) dst(%dma_wait3A_204 : memref<640x128xf32, #tpu.memory_space<vmem_shared>>)
      tpu.yield
    }) : () -> ()
    %barrier3A = arith.constant 0 : index
    tpu.barrier barrier_id(%barrier3A)
    "tpu.region"() ({
      %run_scoped3A = tpu.sem_alloc : memref<!tpu.dma_semaphore, #tpu.memory_space<semaphore_mem>>
      %dma_start3A_202 = arith.constant 0 : i32
      %dma_start3A_203 = arith.constant 0 : i32
      %dma_start3A_204 = tpu.memref_slice %arg3[%arg0, %arg1, %dma_start3A_202, %dma_start3A_203] : memref<2x16x336x64xi32, #tpu.memory_space<hbm>> -> memref<1x1x56x64xi32, #tpu.memory_space<hbm>>
      %dma_start3A_205 = tpu.memref_squeeze %dma_start3A_204 : memref<1x1x56x64xi32, #tpu.memory_space<hbm>> -> memref<56x64xi32, #tpu.memory_space<hbm>>
      %dma_start3A_206 = arith.constant 0 : i32
      %dma_start3A_207 = arith.constant 0 : i32
      %dma_start3A_208 = tpu.memref_slice %arg3[%arg0, %arg1, %dma_start3A_206, %dma_start3A_207] : memref<2x16x336x64xi32, #tpu.memory_space<hbm>> -> memref<1x1x56x64xi32, #tpu.memory_space<hbm>>
      %dma_start3A_209 = tpu.memref_squeeze %dma_start3A_208 : memref<1x1x56x64xi32, #tpu.memory_space<hbm>> -> memref<56x64xi32, #tpu.memory_space<hbm>>
      tpu.enqueue_dma source(%dma_start3A_209 : memref<56x64xi32, #tpu.memory_space<hbm>>) target(%arg7 : memref<56x64xi32, #tpu.memory_space<vmem>>) target_semaphore(%run_scoped3A : memref<!tpu.dma_semaphore, #tpu.memory_space<semaphore_mem>>)
      %dma_wait3A = arith.constant 0 : i32
      %dma_wait3A_210 = arith.constant 0 : i32
      %dma_wait3A_211 = tpu.memref_slice %arg3[%arg0, %arg1, %dma_wait3A, %dma_wait3A_210] : memref<2x16x336x64xi32, #tpu.memory_space<hbm>> -> memref<1x1x56x64xi32, #tpu.memory_space<hbm>>
      %dma_wait3A_212 = tpu.memref_squeeze %dma_wait3A_211 : memref<1x1x56x64xi32, #tpu.memory_space<hbm>> -> memref<56x64xi32, #tpu.memory_space<hbm>>
      %dma_wait3A_213 = arith.constant 0 : i32
      %dma_wait3A_214 = arith.constant 0 : i32
      %dma_wait3A_215 = tpu.memref_slice %arg3[%arg0, %arg1, %dma_wait3A_213, %dma_wait3A_214] : memref<2x16x336x64xi32, #tpu.memory_space<hbm>> -> memref<1x1x56x64xi32, #tpu.memory_space<hbm>>
      %dma_wait3A_216 = tpu.memref_squeeze %dma_wait3A_215 : memref<1x1x56x64xi32, #tpu.memory_space<hbm>> -> memref<56x64xi32, #tpu.memory_space<hbm>>
      tpu.wait_dma2 semaphore(%run_scoped3A : memref<!tpu.dma_semaphore, #tpu.memory_space<semaphore_mem>>) src(%dma_wait3A_216 : memref<56x64xi32, #tpu.memory_space<hbm>>) dst(%arg7 : memref<56x64xi32, #tpu.memory_space<vmem>>)
      tpu.yield
    }) : () -> ()
    "tpu.region"() ({
      %run_scoped3A = tpu.sem_alloc : memref<!tpu.dma_semaphore, #tpu.memory_space<semaphore_mem>>
      %dma_start3A_202 = arith.constant 0 : i32
      %dma_start3A_203 = arith.constant 0 : i32
      %dma_start3A_204 = tpu.memref_slice %arg4[%arg1, %dma_start3A_202, %dma_start3A_203] : memref<16x336x64xi32, #tpu.memory_space<hbm>> -> memref<1x56x64xi32, #tpu.memory_space<hbm>>
      %dma_start3A_205 = tpu.memref_squeeze %dma_start3A_204 : memref<1x56x64xi32, #tpu.memory_space<hbm>> -> memref<56x64xi32, #tpu.memory_space<hbm>>
      %dma_start3A_206 = arith.constant 0 : i32
      %dma_start3A_207 = arith.constant 0 : i32
      %dma_start3A_208 = tpu.memref_slice %arg4[%arg1, %dma_start3A_206, %dma_start3A_207] : memref<16x336x64xi32, #tpu.memory_space<hbm>> -> memref<1x56x64xi32, #tpu.memory_space<hbm>>
      %dma_start3A_209 = tpu.memref_squeeze %dma_start3A_208 : memref<1x56x64xi32, #tpu.memory_space<hbm>> -> memref<56x64xi32, #tpu.memory_space<hbm>>
      tpu.enqueue_dma source(%dma_start3A_209 : memref<56x64xi32, #tpu.memory_space<hbm>>) target(%arg8 : memref<56x64xi32, #tpu.memory_space<vmem>>) target_semaphore(%run_scoped3A : memref<!tpu.dma_semaphore, #tpu.memory_space<semaphore_mem>>)
      %dma_wait3A = arith.constant 0 : i32
      %dma_wait3A_210 = arith.constant 0 : i32
      %dma_wait3A_211 = tpu.memref_slice %arg4[%arg1, %dma_wait3A, %dma_wait3A_210] : memref<16x336x64xi32, #tpu.memory_space<hbm>> -> memref<1x56x64xi32, #tpu.memory_space<hbm>>
      %dma_wait3A_212 = tpu.memref_squeeze %dma_wait3A_211 : memref<1x56x64xi32, #tpu.memory_space<hbm>> -> memref<56x64xi32, #tpu.memory_space<hbm>>
      %dma_wait3A_213 = arith.constant 0 : i32
      %dma_wait3A_214 = arith.constant 0 : i32
      %dma_wait3A_215 = tpu.memref_slice %arg4[%arg1, %dma_wait3A_213, %dma_wait3A_214] : memref<16x336x64xi32, #tpu.memory_space<hbm>> -> memref<1x56x64xi32, #tpu.memory_space<hbm>>
      %dma_wait3A_216 = tpu.memref_squeeze %dma_wait3A_215 : memref<1x56x64xi32, #tpu.memory_space<hbm>> -> memref<56x64xi32, #tpu.memory_space<hbm>>
      tpu.wait_dma2 semaphore(%run_scoped3A : memref<!tpu.dma_semaphore, #tpu.memory_space<semaphore_mem>>) src(%dma_wait3A_216 : memref<56x64xi32, #tpu.memory_space<hbm>>) dst(%arg8 : memref<56x64xi32, #tpu.memory_space<vmem>>)
      tpu.yield
    }) : () -> ()
    %dma_start3A = arith.constant 0 : i32
    %dma_start3A_1 = arith.constant 0 : i32
    %dma_start3A_2 = tpu.memref_slice %arg7[%dma_start3A, %dma_start3A_1] : memref<56x64xi32, #tpu.memory_space<vmem>> -> memref<1x64xi32, #tpu.memory_space<vmem>>
    %dma_start3A_3 = tpu.memref_squeeze %dma_start3A_2 : memref<1x64xi32, #tpu.memory_space<vmem>> -> memref<64xi32, #tpu.memory_space<vmem>>
    %dma_start3A_4 = arith.constant 0 : i32
    %dma_start3A_5 = arith.constant 0 : i32
    %dma_start3A_6 = tpu.memref_slice %arg2[%dma_start3A_4, %dma_start3A_5] : memref<20480x128xf32, #tpu.memory_space<hbm>> -> memref<20480x128xf32, #tpu.memory_space<hbm>>
    tpu.enqueue_indirect_dma source(%dma_start3A_6 : memref<20480x128xf32, #tpu.memory_space<hbm>>) target(%arg9 : memref<64x128xf32, #tpu.memory_space<vmem>>) offsets(%dma_start3A_3 : memref<64xi32, #tpu.memory_space<vmem>>) semaphore(%arg13 : memref<!tpu.dma_semaphore, #tpu.memory_space<semaphore_mem>>)
    %dma_start3A_7 = arith.constant 1 : i32
    %dma_start3A_8 = arith.constant 0 : i32
    %dma_start3A_9 = tpu.memref_slice %arg7[%dma_start3A_7, %dma_start3A_8] : memref<56x64xi32, #tpu.memory_space<vmem>> -> memref<1x64xi32, #tpu.memory_space<vmem>>
    %dma_start3A_10 = tpu.memref_squeeze %dma_start3A_9 : memref<1x64xi32, #tpu.memory_space<vmem>> -> memref<64xi32, #tpu.memory_space<vmem>>
    %dma_start3A_11 = arith.constant 0 : i32
    %dma_start3A_12 = arith.constant 0 : i32
    %dma_start3A_13 = tpu.memref_slice %arg2[%dma_start3A_11, %dma_start3A_12] : memref<20480x128xf32, #tpu.memory_space<hbm>> -> memref<20480x128xf32, #tpu.memory_space<hbm>>
    tpu.enqueue_indirect_dma source(%dma_start3A_13 : memref<20480x128xf32, #tpu.memory_space<hbm>>) target(%arg10 : memref<64x128xf32, #tpu.memory_space<vmem>>) offsets(%dma_start3A_10 : memref<64xi32, #tpu.memory_space<vmem>>) semaphore(%arg14 : memref<!tpu.dma_semaphore, #tpu.memory_space<semaphore_mem>>)
    %dma_start3A_14 = arith.constant 2 : i32
    %dma_start3A_15 = arith.constant 0 : i32
    %dma_start3A_16 = tpu.memref_slice %arg7[%dma_start3A_14, %dma_start3A_15] : memref<56x64xi32, #tpu.memory_space<vmem>> -> memref<1x64xi32, #tpu.memory_space<vmem>>
    %dma_start3A_17 = tpu.memref_squeeze %dma_start3A_16 : memref<1x64xi32, #tpu.memory_space<vmem>> -> memref<64xi32, #tpu.memory_space<vmem>>
    %dma_start3A_18 = arith.constant 0 : i32
    %dma_start3A_19 = arith.constant 0 : i32
    %dma_start3A_20 = tpu.memref_slice %arg2[%dma_start3A_18, %dma_start3A_19] : memref<20480x128xf32, #tpu.memory_space<hbm>> -> memref<20480x128xf32, #tpu.memory_space<hbm>>
    tpu.enqueue_indirect_dma source(%dma_start3A_20 : memref<20480x128xf32, #tpu.memory_space<hbm>>) target(%arg11 : memref<64x128xf32, #tpu.memory_space<vmem>>) offsets(%dma_start3A_17 : memref<64xi32, #tpu.memory_space<vmem>>) semaphore(%arg15 : memref<!tpu.dma_semaphore, #tpu.memory_space<semaphore_mem>>)
    %dma_start3A_21 = arith.constant 3 : i32
    %dma_start3A_22 = arith.constant 0 : i32
    %dma_start3A_23 = tpu.memref_slice %arg7[%dma_start3A_21, %dma_start3A_22] : memref<56x64xi32, #tpu.memory_space<vmem>> -> memref<1x64xi32, #tpu.memory_space<vmem>>
    %dma_start3A_24 = tpu.memref_squeeze %dma_start3A_23 : memref<1x64xi32, #tpu.memory_space<vmem>> -> memref<64xi32, #tpu.memory_space<vmem>>
    %dma_start3A_25 = arith.constant 0 : i32
    %dma_start3A_26 = arith.constant 0 : i32
    %dma_start3A_27 = tpu.memref_slice %arg2[%dma_start3A_25, %dma_start3A_26] : memref<20480x128xf32, #tpu.memory_space<hbm>> -> memref<20480x128xf32, #tpu.memory_space<hbm>>
    tpu.enqueue_indirect_dma source(%dma_start3A_27 : memref<20480x128xf32, #tpu.memory_space<hbm>>) target(%arg12 : memref<64x128xf32, #tpu.memory_space<vmem>>) offsets(%dma_start3A_24 : memref<64xi32, #tpu.memory_space<vmem>>) semaphore(%arg16 : memref<!tpu.dma_semaphore, #tpu.memory_space<semaphore_mem>>)
    %scan3A = arith.constant 0 : i32
    %scan3A_28 = arith.constant 14 : i32
    %scan3A_29 = arith.addi %scan3A, %scan3A_28 : i32
    %scan3A_30 = arith.constant 1 : i32
    scf.for %scan3A_202 = %scan3A to %scan3A_29 step %scan3A_30  : i32 {
      %mul3A_203 = arith.constant 4 : i32
      %mul3A_204 = arith.muli %scan3A_202, %mul3A_203 : i32
      %add3A = arith.constant 0 : i32
      %add3A_205 = arith.addi %add3A, %mul3A_204 : i32
      %add3A_206 = arith.constant 0 : i32
      %add3A_207 = arith.addi %add3A_205, %add3A_206 : i32
      %dma_wait3A = arith.constant 0 : i32
      %dma_wait3A_208 = tpu.memref_slice %arg7[%add3A_207, %dma_wait3A] : memref<56x64xi32, #tpu.memory_space<vmem>> -> memref<1x64xi32, #tpu.memory_space<vmem>>
      %dma_wait3A_209 = tpu.memref_squeeze %dma_wait3A_208 : memref<1x64xi32, #tpu.memory_space<vmem>> -> memref<64xi32, #tpu.memory_space<vmem>>
      %dma_wait3A_210 = arith.constant 0 : i32
      %dma_wait3A_211 = arith.constant 0 : i32
      %dma_wait3A_212 = tpu.memref_slice %arg2[%dma_wait3A_210, %dma_wait3A_211] : memref<20480x128xf32, #tpu.memory_space<hbm>> -> memref<20480x128xf32, #tpu.memory_space<hbm>>
      tpu.wait_indirect_dma semaphore(%arg13 : memref<!tpu.dma_semaphore, #tpu.memory_space<semaphore_mem>>) src(%dma_wait3A_212 : memref<20480x128xf32, #tpu.memory_space<hbm>>) dst(%arg9 : memref<64x128xf32, #tpu.memory_space<vmem>>)
      %add3A_213 = arith.constant 0 : i32
      %add3A_214 = arith.addi %add3A_205, %add3A_213 : i32
      "tpu.region"() ({
        %run_scoped3A = tpu.sem_alloc : memref<!tpu.dma_semaphore, #tpu.memory_space<semaphore_mem>>
        %dma_start3A_278 = arith.constant 0 : i32
        %dma_start3A_279 = tpu.memref_slice %arg8[%add3A_214, %dma_start3A_278] : memref<56x64xi32, #tpu.memory_space<vmem>> -> memref<1x64xi32, #tpu.memory_space<vmem>>
        %dma_start3A_280 = tpu.memref_squeeze %dma_start3A_279 : memref<1x64xi32, #tpu.memory_space<vmem>> -> memref<64xi32, #tpu.memory_space<vmem>>
        %dma_start3A_281 = arith.constant 0 : i32
        %dma_start3A_282 = arith.constant 0 : i32
        %dma_start3A_283 = tpu.memref_slice %arg17[%dma_start3A_281, %dma_start3A_282] : memref<10240x128xf32, #tpu.memory_space<vmem_shared>> -> memref<10240x128xf32, #tpu.memory_space<vmem_shared>>
        tpu.enqueue_indirect_dma source(%arg9 : memref<64x128xf32, #tpu.memory_space<vmem>>) target(%dma_start3A_283 : memref<10240x128xf32, #tpu.memory_space<vmem_shared>>) offsets(%dma_start3A_280 : memref<64xi32, #tpu.memory_space<vmem>>) semaphore(%run_scoped3A : memref<!tpu.dma_semaphore, #tpu.memory_space<semaphore_mem>>) {add = true}
        %dma_wait3A_284 = arith.constant 0 : i32
        %dma_wait3A_285 = tpu.memref_slice %arg8[%add3A_214, %dma_wait3A_284] : memref<56x64xi32, #tpu.memory_space<vmem>> -> memref<1x64xi32, #tpu.memory_space<vmem>>
        %dma_wait3A_286 = tpu.memref_squeeze %dma_wait3A_285 : memref<1x64xi32, #tpu.memory_space<vmem>> -> memref<64xi32, #tpu.memory_space<vmem>>
        %dma_wait3A_287 = arith.constant 0 : i32
        %dma_wait3A_288 = arith.constant 0 : i32
        %dma_wait3A_289 = tpu.memref_slice %arg17[%dma_wait3A_287, %dma_wait3A_288] : memref<10240x128xf32, #tpu.memory_space<vmem_shared>> -> memref<10240x128xf32, #tpu.memory_space<vmem_shared>>
        tpu.wait_indirect_dma semaphore(%run_scoped3A : memref<!tpu.dma_semaphore, #tpu.memory_space<semaphore_mem>>) src(%arg9 : memref<64x128xf32, #tpu.memory_space<vmem>>) dst(%dma_wait3A_289 : memref<10240x128xf32, #tpu.memory_space<vmem_shared>>)
        tpu.yield
      }) : () -> ()
      %add3A_215 = arith.constant 4 : i32
      %add3A_216 = arith.addi %add3A_205, %add3A_215 : i32
      %add3A_217 = arith.constant 0 : i32
      %add3A_218 = arith.addi %add3A_216, %add3A_217 : i32
      %lt3A = arith.constant 56 : i32
      %lt3A_219 = arith.cmpi slt, %add3A_218, %lt3A : i32
      %convert_element_type3A = arith.extui %lt3A_219 : i1 to i32
      %cond3A = arith.constant 0 : i32
      %cond3A_220 = arith.cmpi ne, %convert_element_type3A, %cond3A : i32
      scf.if %cond3A_220 {
        %add3A_278 = arith.constant 4 : i32
        %add3A_279 = arith.addi %add3A_205, %add3A_278 : i32
        %add3A_280 = arith.constant 0 : i32
        %add3A_281 = arith.addi %add3A_279, %add3A_280 : i32
        %dma_start3A_282 = arith.constant 0 : i32
        %dma_start3A_283 = tpu.memref_slice %arg7[%add3A_281, %dma_start3A_282] : memref<56x64xi32, #tpu.memory_space<vmem>> -> memref<1x64xi32, #tpu.memory_space<vmem>>
        %dma_start3A_284 = tpu.memref_squeeze %dma_start3A_283 : memref<1x64xi32, #tpu.memory_space<vmem>> -> memref<64xi32, #tpu.memory_space<vmem>>
        %dma_start3A_285 = arith.constant 0 : i32
        %dma_start3A_286 = arith.constant 0 : i32
        %dma_start3A_287 = tpu.memref_slice %arg2[%dma_start3A_285, %dma_start3A_286] : memref<20480x128xf32, #tpu.memory_space<hbm>> -> memref<20480x128xf32, #tpu.memory_space<hbm>>
        tpu.enqueue_indirect_dma source(%dma_start3A_287 : memref<20480x128xf32, #tpu.memory_space<hbm>>) target(%arg9 : memref<64x128xf32, #tpu.memory_space<vmem>>) offsets(%dma_start3A_284 : memref<64xi32, #tpu.memory_space<vmem>>) semaphore(%arg13 : memref<!tpu.dma_semaphore, #tpu.memory_space<semaphore_mem>>)
      } else {
      }
      %add3A_221 = arith.constant 1 : i32
      %add3A_222 = arith.addi %add3A_205, %add3A_221 : i32
      %dma_wait3A_223 = arith.constant 0 : i32
      %dma_wait3A_224 = tpu.memref_slice %arg7[%add3A_222, %dma_wait3A_223] : memref<56x64xi32, #tpu.memory_space<vmem>> -> memref<1x64xi32, #tpu.memory_space<vmem>>
      %dma_wait3A_225 = tpu.memref_squeeze %dma_wait3A_224 : memref<1x64xi32, #tpu.memory_space<vmem>> -> memref<64xi32, #tpu.memory_space<vmem>>
      %dma_wait3A_226 = arith.constant 0 : i32
      %dma_wait3A_227 = arith.constant 0 : i32
      %dma_wait3A_228 = tpu.memref_slice %arg2[%dma_wait3A_226, %dma_wait3A_227] : memref<20480x128xf32, #tpu.memory_space<hbm>> -> memref<20480x128xf32, #tpu.memory_space<hbm>>
      tpu.wait_indirect_dma semaphore(%arg14 : memref<!tpu.dma_semaphore, #tpu.memory_space<semaphore_mem>>) src(%dma_wait3A_228 : memref<20480x128xf32, #tpu.memory_space<hbm>>) dst(%arg10 : memref<64x128xf32, #tpu.memory_space<vmem>>)
      %add3A_229 = arith.constant 1 : i32
      %add3A_230 = arith.addi %add3A_205, %add3A_229 : i32
      "tpu.region"() ({
        %run_scoped3A = tpu.sem_alloc : memref<!tpu.dma_semaphore, #tpu.memory_space<semaphore_mem>>
        %dma_start3A_278 = arith.constant 0 : i32
        %dma_start3A_279 = tpu.memref_slice %arg8[%add3A_230, %dma_start3A_278] : memref<56x64xi32, #tpu.memory_space<vmem>> -> memref<1x64xi32, #tpu.memory_space<vmem>>
        %dma_start3A_280 = tpu.memref_squeeze %dma_start3A_279 : memref<1x64xi32, #tpu.memory_space<vmem>> -> memref<64xi32, #tpu.memory_space<vmem>>
        %dma_start3A_281 = arith.constant 0 : i32
        %dma_start3A_282 = arith.constant 0 : i32
        %dma_start3A_283 = tpu.memref_slice %arg17[%dma_start3A_281, %dma_start3A_282] : memref<10240x128xf32, #tpu.memory_space<vmem_shared>> -> memref<10240x128xf32, #tpu.memory_space<vmem_shared>>
        tpu.enqueue_indirect_dma source(%arg10 : memref<64x128xf32, #tpu.memory_space<vmem>>) target(%dma_start3A_283 : memref<10240x128xf32, #tpu.memory_space<vmem_shared>>) offsets(%dma_start3A_280 : memref<64xi32, #tpu.memory_space<vmem>>) semaphore(%run_scoped3A : memref<!tpu.dma_semaphore, #tpu.memory_space<semaphore_mem>>) {add = true}
        %dma_wait3A_284 = arith.constant 0 : i32
        %dma_wait3A_285 = tpu.memref_slice %arg8[%add3A_230, %dma_wait3A_284] : memref<56x64xi32, #tpu.memory_space<vmem>> -> memref<1x64xi32, #tpu.memory_space<vmem>>
        %dma_wait3A_286 = tpu.memref_squeeze %dma_wait3A_285 : memref<1x64xi32, #tpu.memory_space<vmem>> -> memref<64xi32, #tpu.memory_space<vmem>>
        %dma_wait3A_287 = arith.constant 0 : i32
        %dma_wait3A_288 = arith.constant 0 : i32
        %dma_wait3A_289 = tpu.memref_slice %arg17[%dma_wait3A_287, %dma_wait3A_288] : memref<10240x128xf32, #tpu.memory_space<vmem_shared>> -> memref<10240x128xf32, #tpu.memory_space<vmem_shared>>
        tpu.wait_indirect_dma semaphore(%run_scoped3A : memref<!tpu.dma_semaphore, #tpu.memory_space<semaphore_mem>>) src(%arg10 : memref<64x128xf32, #tpu.memory_space<vmem>>) dst(%dma_wait3A_289 : memref<10240x128xf32, #tpu.memory_space<vmem_shared>>)
        tpu.yield
      }) : () -> ()
      %add3A_231 = arith.constant 4 : i32
      %add3A_232 = arith.addi %add3A_205, %add3A_231 : i32
      %add3A_233 = arith.constant 1 : i32
      %add3A_234 = arith.addi %add3A_232, %add3A_233 : i32
      %lt3A_235 = arith.constant 56 : i32
      %lt3A_236 = arith.cmpi slt, %add3A_234, %lt3A_235 : i32
      %convert_element_type3A_237 = arith.extui %lt3A_236 : i1 to i32
      %cond3A_238 = arith.constant 0 : i32
      %cond3A_239 = arith.cmpi ne, %convert_element_type3A_237, %cond3A_238 : i32
      scf.if %cond3A_239 {
        %add3A_278 = arith.constant 4 : i32
        %add3A_279 = arith.addi %add3A_205, %add3A_278 : i32
        %add3A_280 = arith.constant 1 : i32
        %add3A_281 = arith.addi %add3A_279, %add3A_280 : i32
        %dma_start3A_282 = arith.constant 0 : i32
        %dma_start3A_283 = tpu.memref_slice %arg7[%add3A_281, %dma_start3A_282] : memref<56x64xi32, #tpu.memory_space<vmem>> -> memref<1x64xi32, #tpu.memory_space<vmem>>
        %dma_start3A_284 = tpu.memref_squeeze %dma_start3A_283 : memref<1x64xi32, #tpu.memory_space<vmem>> -> memref<64xi32, #tpu.memory_space<vmem>>
        %dma_start3A_285 = arith.constant 0 : i32
        %dma_start3A_286 = arith.constant 0 : i32
        %dma_start3A_287 = tpu.memref_slice %arg2[%dma_start3A_285, %dma_start3A_286] : memref<20480x128xf32, #tpu.memory_space<hbm>> -> memref<20480x128xf32, #tpu.memory_space<hbm>>
        tpu.enqueue_indirect_dma source(%dma_start3A_287 : memref<20480x128xf32, #tpu.memory_space<hbm>>) target(%arg10 : memref<64x128xf32, #tpu.memory_space<vmem>>) offsets(%dma_start3A_284 : memref<64xi32, #tpu.memory_space<vmem>>) semaphore(%arg14 : memref<!tpu.dma_semaphore, #tpu.memory_space<semaphore_mem>>)
      } else {
      }
      %add3A_240 = arith.constant 2 : i32
      %add3A_241 = arith.addi %add3A_205, %add3A_240 : i32
      %dma_wait3A_242 = arith.constant 0 : i32
      %dma_wait3A_243 = tpu.memref_slice %arg7[%add3A_241, %dma_wait3A_242] : memref<56x64xi32, #tpu.memory_space<vmem>> -> memref<1x64xi32, #tpu.memory_space<vmem>>
      %dma_wait3A_244 = tpu.memref_squeeze %dma_wait3A_243 : memref<1x64xi32, #tpu.memory_space<vmem>> -> memref<64xi32, #tpu.memory_space<vmem>>
      %dma_wait3A_245 = arith.constant 0 : i32
      %dma_wait3A_246 = arith.constant 0 : i32
      %dma_wait3A_247 = tpu.memref_slice %arg2[%dma_wait3A_245, %dma_wait3A_246] : memref<20480x128xf32, #tpu.memory_space<hbm>> -> memref<20480x128xf32, #tpu.memory_space<hbm>>
      tpu.wait_indirect_dma semaphore(%arg15 : memref<!tpu.dma_semaphore, #tpu.memory_space<semaphore_mem>>) src(%dma_wait3A_247 : memref<20480x128xf32, #tpu.memory_space<hbm>>) dst(%arg11 : memref<64x128xf32, #tpu.memory_space<vmem>>)
      %add3A_248 = arith.constant 2 : i32
      %add3A_249 = arith.addi %add3A_205, %add3A_248 : i32
      "tpu.region"() ({
        %run_scoped3A = tpu.sem_alloc : memref<!tpu.dma_semaphore, #tpu.memory_space<semaphore_mem>>
        %dma_start3A_278 = arith.constant 0 : i32
        %dma_start3A_279 = tpu.memref_slice %arg8[%add3A_249, %dma_start3A_278] : memref<56x64xi32, #tpu.memory_space<vmem>> -> memref<1x64xi32, #tpu.memory_space<vmem>>
        %dma_start3A_280 = tpu.memref_squeeze %dma_start3A_279 : memref<1x64xi32, #tpu.memory_space<vmem>> -> memref<64xi32, #tpu.memory_space<vmem>>
        %dma_start3A_281 = arith.constant 0 : i32
        %dma_start3A_282 = arith.constant 0 : i32
        %dma_start3A_283 = tpu.memref_slice %arg17[%dma_start3A_281, %dma_start3A_282] : memref<10240x128xf32, #tpu.memory_space<vmem_shared>> -> memref<10240x128xf32, #tpu.memory_space<vmem_shared>>
        tpu.enqueue_indirect_dma source(%arg11 : memref<64x128xf32, #tpu.memory_space<vmem>>) target(%dma_start3A_283 : memref<10240x128xf32, #tpu.memory_space<vmem_shared>>) offsets(%dma_start3A_280 : memref<64xi32, #tpu.memory_space<vmem>>) semaphore(%run_scoped3A : memref<!tpu.dma_semaphore, #tpu.memory_space<semaphore_mem>>) {add = true}
        %dma_wait3A_284 = arith.constant 0 : i32
        %dma_wait3A_285 = tpu.memref_slice %arg8[%add3A_249, %dma_wait3A_284] : memref<56x64xi32, #tpu.memory_space<vmem>> -> memref<1x64xi32, #tpu.memory_space<vmem>>
        %dma_wait3A_286 = tpu.memref_squeeze %dma_wait3A_285 : memref<1x64xi32, #tpu.memory_space<vmem>> -> memref<64xi32, #tpu.memory_space<vmem>>
        %dma_wait3A_287 = arith.constant 0 : i32
        %dma_wait3A_288 = arith.constant 0 : i32
        %dma_wait3A_289 = tpu.memref_slice %arg17[%dma_wait3A_287, %dma_wait3A_288] : memref<10240x128xf32, #tpu.memory_space<vmem_shared>> -> memref<10240x128xf32, #tpu.memory_space<vmem_shared>>
        tpu.wait_indirect_dma semaphore(%run_scoped3A : memref<!tpu.dma_semaphore, #tpu.memory_space<semaphore_mem>>) src(%arg11 : memref<64x128xf32, #tpu.memory_space<vmem>>) dst(%dma_wait3A_289 : memref<10240x128xf32, #tpu.memory_space<vmem_shared>>)
        tpu.yield
      }) : () -> ()
      %add3A_250 = arith.constant 4 : i32
      %add3A_251 = arith.addi %add3A_205, %add3A_250 : i32
      %add3A_252 = arith.constant 2 : i32
      %add3A_253 = arith.addi %add3A_251, %add3A_252 : i32
      %lt3A_254 = arith.constant 56 : i32
      %lt3A_255 = arith.cmpi slt, %add3A_253, %lt3A_254 : i32
      %convert_element_type3A_256 = arith.extui %lt3A_255 : i1 to i32
      %cond3A_257 = arith.constant 0 : i32
      %cond3A_258 = arith.cmpi ne, %convert_element_type3A_256, %cond3A_257 : i32
      scf.if %cond3A_258 {
        %add3A_278 = arith.constant 4 : i32
        %add3A_279 = arith.addi %add3A_205, %add3A_278 : i32
        %add3A_280 = arith.constant 2 : i32
        %add3A_281 = arith.addi %add3A_279, %add3A_280 : i32
        %dma_start3A_282 = arith.constant 0 : i32
        %dma_start3A_283 = tpu.memref_slice %arg7[%add3A_281, %dma_start3A_282] : memref<56x64xi32, #tpu.memory_space<vmem>> -> memref<1x64xi32, #tpu.memory_space<vmem>>
        %dma_start3A_284 = tpu.memref_squeeze %dma_start3A_283 : memref<1x64xi32, #tpu.memory_space<vmem>> -> memref<64xi32, #tpu.memory_space<vmem>>
        %dma_start3A_285 = arith.constant 0 : i32
        %dma_start3A_286 = arith.constant 0 : i32
        %dma_start3A_287 = tpu.memref_slice %arg2[%dma_start3A_285, %dma_start3A_286] : memref<20480x128xf32, #tpu.memory_space<hbm>> -> memref<20480x128xf32, #tpu.memory_space<hbm>>
        tpu.enqueue_indirect_dma source(%dma_start3A_287 : memref<20480x128xf32, #tpu.memory_space<hbm>>) target(%arg11 : memref<64x128xf32, #tpu.memory_space<vmem>>) offsets(%dma_start3A_284 : memref<64xi32, #tpu.memory_space<vmem>>) semaphore(%arg15 : memref<!tpu.dma_semaphore, #tpu.memory_space<semaphore_mem>>)
      } else {
      }
      %add3A_259 = arith.constant 3 : i32
      %add3A_260 = arith.addi %add3A_205, %add3A_259 : i32
      %dma_wait3A_261 = arith.constant 0 : i32
      %dma_wait3A_262 = tpu.memref_slice %arg7[%add3A_260, %dma_wait3A_261] : memref<56x64xi32, #tpu.memory_space<vmem>> -> memref<1x64xi32, #tpu.memory_space<vmem>>
      %dma_wait3A_263 = tpu.memref_squeeze %dma_wait3A_262 : memref<1x64xi32, #tpu.memory_space<vmem>> -> memref<64xi32, #tpu.memory_space<vmem>>
      %dma_wait3A_264 = arith.constant 0 : i32
      %dma_wait3A_265 = arith.constant 0 : i32
      %dma_wait3A_266 = tpu.memref_slice %arg2[%dma_wait3A_264, %dma_wait3A_265] : memref<20480x128xf32, #tpu.memory_space<hbm>> -> memref<20480x128xf32, #tpu.memory_space<hbm>>
      tpu.wait_indirect_dma semaphore(%arg16 : memref<!tpu.dma_semaphore, #tpu.memory_space<semaphore_mem>>) src(%dma_wait3A_266 : memref<20480x128xf32, #tpu.memory_space<hbm>>) dst(%arg12 : memref<64x128xf32, #tpu.memory_space<vmem>>)
      %add3A_267 = arith.constant 3 : i32
      %add3A_268 = arith.addi %add3A_205, %add3A_267 : i32
      "tpu.region"() ({
        %run_scoped3A = tpu.sem_alloc : memref<!tpu.dma_semaphore, #tpu.memory_space<semaphore_mem>>
        %dma_start3A_278 = arith.constant 0 : i32
        %dma_start3A_279 = tpu.memref_slice %arg8[%add3A_268, %dma_start3A_278] : memref<56x64xi32, #tpu.memory_space<vmem>> -> memref<1x64xi32, #tpu.memory_space<vmem>>
        %dma_start3A_280 = tpu.memref_squeeze %dma_start3A_279 : memref<1x64xi32, #tpu.memory_space<vmem>> -> memref<64xi32, #tpu.memory_space<vmem>>
        %dma_start3A_281 = arith.constant 0 : i32
        %dma_start3A_282 = arith.constant 0 : i32
        %dma_start3A_283 = tpu.memref_slice %arg17[%dma_start3A_281, %dma_start3A_282] : memref<10240x128xf32, #tpu.memory_space<vmem_shared>> -> memref<10240x128xf32, #tpu.memory_space<vmem_shared>>
        tpu.enqueue_indirect_dma source(%arg12 : memref<64x128xf32, #tpu.memory_space<vmem>>) target(%dma_start3A_283 : memref<10240x128xf32, #tpu.memory_space<vmem_shared>>) offsets(%dma_start3A_280 : memref<64xi32, #tpu.memory_space<vmem>>) semaphore(%run_scoped3A : memref<!tpu.dma_semaphore, #tpu.memory_space<semaphore_mem>>) {add = true}
        %dma_wait3A_284 = arith.constant 0 : i32
        %dma_wait3A_285 = tpu.memref_slice %arg8[%add3A_268, %dma_wait3A_284] : memref<56x64xi32, #tpu.memory_space<vmem>> -> memref<1x64xi32, #tpu.memory_space<vmem>>
        %dma_wait3A_286 = tpu.memref_squeeze %dma_wait3A_285 : memref<1x64xi32, #tpu.memory_space<vmem>> -> memref<64xi32, #tpu.memory_space<vmem>>
        %dma_wait3A_287 = arith.constant 0 : i32
        %dma_wait3A_288 = arith.constant 0 : i32
        %dma_wait3A_289 = tpu.memref_slice %arg17[%dma_wait3A_287, %dma_wait3A_288] : memref<10240x128xf32, #tpu.memory_space<vmem_shared>> -> memref<10240x128xf32, #tpu.memory_space<vmem_shared>>
        tpu.wait_indirect_dma semaphore(%run_scoped3A : memref<!tpu.dma_semaphore, #tpu.memory_space<semaphore_mem>>) src(%arg12 : memref<64x128xf32, #tpu.memory_space<vmem>>) dst(%dma_wait3A_289 : memref<10240x128xf32, #tpu.memory_space<vmem_shared>>)
        tpu.yield
      }) : () -> ()
      %add3A_269 = arith.constant 4 : i32
      %add3A_270 = arith.addi %add3A_205, %add3A_269 : i32
      %add3A_271 = arith.constant 3 : i32
      %add3A_272 = arith.addi %add3A_270, %add3A_271 : i32
      %lt3A_273 = arith.constant 56 : i32
      %lt3A_274 = arith.cmpi slt, %add3A_272, %lt3A_273 : i32
      %convert_element_type3A_275 = arith.extui %lt3A_274 : i1 to i32
      %cond3A_276 = arith.constant 0 : i32
      %cond3A_277 = arith.cmpi ne, %convert_element_type3A_275, %cond3A_276 : i32
      scf.if %cond3A_277 {
        %add3A_278 = arith.constant 4 : i32
        %add3A_279 = arith.addi %add3A_205, %add3A_278 : i32
        %add3A_280 = arith.constant 3 : i32
        %add3A_281 = arith.addi %add3A_279, %add3A_280 : i32
        %dma_start3A_282 = arith.constant 0 : i32
        %dma_start3A_283 = tpu.memref_slice %arg7[%add3A_281, %dma_start3A_282] : memref<56x64xi32, #tpu.memory_space<vmem>> -> memref<1x64xi32, #tpu.memory_space<vmem>>
        %dma_start3A_284 = tpu.memref_squeeze %dma_start3A_283 : memref<1x64xi32, #tpu.memory_space<vmem>> -> memref<64xi32, #tpu.memory_space<vmem>>
        %dma_start3A_285 = arith.constant 0 : i32
        %dma_start3A_286 = arith.constant 0 : i32
        %dma_start3A_287 = tpu.memref_slice %arg2[%dma_start3A_285, %dma_start3A_286] : memref<20480x128xf32, #tpu.memory_space<hbm>> -> memref<20480x128xf32, #tpu.memory_space<hbm>>
        tpu.enqueue_indirect_dma source(%dma_start3A_287 : memref<20480x128xf32, #tpu.memory_space<hbm>>) target(%arg12 : memref<64x128xf32, #tpu.memory_space<vmem>>) offsets(%dma_start3A_284 : memref<64xi32, #tpu.memory_space<vmem>>) semaphore(%arg16 : memref<!tpu.dma_semaphore, #tpu.memory_space<semaphore_mem>>)
      } else {
      }
    }
    %scan3A_31 = arith.constant 14 : i32
    "tpu.region"() ({
      %run_scoped3A = tpu.sem_alloc : memref<!tpu.dma_semaphore, #tpu.memory_space<semaphore_mem>>
      %dma_start3A_202 = arith.constant 56 : i32
      %dma_start3A_203 = arith.constant 0 : i32
      %dma_start3A_204 = tpu.memref_slice %arg3[%arg0, %arg1, %dma_start3A_202, %dma_start3A_203] : memref<2x16x336x64xi32, #tpu.memory_space<hbm>> -> memref<1x1x56x64xi32, #tpu.memory_space<hbm>>
      %dma_start3A_205 = tpu.memref_squeeze %dma_start3A_204 : memref<1x1x56x64xi32, #tpu.memory_space<hbm>> -> memref<56x64xi32, #tpu.memory_space<hbm>>
      %dma_start3A_206 = arith.constant 56 : i32
      %dma_start3A_207 = arith.constant 0 : i32
      %dma_start3A_208 = tpu.memref_slice %arg3[%arg0, %arg1, %dma_start3A_206, %dma_start3A_207] : memref<2x16x336x64xi32, #tpu.memory_space<hbm>> -> memref<1x1x56x64xi32, #tpu.memory_space<hbm>>
      %dma_start3A_209 = tpu.memref_squeeze %dma_start3A_208 : memref<1x1x56x64xi32, #tpu.memory_space<hbm>> -> memref<56x64xi32, #tpu.memory_space<hbm>>
      tpu.enqueue_dma source(%dma_start3A_209 : memref<56x64xi32, #tpu.memory_space<hbm>>) target(%arg7 : memref<56x64xi32, #tpu.memory_space<vmem>>) target_semaphore(%run_scoped3A : memref<!tpu.dma_semaphore, #tpu.memory_space<semaphore_mem>>)
      %dma_wait3A = arith.constant 56 : i32
      %dma_wait3A_210 = arith.constant 0 : i32
      %dma_wait3A_211 = tpu.memref_slice %arg3[%arg0, %arg1, %dma_wait3A, %dma_wait3A_210] : memref<2x16x336x64xi32, #tpu.memory_space<hbm>> -> memref<1x1x56x64xi32, #tpu.memory_space<hbm>>
      %dma_wait3A_212 = tpu.memref_squeeze %dma_wait3A_211 : memref<1x1x56x64xi32, #tpu.memory_space<hbm>> -> memref<56x64xi32, #tpu.memory_space<hbm>>
      %dma_wait3A_213 = arith.constant 56 : i32
      %dma_wait3A_214 = arith.constant 0 : i32
      %dma_wait3A_215 = tpu.memref_slice %arg3[%arg0, %arg1, %dma_wait3A_213, %dma_wait3A_214] : memref<2x16x336x64xi32, #tpu.memory_space<hbm>> -> memref<1x1x56x64xi32, #tpu.memory_space<hbm>>
      %dma_wait3A_216 = tpu.memref_squeeze %dma_wait3A_215 : memref<1x1x56x64xi32, #tpu.memory_space<hbm>> -> memref<56x64xi32, #tpu.memory_space<hbm>>
      tpu.wait_dma2 semaphore(%run_scoped3A : memref<!tpu.dma_semaphore, #tpu.memory_space<semaphore_mem>>) src(%dma_wait3A_216 : memref<56x64xi32, #tpu.memory_space<hbm>>) dst(%arg7 : memref<56x64xi32, #tpu.memory_space<vmem>>)
      tpu.yield
    }) : () -> ()
    "tpu.region"() ({
      %run_scoped3A = tpu.sem_alloc : memref<!tpu.dma_semaphore, #tpu.memory_space<semaphore_mem>>
      %dma_start3A_202 = arith.constant 56 : i32
      %dma_start3A_203 = arith.constant 0 : i32
      %dma_start3A_204 = tpu.memref_slice %arg4[%arg1, %dma_start3A_202, %dma_start3A_203] : memref<16x336x64xi32, #tpu.memory_space<hbm>> -> memref<1x56x64xi32, #tpu.memory_space<hbm>>
      %dma_start3A_205 = tpu.memref_squeeze %dma_start3A_204 : memref<1x56x64xi32, #tpu.memory_space<hbm>> -> memref<56x64xi32, #tpu.memory_space<hbm>>
      %dma_start3A_206 = arith.constant 56 : i32
      %dma_start3A_207 = arith.constant 0 : i32
      %dma_start3A_208 = tpu.memref_slice %arg4[%arg1, %dma_start3A_206, %dma_start3A_207] : memref<16x336x64xi32, #tpu.memory_space<hbm>> -> memref<1x56x64xi32, #tpu.memory_space<hbm>>
      %dma_start3A_209 = tpu.memref_squeeze %dma_start3A_208 : memref<1x56x64xi32, #tpu.memory_space<hbm>> -> memref<56x64xi32, #tpu.memory_space<hbm>>
      tpu.enqueue_dma source(%dma_start3A_209 : memref<56x64xi32, #tpu.memory_space<hbm>>) target(%arg8 : memref<56x64xi32, #tpu.memory_space<vmem>>) target_semaphore(%run_scoped3A : memref<!tpu.dma_semaphore, #tpu.memory_space<semaphore_mem>>)
      %dma_wait3A = arith.constant 56 : i32
      %dma_wait3A_210 = arith.constant 0 : i32
      %dma_wait3A_211 = tpu.memref_slice %arg4[%arg1, %dma_wait3A, %dma_wait3A_210] : memref<16x336x64xi32, #tpu.memory_space<hbm>> -> memref<1x56x64xi32, #tpu.memory_space<hbm>>
      %dma_wait3A_212 = tpu.memref_squeeze %dma_wait3A_211 : memref<1x56x64xi32, #tpu.memory_space<hbm>> -> memref<56x64xi32, #tpu.memory_space<hbm>>
      %dma_wait3A_213 = arith.constant 56 : i32
      %dma_wait3A_214 = arith.constant 0 : i32
      %dma_wait3A_215 = tpu.memref_slice %arg4[%arg1, %dma_wait3A_213, %dma_wait3A_214] : memref<16x336x64xi32, #tpu.memory_space<hbm>> -> memref<1x56x64xi32, #tpu.memory_space<hbm>>
      %dma_wait3A_216 = tpu.memref_squeeze %dma_wait3A_215 : memref<1x56x64xi32, #tpu.memory_space<hbm>> -> memref<56x64xi32, #tpu.memory_space<hbm>>
      tpu.wait_dma2 semaphore(%run_scoped3A : memref<!tpu.dma_semaphore, #tpu.memory_space<semaphore_mem>>) src(%dma_wait3A_216 : memref<56x64xi32, #tpu.memory_space<hbm>>) dst(%arg8 : memref<56x64xi32, #tpu.memory_space<vmem>>)
      tpu.yield
    }) : () -> ()
    %dma_start3A_32 = arith.constant 0 : i32
    %dma_start3A_33 = arith.constant 0 : i32
    %dma_start3A_34 = tpu.memref_slice %arg7[%dma_start3A_32, %dma_start3A_33] : memref<56x64xi32, #tpu.memory_space<vmem>> -> memref<1x64xi32, #tpu.memory_space<vmem>>
    %dma_start3A_35 = tpu.memref_squeeze %dma_start3A_34 : memref<1x64xi32, #tpu.memory_space<vmem>> -> memref<64xi32, #tpu.memory_space<vmem>>
    %dma_start3A_36 = arith.constant 0 : i32
    %dma_start3A_37 = arith.constant 0 : i32
    %dma_start3A_38 = tpu.memref_slice %arg2[%dma_start3A_36, %dma_start3A_37] : memref<20480x128xf32, #tpu.memory_space<hbm>> -> memref<20480x128xf32, #tpu.memory_space<hbm>>
    tpu.enqueue_indirect_dma source(%dma_start3A_38 : memref<20480x128xf32, #tpu.memory_space<hbm>>) target(%arg9 : memref<64x128xf32, #tpu.memory_space<vmem>>) offsets(%dma_start3A_35 : memref<64xi32, #tpu.memory_space<vmem>>) semaphore(%arg13 : memref<!tpu.dma_semaphore, #tpu.memory_space<semaphore_mem>>)
    %dma_start3A_39 = arith.constant 1 : i32
    %dma_start3A_40 = arith.constant 0 : i32
    %dma_start3A_41 = tpu.memref_slice %arg7[%dma_start3A_39, %dma_start3A_40] : memref<56x64xi32, #tpu.memory_space<vmem>> -> memref<1x64xi32, #tpu.memory_space<vmem>>
    %dma_start3A_42 = tpu.memref_squeeze %dma_start3A_41 : memref<1x64xi32, #tpu.memory_space<vmem>> -> memref<64xi32, #tpu.memory_space<vmem>>
    %dma_start3A_43 = arith.constant 0 : i32
    %dma_start3A_44 = arith.constant 0 : i32
    %dma_start3A_45 = tpu.memref_slice %arg2[%dma_start3A_43, %dma_start3A_44] : memref<20480x128xf32, #tpu.memory_space<hbm>> -> memref<20480x128xf32, #tpu.memory_space<hbm>>
    tpu.enqueue_indirect_dma source(%dma_start3A_45 : memref<20480x128xf32, #tpu.memory_space<hbm>>) target(%arg10 : memref<64x128xf32, #tpu.memory_space<vmem>>) offsets(%dma_start3A_42 : memref<64xi32, #tpu.memory_space<vmem>>) semaphore(%arg14 : memref<!tpu.dma_semaphore, #tpu.memory_space<semaphore_mem>>)
    %dma_start3A_46 = arith.constant 2 : i32
    %dma_start3A_47 = arith.constant 0 : i32
    %dma_start3A_48 = tpu.memref_slice %arg7[%dma_start3A_46, %dma_start3A_47] : memref<56x64xi32, #tpu.memory_space<vmem>> -> memref<1x64xi32, #tpu.memory_space<vmem>>
    %dma_start3A_49 = tpu.memref_squeeze %dma_start3A_48 : memref<1x64xi32, #tpu.memory_space<vmem>> -> memref<64xi32, #tpu.memory_space<vmem>>
    %dma_start3A_50 = arith.constant 0 : i32
    %dma_start3A_51 = arith.constant 0 : i32
    %dma_start3A_52 = tpu.memref_slice %arg2[%dma_start3A_50, %dma_start3A_51] : memref<20480x128xf32, #tpu.memory_space<hbm>> -> memref<20480x128xf32, #tpu.memory_space<hbm>>
    tpu.enqueue_indirect_dma source(%dma_start3A_52 : memref<20480x128xf32, #tpu.memory_space<hbm>>) target(%arg11 : memref<64x128xf32, #tpu.memory_space<vmem>>) offsets(%dma_start3A_49 : memref<64xi32, #tpu.memory_space<vmem>>) semaphore(%arg15 : memref<!tpu.dma_semaphore, #tpu.memory_space<semaphore_mem>>)
    %dma_start3A_53 = arith.constant 3 : i32
    %dma_start3A_54 = arith.constant 0 : i32
    %dma_start3A_55 = tpu.memref_slice %arg7[%dma_start3A_53, %dma_start3A_54] : memref<56x64xi32, #tpu.memory_space<vmem>> -> memref<1x64xi32, #tpu.memory_space<vmem>>
    %dma_start3A_56 = tpu.memref_squeeze %dma_start3A_55 : memref<1x64xi32, #tpu.memory_space<vmem>> -> memref<64xi32, #tpu.memory_space<vmem>>
    %dma_start3A_57 = arith.constant 0 : i32
    %dma_start3A_58 = arith.constant 0 : i32
    %dma_start3A_59 = tpu.memref_slice %arg2[%dma_start3A_57, %dma_start3A_58] : memref<20480x128xf32, #tpu.memory_space<hbm>> -> memref<20480x128xf32, #tpu.memory_space<hbm>>
    tpu.enqueue_indirect_dma source(%dma_start3A_59 : memref<20480x128xf32, #tpu.memory_space<hbm>>) target(%arg12 : memref<64x128xf32, #tpu.memory_space<vmem>>) offsets(%dma_start3A_56 : memref<64xi32, #tpu.memory_space<vmem>>) semaphore(%arg16 : memref<!tpu.dma_semaphore, #tpu.memory_space<semaphore_mem>>)
    %scan3A_60 = arith.constant 0 : i32
    %scan3A_61 = arith.constant 14 : i32
    %scan3A_62 = arith.addi %scan3A_60, %scan3A_61 : i32
    %scan3A_63 = arith.constant 1 : i32
    scf.for %scan3A_202 = %scan3A_60 to %scan3A_62 step %scan3A_63  : i32 {
      %mul3A_203 = arith.constant 4 : i32
      %mul3A_204 = arith.muli %scan3A_202, %mul3A_203 : i32
      %add3A = arith.constant 0 : i32
      %add3A_205 = arith.addi %add3A, %mul3A_204 : i32
      %add3A_206 = arith.constant 0 : i32
      %add3A_207 = arith.addi %add3A_205, %add3A_206 : i32
      %dma_wait3A = arith.constant 0 : i32
      %dma_wait3A_208 = tpu.memref_slice %arg7[%add3A_207, %dma_wait3A] : memref<56x64xi32, #tpu.memory_space<vmem>> -> memref<1x64xi32, #tpu.memory_space<vmem>>
      %dma_wait3A_209 = tpu.memref_squeeze %dma_wait3A_208 : memref<1x64xi32, #tpu.memory_space<vmem>> -> memref<64xi32, #tpu.memory_space<vmem>>
      %dma_wait3A_210 = arith.constant 0 : i32
      %dma_wait3A_211 = arith.constant 0 : i32
      %dma_wait3A_212 = tpu.memref_slice %arg2[%dma_wait3A_210, %dma_wait3A_211] : memref<20480x128xf32, #tpu.memory_space<hbm>> -> memref<20480x128xf32, #tpu.memory_space<hbm>>
      tpu.wait_indirect_dma semaphore(%arg13 : memref<!tpu.dma_semaphore, #tpu.memory_space<semaphore_mem>>) src(%dma_wait3A_212 : memref<20480x128xf32, #tpu.memory_space<hbm>>) dst(%arg9 : memref<64x128xf32, #tpu.memory_space<vmem>>)
      %add3A_213 = arith.constant 0 : i32
      %add3A_214 = arith.addi %add3A_205, %add3A_213 : i32
      "tpu.region"() ({
        %run_scoped3A = tpu.sem_alloc : memref<!tpu.dma_semaphore, #tpu.memory_space<semaphore_mem>>
        %dma_start3A_278 = arith.constant 0 : i32
        %dma_start3A_279 = tpu.memref_slice %arg8[%add3A_214, %dma_start3A_278] : memref<56x64xi32, #tpu.memory_space<vmem>> -> memref<1x64xi32, #tpu.memory_space<vmem>>
        %dma_start3A_280 = tpu.memref_squeeze %dma_start3A_279 : memref<1x64xi32, #tpu.memory_space<vmem>> -> memref<64xi32, #tpu.memory_space<vmem>>
        %dma_start3A_281 = arith.constant 0 : i32
        %dma_start3A_282 = arith.constant 0 : i32
        %dma_start3A_283 = tpu.memref_slice %arg17[%dma_start3A_281, %dma_start3A_282] : memref<10240x128xf32, #tpu.memory_space<vmem_shared>> -> memref<10240x128xf32, #tpu.memory_space<vmem_shared>>
        tpu.enqueue_indirect_dma source(%arg9 : memref<64x128xf32, #tpu.memory_space<vmem>>) target(%dma_start3A_283 : memref<10240x128xf32, #tpu.memory_space<vmem_shared>>) offsets(%dma_start3A_280 : memref<64xi32, #tpu.memory_space<vmem>>) semaphore(%run_scoped3A : memref<!tpu.dma_semaphore, #tpu.memory_space<semaphore_mem>>) {add = true}
        %dma_wait3A_284 = arith.constant 0 : i32
        %dma_wait3A_285 = tpu.memref_slice %arg8[%add3A_214, %dma_wait3A_284] : memref<56x64xi32, #tpu.memory_space<vmem>> -> memref<1x64xi32, #tpu.memory_space<vmem>>
        %dma_wait3A_286 = tpu.memref_squeeze %dma_wait3A_285 : memref<1x64xi32, #tpu.memory_space<vmem>> -> memref<64xi32, #tpu.memory_space<vmem>>
        %dma_wait3A_287 = arith.constant 0 : i32
        %dma_wait3A_288 = arith.constant 0 : i32
        %dma_wait3A_289 = tpu.memref_slice %arg17[%dma_wait3A_287, %dma_wait3A_288] : memref<10240x128xf32, #tpu.memory_space<vmem_shared>> -> memref<10240x128xf32, #tpu.memory_space<vmem_shared>>
        tpu.wait_indirect_dma semaphore(%run_scoped3A : memref<!tpu.dma_semaphore, #tpu.memory_space<semaphore_mem>>) src(%arg9 : memref<64x128xf32, #tpu.memory_space<vmem>>) dst(%dma_wait3A_289 : memref<10240x128xf32, #tpu.memory_space<vmem_shared>>)
        tpu.yield
      }) : () -> ()
      %add3A_215 = arith.constant 4 : i32
      %add3A_216 = arith.addi %add3A_205, %add3A_215 : i32
      %add3A_217 = arith.constant 0 : i32
      %add3A_218 = arith.addi %add3A_216, %add3A_217 : i32
      %lt3A = arith.constant 56 : i32
      %lt3A_219 = arith.cmpi slt, %add3A_218, %lt3A : i32
      %convert_element_type3A = arith.extui %lt3A_219 : i1 to i32
      %cond3A = arith.constant 0 : i32
      %cond3A_220 = arith.cmpi ne, %convert_element_type3A, %cond3A : i32
      scf.if %cond3A_220 {
        %add3A_278 = arith.constant 4 : i32
        %add3A_279 = arith.addi %add3A_205, %add3A_278 : i32
        %add3A_280 = arith.constant 0 : i32
        %add3A_281 = arith.addi %add3A_279, %add3A_280 : i32
        %dma_start3A_282 = arith.constant 0 : i32
        %dma_start3A_283 = tpu.memref_slice %arg7[%add3A_281, %dma_start3A_282] : memref<56x64xi32, #tpu.memory_space<vmem>> -> memref<1x64xi32, #tpu.memory_space<vmem>>
        %dma_start3A_284 = tpu.memref_squeeze %dma_start3A_283 : memref<1x64xi32, #tpu.memory_space<vmem>> -> memref<64xi32, #tpu.memory_space<vmem>>
        %dma_start3A_285 = arith.constant 0 : i32
        %dma_start3A_286 = arith.constant 0 : i32
        %dma_start3A_287 = tpu.memref_slice %arg2[%dma_start3A_285, %dma_start3A_286] : memref<20480x128xf32, #tpu.memory_space<hbm>> -> memref<20480x128xf32, #tpu.memory_space<hbm>>
        tpu.enqueue_indirect_dma source(%dma_start3A_287 : memref<20480x128xf32, #tpu.memory_space<hbm>>) target(%arg9 : memref<64x128xf32, #tpu.memory_space<vmem>>) offsets(%dma_start3A_284 : memref<64xi32, #tpu.memory_space<vmem>>) semaphore(%arg13 : memref<!tpu.dma_semaphore, #tpu.memory_space<semaphore_mem>>)
      } else {
      }
      %add3A_221 = arith.constant 1 : i32
      %add3A_222 = arith.addi %add3A_205, %add3A_221 : i32
      %dma_wait3A_223 = arith.constant 0 : i32
      %dma_wait3A_224 = tpu.memref_slice %arg7[%add3A_222, %dma_wait3A_223] : memref<56x64xi32, #tpu.memory_space<vmem>> -> memref<1x64xi32, #tpu.memory_space<vmem>>
      %dma_wait3A_225 = tpu.memref_squeeze %dma_wait3A_224 : memref<1x64xi32, #tpu.memory_space<vmem>> -> memref<64xi32, #tpu.memory_space<vmem>>
      %dma_wait3A_226 = arith.constant 0 : i32
      %dma_wait3A_227 = arith.constant 0 : i32
      %dma_wait3A_228 = tpu.memref_slice %arg2[%dma_wait3A_226, %dma_wait3A_227] : memref<20480x128xf32, #tpu.memory_space<hbm>> -> memref<20480x128xf32, #tpu.memory_space<hbm>>
      tpu.wait_indirect_dma semaphore(%arg14 : memref<!tpu.dma_semaphore, #tpu.memory_space<semaphore_mem>>) src(%dma_wait3A_228 : memref<20480x128xf32, #tpu.memory_space<hbm>>) dst(%arg10 : memref<64x128xf32, #tpu.memory_space<vmem>>)
      %add3A_229 = arith.constant 1 : i32
      %add3A_230 = arith.addi %add3A_205, %add3A_229 : i32
      "tpu.region"() ({
        %run_scoped3A = tpu.sem_alloc : memref<!tpu.dma_semaphore, #tpu.memory_space<semaphore_mem>>
        %dma_start3A_278 = arith.constant 0 : i32
        %dma_start3A_279 = tpu.memref_slice %arg8[%add3A_230, %dma_start3A_278] : memref<56x64xi32, #tpu.memory_space<vmem>> -> memref<1x64xi32, #tpu.memory_space<vmem>>
        %dma_start3A_280 = tpu.memref_squeeze %dma_start3A_279 : memref<1x64xi32, #tpu.memory_space<vmem>> -> memref<64xi32, #tpu.memory_space<vmem>>
        %dma_start3A_281 = arith.constant 0 : i32
        %dma_start3A_282 = arith.constant 0 : i32
        %dma_start3A_283 = tpu.memref_slice %arg17[%dma_start3A_281, %dma_start3A_282] : memref<10240x128xf32, #tpu.memory_space<vmem_shared>> -> memref<10240x128xf32, #tpu.memory_space<vmem_shared>>
        tpu.enqueue_indirect_dma source(%arg10 : memref<64x128xf32, #tpu.memory_space<vmem>>) target(%dma_start3A_283 : memref<10240x128xf32, #tpu.memory_space<vmem_shared>>) offsets(%dma_start3A_280 : memref<64xi32, #tpu.memory_space<vmem>>) semaphore(%run_scoped3A : memref<!tpu.dma_semaphore, #tpu.memory_space<semaphore_mem>>) {add = true}
        %dma_wait3A_284 = arith.constant 0 : i32
        %dma_wait3A_285 = tpu.memref_slice %arg8[%add3A_230, %dma_wait3A_284] : memref<56x64xi32, #tpu.memory_space<vmem>> -> memref<1x64xi32, #tpu.memory_space<vmem>>
        %dma_wait3A_286 = tpu.memref_squeeze %dma_wait3A_285 : memref<1x64xi32, #tpu.memory_space<vmem>> -> memref<64xi32, #tpu.memory_space<vmem>>
        %dma_wait3A_287 = arith.constant 0 : i32
        %dma_wait3A_288 = arith.constant 0 : i32
        %dma_wait3A_289 = tpu.memref_slice %arg17[%dma_wait3A_287, %dma_wait3A_288] : memref<10240x128xf32, #tpu.memory_space<vmem_shared>> -> memref<10240x128xf32, #tpu.memory_space<vmem_shared>>
        tpu.wait_indirect_dma semaphore(%run_scoped3A : memref<!tpu.dma_semaphore, #tpu.memory_space<semaphore_mem>>) src(%arg10 : memref<64x128xf32, #tpu.memory_space<vmem>>) dst(%dma_wait3A_289 : memref<10240x128xf32, #tpu.memory_space<vmem_shared>>)
        tpu.yield
      }) : () -> ()
      %add3A_231 = arith.constant 4 : i32
      %add3A_232 = arith.addi %add3A_205, %add3A_231 : i32
      %add3A_233 = arith.constant 1 : i32
      %add3A_234 = arith.addi %add3A_232, %add3A_233 : i32
      %lt3A_235 = arith.constant 56 : i32
      %lt3A_236 = arith.cmpi slt, %add3A_234, %lt3A_235 : i32
      %convert_element_type3A_237 = arith.extui %lt3A_236 : i1 to i32
      %cond3A_238 = arith.constant 0 : i32
      %cond3A_239 = arith.cmpi ne, %convert_element_type3A_237, %cond3A_238 : i32
      scf.if %cond3A_239 {
        %add3A_278 = arith.constant 4 : i32
        %add3A_279 = arith.addi %add3A_205, %add3A_278 : i32
        %add3A_280 = arith.constant 1 : i32
        %add3A_281 = arith.addi %add3A_279, %add3A_280 : i32
        %dma_start3A_282 = arith.constant 0 : i32
        %dma_start3A_283 = tpu.memref_slice %arg7[%add3A_281, %dma_start3A_282] : memref<56x64xi32, #tpu.memory_space<vmem>> -> memref<1x64xi32, #tpu.memory_space<vmem>>
        %dma_start3A_284 = tpu.memref_squeeze %dma_start3A_283 : memref<1x64xi32, #tpu.memory_space<vmem>> -> memref<64xi32, #tpu.memory_space<vmem>>
        %dma_start3A_285 = arith.constant 0 : i32
        %dma_start3A_286 = arith.constant 0 : i32
        %dma_start3A_287 = tpu.memref_slice %arg2[%dma_start3A_285, %dma_start3A_286] : memref<20480x128xf32, #tpu.memory_space<hbm>> -> memref<20480x128xf32, #tpu.memory_space<hbm>>
        tpu.enqueue_indirect_dma source(%dma_start3A_287 : memref<20480x128xf32, #tpu.memory_space<hbm>>) target(%arg10 : memref<64x128xf32, #tpu.memory_space<vmem>>) offsets(%dma_start3A_284 : memref<64xi32, #tpu.memory_space<vmem>>) semaphore(%arg14 : memref<!tpu.dma_semaphore, #tpu.memory_space<semaphore_mem>>)
      } else {
      }
      %add3A_240 = arith.constant 2 : i32
      %add3A_241 = arith.addi %add3A_205, %add3A_240 : i32
      %dma_wait3A_242 = arith.constant 0 : i32
      %dma_wait3A_243 = tpu.memref_slice %arg7[%add3A_241, %dma_wait3A_242] : memref<56x64xi32, #tpu.memory_space<vmem>> -> memref<1x64xi32, #tpu.memory_space<vmem>>
      %dma_wait3A_244 = tpu.memref_squeeze %dma_wait3A_243 : memref<1x64xi32, #tpu.memory_space<vmem>> -> memref<64xi32, #tpu.memory_space<vmem>>
      %dma_wait3A_245 = arith.constant 0 : i32
      %dma_wait3A_246 = arith.constant 0 : i32
      %dma_wait3A_247 = tpu.memref_slice %arg2[%dma_wait3A_245, %dma_wait3A_246] : memref<20480x128xf32, #tpu.memory_space<hbm>> -> memref<20480x128xf32, #tpu.memory_space<hbm>>
      tpu.wait_indirect_dma semaphore(%arg15 : memref<!tpu.dma_semaphore, #tpu.memory_space<semaphore_mem>>) src(%dma_wait3A_247 : memref<20480x128xf32, #tpu.memory_space<hbm>>) dst(%arg11 : memref<64x128xf32, #tpu.memory_space<vmem>>)
      %add3A_248 = arith.constant 2 : i32
      %add3A_249 = arith.addi %add3A_205, %add3A_248 : i32
      "tpu.region"() ({
        %run_scoped3A = tpu.sem_alloc : memref<!tpu.dma_semaphore, #tpu.memory_space<semaphore_mem>>
        %dma_start3A_278 = arith.constant 0 : i32
        %dma_start3A_279 = tpu.memref_slice %arg8[%add3A_249, %dma_start3A_278] : memref<56x64xi32, #tpu.memory_space<vmem>> -> memref<1x64xi32, #tpu.memory_space<vmem>>
        %dma_start3A_280 = tpu.memref_squeeze %dma_start3A_279 : memref<1x64xi32, #tpu.memory_space<vmem>> -> memref<64xi32, #tpu.memory_space<vmem>>
        %dma_start3A_281 = arith.constant 0 : i32
        %dma_start3A_282 = arith.constant 0 : i32
        %dma_start3A_283 = tpu.memref_slice %arg17[%dma_start3A_281, %dma_start3A_282] : memref<10240x128xf32, #tpu.memory_space<vmem_shared>> -> memref<10240x128xf32, #tpu.memory_space<vmem_shared>>
        tpu.enqueue_indirect_dma source(%arg11 : memref<64x128xf32, #tpu.memory_space<vmem>>) target(%dma_start3A_283 : memref<10240x128xf32, #tpu.memory_space<vmem_shared>>) offsets(%dma_start3A_280 : memref<64xi32, #tpu.memory_space<vmem>>) semaphore(%run_scoped3A : memref<!tpu.dma_semaphore, #tpu.memory_space<semaphore_mem>>) {add = true}
        %dma_wait3A_284 = arith.constant 0 : i32
        %dma_wait3A_285 = tpu.memref_slice %arg8[%add3A_249, %dma_wait3A_284] : memref<56x64xi32, #tpu.memory_space<vmem>> -> memref<1x64xi32, #tpu.memory_space<vmem>>
        %dma_wait3A_286 = tpu.memref_squeeze %dma_wait3A_285 : memref<1x64xi32, #tpu.memory_space<vmem>> -> memref<64xi32, #tpu.memory_space<vmem>>
        %dma_wait3A_287 = arith.constant 0 : i32
        %dma_wait3A_288 = arith.constant 0 : i32
        %dma_wait3A_289 = tpu.memref_slice %arg17[%dma_wait3A_287, %dma_wait3A_288] : memref<10240x128xf32, #tpu.memory_space<vmem_shared>> -> memref<10240x128xf32, #tpu.memory_space<vmem_shared>>
        tpu.wait_indirect_dma semaphore(%run_scoped3A : memref<!tpu.dma_semaphore, #tpu.memory_space<semaphore_mem>>) src(%arg11 : memref<64x128xf32, #tpu.memory_space<vmem>>) dst(%dma_wait3A_289 : memref<10240x128xf32, #tpu.memory_space<vmem_shared>>)
        tpu.yield
      }) : () -> ()
      %add3A_250 = arith.constant 4 : i32
      %add3A_251 = arith.addi %add3A_205, %add3A_250 : i32
      %add3A_252 = arith.constant 2 : i32
      %add3A_253 = arith.addi %add3A_251, %add3A_252 : i32
      %lt3A_254 = arith.constant 56 : i32
      %lt3A_255 = arith.cmpi slt, %add3A_253, %lt3A_254 : i32
      %convert_element_type3A_256 = arith.extui %lt3A_255 : i1 to i32
      %cond3A_257 = arith.constant 0 : i32
      %cond3A_258 = arith.cmpi ne, %convert_element_type3A_256, %cond3A_257 : i32
      scf.if %cond3A_258 {
        %add3A_278 = arith.constant 4 : i32
        %add3A_279 = arith.addi %add3A_205, %add3A_278 : i32
        %add3A_280 = arith.constant 2 : i32
        %add3A_281 = arith.addi %add3A_279, %add3A_280 : i32
        %dma_start3A_282 = arith.constant 0 : i32
        %dma_start3A_283 = tpu.memref_slice %arg7[%add3A_281, %dma_start3A_282] : memref<56x64xi32, #tpu.memory_space<vmem>> -> memref<1x64xi32, #tpu.memory_space<vmem>>
        %dma_start3A_284 = tpu.memref_squeeze %dma_start3A_283 : memref<1x64xi32, #tpu.memory_space<vmem>> -> memref<64xi32, #tpu.memory_space<vmem>>
        %dma_start3A_285 = arith.constant 0 : i32
        %dma_start3A_286 = arith.constant 0 : i32
        %dma_start3A_287 = tpu.memref_slice %arg2[%dma_start3A_285, %dma_start3A_286] : memref<20480x128xf32, #tpu.memory_space<hbm>> -> memref<20480x128xf32, #tpu.memory_space<hbm>>
        tpu.enqueue_indirect_dma source(%dma_start3A_287 : memref<20480x128xf32, #tpu.memory_space<hbm>>) target(%arg11 : memref<64x128xf32, #tpu.memory_space<vmem>>) offsets(%dma_start3A_284 : memref<64xi32, #tpu.memory_space<vmem>>) semaphore(%arg15 : memref<!tpu.dma_semaphore, #tpu.memory_space<semaphore_mem>>)
      } else {
      }
      %add3A_259 = arith.constant 3 : i32
      %add3A_260 = arith.addi %add3A_205, %add3A_259 : i32
      %dma_wait3A_261 = arith.constant 0 : i32
      %dma_wait3A_262 = tpu.memref_slice %arg7[%add3A_260, %dma_wait3A_261] : memref<56x64xi32, #tpu.memory_space<vmem>> -> memref<1x64xi32, #tpu.memory_space<vmem>>
      %dma_wait3A_263 = tpu.memref_squeeze %dma_wait3A_262 : memref<1x64xi32, #tpu.memory_space<vmem>> -> memref<64xi32, #tpu.memory_space<vmem>>
      %dma_wait3A_264 = arith.constant 0 : i32
      %dma_wait3A_265 = arith.constant 0 : i32
      %dma_wait3A_266 = tpu.memref_slice %arg2[%dma_wait3A_264, %dma_wait3A_265] : memref<20480x128xf32, #tpu.memory_space<hbm>> -> memref<20480x128xf32, #tpu.memory_space<hbm>>
      tpu.wait_indirect_dma semaphore(%arg16 : memref<!tpu.dma_semaphore, #tpu.memory_space<semaphore_mem>>) src(%dma_wait3A_266 : memref<20480x128xf32, #tpu.memory_space<hbm>>) dst(%arg12 : memref<64x128xf32, #tpu.memory_space<vmem>>)
      %add3A_267 = arith.constant 3 : i32
      %add3A_268 = arith.addi %add3A_205, %add3A_267 : i32
      "tpu.region"() ({
        %run_scoped3A = tpu.sem_alloc : memref<!tpu.dma_semaphore, #tpu.memory_space<semaphore_mem>>
        %dma_start3A_278 = arith.constant 0 : i32
        %dma_start3A_279 = tpu.memref_slice %arg8[%add3A_268, %dma_start3A_278] : memref<56x64xi32, #tpu.memory_space<vmem>> -> memref<1x64xi32, #tpu.memory_space<vmem>>
        %dma_start3A_280 = tpu.memref_squeeze %dma_start3A_279 : memref<1x64xi32, #tpu.memory_space<vmem>> -> memref<64xi32, #tpu.memory_space<vmem>>
        %dma_start3A_281 = arith.constant 0 : i32
        %dma_start3A_282 = arith.constant 0 : i32
        %dma_start3A_283 = tpu.memref_slice %arg17[%dma_start3A_281, %dma_start3A_282] : memref<10240x128xf32, #tpu.memory_space<vmem_shared>> -> memref<10240x128xf32, #tpu.memory_space<vmem_shared>>
        tpu.enqueue_indirect_dma source(%arg12 : memref<64x128xf32, #tpu.memory_space<vmem>>) target(%dma_start3A_283 : memref<10240x128xf32, #tpu.memory_space<vmem_shared>>) offsets(%dma_start3A_280 : memref<64xi32, #tpu.memory_space<vmem>>) semaphore(%run_scoped3A : memref<!tpu.dma_semaphore, #tpu.memory_space<semaphore_mem>>) {add = true}
        %dma_wait3A_284 = arith.constant 0 : i32
        %dma_wait3A_285 = tpu.memref_slice %arg8[%add3A_268, %dma_wait3A_284] : memref<56x64xi32, #tpu.memory_space<vmem>> -> memref<1x64xi32, #tpu.memory_space<vmem>>
        %dma_wait3A_286 = tpu.memref_squeeze %dma_wait3A_285 : memref<1x64xi32, #tpu.memory_space<vmem>> -> memref<64xi32, #tpu.memory_space<vmem>>
        %dma_wait3A_287 = arith.constant 0 : i32
        %dma_wait3A_288 = arith.constant 0 : i32
        %dma_wait3A_289 = tpu.memref_slice %arg17[%dma_wait3A_287, %dma_wait3A_288] : memref<10240x128xf32, #tpu.memory_space<vmem_shared>> -> memref<10240x128xf32, #tpu.memory_space<vmem_shared>>
        tpu.wait_indirect_dma semaphore(%run_scoped3A : memref<!tpu.dma_semaphore, #tpu.memory_space<semaphore_mem>>) src(%arg12 : memref<64x128xf32, #tpu.memory_space<vmem>>) dst(%dma_wait3A_289 : memref<10240x128xf32, #tpu.memory_space<vmem_shared>>)
        tpu.yield
      }) : () -> ()
      %add3A_269 = arith.constant 4 : i32
      %add3A_270 = arith.addi %add3A_205, %add3A_269 : i32
      %add3A_271 = arith.constant 3 : i32
      %add3A_272 = arith.addi %add3A_270, %add3A_271 : i32
      %lt3A_273 = arith.constant 56 : i32
      %lt3A_274 = arith.cmpi slt, %add3A_272, %lt3A_273 : i32
      %convert_element_type3A_275 = arith.extui %lt3A_274 : i1 to i32
      %cond3A_276 = arith.constant 0 : i32
      %cond3A_277 = arith.cmpi ne, %convert_element_type3A_275, %cond3A_276 : i32
      scf.if %cond3A_277 {
        %add3A_278 = arith.constant 4 : i32
        %add3A_279 = arith.addi %add3A_205, %add3A_278 : i32
        %add3A_280 = arith.constant 3 : i32
        %add3A_281 = arith.addi %add3A_279, %add3A_280 : i32
        %dma_start3A_282 = arith.constant 0 : i32
        %dma_start3A_283 = tpu.memref_slice %arg7[%add3A_281, %dma_start3A_282] : memref<56x64xi32, #tpu.memory_space<vmem>> -> memref<1x64xi32, #tpu.memory_space<vmem>>
        %dma_start3A_284 = tpu.memref_squeeze %dma_start3A_283 : memref<1x64xi32, #tpu.memory_space<vmem>> -> memref<64xi32, #tpu.memory_space<vmem>>
        %dma_start3A_285 = arith.constant 0 : i32
        %dma_start3A_286 = arith.constant 0 : i32
        %dma_start3A_287 = tpu.memref_slice %arg2[%dma_start3A_285, %dma_start3A_286] : memref<20480x128xf32, #tpu.memory_space<hbm>> -> memref<20480x128xf32, #tpu.memory_space<hbm>>
        tpu.enqueue_indirect_dma source(%dma_start3A_287 : memref<20480x128xf32, #tpu.memory_space<hbm>>) target(%arg12 : memref<64x128xf32, #tpu.memory_space<vmem>>) offsets(%dma_start3A_284 : memref<64xi32, #tpu.memory_space<vmem>>) semaphore(%arg16 : memref<!tpu.dma_semaphore, #tpu.memory_space<semaphore_mem>>)
      } else {
      }
    }
    %scan3A_64 = arith.constant 14 : i32
    "tpu.region"() ({
      %run_scoped3A = tpu.sem_alloc : memref<!tpu.dma_semaphore, #tpu.memory_space<semaphore_mem>>
      %dma_start3A_202 = arith.constant 112 : i32
      %dma_start3A_203 = arith.constant 0 : i32
      %dma_start3A_204 = tpu.memref_slice %arg3[%arg0, %arg1, %dma_start3A_202, %dma_start3A_203] : memref<2x16x336x64xi32, #tpu.memory_space<hbm>> -> memref<1x1x56x64xi32, #tpu.memory_space<hbm>>
      %dma_start3A_205 = tpu.memref_squeeze %dma_start3A_204 : memref<1x1x56x64xi32, #tpu.memory_space<hbm>> -> memref<56x64xi32, #tpu.memory_space<hbm>>
      %dma_start3A_206 = arith.constant 112 : i32
      %dma_start3A_207 = arith.constant 0 : i32
      %dma_start3A_208 = tpu.memref_slice %arg3[%arg0, %arg1, %dma_start3A_206, %dma_start3A_207] : memref<2x16x336x64xi32, #tpu.memory_space<hbm>> -> memref<1x1x56x64xi32, #tpu.memory_space<hbm>>
      %dma_start3A_209 = tpu.memref_squeeze %dma_start3A_208 : memref<1x1x56x64xi32, #tpu.memory_space<hbm>> -> memref<56x64xi32, #tpu.memory_space<hbm>>
      tpu.enqueue_dma source(%dma_start3A_209 : memref<56x64xi32, #tpu.memory_space<hbm>>) target(%arg7 : memref<56x64xi32, #tpu.memory_space<vmem>>) target_semaphore(%run_scoped3A : memref<!tpu.dma_semaphore, #tpu.memory_space<semaphore_mem>>)
      %dma_wait3A = arith.constant 112 : i32
      %dma_wait3A_210 = arith.constant 0 : i32
      %dma_wait3A_211 = tpu.memref_slice %arg3[%arg0, %arg1, %dma_wait3A, %dma_wait3A_210] : memref<2x16x336x64xi32, #tpu.memory_space<hbm>> -> memref<1x1x56x64xi32, #tpu.memory_space<hbm>>
      %dma_wait3A_212 = tpu.memref_squeeze %dma_wait3A_211 : memref<1x1x56x64xi32, #tpu.memory_space<hbm>> -> memref<56x64xi32, #tpu.memory_space<hbm>>
      %dma_wait3A_213 = arith.constant 112 : i32
      %dma_wait3A_214 = arith.constant 0 : i32
      %dma_wait3A_215 = tpu.memref_slice %arg3[%arg0, %arg1, %dma_wait3A_213, %dma_wait3A_214] : memref<2x16x336x64xi32, #tpu.memory_space<hbm>> -> memref<1x1x56x64xi32, #tpu.memory_space<hbm>>
      %dma_wait3A_216 = tpu.memref_squeeze %dma_wait3A_215 : memref<1x1x56x64xi32, #tpu.memory_space<hbm>> -> memref<56x64xi32, #tpu.memory_space<hbm>>
      tpu.wait_dma2 semaphore(%run_scoped3A : memref<!tpu.dma_semaphore, #tpu.memory_space<semaphore_mem>>) src(%dma_wait3A_216 : memref<56x64xi32, #tpu.memory_space<hbm>>) dst(%arg7 : memref<56x64xi32, #tpu.memory_space<vmem>>)
      tpu.yield
    }) : () -> ()
    "tpu.region"() ({
      %run_scoped3A = tpu.sem_alloc : memref<!tpu.dma_semaphore, #tpu.memory_space<semaphore_mem>>
      %dma_start3A_202 = arith.constant 112 : i32
      %dma_start3A_203 = arith.constant 0 : i32
      %dma_start3A_204 = tpu.memref_slice %arg4[%arg1, %dma_start3A_202, %dma_start3A_203] : memref<16x336x64xi32, #tpu.memory_space<hbm>> -> memref<1x56x64xi32, #tpu.memory_space<hbm>>
      %dma_start3A_205 = tpu.memref_squeeze %dma_start3A_204 : memref<1x56x64xi32, #tpu.memory_space<hbm>> -> memref<56x64xi32, #tpu.memory_space<hbm>>
      %dma_start3A_206 = arith.constant 112 : i32
      %dma_start3A_207 = arith.constant 0 : i32
      %dma_start3A_208 = tpu.memref_slice %arg4[%arg1, %dma_start3A_206, %dma_start3A_207] : memref<16x336x64xi32, #tpu.memory_space<hbm>> -> memref<1x56x64xi32, #tpu.memory_space<hbm>>
      %dma_start3A_209 = tpu.memref_squeeze %dma_start3A_208 : memref<1x56x64xi32, #tpu.memory_space<hbm>> -> memref<56x64xi32, #tpu.memory_space<hbm>>
      tpu.enqueue_dma source(%dma_start3A_209 : memref<56x64xi32, #tpu.memory_space<hbm>>) target(%arg8 : memref<56x64xi32, #tpu.memory_space<vmem>>) target_semaphore(%run_scoped3A : memref<!tpu.dma_semaphore, #tpu.memory_space<semaphore_mem>>)
      %dma_wait3A = arith.constant 112 : i32
      %dma_wait3A_210 = arith.constant 0 : i32
      %dma_wait3A_211 = tpu.memref_slice %arg4[%arg1, %dma_wait3A, %dma_wait3A_210] : memref<16x336x64xi32, #tpu.memory_space<hbm>> -> memref<1x56x64xi32, #tpu.memory_space<hbm>>
      %dma_wait3A_212 = tpu.memref_squeeze %dma_wait3A_211 : memref<1x56x64xi32, #tpu.memory_space<hbm>> -> memref<56x64xi32, #tpu.memory_space<hbm>>
      %dma_wait3A_213 = arith.constant 112 : i32
      %dma_wait3A_214 = arith.constant 0 : i32
      %dma_wait3A_215 = tpu.memref_slice %arg4[%arg1, %dma_wait3A_213, %dma_wait3A_214] : memref<16x336x64xi32, #tpu.memory_space<hbm>> -> memref<1x56x64xi32, #tpu.memory_space<hbm>>
      %dma_wait3A_216 = tpu.memref_squeeze %dma_wait3A_215 : memref<1x56x64xi32, #tpu.memory_space<hbm>> -> memref<56x64xi32, #tpu.memory_space<hbm>>
      tpu.wait_dma2 semaphore(%run_scoped3A : memref<!tpu.dma_semaphore, #tpu.memory_space<semaphore_mem>>) src(%dma_wait3A_216 : memref<56x64xi32, #tpu.memory_space<hbm>>) dst(%arg8 : memref<56x64xi32, #tpu.memory_space<vmem>>)
      tpu.yield
    }) : () -> ()
    %dma_start3A_65 = arith.constant 0 : i32
    %dma_start3A_66 = arith.constant 0 : i32
    %dma_start3A_67 = tpu.memref_slice %arg7[%dma_start3A_65, %dma_start3A_66] : memref<56x64xi32, #tpu.memory_space<vmem>> -> memref<1x64xi32, #tpu.memory_space<vmem>>
    %dma_start3A_68 = tpu.memref_squeeze %dma_start3A_67 : memref<1x64xi32, #tpu.memory_space<vmem>> -> memref<64xi32, #tpu.memory_space<vmem>>
    %dma_start3A_69 = arith.constant 0 : i32
    %dma_start3A_70 = arith.constant 0 : i32
    %dma_start3A_71 = tpu.memref_slice %arg2[%dma_start3A_69, %dma_start3A_70] : memref<20480x128xf32, #tpu.memory_space<hbm>> -> memref<20480x128xf32, #tpu.memory_space<hbm>>
    tpu.enqueue_indirect_dma source(%dma_start3A_71 : memref<20480x128xf32, #tpu.memory_space<hbm>>) target(%arg9 : memref<64x128xf32, #tpu.memory_space<vmem>>) offsets(%dma_start3A_68 : memref<64xi32, #tpu.memory_space<vmem>>) semaphore(%arg13 : memref<!tpu.dma_semaphore, #tpu.memory_space<semaphore_mem>>)
    %dma_start3A_72 = arith.constant 1 : i32
    %dma_start3A_73 = arith.constant 0 : i32
    %dma_start3A_74 = tpu.memref_slice %arg7[%dma_start3A_72, %dma_start3A_73] : memref<56x64xi32, #tpu.memory_space<vmem>> -> memref<1x64xi32, #tpu.memory_space<vmem>>
    %dma_start3A_75 = tpu.memref_squeeze %dma_start3A_74 : memref<1x64xi32, #tpu.memory_space<vmem>> -> memref<64xi32, #tpu.memory_space<vmem>>
    %dma_start3A_76 = arith.constant 0 : i32
    %dma_start3A_77 = arith.constant 0 : i32
    %dma_start3A_78 = tpu.memref_slice %arg2[%dma_start3A_76, %dma_start3A_77] : memref<20480x128xf32, #tpu.memory_space<hbm>> -> memref<20480x128xf32, #tpu.memory_space<hbm>>
    tpu.enqueue_indirect_dma source(%dma_start3A_78 : memref<20480x128xf32, #tpu.memory_space<hbm>>) target(%arg10 : memref<64x128xf32, #tpu.memory_space<vmem>>) offsets(%dma_start3A_75 : memref<64xi32, #tpu.memory_space<vmem>>) semaphore(%arg14 : memref<!tpu.dma_semaphore, #tpu.memory_space<semaphore_mem>>)
    %dma_start3A_79 = arith.constant 2 : i32
    %dma_start3A_80 = arith.constant 0 : i32
    %dma_start3A_81 = tpu.memref_slice %arg7[%dma_start3A_79, %dma_start3A_80] : memref<56x64xi32, #tpu.memory_space<vmem>> -> memref<1x64xi32, #tpu.memory_space<vmem>>
    %dma_start3A_82 = tpu.memref_squeeze %dma_start3A_81 : memref<1x64xi32, #tpu.memory_space<vmem>> -> memref<64xi32, #tpu.memory_space<vmem>>
    %dma_start3A_83 = arith.constant 0 : i32
    %dma_start3A_84 = arith.constant 0 : i32
    %dma_start3A_85 = tpu.memref_slice %arg2[%dma_start3A_83, %dma_start3A_84] : memref<20480x128xf32, #tpu.memory_space<hbm>> -> memref<20480x128xf32, #tpu.memory_space<hbm>>
    tpu.enqueue_indirect_dma source(%dma_start3A_85 : memref<20480x128xf32, #tpu.memory_space<hbm>>) target(%arg11 : memref<64x128xf32, #tpu.memory_space<vmem>>) offsets(%dma_start3A_82 : memref<64xi32, #tpu.memory_space<vmem>>) semaphore(%arg15 : memref<!tpu.dma_semaphore, #tpu.memory_space<semaphore_mem>>)
    %dma_start3A_86 = arith.constant 3 : i32
    %dma_start3A_87 = arith.constant 0 : i32
    %dma_start3A_88 = tpu.memref_slice %arg7[%dma_start3A_86, %dma_start3A_87] : memref<56x64xi32, #tpu.memory_space<vmem>> -> memref<1x64xi32, #tpu.memory_space<vmem>>
    %dma_start3A_89 = tpu.memref_squeeze %dma_start3A_88 : memref<1x64xi32, #tpu.memory_space<vmem>> -> memref<64xi32, #tpu.memory_space<vmem>>
    %dma_start3A_90 = arith.constant 0 : i32
    %dma_start3A_91 = arith.constant 0 : i32
    %dma_start3A_92 = tpu.memref_slice %arg2[%dma_start3A_90, %dma_start3A_91] : memref<20480x128xf32, #tpu.memory_space<hbm>> -> memref<20480x128xf32, #tpu.memory_space<hbm>>
    tpu.enqueue_indirect_dma source(%dma_start3A_92 : memref<20480x128xf32, #tpu.memory_space<hbm>>) target(%arg12 : memref<64x128xf32, #tpu.memory_space<vmem>>) offsets(%dma_start3A_89 : memref<64xi32, #tpu.memory_space<vmem>>) semaphore(%arg16 : memref<!tpu.dma_semaphore, #tpu.memory_space<semaphore_mem>>)
    %scan3A_93 = arith.constant 0 : i32
    %scan3A_94 = arith.constant 14 : i32
    %scan3A_95 = arith.addi %scan3A_93, %scan3A_94 : i32
    %scan3A_96 = arith.constant 1 : i32
    scf.for %scan3A_202 = %scan3A_93 to %scan3A_95 step %scan3A_96  : i32 {
      %mul3A_203 = arith.constant 4 : i32
      %mul3A_204 = arith.muli %scan3A_202, %mul3A_203 : i32
      %add3A = arith.constant 0 : i32
      %add3A_205 = arith.addi %add3A, %mul3A_204 : i32
      %add3A_206 = arith.constant 0 : i32
      %add3A_207 = arith.addi %add3A_205, %add3A_206 : i32
      %dma_wait3A = arith.constant 0 : i32
      %dma_wait3A_208 = tpu.memref_slice %arg7[%add3A_207, %dma_wait3A] : memref<56x64xi32, #tpu.memory_space<vmem>> -> memref<1x64xi32, #tpu.memory_space<vmem>>
      %dma_wait3A_209 = tpu.memref_squeeze %dma_wait3A_208 : memref<1x64xi32, #tpu.memory_space<vmem>> -> memref<64xi32, #tpu.memory_space<vmem>>
      %dma_wait3A_210 = arith.constant 0 : i32
      %dma_wait3A_211 = arith.constant 0 : i32
      %dma_wait3A_212 = tpu.memref_slice %arg2[%dma_wait3A_210, %dma_wait3A_211] : memref<20480x128xf32, #tpu.memory_space<hbm>> -> memref<20480x128xf32, #tpu.memory_space<hbm>>
      tpu.wait_indirect_dma semaphore(%arg13 : memref<!tpu.dma_semaphore, #tpu.memory_space<semaphore_mem>>) src(%dma_wait3A_212 : memref<20480x128xf32, #tpu.memory_space<hbm>>) dst(%arg9 : memref<64x128xf32, #tpu.memory_space<vmem>>)
      %add3A_213 = arith.constant 0 : i32
      %add3A_214 = arith.addi %add3A_205, %add3A_213 : i32
      "tpu.region"() ({
        %run_scoped3A = tpu.sem_alloc : memref<!tpu.dma_semaphore, #tpu.memory_space<semaphore_mem>>
        %dma_start3A_278 = arith.constant 0 : i32
        %dma_start3A_279 = tpu.memref_slice %arg8[%add3A_214, %dma_start3A_278] : memref<56x64xi32, #tpu.memory_space<vmem>> -> memref<1x64xi32, #tpu.memory_space<vmem>>
        %dma_start3A_280 = tpu.memref_squeeze %dma_start3A_279 : memref<1x64xi32, #tpu.memory_space<vmem>> -> memref<64xi32, #tpu.memory_space<vmem>>
        %dma_start3A_281 = arith.constant 0 : i32
        %dma_start3A_282 = arith.constant 0 : i32
        %dma_start3A_283 = tpu.memref_slice %arg17[%dma_start3A_281, %dma_start3A_282] : memref<10240x128xf32, #tpu.memory_space<vmem_shared>> -> memref<10240x128xf32, #tpu.memory_space<vmem_shared>>
        tpu.enqueue_indirect_dma source(%arg9 : memref<64x128xf32, #tpu.memory_space<vmem>>) target(%dma_start3A_283 : memref<10240x128xf32, #tpu.memory_space<vmem_shared>>) offsets(%dma_start3A_280 : memref<64xi32, #tpu.memory_space<vmem>>) semaphore(%run_scoped3A : memref<!tpu.dma_semaphore, #tpu.memory_space<semaphore_mem>>) {add = true}
        %dma_wait3A_284 = arith.constant 0 : i32
        %dma_wait3A_285 = tpu.memref_slice %arg8[%add3A_214, %dma_wait3A_284] : memref<56x64xi32, #tpu.memory_space<vmem>> -> memref<1x64xi32, #tpu.memory_space<vmem>>
        %dma_wait3A_286 = tpu.memref_squeeze %dma_wait3A_285 : memref<1x64xi32, #tpu.memory_space<vmem>> -> memref<64xi32, #tpu.memory_space<vmem>>
        %dma_wait3A_287 = arith.constant 0 : i32
        %dma_wait3A_288 = arith.constant 0 : i32
        %dma_wait3A_289 = tpu.memref_slice %arg17[%dma_wait3A_287, %dma_wait3A_288] : memref<10240x128xf32, #tpu.memory_space<vmem_shared>> -> memref<10240x128xf32, #tpu.memory_space<vmem_shared>>
        tpu.wait_indirect_dma semaphore(%run_scoped3A : memref<!tpu.dma_semaphore, #tpu.memory_space<semaphore_mem>>) src(%arg9 : memref<64x128xf32, #tpu.memory_space<vmem>>) dst(%dma_wait3A_289 : memref<10240x128xf32, #tpu.memory_space<vmem_shared>>)
        tpu.yield
      }) : () -> ()
      %add3A_215 = arith.constant 4 : i32
      %add3A_216 = arith.addi %add3A_205, %add3A_215 : i32
      %add3A_217 = arith.constant 0 : i32
      %add3A_218 = arith.addi %add3A_216, %add3A_217 : i32
      %lt3A = arith.constant 56 : i32
      %lt3A_219 = arith.cmpi slt, %add3A_218, %lt3A : i32
      %convert_element_type3A = arith.extui %lt3A_219 : i1 to i32
      %cond3A = arith.constant 0 : i32
      %cond3A_220 = arith.cmpi ne, %convert_element_type3A, %cond3A : i32
      scf.if %cond3A_220 {
        %add3A_278 = arith.constant 4 : i32
        %add3A_279 = arith.addi %add3A_205, %add3A_278 : i32
        %add3A_280 = arith.constant 0 : i32
        %add3A_281 = arith.addi %add3A_279, %add3A_280 : i32
        %dma_start3A_282 = arith.constant 0 : i32
        %dma_start3A_283 = tpu.memref_slice %arg7[%add3A_281, %dma_start3A_282] : memref<56x64xi32, #tpu.memory_space<vmem>> -> memref<1x64xi32, #tpu.memory_space<vmem>>
        %dma_start3A_284 = tpu.memref_squeeze %dma_start3A_283 : memref<1x64xi32, #tpu.memory_space<vmem>> -> memref<64xi32, #tpu.memory_space<vmem>>
        %dma_start3A_285 = arith.constant 0 : i32
        %dma_start3A_286 = arith.constant 0 : i32
        %dma_start3A_287 = tpu.memref_slice %arg2[%dma_start3A_285, %dma_start3A_286] : memref<20480x128xf32, #tpu.memory_space<hbm>> -> memref<20480x128xf32, #tpu.memory_space<hbm>>
        tpu.enqueue_indirect_dma source(%dma_start3A_287 : memref<20480x128xf32, #tpu.memory_space<hbm>>) target(%arg9 : memref<64x128xf32, #tpu.memory_space<vmem>>) offsets(%dma_start3A_284 : memref<64xi32, #tpu.memory_space<vmem>>) semaphore(%arg13 : memref<!tpu.dma_semaphore, #tpu.memory_space<semaphore_mem>>)
      } else {
      }
      %add3A_221 = arith.constant 1 : i32
      %add3A_222 = arith.addi %add3A_205, %add3A_221 : i32
      %dma_wait3A_223 = arith.constant 0 : i32
      %dma_wait3A_224 = tpu.memref_slice %arg7[%add3A_222, %dma_wait3A_223] : memref<56x64xi32, #tpu.memory_space<vmem>> -> memref<1x64xi32, #tpu.memory_space<vmem>>
      %dma_wait3A_225 = tpu.memref_squeeze %dma_wait3A_224 : memref<1x64xi32, #tpu.memory_space<vmem>> -> memref<64xi32, #tpu.memory_space<vmem>>
      %dma_wait3A_226 = arith.constant 0 : i32
      %dma_wait3A_227 = arith.constant 0 : i32
      %dma_wait3A_228 = tpu.memref_slice %arg2[%dma_wait3A_226, %dma_wait3A_227] : memref<20480x128xf32, #tpu.memory_space<hbm>> -> memref<20480x128xf32, #tpu.memory_space<hbm>>
      tpu.wait_indirect_dma semaphore(%arg14 : memref<!tpu.dma_semaphore, #tpu.memory_space<semaphore_mem>>) src(%dma_wait3A_228 : memref<20480x128xf32, #tpu.memory_space<hbm>>) dst(%arg10 : memref<64x128xf32, #tpu.memory_space<vmem>>)
      %add3A_229 = arith.constant 1 : i32
      %add3A_230 = arith.addi %add3A_205, %add3A_229 : i32
      "tpu.region"() ({
        %run_scoped3A = tpu.sem_alloc : memref<!tpu.dma_semaphore, #tpu.memory_space<semaphore_mem>>
        %dma_start3A_278 = arith.constant 0 : i32
        %dma_start3A_279 = tpu.memref_slice %arg8[%add3A_230, %dma_start3A_278] : memref<56x64xi32, #tpu.memory_space<vmem>> -> memref<1x64xi32, #tpu.memory_space<vmem>>
        %dma_start3A_280 = tpu.memref_squeeze %dma_start3A_279 : memref<1x64xi32, #tpu.memory_space<vmem>> -> memref<64xi32, #tpu.memory_space<vmem>>
        %dma_start3A_281 = arith.constant 0 : i32
        %dma_start3A_282 = arith.constant 0 : i32
        %dma_start3A_283 = tpu.memref_slice %arg17[%dma_start3A_281, %dma_start3A_282] : memref<10240x128xf32, #tpu.memory_space<vmem_shared>> -> memref<10240x128xf32, #tpu.memory_space<vmem_shared>>
        tpu.enqueue_indirect_dma source(%arg10 : memref<64x128xf32, #tpu.memory_space<vmem>>) target(%dma_start3A_283 : memref<10240x128xf32, #tpu.memory_space<vmem_shared>>) offsets(%dma_start3A_280 : memref<64xi32, #tpu.memory_space<vmem>>) semaphore(%run_scoped3A : memref<!tpu.dma_semaphore, #tpu.memory_space<semaphore_mem>>) {add = true}
        %dma_wait3A_284 = arith.constant 0 : i32
        %dma_wait3A_285 = tpu.memref_slice %arg8[%add3A_230, %dma_wait3A_284] : memref<56x64xi32, #tpu.memory_space<vmem>> -> memref<1x64xi32, #tpu.memory_space<vmem>>
        %dma_wait3A_286 = tpu.memref_squeeze %dma_wait3A_285 : memref<1x64xi32, #tpu.memory_space<vmem>> -> memref<64xi32, #tpu.memory_space<vmem>>
        %dma_wait3A_287 = arith.constant 0 : i32
        %dma_wait3A_288 = arith.constant 0 : i32
        %dma_wait3A_289 = tpu.memref_slice %arg17[%dma_wait3A_287, %dma_wait3A_288] : memref<10240x128xf32, #tpu.memory_space<vmem_shared>> -> memref<10240x128xf32, #tpu.memory_space<vmem_shared>>
        tpu.wait_indirect_dma semaphore(%run_scoped3A : memref<!tpu.dma_semaphore, #tpu.memory_space<semaphore_mem>>) src(%arg10 : memref<64x128xf32, #tpu.memory_space<vmem>>) dst(%dma_wait3A_289 : memref<10240x128xf32, #tpu.memory_space<vmem_shared>>)
        tpu.yield
      }) : () -> ()
      %add3A_231 = arith.constant 4 : i32
      %add3A_232 = arith.addi %add3A_205, %add3A_231 : i32
      %add3A_233 = arith.constant 1 : i32
      %add3A_234 = arith.addi %add3A_232, %add3A_233 : i32
      %lt3A_235 = arith.constant 56 : i32
      %lt3A_236 = arith.cmpi slt, %add3A_234, %lt3A_235 : i32
      %convert_element_type3A_237 = arith.extui %lt3A_236 : i1 to i32
      %cond3A_238 = arith.constant 0 : i32
      %cond3A_239 = arith.cmpi ne, %convert_element_type3A_237, %cond3A_238 : i32
      scf.if %cond3A_239 {
        %add3A_278 = arith.constant 4 : i32
        %add3A_279 = arith.addi %add3A_205, %add3A_278 : i32
        %add3A_280 = arith.constant 1 : i32
        %add3A_281 = arith.addi %add3A_279, %add3A_280 : i32
        %dma_start3A_282 = arith.constant 0 : i32
        %dma_start3A_283 = tpu.memref_slice %arg7[%add3A_281, %dma_start3A_282] : memref<56x64xi32, #tpu.memory_space<vmem>> -> memref<1x64xi32, #tpu.memory_space<vmem>>
        %dma_start3A_284 = tpu.memref_squeeze %dma_start3A_283 : memref<1x64xi32, #tpu.memory_space<vmem>> -> memref<64xi32, #tpu.memory_space<vmem>>
        %dma_start3A_285 = arith.constant 0 : i32
        %dma_start3A_286 = arith.constant 0 : i32
        %dma_start3A_287 = tpu.memref_slice %arg2[%dma_start3A_285, %dma_start3A_286] : memref<20480x128xf32, #tpu.memory_space<hbm>> -> memref<20480x128xf32, #tpu.memory_space<hbm>>
        tpu.enqueue_indirect_dma source(%dma_start3A_287 : memref<20480x128xf32, #tpu.memory_space<hbm>>) target(%arg10 : memref<64x128xf32, #tpu.memory_space<vmem>>) offsets(%dma_start3A_284 : memref<64xi32, #tpu.memory_space<vmem>>) semaphore(%arg14 : memref<!tpu.dma_semaphore, #tpu.memory_space<semaphore_mem>>)
      } else {
      }
      %add3A_240 = arith.constant 2 : i32
      %add3A_241 = arith.addi %add3A_205, %add3A_240 : i32
      %dma_wait3A_242 = arith.constant 0 : i32
      %dma_wait3A_243 = tpu.memref_slice %arg7[%add3A_241, %dma_wait3A_242] : memref<56x64xi32, #tpu.memory_space<vmem>> -> memref<1x64xi32, #tpu.memory_space<vmem>>
      %dma_wait3A_244 = tpu.memref_squeeze %dma_wait3A_243 : memref<1x64xi32, #tpu.memory_space<vmem>> -> memref<64xi32, #tpu.memory_space<vmem>>
      %dma_wait3A_245 = arith.constant 0 : i32
      %dma_wait3A_246 = arith.constant 0 : i32
      %dma_wait3A_247 = tpu.memref_slice %arg2[%dma_wait3A_245, %dma_wait3A_246] : memref<20480x128xf32, #tpu.memory_space<hbm>> -> memref<20480x128xf32, #tpu.memory_space<hbm>>
      tpu.wait_indirect_dma semaphore(%arg15 : memref<!tpu.dma_semaphore, #tpu.memory_space<semaphore_mem>>) src(%dma_wait3A_247 : memref<20480x128xf32, #tpu.memory_space<hbm>>) dst(%arg11 : memref<64x128xf32, #tpu.memory_space<vmem>>)
      %add3A_248 = arith.constant 2 : i32
      %add3A_249 = arith.addi %add3A_205, %add3A_248 : i32
      "tpu.region"() ({
        %run_scoped3A = tpu.sem_alloc : memref<!tpu.dma_semaphore, #tpu.memory_space<semaphore_mem>>
        %dma_start3A_278 = arith.constant 0 : i32
        %dma_start3A_279 = tpu.memref_slice %arg8[%add3A_249, %dma_start3A_278] : memref<56x64xi32, #tpu.memory_space<vmem>> -> memref<1x64xi32, #tpu.memory_space<vmem>>
        %dma_start3A_280 = tpu.memref_squeeze %dma_start3A_279 : memref<1x64xi32, #tpu.memory_space<vmem>> -> memref<64xi32, #tpu.memory_space<vmem>>
        %dma_start3A_281 = arith.constant 0 : i32
        %dma_start3A_282 = arith.constant 0 : i32
        %dma_start3A_283 = tpu.memref_slice %arg17[%dma_start3A_281, %dma_start3A_282] : memref<10240x128xf32, #tpu.memory_space<vmem_shared>> -> memref<10240x128xf32, #tpu.memory_space<vmem_shared>>
        tpu.enqueue_indirect_dma source(%arg11 : memref<64x128xf32, #tpu.memory_space<vmem>>) target(%dma_start3A_283 : memref<10240x128xf32, #tpu.memory_space<vmem_shared>>) offsets(%dma_start3A_280 : memref<64xi32, #tpu.memory_space<vmem>>) semaphore(%run_scoped3A : memref<!tpu.dma_semaphore, #tpu.memory_space<semaphore_mem>>) {add = true}
        %dma_wait3A_284 = arith.constant 0 : i32
        %dma_wait3A_285 = tpu.memref_slice %arg8[%add3A_249, %dma_wait3A_284] : memref<56x64xi32, #tpu.memory_space<vmem>> -> memref<1x64xi32, #tpu.memory_space<vmem>>
        %dma_wait3A_286 = tpu.memref_squeeze %dma_wait3A_285 : memref<1x64xi32, #tpu.memory_space<vmem>> -> memref<64xi32, #tpu.memory_space<vmem>>
        %dma_wait3A_287 = arith.constant 0 : i32
        %dma_wait3A_288 = arith.constant 0 : i32
        %dma_wait3A_289 = tpu.memref_slice %arg17[%dma_wait3A_287, %dma_wait3A_288] : memref<10240x128xf32, #tpu.memory_space<vmem_shared>> -> memref<10240x128xf32, #tpu.memory_space<vmem_shared>>
        tpu.wait_indirect_dma semaphore(%run_scoped3A : memref<!tpu.dma_semaphore, #tpu.memory_space<semaphore_mem>>) src(%arg11 : memref<64x128xf32, #tpu.memory_space<vmem>>) dst(%dma_wait3A_289 : memref<10240x128xf32, #tpu.memory_space<vmem_shared>>)
        tpu.yield
      }) : () -> ()
      %add3A_250 = arith.constant 4 : i32
      %add3A_251 = arith.addi %add3A_205, %add3A_250 : i32
      %add3A_252 = arith.constant 2 : i32
      %add3A_253 = arith.addi %add3A_251, %add3A_252 : i32
      %lt3A_254 = arith.constant 56 : i32
      %lt3A_255 = arith.cmpi slt, %add3A_253, %lt3A_254 : i32
      %convert_element_type3A_256 = arith.extui %lt3A_255 : i1 to i32
      %cond3A_257 = arith.constant 0 : i32
      %cond3A_258 = arith.cmpi ne, %convert_element_type3A_256, %cond3A_257 : i32
      scf.if %cond3A_258 {
        %add3A_278 = arith.constant 4 : i32
        %add3A_279 = arith.addi %add3A_205, %add3A_278 : i32
        %add3A_280 = arith.constant 2 : i32
        %add3A_281 = arith.addi %add3A_279, %add3A_280 : i32
        %dma_start3A_282 = arith.constant 0 : i32
        %dma_start3A_283 = tpu.memref_slice %arg7[%add3A_281, %dma_start3A_282] : memref<56x64xi32, #tpu.memory_space<vmem>> -> memref<1x64xi32, #tpu.memory_space<vmem>>
        %dma_start3A_284 = tpu.memref_squeeze %dma_start3A_283 : memref<1x64xi32, #tpu.memory_space<vmem>> -> memref<64xi32, #tpu.memory_space<vmem>>
        %dma_start3A_285 = arith.constant 0 : i32
        %dma_start3A_286 = arith.constant 0 : i32
        %dma_start3A_287 = tpu.memref_slice %arg2[%dma_start3A_285, %dma_start3A_286] : memref<20480x128xf32, #tpu.memory_space<hbm>> -> memref<20480x128xf32, #tpu.memory_space<hbm>>
        tpu.enqueue_indirect_dma source(%dma_start3A_287 : memref<20480x128xf32, #tpu.memory_space<hbm>>) target(%arg11 : memref<64x128xf32, #tpu.memory_space<vmem>>) offsets(%dma_start3A_284 : memref<64xi32, #tpu.memory_space<vmem>>) semaphore(%arg15 : memref<!tpu.dma_semaphore, #tpu.memory_space<semaphore_mem>>)
      } else {
      }
      %add3A_259 = arith.constant 3 : i32
      %add3A_260 = arith.addi %add3A_205, %add3A_259 : i32
      %dma_wait3A_261 = arith.constant 0 : i32
      %dma_wait3A_262 = tpu.memref_slice %arg7[%add3A_260, %dma_wait3A_261] : memref<56x64xi32, #tpu.memory_space<vmem>> -> memref<1x64xi32, #tpu.memory_space<vmem>>
      %dma_wait3A_263 = tpu.memref_squeeze %dma_wait3A_262 : memref<1x64xi32, #tpu.memory_space<vmem>> -> memref<64xi32, #tpu.memory_space<vmem>>
      %dma_wait3A_264 = arith.constant 0 : i32
      %dma_wait3A_265 = arith.constant 0 : i32
      %dma_wait3A_266 = tpu.memref_slice %arg2[%dma_wait3A_264, %dma_wait3A_265] : memref<20480x128xf32, #tpu.memory_space<hbm>> -> memref<20480x128xf32, #tpu.memory_space<hbm>>
      tpu.wait_indirect_dma semaphore(%arg16 : memref<!tpu.dma_semaphore, #tpu.memory_space<semaphore_mem>>) src(%dma_wait3A_266 : memref<20480x128xf32, #tpu.memory_space<hbm>>) dst(%arg12 : memref<64x128xf32, #tpu.memory_space<vmem>>)
      %add3A_267 = arith.constant 3 : i32
      %add3A_268 = arith.addi %add3A_205, %add3A_267 : i32
      "tpu.region"() ({
        %run_scoped3A = tpu.sem_alloc : memref<!tpu.dma_semaphore, #tpu.memory_space<semaphore_mem>>
        %dma_start3A_278 = arith.constant 0 : i32
        %dma_start3A_279 = tpu.memref_slice %arg8[%add3A_268, %dma_start3A_278] : memref<56x64xi32, #tpu.memory_space<vmem>> -> memref<1x64xi32, #tpu.memory_space<vmem>>
        %dma_start3A_280 = tpu.memref_squeeze %dma_start3A_279 : memref<1x64xi32, #tpu.memory_space<vmem>> -> memref<64xi32, #tpu.memory_space<vmem>>
        %dma_start3A_281 = arith.constant 0 : i32
        %dma_start3A_282 = arith.constant 0 : i32
        %dma_start3A_283 = tpu.memref_slice %arg17[%dma_start3A_281, %dma_start3A_282] : memref<10240x128xf32, #tpu.memory_space<vmem_shared>> -> memref<10240x128xf32, #tpu.memory_space<vmem_shared>>
        tpu.enqueue_indirect_dma source(%arg12 : memref<64x128xf32, #tpu.memory_space<vmem>>) target(%dma_start3A_283 : memref<10240x128xf32, #tpu.memory_space<vmem_shared>>) offsets(%dma_start3A_280 : memref<64xi32, #tpu.memory_space<vmem>>) semaphore(%run_scoped3A : memref<!tpu.dma_semaphore, #tpu.memory_space<semaphore_mem>>) {add = true}
        %dma_wait3A_284 = arith.constant 0 : i32
        %dma_wait3A_285 = tpu.memref_slice %arg8[%add3A_268, %dma_wait3A_284] : memref<56x64xi32, #tpu.memory_space<vmem>> -> memref<1x64xi32, #tpu.memory_space<vmem>>
        %dma_wait3A_286 = tpu.memref_squeeze %dma_wait3A_285 : memref<1x64xi32, #tpu.memory_space<vmem>> -> memref<64xi32, #tpu.memory_space<vmem>>
        %dma_wait3A_287 = arith.constant 0 : i32
        %dma_wait3A_288 = arith.constant 0 : i32
        %dma_wait3A_289 = tpu.memref_slice %arg17[%dma_wait3A_287, %dma_wait3A_288] : memref<10240x128xf32, #tpu.memory_space<vmem_shared>> -> memref<10240x128xf32, #tpu.memory_space<vmem_shared>>
        tpu.wait_indirect_dma semaphore(%run_scoped3A : memref<!tpu.dma_semaphore, #tpu.memory_space<semaphore_mem>>) src(%arg12 : memref<64x128xf32, #tpu.memory_space<vmem>>) dst(%dma_wait3A_289 : memref<10240x128xf32, #tpu.memory_space<vmem_shared>>)
        tpu.yield
      }) : () -> ()
      %add3A_269 = arith.constant 4 : i32
      %add3A_270 = arith.addi %add3A_205, %add3A_269 : i32
      %add3A_271 = arith.constant 3 : i32
      %add3A_272 = arith.addi %add3A_270, %add3A_271 : i32
      %lt3A_273 = arith.constant 56 : i32
      %lt3A_274 = arith.cmpi slt, %add3A_272, %lt3A_273 : i32
      %convert_element_type3A_275 = arith.extui %lt3A_274 : i1 to i32
      %cond3A_276 = arith.constant 0 : i32
      %cond3A_277 = arith.cmpi ne, %convert_element_type3A_275, %cond3A_276 : i32
      scf.if %cond3A_277 {
        %add3A_278 = arith.constant 4 : i32
        %add3A_279 = arith.addi %add3A_205, %add3A_278 : i32
        %add3A_280 = arith.constant 3 : i32
        %add3A_281 = arith.addi %add3A_279, %add3A_280 : i32
        %dma_start3A_282 = arith.constant 0 : i32
        %dma_start3A_283 = tpu.memref_slice %arg7[%add3A_281, %dma_start3A_282] : memref<56x64xi32, #tpu.memory_space<vmem>> -> memref<1x64xi32, #tpu.memory_space<vmem>>
        %dma_start3A_284 = tpu.memref_squeeze %dma_start3A_283 : memref<1x64xi32, #tpu.memory_space<vmem>> -> memref<64xi32, #tpu.memory_space<vmem>>
        %dma_start3A_285 = arith.constant 0 : i32
        %dma_start3A_286 = arith.constant 0 : i32
        %dma_start3A_287 = tpu.memref_slice %arg2[%dma_start3A_285, %dma_start3A_286] : memref<20480x128xf32, #tpu.memory_space<hbm>> -> memref<20480x128xf32, #tpu.memory_space<hbm>>
        tpu.enqueue_indirect_dma source(%dma_start3A_287 : memref<20480x128xf32, #tpu.memory_space<hbm>>) target(%arg12 : memref<64x128xf32, #tpu.memory_space<vmem>>) offsets(%dma_start3A_284 : memref<64xi32, #tpu.memory_space<vmem>>) semaphore(%arg16 : memref<!tpu.dma_semaphore, #tpu.memory_space<semaphore_mem>>)
      } else {
      }
    }
    %scan3A_97 = arith.constant 14 : i32
    "tpu.region"() ({
      %run_scoped3A = tpu.sem_alloc : memref<!tpu.dma_semaphore, #tpu.memory_space<semaphore_mem>>
      %dma_start3A_202 = arith.constant 168 : i32
      %dma_start3A_203 = arith.constant 0 : i32
      %dma_start3A_204 = tpu.memref_slice %arg3[%arg0, %arg1, %dma_start3A_202, %dma_start3A_203] : memref<2x16x336x64xi32, #tpu.memory_space<hbm>> -> memref<1x1x56x64xi32, #tpu.memory_space<hbm>>
      %dma_start3A_205 = tpu.memref_squeeze %dma_start3A_204 : memref<1x1x56x64xi32, #tpu.memory_space<hbm>> -> memref<56x64xi32, #tpu.memory_space<hbm>>
      %dma_start3A_206 = arith.constant 168 : i32
      %dma_start3A_207 = arith.constant 0 : i32
      %dma_start3A_208 = tpu.memref_slice %arg3[%arg0, %arg1, %dma_start3A_206, %dma_start3A_207] : memref<2x16x336x64xi32, #tpu.memory_space<hbm>> -> memref<1x1x56x64xi32, #tpu.memory_space<hbm>>
      %dma_start3A_209 = tpu.memref_squeeze %dma_start3A_208 : memref<1x1x56x64xi32, #tpu.memory_space<hbm>> -> memref<56x64xi32, #tpu.memory_space<hbm>>
      tpu.enqueue_dma source(%dma_start3A_209 : memref<56x64xi32, #tpu.memory_space<hbm>>) target(%arg7 : memref<56x64xi32, #tpu.memory_space<vmem>>) target_semaphore(%run_scoped3A : memref<!tpu.dma_semaphore, #tpu.memory_space<semaphore_mem>>)
      %dma_wait3A = arith.constant 168 : i32
      %dma_wait3A_210 = arith.constant 0 : i32
      %dma_wait3A_211 = tpu.memref_slice %arg3[%arg0, %arg1, %dma_wait3A, %dma_wait3A_210] : memref<2x16x336x64xi32, #tpu.memory_space<hbm>> -> memref<1x1x56x64xi32, #tpu.memory_space<hbm>>
      %dma_wait3A_212 = tpu.memref_squeeze %dma_wait3A_211 : memref<1x1x56x64xi32, #tpu.memory_space<hbm>> -> memref<56x64xi32, #tpu.memory_space<hbm>>
      %dma_wait3A_213 = arith.constant 168 : i32
      %dma_wait3A_214 = arith.constant 0 : i32
      %dma_wait3A_215 = tpu.memref_slice %arg3[%arg0, %arg1, %dma_wait3A_213, %dma_wait3A_214] : memref<2x16x336x64xi32, #tpu.memory_space<hbm>> -> memref<1x1x56x64xi32, #tpu.memory_space<hbm>>
      %dma_wait3A_216 = tpu.memref_squeeze %dma_wait3A_215 : memref<1x1x56x64xi32, #tpu.memory_space<hbm>> -> memref<56x64xi32, #tpu.memory_space<hbm>>
      tpu.wait_dma2 semaphore(%run_scoped3A : memref<!tpu.dma_semaphore, #tpu.memory_space<semaphore_mem>>) src(%dma_wait3A_216 : memref<56x64xi32, #tpu.memory_space<hbm>>) dst(%arg7 : memref<56x64xi32, #tpu.memory_space<vmem>>)
      tpu.yield
    }) : () -> ()
    "tpu.region"() ({
      %run_scoped3A = tpu.sem_alloc : memref<!tpu.dma_semaphore, #tpu.memory_space<semaphore_mem>>
      %dma_start3A_202 = arith.constant 168 : i32
      %dma_start3A_203 = arith.constant 0 : i32
      %dma_start3A_204 = tpu.memref_slice %arg4[%arg1, %dma_start3A_202, %dma_start3A_203] : memref<16x336x64xi32, #tpu.memory_space<hbm>> -> memref<1x56x64xi32, #tpu.memory_space<hbm>>
      %dma_start3A_205 = tpu.memref_squeeze %dma_start3A_204 : memref<1x56x64xi32, #tpu.memory_space<hbm>> -> memref<56x64xi32, #tpu.memory_space<hbm>>
      %dma_start3A_206 = arith.constant 168 : i32
      %dma_start3A_207 = arith.constant 0 : i32
      %dma_start3A_208 = tpu.memref_slice %arg4[%arg1, %dma_start3A_206, %dma_start3A_207] : memref<16x336x64xi32, #tpu.memory_space<hbm>> -> memref<1x56x64xi32, #tpu.memory_space<hbm>>
      %dma_start3A_209 = tpu.memref_squeeze %dma_start3A_208 : memref<1x56x64xi32, #tpu.memory_space<hbm>> -> memref<56x64xi32, #tpu.memory_space<hbm>>
      tpu.enqueue_dma source(%dma_start3A_209 : memref<56x64xi32, #tpu.memory_space<hbm>>) target(%arg8 : memref<56x64xi32, #tpu.memory_space<vmem>>) target_semaphore(%run_scoped3A : memref<!tpu.dma_semaphore, #tpu.memory_space<semaphore_mem>>)
      %dma_wait3A = arith.constant 168 : i32
      %dma_wait3A_210 = arith.constant 0 : i32
      %dma_wait3A_211 = tpu.memref_slice %arg4[%arg1, %dma_wait3A, %dma_wait3A_210] : memref<16x336x64xi32, #tpu.memory_space<hbm>> -> memref<1x56x64xi32, #tpu.memory_space<hbm>>
      %dma_wait3A_212 = tpu.memref_squeeze %dma_wait3A_211 : memref<1x56x64xi32, #tpu.memory_space<hbm>> -> memref<56x64xi32, #tpu.memory_space<hbm>>
      %dma_wait3A_213 = arith.constant 168 : i32
      %dma_wait3A_214 = arith.constant 0 : i32
      %dma_wait3A_215 = tpu.memref_slice %arg4[%arg1, %dma_wait3A_213, %dma_wait3A_214] : memref<16x336x64xi32, #tpu.memory_space<hbm>> -> memref<1x56x64xi32, #tpu.memory_space<hbm>>
      %dma_wait3A_216 = tpu.memref_squeeze %dma_wait3A_215 : memref<1x56x64xi32, #tpu.memory_space<hbm>> -> memref<56x64xi32, #tpu.memory_space<hbm>>
      tpu.wait_dma2 semaphore(%run_scoped3A : memref<!tpu.dma_semaphore, #tpu.memory_space<semaphore_mem>>) src(%dma_wait3A_216 : memref<56x64xi32, #tpu.memory_space<hbm>>) dst(%arg8 : memref<56x64xi32, #tpu.memory_space<vmem>>)
      tpu.yield
    }) : () -> ()
    %dma_start3A_98 = arith.constant 0 : i32
    %dma_start3A_99 = arith.constant 0 : i32
    %dma_start3A_100 = tpu.memref_slice %arg7[%dma_start3A_98, %dma_start3A_99] : memref<56x64xi32, #tpu.memory_space<vmem>> -> memref<1x64xi32, #tpu.memory_space<vmem>>
    %dma_start3A_101 = tpu.memref_squeeze %dma_start3A_100 : memref<1x64xi32, #tpu.memory_space<vmem>> -> memref<64xi32, #tpu.memory_space<vmem>>
    %dma_start3A_102 = arith.constant 0 : i32
    %dma_start3A_103 = arith.constant 0 : i32
    %dma_start3A_104 = tpu.memref_slice %arg2[%dma_start3A_102, %dma_start3A_103] : memref<20480x128xf32, #tpu.memory_space<hbm>> -> memref<20480x128xf32, #tpu.memory_space<hbm>>
    tpu.enqueue_indirect_dma source(%dma_start3A_104 : memref<20480x128xf32, #tpu.memory_space<hbm>>) target(%arg9 : memref<64x128xf32, #tpu.memory_space<vmem>>) offsets(%dma_start3A_101 : memref<64xi32, #tpu.memory_space<vmem>>) semaphore(%arg13 : memref<!tpu.dma_semaphore, #tpu.memory_space<semaphore_mem>>)
    %dma_start3A_105 = arith.constant 1 : i32
    %dma_start3A_106 = arith.constant 0 : i32
    %dma_start3A_107 = tpu.memref_slice %arg7[%dma_start3A_105, %dma_start3A_106] : memref<56x64xi32, #tpu.memory_space<vmem>> -> memref<1x64xi32, #tpu.memory_space<vmem>>
    %dma_start3A_108 = tpu.memref_squeeze %dma_start3A_107 : memref<1x64xi32, #tpu.memory_space<vmem>> -> memref<64xi32, #tpu.memory_space<vmem>>
    %dma_start3A_109 = arith.constant 0 : i32
    %dma_start3A_110 = arith.constant 0 : i32
    %dma_start3A_111 = tpu.memref_slice %arg2[%dma_start3A_109, %dma_start3A_110] : memref<20480x128xf32, #tpu.memory_space<hbm>> -> memref<20480x128xf32, #tpu.memory_space<hbm>>
    tpu.enqueue_indirect_dma source(%dma_start3A_111 : memref<20480x128xf32, #tpu.memory_space<hbm>>) target(%arg10 : memref<64x128xf32, #tpu.memory_space<vmem>>) offsets(%dma_start3A_108 : memref<64xi32, #tpu.memory_space<vmem>>) semaphore(%arg14 : memref<!tpu.dma_semaphore, #tpu.memory_space<semaphore_mem>>)
    %dma_start3A_112 = arith.constant 2 : i32
    %dma_start3A_113 = arith.constant 0 : i32
    %dma_start3A_114 = tpu.memref_slice %arg7[%dma_start3A_112, %dma_start3A_113] : memref<56x64xi32, #tpu.memory_space<vmem>> -> memref<1x64xi32, #tpu.memory_space<vmem>>
    %dma_start3A_115 = tpu.memref_squeeze %dma_start3A_114 : memref<1x64xi32, #tpu.memory_space<vmem>> -> memref<64xi32, #tpu.memory_space<vmem>>
    %dma_start3A_116 = arith.constant 0 : i32
    %dma_start3A_117 = arith.constant 0 : i32
    %dma_start3A_118 = tpu.memref_slice %arg2[%dma_start3A_116, %dma_start3A_117] : memref<20480x128xf32, #tpu.memory_space<hbm>> -> memref<20480x128xf32, #tpu.memory_space<hbm>>
    tpu.enqueue_indirect_dma source(%dma_start3A_118 : memref<20480x128xf32, #tpu.memory_space<hbm>>) target(%arg11 : memref<64x128xf32, #tpu.memory_space<vmem>>) offsets(%dma_start3A_115 : memref<64xi32, #tpu.memory_space<vmem>>) semaphore(%arg15 : memref<!tpu.dma_semaphore, #tpu.memory_space<semaphore_mem>>)
    %dma_start3A_119 = arith.constant 3 : i32
    %dma_start3A_120 = arith.constant 0 : i32
    %dma_start3A_121 = tpu.memref_slice %arg7[%dma_start3A_119, %dma_start3A_120] : memref<56x64xi32, #tpu.memory_space<vmem>> -> memref<1x64xi32, #tpu.memory_space<vmem>>
    %dma_start3A_122 = tpu.memref_squeeze %dma_start3A_121 : memref<1x64xi32, #tpu.memory_space<vmem>> -> memref<64xi32, #tpu.memory_space<vmem>>
    %dma_start3A_123 = arith.constant 0 : i32
    %dma_start3A_124 = arith.constant 0 : i32
    %dma_start3A_125 = tpu.memref_slice %arg2[%dma_start3A_123, %dma_start3A_124] : memref<20480x128xf32, #tpu.memory_space<hbm>> -> memref<20480x128xf32, #tpu.memory_space<hbm>>
    tpu.enqueue_indirect_dma source(%dma_start3A_125 : memref<20480x128xf32, #tpu.memory_space<hbm>>) target(%arg12 : memref<64x128xf32, #tpu.memory_space<vmem>>) offsets(%dma_start3A_122 : memref<64xi32, #tpu.memory_space<vmem>>) semaphore(%arg16 : memref<!tpu.dma_semaphore, #tpu.memory_space<semaphore_mem>>)
    %scan3A_126 = arith.constant 0 : i32
    %scan3A_127 = arith.constant 14 : i32
    %scan3A_128 = arith.addi %scan3A_126, %scan3A_127 : i32
    %scan3A_129 = arith.constant 1 : i32
    scf.for %scan3A_202 = %scan3A_126 to %scan3A_128 step %scan3A_129  : i32 {
      %mul3A_203 = arith.constant 4 : i32
      %mul3A_204 = arith.muli %scan3A_202, %mul3A_203 : i32
      %add3A = arith.constant 0 : i32
      %add3A_205 = arith.addi %add3A, %mul3A_204 : i32
      %add3A_206 = arith.constant 0 : i32
      %add3A_207 = arith.addi %add3A_205, %add3A_206 : i32
      %dma_wait3A = arith.constant 0 : i32
      %dma_wait3A_208 = tpu.memref_slice %arg7[%add3A_207, %dma_wait3A] : memref<56x64xi32, #tpu.memory_space<vmem>> -> memref<1x64xi32, #tpu.memory_space<vmem>>
      %dma_wait3A_209 = tpu.memref_squeeze %dma_wait3A_208 : memref<1x64xi32, #tpu.memory_space<vmem>> -> memref<64xi32, #tpu.memory_space<vmem>>
      %dma_wait3A_210 = arith.constant 0 : i32
      %dma_wait3A_211 = arith.constant 0 : i32
      %dma_wait3A_212 = tpu.memref_slice %arg2[%dma_wait3A_210, %dma_wait3A_211] : memref<20480x128xf32, #tpu.memory_space<hbm>> -> memref<20480x128xf32, #tpu.memory_space<hbm>>
      tpu.wait_indirect_dma semaphore(%arg13 : memref<!tpu.dma_semaphore, #tpu.memory_space<semaphore_mem>>) src(%dma_wait3A_212 : memref<20480x128xf32, #tpu.memory_space<hbm>>) dst(%arg9 : memref<64x128xf32, #tpu.memory_space<vmem>>)
      %add3A_213 = arith.constant 0 : i32
      %add3A_214 = arith.addi %add3A_205, %add3A_213 : i32
      "tpu.region"() ({
        %run_scoped3A = tpu.sem_alloc : memref<!tpu.dma_semaphore, #tpu.memory_space<semaphore_mem>>
        %dma_start3A_278 = arith.constant 0 : i32
        %dma_start3A_279 = tpu.memref_slice %arg8[%add3A_214, %dma_start3A_278] : memref<56x64xi32, #tpu.memory_space<vmem>> -> memref<1x64xi32, #tpu.memory_space<vmem>>
        %dma_start3A_280 = tpu.memref_squeeze %dma_start3A_279 : memref<1x64xi32, #tpu.memory_space<vmem>> -> memref<64xi32, #tpu.memory_space<vmem>>
        %dma_start3A_281 = arith.constant 0 : i32
        %dma_start3A_282 = arith.constant 0 : i32
        %dma_start3A_283 = tpu.memref_slice %arg17[%dma_start3A_281, %dma_start3A_282] : memref<10240x128xf32, #tpu.memory_space<vmem_shared>> -> memref<10240x128xf32, #tpu.memory_space<vmem_shared>>
        tpu.enqueue_indirect_dma source(%arg9 : memref<64x128xf32, #tpu.memory_space<vmem>>) target(%dma_start3A_283 : memref<10240x128xf32, #tpu.memory_space<vmem_shared>>) offsets(%dma_start3A_280 : memref<64xi32, #tpu.memory_space<vmem>>) semaphore(%run_scoped3A : memref<!tpu.dma_semaphore, #tpu.memory_space<semaphore_mem>>) {add = true}
        %dma_wait3A_284 = arith.constant 0 : i32
        %dma_wait3A_285 = tpu.memref_slice %arg8[%add3A_214, %dma_wait3A_284] : memref<56x64xi32, #tpu.memory_space<vmem>> -> memref<1x64xi32, #tpu.memory_space<vmem>>
        %dma_wait3A_286 = tpu.memref_squeeze %dma_wait3A_285 : memref<1x64xi32, #tpu.memory_space<vmem>> -> memref<64xi32, #tpu.memory_space<vmem>>
        %dma_wait3A_287 = arith.constant 0 : i32
        %dma_wait3A_288 = arith.constant 0 : i32
        %dma_wait3A_289 = tpu.memref_slice %arg17[%dma_wait3A_287, %dma_wait3A_288] : memref<10240x128xf32, #tpu.memory_space<vmem_shared>> -> memref<10240x128xf32, #tpu.memory_space<vmem_shared>>
        tpu.wait_indirect_dma semaphore(%run_scoped3A : memref<!tpu.dma_semaphore, #tpu.memory_space<semaphore_mem>>) src(%arg9 : memref<64x128xf32, #tpu.memory_space<vmem>>) dst(%dma_wait3A_289 : memref<10240x128xf32, #tpu.memory_space<vmem_shared>>)
        tpu.yield
      }) : () -> ()
      %add3A_215 = arith.constant 4 : i32
      %add3A_216 = arith.addi %add3A_205, %add3A_215 : i32
      %add3A_217 = arith.constant 0 : i32
      %add3A_218 = arith.addi %add3A_216, %add3A_217 : i32
      %lt3A = arith.constant 56 : i32
      %lt3A_219 = arith.cmpi slt, %add3A_218, %lt3A : i32
      %convert_element_type3A = arith.extui %lt3A_219 : i1 to i32
      %cond3A = arith.constant 0 : i32
      %cond3A_220 = arith.cmpi ne, %convert_element_type3A, %cond3A : i32
      scf.if %cond3A_220 {
        %add3A_278 = arith.constant 4 : i32
        %add3A_279 = arith.addi %add3A_205, %add3A_278 : i32
        %add3A_280 = arith.constant 0 : i32
        %add3A_281 = arith.addi %add3A_279, %add3A_280 : i32
        %dma_start3A_282 = arith.constant 0 : i32
        %dma_start3A_283 = tpu.memref_slice %arg7[%add3A_281, %dma_start3A_282] : memref<56x64xi32, #tpu.memory_space<vmem>> -> memref<1x64xi32, #tpu.memory_space<vmem>>
        %dma_start3A_284 = tpu.memref_squeeze %dma_start3A_283 : memref<1x64xi32, #tpu.memory_space<vmem>> -> memref<64xi32, #tpu.memory_space<vmem>>
        %dma_start3A_285 = arith.constant 0 : i32
        %dma_start3A_286 = arith.constant 0 : i32
        %dma_start3A_287 = tpu.memref_slice %arg2[%dma_start3A_285, %dma_start3A_286] : memref<20480x128xf32, #tpu.memory_space<hbm>> -> memref<20480x128xf32, #tpu.memory_space<hbm>>
        tpu.enqueue_indirect_dma source(%dma_start3A_287 : memref<20480x128xf32, #tpu.memory_space<hbm>>) target(%arg9 : memref<64x128xf32, #tpu.memory_space<vmem>>) offsets(%dma_start3A_284 : memref<64xi32, #tpu.memory_space<vmem>>) semaphore(%arg13 : memref<!tpu.dma_semaphore, #tpu.memory_space<semaphore_mem>>)
      } else {
      }
      %add3A_221 = arith.constant 1 : i32
      %add3A_222 = arith.addi %add3A_205, %add3A_221 : i32
      %dma_wait3A_223 = arith.constant 0 : i32
      %dma_wait3A_224 = tpu.memref_slice %arg7[%add3A_222, %dma_wait3A_223] : memref<56x64xi32, #tpu.memory_space<vmem>> -> memref<1x64xi32, #tpu.memory_space<vmem>>
      %dma_wait3A_225 = tpu.memref_squeeze %dma_wait3A_224 : memref<1x64xi32, #tpu.memory_space<vmem>> -> memref<64xi32, #tpu.memory_space<vmem>>
      %dma_wait3A_226 = arith.constant 0 : i32
      %dma_wait3A_227 = arith.constant 0 : i32
      %dma_wait3A_228 = tpu.memref_slice %arg2[%dma_wait3A_226, %dma_wait3A_227] : memref<20480x128xf32, #tpu.memory_space<hbm>> -> memref<20480x128xf32, #tpu.memory_space<hbm>>
      tpu.wait_indirect_dma semaphore(%arg14 : memref<!tpu.dma_semaphore, #tpu.memory_space<semaphore_mem>>) src(%dma_wait3A_228 : memref<20480x128xf32, #tpu.memory_space<hbm>>) dst(%arg10 : memref<64x128xf32, #tpu.memory_space<vmem>>)
      %add3A_229 = arith.constant 1 : i32
      %add3A_230 = arith.addi %add3A_205, %add3A_229 : i32
      "tpu.region"() ({
        %run_scoped3A = tpu.sem_alloc : memref<!tpu.dma_semaphore, #tpu.memory_space<semaphore_mem>>
        %dma_start3A_278 = arith.constant 0 : i32
        %dma_start3A_279 = tpu.memref_slice %arg8[%add3A_230, %dma_start3A_278] : memref<56x64xi32, #tpu.memory_space<vmem>> -> memref<1x64xi32, #tpu.memory_space<vmem>>
        %dma_start3A_280 = tpu.memref_squeeze %dma_start3A_279 : memref<1x64xi32, #tpu.memory_space<vmem>> -> memref<64xi32, #tpu.memory_space<vmem>>
        %dma_start3A_281 = arith.constant 0 : i32
        %dma_start3A_282 = arith.constant 0 : i32
        %dma_start3A_283 = tpu.memref_slice %arg17[%dma_start3A_281, %dma_start3A_282] : memref<10240x128xf32, #tpu.memory_space<vmem_shared>> -> memref<10240x128xf32, #tpu.memory_space<vmem_shared>>
        tpu.enqueue_indirect_dma source(%arg10 : memref<64x128xf32, #tpu.memory_space<vmem>>) target(%dma_start3A_283 : memref<10240x128xf32, #tpu.memory_space<vmem_shared>>) offsets(%dma_start3A_280 : memref<64xi32, #tpu.memory_space<vmem>>) semaphore(%run_scoped3A : memref<!tpu.dma_semaphore, #tpu.memory_space<semaphore_mem>>) {add = true}
        %dma_wait3A_284 = arith.constant 0 : i32
        %dma_wait3A_285 = tpu.memref_slice %arg8[%add3A_230, %dma_wait3A_284] : memref<56x64xi32, #tpu.memory_space<vmem>> -> memref<1x64xi32, #tpu.memory_space<vmem>>
        %dma_wait3A_286 = tpu.memref_squeeze %dma_wait3A_285 : memref<1x64xi32, #tpu.memory_space<vmem>> -> memref<64xi32, #tpu.memory_space<vmem>>
        %dma_wait3A_287 = arith.constant 0 : i32
        %dma_wait3A_288 = arith.constant 0 : i32
        %dma_wait3A_289 = tpu.memref_slice %arg17[%dma_wait3A_287, %dma_wait3A_288] : memref<10240x128xf32, #tpu.memory_space<vmem_shared>> -> memref<10240x128xf32, #tpu.memory_space<vmem_shared>>
        tpu.wait_indirect_dma semaphore(%run_scoped3A : memref<!tpu.dma_semaphore, #tpu.memory_space<semaphore_mem>>) src(%arg10 : memref<64x128xf32, #tpu.memory_space<vmem>>) dst(%dma_wait3A_289 : memref<10240x128xf32, #tpu.memory_space<vmem_shared>>)
        tpu.yield
      }) : () -> ()
      %add3A_231 = arith.constant 4 : i32
      %add3A_232 = arith.addi %add3A_205, %add3A_231 : i32
      %add3A_233 = arith.constant 1 : i32
      %add3A_234 = arith.addi %add3A_232, %add3A_233 : i32
      %lt3A_235 = arith.constant 56 : i32
      %lt3A_236 = arith.cmpi slt, %add3A_234, %lt3A_235 : i32
      %convert_element_type3A_237 = arith.extui %lt3A_236 : i1 to i32
      %cond3A_238 = arith.constant 0 : i32
      %cond3A_239 = arith.cmpi ne, %convert_element_type3A_237, %cond3A_238 : i32
      scf.if %cond3A_239 {
        %add3A_278 = arith.constant 4 : i32
        %add3A_279 = arith.addi %add3A_205, %add3A_278 : i32
        %add3A_280 = arith.constant 1 : i32
        %add3A_281 = arith.addi %add3A_279, %add3A_280 : i32
        %dma_start3A_282 = arith.constant 0 : i32
        %dma_start3A_283 = tpu.memref_slice %arg7[%add3A_281, %dma_start3A_282] : memref<56x64xi32, #tpu.memory_space<vmem>> -> memref<1x64xi32, #tpu.memory_space<vmem>>
        %dma_start3A_284 = tpu.memref_squeeze %dma_start3A_283 : memref<1x64xi32, #tpu.memory_space<vmem>> -> memref<64xi32, #tpu.memory_space<vmem>>
        %dma_start3A_285 = arith.constant 0 : i32
        %dma_start3A_286 = arith.constant 0 : i32
        %dma_start3A_287 = tpu.memref_slice %arg2[%dma_start3A_285, %dma_start3A_286] : memref<20480x128xf32, #tpu.memory_space<hbm>> -> memref<20480x128xf32, #tpu.memory_space<hbm>>
        tpu.enqueue_indirect_dma source(%dma_start3A_287 : memref<20480x128xf32, #tpu.memory_space<hbm>>) target(%arg10 : memref<64x128xf32, #tpu.memory_space<vmem>>) offsets(%dma_start3A_284 : memref<64xi32, #tpu.memory_space<vmem>>) semaphore(%arg14 : memref<!tpu.dma_semaphore, #tpu.memory_space<semaphore_mem>>)
      } else {
      }
      %add3A_240 = arith.constant 2 : i32
      %add3A_241 = arith.addi %add3A_205, %add3A_240 : i32
      %dma_wait3A_242 = arith.constant 0 : i32
      %dma_wait3A_243 = tpu.memref_slice %arg7[%add3A_241, %dma_wait3A_242] : memref<56x64xi32, #tpu.memory_space<vmem>> -> memref<1x64xi32, #tpu.memory_space<vmem>>
      %dma_wait3A_244 = tpu.memref_squeeze %dma_wait3A_243 : memref<1x64xi32, #tpu.memory_space<vmem>> -> memref<64xi32, #tpu.memory_space<vmem>>
      %dma_wait3A_245 = arith.constant 0 : i32
      %dma_wait3A_246 = arith.constant 0 : i32
      %dma_wait3A_247 = tpu.memref_slice %arg2[%dma_wait3A_245, %dma_wait3A_246] : memref<20480x128xf32, #tpu.memory_space<hbm>> -> memref<20480x128xf32, #tpu.memory_space<hbm>>
      tpu.wait_indirect_dma semaphore(%arg15 : memref<!tpu.dma_semaphore, #tpu.memory_space<semaphore_mem>>) src(%dma_wait3A_247 : memref<20480x128xf32, #tpu.memory_space<hbm>>) dst(%arg11 : memref<64x128xf32, #tpu.memory_space<vmem>>)
      %add3A_248 = arith.constant 2 : i32
      %add3A_249 = arith.addi %add3A_205, %add3A_248 : i32
      "tpu.region"() ({
        %run_scoped3A = tpu.sem_alloc : memref<!tpu.dma_semaphore, #tpu.memory_space<semaphore_mem>>
        %dma_start3A_278 = arith.constant 0 : i32
        %dma_start3A_279 = tpu.memref_slice %arg8[%add3A_249, %dma_start3A_278] : memref<56x64xi32, #tpu.memory_space<vmem>> -> memref<1x64xi32, #tpu.memory_space<vmem>>
        %dma_start3A_280 = tpu.memref_squeeze %dma_start3A_279 : memref<1x64xi32, #tpu.memory_space<vmem>> -> memref<64xi32, #tpu.memory_space<vmem>>
        %dma_start3A_281 = arith.constant 0 : i32
        %dma_start3A_282 = arith.constant 0 : i32
        %dma_start3A_283 = tpu.memref_slice %arg17[%dma_start3A_281, %dma_start3A_282] : memref<10240x128xf32, #tpu.memory_space<vmem_shared>> -> memref<10240x128xf32, #tpu.memory_space<vmem_shared>>
        tpu.enqueue_indirect_dma source(%arg11 : memref<64x128xf32, #tpu.memory_space<vmem>>) target(%dma_start3A_283 : memref<10240x128xf32, #tpu.memory_space<vmem_shared>>) offsets(%dma_start3A_280 : memref<64xi32, #tpu.memory_space<vmem>>) semaphore(%run_scoped3A : memref<!tpu.dma_semaphore, #tpu.memory_space<semaphore_mem>>) {add = true}
        %dma_wait3A_284 = arith.constant 0 : i32
        %dma_wait3A_285 = tpu.memref_slice %arg8[%add3A_249, %dma_wait3A_284] : memref<56x64xi32, #tpu.memory_space<vmem>> -> memref<1x64xi32, #tpu.memory_space<vmem>>
        %dma_wait3A_286 = tpu.memref_squeeze %dma_wait3A_285 : memref<1x64xi32, #tpu.memory_space<vmem>> -> memref<64xi32, #tpu.memory_space<vmem>>
        %dma_wait3A_287 = arith.constant 0 : i32
        %dma_wait3A_288 = arith.constant 0 : i32
        %dma_wait3A_289 = tpu.memref_slice %arg17[%dma_wait3A_287, %dma_wait3A_288] : memref<10240x128xf32, #tpu.memory_space<vmem_shared>> -> memref<10240x128xf32, #tpu.memory_space<vmem_shared>>
        tpu.wait_indirect_dma semaphore(%run_scoped3A : memref<!tpu.dma_semaphore, #tpu.memory_space<semaphore_mem>>) src(%arg11 : memref<64x128xf32, #tpu.memory_space<vmem>>) dst(%dma_wait3A_289 : memref<10240x128xf32, #tpu.memory_space<vmem_shared>>)
        tpu.yield
      }) : () -> ()
      %add3A_250 = arith.constant 4 : i32
      %add3A_251 = arith.addi %add3A_205, %add3A_250 : i32
      %add3A_252 = arith.constant 2 : i32
      %add3A_253 = arith.addi %add3A_251, %add3A_252 : i32
      %lt3A_254 = arith.constant 56 : i32
      %lt3A_255 = arith.cmpi slt, %add3A_253, %lt3A_254 : i32
      %convert_element_type3A_256 = arith.extui %lt3A_255 : i1 to i32
      %cond3A_257 = arith.constant 0 : i32
      %cond3A_258 = arith.cmpi ne, %convert_element_type3A_256, %cond3A_257 : i32
      scf.if %cond3A_258 {
        %add3A_278 = arith.constant 4 : i32
        %add3A_279 = arith.addi %add3A_205, %add3A_278 : i32
        %add3A_280 = arith.constant 2 : i32
        %add3A_281 = arith.addi %add3A_279, %add3A_280 : i32
        %dma_start3A_282 = arith.constant 0 : i32
        %dma_start3A_283 = tpu.memref_slice %arg7[%add3A_281, %dma_start3A_282] : memref<56x64xi32, #tpu.memory_space<vmem>> -> memref<1x64xi32, #tpu.memory_space<vmem>>
        %dma_start3A_284 = tpu.memref_squeeze %dma_start3A_283 : memref<1x64xi32, #tpu.memory_space<vmem>> -> memref<64xi32, #tpu.memory_space<vmem>>
        %dma_start3A_285 = arith.constant 0 : i32
        %dma_start3A_286 = arith.constant 0 : i32
        %dma_start3A_287 = tpu.memref_slice %arg2[%dma_start3A_285, %dma_start3A_286] : memref<20480x128xf32, #tpu.memory_space<hbm>> -> memref<20480x128xf32, #tpu.memory_space<hbm>>
        tpu.enqueue_indirect_dma source(%dma_start3A_287 : memref<20480x128xf32, #tpu.memory_space<hbm>>) target(%arg11 : memref<64x128xf32, #tpu.memory_space<vmem>>) offsets(%dma_start3A_284 : memref<64xi32, #tpu.memory_space<vmem>>) semaphore(%arg15 : memref<!tpu.dma_semaphore, #tpu.memory_space<semaphore_mem>>)
      } else {
      }
      %add3A_259 = arith.constant 3 : i32
      %add3A_260 = arith.addi %add3A_205, %add3A_259 : i32
      %dma_wait3A_261 = arith.constant 0 : i32
      %dma_wait3A_262 = tpu.memref_slice %arg7[%add3A_260, %dma_wait3A_261] : memref<56x64xi32, #tpu.memory_space<vmem>> -> memref<1x64xi32, #tpu.memory_space<vmem>>
      %dma_wait3A_263 = tpu.memref_squeeze %dma_wait3A_262 : memref<1x64xi32, #tpu.memory_space<vmem>> -> memref<64xi32, #tpu.memory_space<vmem>>
      %dma_wait3A_264 = arith.constant 0 : i32
      %dma_wait3A_265 = arith.constant 0 : i32
      %dma_wait3A_266 = tpu.memref_slice %arg2[%dma_wait3A_264, %dma_wait3A_265] : memref<20480x128xf32, #tpu.memory_space<hbm>> -> memref<20480x128xf32, #tpu.memory_space<hbm>>
      tpu.wait_indirect_dma semaphore(%arg16 : memref<!tpu.dma_semaphore, #tpu.memory_space<semaphore_mem>>) src(%dma_wait3A_266 : memref<20480x128xf32, #tpu.memory_space<hbm>>) dst(%arg12 : memref<64x128xf32, #tpu.memory_space<vmem>>)
      %add3A_267 = arith.constant 3 : i32
      %add3A_268 = arith.addi %add3A_205, %add3A_267 : i32
      "tpu.region"() ({
        %run_scoped3A = tpu.sem_alloc : memref<!tpu.dma_semaphore, #tpu.memory_space<semaphore_mem>>
        %dma_start3A_278 = arith.constant 0 : i32
        %dma_start3A_279 = tpu.memref_slice %arg8[%add3A_268, %dma_start3A_278] : memref<56x64xi32, #tpu.memory_space<vmem>> -> memref<1x64xi32, #tpu.memory_space<vmem>>
        %dma_start3A_280 = tpu.memref_squeeze %dma_start3A_279 : memref<1x64xi32, #tpu.memory_space<vmem>> -> memref<64xi32, #tpu.memory_space<vmem>>
        %dma_start3A_281 = arith.constant 0 : i32
        %dma_start3A_282 = arith.constant 0 : i32
        %dma_start3A_283 = tpu.memref_slice %arg17[%dma_start3A_281, %dma_start3A_282] : memref<10240x128xf32, #tpu.memory_space<vmem_shared>> -> memref<10240x128xf32, #tpu.memory_space<vmem_shared>>
        tpu.enqueue_indirect_dma source(%arg12 : memref<64x128xf32, #tpu.memory_space<vmem>>) target(%dma_start3A_283 : memref<10240x128xf32, #tpu.memory_space<vmem_shared>>) offsets(%dma_start3A_280 : memref<64xi32, #tpu.memory_space<vmem>>) semaphore(%run_scoped3A : memref<!tpu.dma_semaphore, #tpu.memory_space<semaphore_mem>>) {add = true}
        %dma_wait3A_284 = arith.constant 0 : i32
        %dma_wait3A_285 = tpu.memref_slice %arg8[%add3A_268, %dma_wait3A_284] : memref<56x64xi32, #tpu.memory_space<vmem>> -> memref<1x64xi32, #tpu.memory_space<vmem>>
        %dma_wait3A_286 = tpu.memref_squeeze %dma_wait3A_285 : memref<1x64xi32, #tpu.memory_space<vmem>> -> memref<64xi32, #tpu.memory_space<vmem>>
        %dma_wait3A_287 = arith.constant 0 : i32
        %dma_wait3A_288 = arith.constant 0 : i32
        %dma_wait3A_289 = tpu.memref_slice %arg17[%dma_wait3A_287, %dma_wait3A_288] : memref<10240x128xf32, #tpu.memory_space<vmem_shared>> -> memref<10240x128xf32, #tpu.memory_space<vmem_shared>>
        tpu.wait_indirect_dma semaphore(%run_scoped3A : memref<!tpu.dma_semaphore, #tpu.memory_space<semaphore_mem>>) src(%arg12 : memref<64x128xf32, #tpu.memory_space<vmem>>) dst(%dma_wait3A_289 : memref<10240x128xf32, #tpu.memory_space<vmem_shared>>)
        tpu.yield
      }) : () -> ()
      %add3A_269 = arith.constant 4 : i32
      %add3A_270 = arith.addi %add3A_205, %add3A_269 : i32
      %add3A_271 = arith.constant 3 : i32
      %add3A_272 = arith.addi %add3A_270, %add3A_271 : i32
      %lt3A_273 = arith.constant 56 : i32
      %lt3A_274 = arith.cmpi slt, %add3A_272, %lt3A_273 : i32
      %convert_element_type3A_275 = arith.extui %lt3A_274 : i1 to i32
      %cond3A_276 = arith.constant 0 : i32
      %cond3A_277 = arith.cmpi ne, %convert_element_type3A_275, %cond3A_276 : i32
      scf.if %cond3A_277 {
        %add3A_278 = arith.constant 4 : i32
        %add3A_279 = arith.addi %add3A_205, %add3A_278 : i32
        %add3A_280 = arith.constant 3 : i32
        %add3A_281 = arith.addi %add3A_279, %add3A_280 : i32
        %dma_start3A_282 = arith.constant 0 : i32
        %dma_start3A_283 = tpu.memref_slice %arg7[%add3A_281, %dma_start3A_282] : memref<56x64xi32, #tpu.memory_space<vmem>> -> memref<1x64xi32, #tpu.memory_space<vmem>>
        %dma_start3A_284 = tpu.memref_squeeze %dma_start3A_283 : memref<1x64xi32, #tpu.memory_space<vmem>> -> memref<64xi32, #tpu.memory_space<vmem>>
        %dma_start3A_285 = arith.constant 0 : i32
        %dma_start3A_286 = arith.constant 0 : i32
        %dma_start3A_287 = tpu.memref_slice %arg2[%dma_start3A_285, %dma_start3A_286] : memref<20480x128xf32, #tpu.memory_space<hbm>> -> memref<20480x128xf32, #tpu.memory_space<hbm>>
        tpu.enqueue_indirect_dma source(%dma_start3A_287 : memref<20480x128xf32, #tpu.memory_space<hbm>>) target(%arg12 : memref<64x128xf32, #tpu.memory_space<vmem>>) offsets(%dma_start3A_284 : memref<64xi32, #tpu.memory_space<vmem>>) semaphore(%arg16 : memref<!tpu.dma_semaphore, #tpu.memory_space<semaphore_mem>>)
      } else {
      }
    }
    %scan3A_130 = arith.constant 14 : i32
    "tpu.region"() ({
      %run_scoped3A = tpu.sem_alloc : memref<!tpu.dma_semaphore, #tpu.memory_space<semaphore_mem>>
      %dma_start3A_202 = arith.constant 224 : i32
      %dma_start3A_203 = arith.constant 0 : i32
      %dma_start3A_204 = tpu.memref_slice %arg3[%arg0, %arg1, %dma_start3A_202, %dma_start3A_203] : memref<2x16x336x64xi32, #tpu.memory_space<hbm>> -> memref<1x1x56x64xi32, #tpu.memory_space<hbm>>
      %dma_start3A_205 = tpu.memref_squeeze %dma_start3A_204 : memref<1x1x56x64xi32, #tpu.memory_space<hbm>> -> memref<56x64xi32, #tpu.memory_space<hbm>>
      %dma_start3A_206 = arith.constant 224 : i32
      %dma_start3A_207 = arith.constant 0 : i32
      %dma_start3A_208 = tpu.memref_slice %arg3[%arg0, %arg1, %dma_start3A_206, %dma_start3A_207] : memref<2x16x336x64xi32, #tpu.memory_space<hbm>> -> memref<1x1x56x64xi32, #tpu.memory_space<hbm>>
      %dma_start3A_209 = tpu.memref_squeeze %dma_start3A_208 : memref<1x1x56x64xi32, #tpu.memory_space<hbm>> -> memref<56x64xi32, #tpu.memory_space<hbm>>
      tpu.enqueue_dma source(%dma_start3A_209 : memref<56x64xi32, #tpu.memory_space<hbm>>) target(%arg7 : memref<56x64xi32, #tpu.memory_space<vmem>>) target_semaphore(%run_scoped3A : memref<!tpu.dma_semaphore, #tpu.memory_space<semaphore_mem>>)
      %dma_wait3A = arith.constant 224 : i32
      %dma_wait3A_210 = arith.constant 0 : i32
      %dma_wait3A_211 = tpu.memref_slice %arg3[%arg0, %arg1, %dma_wait3A, %dma_wait3A_210] : memref<2x16x336x64xi32, #tpu.memory_space<hbm>> -> memref<1x1x56x64xi32, #tpu.memory_space<hbm>>
      %dma_wait3A_212 = tpu.memref_squeeze %dma_wait3A_211 : memref<1x1x56x64xi32, #tpu.memory_space<hbm>> -> memref<56x64xi32, #tpu.memory_space<hbm>>
      %dma_wait3A_213 = arith.constant 224 : i32
      %dma_wait3A_214 = arith.constant 0 : i32
      %dma_wait3A_215 = tpu.memref_slice %arg3[%arg0, %arg1, %dma_wait3A_213, %dma_wait3A_214] : memref<2x16x336x64xi32, #tpu.memory_space<hbm>> -> memref<1x1x56x64xi32, #tpu.memory_space<hbm>>
      %dma_wait3A_216 = tpu.memref_squeeze %dma_wait3A_215 : memref<1x1x56x64xi32, #tpu.memory_space<hbm>> -> memref<56x64xi32, #tpu.memory_space<hbm>>
      tpu.wait_dma2 semaphore(%run_scoped3A : memref<!tpu.dma_semaphore, #tpu.memory_space<semaphore_mem>>) src(%dma_wait3A_216 : memref<56x64xi32, #tpu.memory_space<hbm>>) dst(%arg7 : memref<56x64xi32, #tpu.memory_space<vmem>>)
      tpu.yield
    }) : () -> ()
    "tpu.region"() ({
      %run_scoped3A = tpu.sem_alloc : memref<!tpu.dma_semaphore, #tpu.memory_space<semaphore_mem>>
      %dma_start3A_202 = arith.constant 224 : i32
      %dma_start3A_203 = arith.constant 0 : i32
      %dma_start3A_204 = tpu.memref_slice %arg4[%arg1, %dma_start3A_202, %dma_start3A_203] : memref<16x336x64xi32, #tpu.memory_space<hbm>> -> memref<1x56x64xi32, #tpu.memory_space<hbm>>
      %dma_start3A_205 = tpu.memref_squeeze %dma_start3A_204 : memref<1x56x64xi32, #tpu.memory_space<hbm>> -> memref<56x64xi32, #tpu.memory_space<hbm>>
      %dma_start3A_206 = arith.constant 224 : i32
      %dma_start3A_207 = arith.constant 0 : i32
      %dma_start3A_208 = tpu.memref_slice %arg4[%arg1, %dma_start3A_206, %dma_start3A_207] : memref<16x336x64xi32, #tpu.memory_space<hbm>> -> memref<1x56x64xi32, #tpu.memory_space<hbm>>
      %dma_start3A_209 = tpu.memref_squeeze %dma_start3A_208 : memref<1x56x64xi32, #tpu.memory_space<hbm>> -> memref<56x64xi32, #tpu.memory_space<hbm>>
      tpu.enqueue_dma source(%dma_start3A_209 : memref<56x64xi32, #tpu.memory_space<hbm>>) target(%arg8 : memref<56x64xi32, #tpu.memory_space<vmem>>) target_semaphore(%run_scoped3A : memref<!tpu.dma_semaphore, #tpu.memory_space<semaphore_mem>>)
      %dma_wait3A = arith.constant 224 : i32
      %dma_wait3A_210 = arith.constant 0 : i32
      %dma_wait3A_211 = tpu.memref_slice %arg4[%arg1, %dma_wait3A, %dma_wait3A_210] : memref<16x336x64xi32, #tpu.memory_space<hbm>> -> memref<1x56x64xi32, #tpu.memory_space<hbm>>
      %dma_wait3A_212 = tpu.memref_squeeze %dma_wait3A_211 : memref<1x56x64xi32, #tpu.memory_space<hbm>> -> memref<56x64xi32, #tpu.memory_space<hbm>>
      %dma_wait3A_213 = arith.constant 224 : i32
      %dma_wait3A_214 = arith.constant 0 : i32
      %dma_wait3A_215 = tpu.memref_slice %arg4[%arg1, %dma_wait3A_213, %dma_wait3A_214] : memref<16x336x64xi32, #tpu.memory_space<hbm>> -> memref<1x56x64xi32, #tpu.memory_space<hbm>>
      %dma_wait3A_216 = tpu.memref_squeeze %dma_wait3A_215 : memref<1x56x64xi32, #tpu.memory_space<hbm>> -> memref<56x64xi32, #tpu.memory_space<hbm>>
      tpu.wait_dma2 semaphore(%run_scoped3A : memref<!tpu.dma_semaphore, #tpu.memory_space<semaphore_mem>>) src(%dma_wait3A_216 : memref<56x64xi32, #tpu.memory_space<hbm>>) dst(%arg8 : memref<56x64xi32, #tpu.memory_space<vmem>>)
      tpu.yield
    }) : () -> ()
    %dma_start3A_131 = arith.constant 0 : i32
    %dma_start3A_132 = arith.constant 0 : i32
    %dma_start3A_133 = tpu.memref_slice %arg7[%dma_start3A_131, %dma_start3A_132] : memref<56x64xi32, #tpu.memory_space<vmem>> -> memref<1x64xi32, #tpu.memory_space<vmem>>
    %dma_start3A_134 = tpu.memref_squeeze %dma_start3A_133 : memref<1x64xi32, #tpu.memory_space<vmem>> -> memref<64xi32, #tpu.memory_space<vmem>>
    %dma_start3A_135 = arith.constant 0 : i32
    %dma_start3A_136 = arith.constant 0 : i32
    %dma_start3A_137 = tpu.memref_slice %arg2[%dma_start3A_135, %dma_start3A_136] : memref<20480x128xf32, #tpu.memory_space<hbm>> -> memref<20480x128xf32, #tpu.memory_space<hbm>>
    tpu.enqueue_indirect_dma source(%dma_start3A_137 : memref<20480x128xf32, #tpu.memory_space<hbm>>) target(%arg9 : memref<64x128xf32, #tpu.memory_space<vmem>>) offsets(%dma_start3A_134 : memref<64xi32, #tpu.memory_space<vmem>>) semaphore(%arg13 : memref<!tpu.dma_semaphore, #tpu.memory_space<semaphore_mem>>)
    %dma_start3A_138 = arith.constant 1 : i32
    %dma_start3A_139 = arith.constant 0 : i32
    %dma_start3A_140 = tpu.memref_slice %arg7[%dma_start3A_138, %dma_start3A_139] : memref<56x64xi32, #tpu.memory_space<vmem>> -> memref<1x64xi32, #tpu.memory_space<vmem>>
    %dma_start3A_141 = tpu.memref_squeeze %dma_start3A_140 : memref<1x64xi32, #tpu.memory_space<vmem>> -> memref<64xi32, #tpu.memory_space<vmem>>
    %dma_start3A_142 = arith.constant 0 : i32
    %dma_start3A_143 = arith.constant 0 : i32
    %dma_start3A_144 = tpu.memref_slice %arg2[%dma_start3A_142, %dma_start3A_143] : memref<20480x128xf32, #tpu.memory_space<hbm>> -> memref<20480x128xf32, #tpu.memory_space<hbm>>
    tpu.enqueue_indirect_dma source(%dma_start3A_144 : memref<20480x128xf32, #tpu.memory_space<hbm>>) target(%arg10 : memref<64x128xf32, #tpu.memory_space<vmem>>) offsets(%dma_start3A_141 : memref<64xi32, #tpu.memory_space<vmem>>) semaphore(%arg14 : memref<!tpu.dma_semaphore, #tpu.memory_space<semaphore_mem>>)
    %dma_start3A_145 = arith.constant 2 : i32
    %dma_start3A_146 = arith.constant 0 : i32
    %dma_start3A_147 = tpu.memref_slice %arg7[%dma_start3A_145, %dma_start3A_146] : memref<56x64xi32, #tpu.memory_space<vmem>> -> memref<1x64xi32, #tpu.memory_space<vmem>>
    %dma_start3A_148 = tpu.memref_squeeze %dma_start3A_147 : memref<1x64xi32, #tpu.memory_space<vmem>> -> memref<64xi32, #tpu.memory_space<vmem>>
    %dma_start3A_149 = arith.constant 0 : i32
    %dma_start3A_150 = arith.constant 0 : i32
    %dma_start3A_151 = tpu.memref_slice %arg2[%dma_start3A_149, %dma_start3A_150] : memref<20480x128xf32, #tpu.memory_space<hbm>> -> memref<20480x128xf32, #tpu.memory_space<hbm>>
    tpu.enqueue_indirect_dma source(%dma_start3A_151 : memref<20480x128xf32, #tpu.memory_space<hbm>>) target(%arg11 : memref<64x128xf32, #tpu.memory_space<vmem>>) offsets(%dma_start3A_148 : memref<64xi32, #tpu.memory_space<vmem>>) semaphore(%arg15 : memref<!tpu.dma_semaphore, #tpu.memory_space<semaphore_mem>>)
    %dma_start3A_152 = arith.constant 3 : i32
    %dma_start3A_153 = arith.constant 0 : i32
    %dma_start3A_154 = tpu.memref_slice %arg7[%dma_start3A_152, %dma_start3A_153] : memref<56x64xi32, #tpu.memory_space<vmem>> -> memref<1x64xi32, #tpu.memory_space<vmem>>
    %dma_start3A_155 = tpu.memref_squeeze %dma_start3A_154 : memref<1x64xi32, #tpu.memory_space<vmem>> -> memref<64xi32, #tpu.memory_space<vmem>>
    %dma_start3A_156 = arith.constant 0 : i32
    %dma_start3A_157 = arith.constant 0 : i32
    %dma_start3A_158 = tpu.memref_slice %arg2[%dma_start3A_156, %dma_start3A_157] : memref<20480x128xf32, #tpu.memory_space<hbm>> -> memref<20480x128xf32, #tpu.memory_space<hbm>>
    tpu.enqueue_indirect_dma source(%dma_start3A_158 : memref<20480x128xf32, #tpu.memory_space<hbm>>) target(%arg12 : memref<64x128xf32, #tpu.memory_space<vmem>>) offsets(%dma_start3A_155 : memref<64xi32, #tpu.memory_space<vmem>>) semaphore(%arg16 : memref<!tpu.dma_semaphore, #tpu.memory_space<semaphore_mem>>)
    %scan3A_159 = arith.constant 0 : i32
    %scan3A_160 = arith.constant 14 : i32
    %scan3A_161 = arith.addi %scan3A_159, %scan3A_160 : i32
    %scan3A_162 = arith.constant 1 : i32
    scf.for %scan3A_202 = %scan3A_159 to %scan3A_161 step %scan3A_162  : i32 {
      %mul3A_203 = arith.constant 4 : i32
      %mul3A_204 = arith.muli %scan3A_202, %mul3A_203 : i32
      %add3A = arith.constant 0 : i32
      %add3A_205 = arith.addi %add3A, %mul3A_204 : i32
      %add3A_206 = arith.constant 0 : i32
      %add3A_207 = arith.addi %add3A_205, %add3A_206 : i32
      %dma_wait3A = arith.constant 0 : i32
      %dma_wait3A_208 = tpu.memref_slice %arg7[%add3A_207, %dma_wait3A] : memref<56x64xi32, #tpu.memory_space<vmem>> -> memref<1x64xi32, #tpu.memory_space<vmem>>
      %dma_wait3A_209 = tpu.memref_squeeze %dma_wait3A_208 : memref<1x64xi32, #tpu.memory_space<vmem>> -> memref<64xi32, #tpu.memory_space<vmem>>
      %dma_wait3A_210 = arith.constant 0 : i32
      %dma_wait3A_211 = arith.constant 0 : i32
      %dma_wait3A_212 = tpu.memref_slice %arg2[%dma_wait3A_210, %dma_wait3A_211] : memref<20480x128xf32, #tpu.memory_space<hbm>> -> memref<20480x128xf32, #tpu.memory_space<hbm>>
      tpu.wait_indirect_dma semaphore(%arg13 : memref<!tpu.dma_semaphore, #tpu.memory_space<semaphore_mem>>) src(%dma_wait3A_212 : memref<20480x128xf32, #tpu.memory_space<hbm>>) dst(%arg9 : memref<64x128xf32, #tpu.memory_space<vmem>>)
      %add3A_213 = arith.constant 0 : i32
      %add3A_214 = arith.addi %add3A_205, %add3A_213 : i32
      "tpu.region"() ({
        %run_scoped3A = tpu.sem_alloc : memref<!tpu.dma_semaphore, #tpu.memory_space<semaphore_mem>>
        %dma_start3A_278 = arith.constant 0 : i32
        %dma_start3A_279 = tpu.memref_slice %arg8[%add3A_214, %dma_start3A_278] : memref<56x64xi32, #tpu.memory_space<vmem>> -> memref<1x64xi32, #tpu.memory_space<vmem>>
        %dma_start3A_280 = tpu.memref_squeeze %dma_start3A_279 : memref<1x64xi32, #tpu.memory_space<vmem>> -> memref<64xi32, #tpu.memory_space<vmem>>
        %dma_start3A_281 = arith.constant 0 : i32
        %dma_start3A_282 = arith.constant 0 : i32
        %dma_start3A_283 = tpu.memref_slice %arg17[%dma_start3A_281, %dma_start3A_282] : memref<10240x128xf32, #tpu.memory_space<vmem_shared>> -> memref<10240x128xf32, #tpu.memory_space<vmem_shared>>
        tpu.enqueue_indirect_dma source(%arg9 : memref<64x128xf32, #tpu.memory_space<vmem>>) target(%dma_start3A_283 : memref<10240x128xf32, #tpu.memory_space<vmem_shared>>) offsets(%dma_start3A_280 : memref<64xi32, #tpu.memory_space<vmem>>) semaphore(%run_scoped3A : memref<!tpu.dma_semaphore, #tpu.memory_space<semaphore_mem>>) {add = true}
        %dma_wait3A_284 = arith.constant 0 : i32
        %dma_wait3A_285 = tpu.memref_slice %arg8[%add3A_214, %dma_wait3A_284] : memref<56x64xi32, #tpu.memory_space<vmem>> -> memref<1x64xi32, #tpu.memory_space<vmem>>
        %dma_wait3A_286 = tpu.memref_squeeze %dma_wait3A_285 : memref<1x64xi32, #tpu.memory_space<vmem>> -> memref<64xi32, #tpu.memory_space<vmem>>
        %dma_wait3A_287 = arith.constant 0 : i32
        %dma_wait3A_288 = arith.constant 0 : i32
        %dma_wait3A_289 = tpu.memref_slice %arg17[%dma_wait3A_287, %dma_wait3A_288] : memref<10240x128xf32, #tpu.memory_space<vmem_shared>> -> memref<10240x128xf32, #tpu.memory_space<vmem_shared>>
        tpu.wait_indirect_dma semaphore(%run_scoped3A : memref<!tpu.dma_semaphore, #tpu.memory_space<semaphore_mem>>) src(%arg9 : memref<64x128xf32, #tpu.memory_space<vmem>>) dst(%dma_wait3A_289 : memref<10240x128xf32, #tpu.memory_space<vmem_shared>>)
        tpu.yield
      }) : () -> ()
      %add3A_215 = arith.constant 4 : i32
      %add3A_216 = arith.addi %add3A_205, %add3A_215 : i32
      %add3A_217 = arith.constant 0 : i32
      %add3A_218 = arith.addi %add3A_216, %add3A_217 : i32
      %lt3A = arith.constant 56 : i32
      %lt3A_219 = arith.cmpi slt, %add3A_218, %lt3A : i32
      %convert_element_type3A = arith.extui %lt3A_219 : i1 to i32
      %cond3A = arith.constant 0 : i32
      %cond3A_220 = arith.cmpi ne, %convert_element_type3A, %cond3A : i32
      scf.if %cond3A_220 {
        %add3A_278 = arith.constant 4 : i32
        %add3A_279 = arith.addi %add3A_205, %add3A_278 : i32
        %add3A_280 = arith.constant 0 : i32
        %add3A_281 = arith.addi %add3A_279, %add3A_280 : i32
        %dma_start3A_282 = arith.constant 0 : i32
        %dma_start3A_283 = tpu.memref_slice %arg7[%add3A_281, %dma_start3A_282] : memref<56x64xi32, #tpu.memory_space<vmem>> -> memref<1x64xi32, #tpu.memory_space<vmem>>
        %dma_start3A_284 = tpu.memref_squeeze %dma_start3A_283 : memref<1x64xi32, #tpu.memory_space<vmem>> -> memref<64xi32, #tpu.memory_space<vmem>>
        %dma_start3A_285 = arith.constant 0 : i32
        %dma_start3A_286 = arith.constant 0 : i32
        %dma_start3A_287 = tpu.memref_slice %arg2[%dma_start3A_285, %dma_start3A_286] : memref<20480x128xf32, #tpu.memory_space<hbm>> -> memref<20480x128xf32, #tpu.memory_space<hbm>>
        tpu.enqueue_indirect_dma source(%dma_start3A_287 : memref<20480x128xf32, #tpu.memory_space<hbm>>) target(%arg9 : memref<64x128xf32, #tpu.memory_space<vmem>>) offsets(%dma_start3A_284 : memref<64xi32, #tpu.memory_space<vmem>>) semaphore(%arg13 : memref<!tpu.dma_semaphore, #tpu.memory_space<semaphore_mem>>)
      } else {
      }
      %add3A_221 = arith.constant 1 : i32
      %add3A_222 = arith.addi %add3A_205, %add3A_221 : i32
      %dma_wait3A_223 = arith.constant 0 : i32
      %dma_wait3A_224 = tpu.memref_slice %arg7[%add3A_222, %dma_wait3A_223] : memref<56x64xi32, #tpu.memory_space<vmem>> -> memref<1x64xi32, #tpu.memory_space<vmem>>
      %dma_wait3A_225 = tpu.memref_squeeze %dma_wait3A_224 : memref<1x64xi32, #tpu.memory_space<vmem>> -> memref<64xi32, #tpu.memory_space<vmem>>
      %dma_wait3A_226 = arith.constant 0 : i32
      %dma_wait3A_227 = arith.constant 0 : i32
      %dma_wait3A_228 = tpu.memref_slice %arg2[%dma_wait3A_226, %dma_wait3A_227] : memref<20480x128xf32, #tpu.memory_space<hbm>> -> memref<20480x128xf32, #tpu.memory_space<hbm>>
      tpu.wait_indirect_dma semaphore(%arg14 : memref<!tpu.dma_semaphore, #tpu.memory_space<semaphore_mem>>) src(%dma_wait3A_228 : memref<20480x128xf32, #tpu.memory_space<hbm>>) dst(%arg10 : memref<64x128xf32, #tpu.memory_space<vmem>>)
      %add3A_229 = arith.constant 1 : i32
      %add3A_230 = arith.addi %add3A_205, %add3A_229 : i32
      "tpu.region"() ({
        %run_scoped3A = tpu.sem_alloc : memref<!tpu.dma_semaphore, #tpu.memory_space<semaphore_mem>>
        %dma_start3A_278 = arith.constant 0 : i32
        %dma_start3A_279 = tpu.memref_slice %arg8[%add3A_230, %dma_start3A_278] : memref<56x64xi32, #tpu.memory_space<vmem>> -> memref<1x64xi32, #tpu.memory_space<vmem>>
        %dma_start3A_280 = tpu.memref_squeeze %dma_start3A_279 : memref<1x64xi32, #tpu.memory_space<vmem>> -> memref<64xi32, #tpu.memory_space<vmem>>
        %dma_start3A_281 = arith.constant 0 : i32
        %dma_start3A_282 = arith.constant 0 : i32
        %dma_start3A_283 = tpu.memref_slice %arg17[%dma_start3A_281, %dma_start3A_282] : memref<10240x128xf32, #tpu.memory_space<vmem_shared>> -> memref<10240x128xf32, #tpu.memory_space<vmem_shared>>
        tpu.enqueue_indirect_dma source(%arg10 : memref<64x128xf32, #tpu.memory_space<vmem>>) target(%dma_start3A_283 : memref<10240x128xf32, #tpu.memory_space<vmem_shared>>) offsets(%dma_start3A_280 : memref<64xi32, #tpu.memory_space<vmem>>) semaphore(%run_scoped3A : memref<!tpu.dma_semaphore, #tpu.memory_space<semaphore_mem>>) {add = true}
        %dma_wait3A_284 = arith.constant 0 : i32
        %dma_wait3A_285 = tpu.memref_slice %arg8[%add3A_230, %dma_wait3A_284] : memref<56x64xi32, #tpu.memory_space<vmem>> -> memref<1x64xi32, #tpu.memory_space<vmem>>
        %dma_wait3A_286 = tpu.memref_squeeze %dma_wait3A_285 : memref<1x64xi32, #tpu.memory_space<vmem>> -> memref<64xi32, #tpu.memory_space<vmem>>
        %dma_wait3A_287 = arith.constant 0 : i32
        %dma_wait3A_288 = arith.constant 0 : i32
        %dma_wait3A_289 = tpu.memref_slice %arg17[%dma_wait3A_287, %dma_wait3A_288] : memref<10240x128xf32, #tpu.memory_space<vmem_shared>> -> memref<10240x128xf32, #tpu.memory_space<vmem_shared>>
        tpu.wait_indirect_dma semaphore(%run_scoped3A : memref<!tpu.dma_semaphore, #tpu.memory_space<semaphore_mem>>) src(%arg10 : memref<64x128xf32, #tpu.memory_space<vmem>>) dst(%dma_wait3A_289 : memref<10240x128xf32, #tpu.memory_space<vmem_shared>>)
        tpu.yield
      }) : () -> ()
      %add3A_231 = arith.constant 4 : i32
      %add3A_232 = arith.addi %add3A_205, %add3A_231 : i32
      %add3A_233 = arith.constant 1 : i32
      %add3A_234 = arith.addi %add3A_232, %add3A_233 : i32
      %lt3A_235 = arith.constant 56 : i32
      %lt3A_236 = arith.cmpi slt, %add3A_234, %lt3A_235 : i32
      %convert_element_type3A_237 = arith.extui %lt3A_236 : i1 to i32
      %cond3A_238 = arith.constant 0 : i32
      %cond3A_239 = arith.cmpi ne, %convert_element_type3A_237, %cond3A_238 : i32
      scf.if %cond3A_239 {
        %add3A_278 = arith.constant 4 : i32
        %add3A_279 = arith.addi %add3A_205, %add3A_278 : i32
        %add3A_280 = arith.constant 1 : i32
        %add3A_281 = arith.addi %add3A_279, %add3A_280 : i32
        %dma_start3A_282 = arith.constant 0 : i32
        %dma_start3A_283 = tpu.memref_slice %arg7[%add3A_281, %dma_start3A_282] : memref<56x64xi32, #tpu.memory_space<vmem>> -> memref<1x64xi32, #tpu.memory_space<vmem>>
        %dma_start3A_284 = tpu.memref_squeeze %dma_start3A_283 : memref<1x64xi32, #tpu.memory_space<vmem>> -> memref<64xi32, #tpu.memory_space<vmem>>
        %dma_start3A_285 = arith.constant 0 : i32
        %dma_start3A_286 = arith.constant 0 : i32
        %dma_start3A_287 = tpu.memref_slice %arg2[%dma_start3A_285, %dma_start3A_286] : memref<20480x128xf32, #tpu.memory_space<hbm>> -> memref<20480x128xf32, #tpu.memory_space<hbm>>
        tpu.enqueue_indirect_dma source(%dma_start3A_287 : memref<20480x128xf32, #tpu.memory_space<hbm>>) target(%arg10 : memref<64x128xf32, #tpu.memory_space<vmem>>) offsets(%dma_start3A_284 : memref<64xi32, #tpu.memory_space<vmem>>) semaphore(%arg14 : memref<!tpu.dma_semaphore, #tpu.memory_space<semaphore_mem>>)
      } else {
      }
      %add3A_240 = arith.constant 2 : i32
      %add3A_241 = arith.addi %add3A_205, %add3A_240 : i32
      %dma_wait3A_242 = arith.constant 0 : i32
      %dma_wait3A_243 = tpu.memref_slice %arg7[%add3A_241, %dma_wait3A_242] : memref<56x64xi32, #tpu.memory_space<vmem>> -> memref<1x64xi32, #tpu.memory_space<vmem>>
      %dma_wait3A_244 = tpu.memref_squeeze %dma_wait3A_243 : memref<1x64xi32, #tpu.memory_space<vmem>> -> memref<64xi32, #tpu.memory_space<vmem>>
      %dma_wait3A_245 = arith.constant 0 : i32
      %dma_wait3A_246 = arith.constant 0 : i32
      %dma_wait3A_247 = tpu.memref_slice %arg2[%dma_wait3A_245, %dma_wait3A_246] : memref<20480x128xf32, #tpu.memory_space<hbm>> -> memref<20480x128xf32, #tpu.memory_space<hbm>>
      tpu.wait_indirect_dma semaphore(%arg15 : memref<!tpu.dma_semaphore, #tpu.memory_space<semaphore_mem>>) src(%dma_wait3A_247 : memref<20480x128xf32, #tpu.memory_space<hbm>>) dst(%arg11 : memref<64x128xf32, #tpu.memory_space<vmem>>)
      %add3A_248 = arith.constant 2 : i32
      %add3A_249 = arith.addi %add3A_205, %add3A_248 : i32
      "tpu.region"() ({
        %run_scoped3A = tpu.sem_alloc : memref<!tpu.dma_semaphore, #tpu.memory_space<semaphore_mem>>
        %dma_start3A_278 = arith.constant 0 : i32
        %dma_start3A_279 = tpu.memref_slice %arg8[%add3A_249, %dma_start3A_278] : memref<56x64xi32, #tpu.memory_space<vmem>> -> memref<1x64xi32, #tpu.memory_space<vmem>>
        %dma_start3A_280 = tpu.memref_squeeze %dma_start3A_279 : memref<1x64xi32, #tpu.memory_space<vmem>> -> memref<64xi32, #tpu.memory_space<vmem>>
        %dma_start3A_281 = arith.constant 0 : i32
        %dma_start3A_282 = arith.constant 0 : i32
        %dma_start3A_283 = tpu.memref_slice %arg17[%dma_start3A_281, %dma_start3A_282] : memref<10240x128xf32, #tpu.memory_space<vmem_shared>> -> memref<10240x128xf32, #tpu.memory_space<vmem_shared>>
        tpu.enqueue_indirect_dma source(%arg11 : memref<64x128xf32, #tpu.memory_space<vmem>>) target(%dma_start3A_283 : memref<10240x128xf32, #tpu.memory_space<vmem_shared>>) offsets(%dma_start3A_280 : memref<64xi32, #tpu.memory_space<vmem>>) semaphore(%run_scoped3A : memref<!tpu.dma_semaphore, #tpu.memory_space<semaphore_mem>>) {add = true}
        %dma_wait3A_284 = arith.constant 0 : i32
        %dma_wait3A_285 = tpu.memref_slice %arg8[%add3A_249, %dma_wait3A_284] : memref<56x64xi32, #tpu.memory_space<vmem>> -> memref<1x64xi32, #tpu.memory_space<vmem>>
        %dma_wait3A_286 = tpu.memref_squeeze %dma_wait3A_285 : memref<1x64xi32, #tpu.memory_space<vmem>> -> memref<64xi32, #tpu.memory_space<vmem>>
        %dma_wait3A_287 = arith.constant 0 : i32
        %dma_wait3A_288 = arith.constant 0 : i32
        %dma_wait3A_289 = tpu.memref_slice %arg17[%dma_wait3A_287, %dma_wait3A_288] : memref<10240x128xf32, #tpu.memory_space<vmem_shared>> -> memref<10240x128xf32, #tpu.memory_space<vmem_shared>>
        tpu.wait_indirect_dma semaphore(%run_scoped3A : memref<!tpu.dma_semaphore, #tpu.memory_space<semaphore_mem>>) src(%arg11 : memref<64x128xf32, #tpu.memory_space<vmem>>) dst(%dma_wait3A_289 : memref<10240x128xf32, #tpu.memory_space<vmem_shared>>)
        tpu.yield
      }) : () -> ()
      %add3A_250 = arith.constant 4 : i32
      %add3A_251 = arith.addi %add3A_205, %add3A_250 : i32
      %add3A_252 = arith.constant 2 : i32
      %add3A_253 = arith.addi %add3A_251, %add3A_252 : i32
      %lt3A_254 = arith.constant 56 : i32
      %lt3A_255 = arith.cmpi slt, %add3A_253, %lt3A_254 : i32
      %convert_element_type3A_256 = arith.extui %lt3A_255 : i1 to i32
      %cond3A_257 = arith.constant 0 : i32
      %cond3A_258 = arith.cmpi ne, %convert_element_type3A_256, %cond3A_257 : i32
      scf.if %cond3A_258 {
        %add3A_278 = arith.constant 4 : i32
        %add3A_279 = arith.addi %add3A_205, %add3A_278 : i32
        %add3A_280 = arith.constant 2 : i32
        %add3A_281 = arith.addi %add3A_279, %add3A_280 : i32
        %dma_start3A_282 = arith.constant 0 : i32
        %dma_start3A_283 = tpu.memref_slice %arg7[%add3A_281, %dma_start3A_282] : memref<56x64xi32, #tpu.memory_space<vmem>> -> memref<1x64xi32, #tpu.memory_space<vmem>>
        %dma_start3A_284 = tpu.memref_squeeze %dma_start3A_283 : memref<1x64xi32, #tpu.memory_space<vmem>> -> memref<64xi32, #tpu.memory_space<vmem>>
        %dma_start3A_285 = arith.constant 0 : i32
        %dma_start3A_286 = arith.constant 0 : i32
        %dma_start3A_287 = tpu.memref_slice %arg2[%dma_start3A_285, %dma_start3A_286] : memref<20480x128xf32, #tpu.memory_space<hbm>> -> memref<20480x128xf32, #tpu.memory_space<hbm>>
        tpu.enqueue_indirect_dma source(%dma_start3A_287 : memref<20480x128xf32, #tpu.memory_space<hbm>>) target(%arg11 : memref<64x128xf32, #tpu.memory_space<vmem>>) offsets(%dma_start3A_284 : memref<64xi32, #tpu.memory_space<vmem>>) semaphore(%arg15 : memref<!tpu.dma_semaphore, #tpu.memory_space<semaphore_mem>>)
      } else {
      }
      %add3A_259 = arith.constant 3 : i32
      %add3A_260 = arith.addi %add3A_205, %add3A_259 : i32
      %dma_wait3A_261 = arith.constant 0 : i32
      %dma_wait3A_262 = tpu.memref_slice %arg7[%add3A_260, %dma_wait3A_261] : memref<56x64xi32, #tpu.memory_space<vmem>> -> memref<1x64xi32, #tpu.memory_space<vmem>>
      %dma_wait3A_263 = tpu.memref_squeeze %dma_wait3A_262 : memref<1x64xi32, #tpu.memory_space<vmem>> -> memref<64xi32, #tpu.memory_space<vmem>>
      %dma_wait3A_264 = arith.constant 0 : i32
      %dma_wait3A_265 = arith.constant 0 : i32
      %dma_wait3A_266 = tpu.memref_slice %arg2[%dma_wait3A_264, %dma_wait3A_265] : memref<20480x128xf32, #tpu.memory_space<hbm>> -> memref<20480x128xf32, #tpu.memory_space<hbm>>
      tpu.wait_indirect_dma semaphore(%arg16 : memref<!tpu.dma_semaphore, #tpu.memory_space<semaphore_mem>>) src(%dma_wait3A_266 : memref<20480x128xf32, #tpu.memory_space<hbm>>) dst(%arg12 : memref<64x128xf32, #tpu.memory_space<vmem>>)
      %add3A_267 = arith.constant 3 : i32
      %add3A_268 = arith.addi %add3A_205, %add3A_267 : i32
      "tpu.region"() ({
        %run_scoped3A = tpu.sem_alloc : memref<!tpu.dma_semaphore, #tpu.memory_space<semaphore_mem>>
        %dma_start3A_278 = arith.constant 0 : i32
        %dma_start3A_279 = tpu.memref_slice %arg8[%add3A_268, %dma_start3A_278] : memref<56x64xi32, #tpu.memory_space<vmem>> -> memref<1x64xi32, #tpu.memory_space<vmem>>
        %dma_start3A_280 = tpu.memref_squeeze %dma_start3A_279 : memref<1x64xi32, #tpu.memory_space<vmem>> -> memref<64xi32, #tpu.memory_space<vmem>>
        %dma_start3A_281 = arith.constant 0 : i32
        %dma_start3A_282 = arith.constant 0 : i32
        %dma_start3A_283 = tpu.memref_slice %arg17[%dma_start3A_281, %dma_start3A_282] : memref<10240x128xf32, #tpu.memory_space<vmem_shared>> -> memref<10240x128xf32, #tpu.memory_space<vmem_shared>>
        tpu.enqueue_indirect_dma source(%arg12 : memref<64x128xf32, #tpu.memory_space<vmem>>) target(%dma_start3A_283 : memref<10240x128xf32, #tpu.memory_space<vmem_shared>>) offsets(%dma_start3A_280 : memref<64xi32, #tpu.memory_space<vmem>>) semaphore(%run_scoped3A : memref<!tpu.dma_semaphore, #tpu.memory_space<semaphore_mem>>) {add = true}
        %dma_wait3A_284 = arith.constant 0 : i32
        %dma_wait3A_285 = tpu.memref_slice %arg8[%add3A_268, %dma_wait3A_284] : memref<56x64xi32, #tpu.memory_space<vmem>> -> memref<1x64xi32, #tpu.memory_space<vmem>>
        %dma_wait3A_286 = tpu.memref_squeeze %dma_wait3A_285 : memref<1x64xi32, #tpu.memory_space<vmem>> -> memref<64xi32, #tpu.memory_space<vmem>>
        %dma_wait3A_287 = arith.constant 0 : i32
        %dma_wait3A_288 = arith.constant 0 : i32
        %dma_wait3A_289 = tpu.memref_slice %arg17[%dma_wait3A_287, %dma_wait3A_288] : memref<10240x128xf32, #tpu.memory_space<vmem_shared>> -> memref<10240x128xf32, #tpu.memory_space<vmem_shared>>
        tpu.wait_indirect_dma semaphore(%run_scoped3A : memref<!tpu.dma_semaphore, #tpu.memory_space<semaphore_mem>>) src(%arg12 : memref<64x128xf32, #tpu.memory_space<vmem>>) dst(%dma_wait3A_289 : memref<10240x128xf32, #tpu.memory_space<vmem_shared>>)
        tpu.yield
      }) : () -> ()
      %add3A_269 = arith.constant 4 : i32
      %add3A_270 = arith.addi %add3A_205, %add3A_269 : i32
      %add3A_271 = arith.constant 3 : i32
      %add3A_272 = arith.addi %add3A_270, %add3A_271 : i32
      %lt3A_273 = arith.constant 56 : i32
      %lt3A_274 = arith.cmpi slt, %add3A_272, %lt3A_273 : i32
      %convert_element_type3A_275 = arith.extui %lt3A_274 : i1 to i32
      %cond3A_276 = arith.constant 0 : i32
      %cond3A_277 = arith.cmpi ne, %convert_element_type3A_275, %cond3A_276 : i32
      scf.if %cond3A_277 {
        %add3A_278 = arith.constant 4 : i32
        %add3A_279 = arith.addi %add3A_205, %add3A_278 : i32
        %add3A_280 = arith.constant 3 : i32
        %add3A_281 = arith.addi %add3A_279, %add3A_280 : i32
        %dma_start3A_282 = arith.constant 0 : i32
        %dma_start3A_283 = tpu.memref_slice %arg7[%add3A_281, %dma_start3A_282] : memref<56x64xi32, #tpu.memory_space<vmem>> -> memref<1x64xi32, #tpu.memory_space<vmem>>
        %dma_start3A_284 = tpu.memref_squeeze %dma_start3A_283 : memref<1x64xi32, #tpu.memory_space<vmem>> -> memref<64xi32, #tpu.memory_space<vmem>>
        %dma_start3A_285 = arith.constant 0 : i32
        %dma_start3A_286 = arith.constant 0 : i32
        %dma_start3A_287 = tpu.memref_slice %arg2[%dma_start3A_285, %dma_start3A_286] : memref<20480x128xf32, #tpu.memory_space<hbm>> -> memref<20480x128xf32, #tpu.memory_space<hbm>>
        tpu.enqueue_indirect_dma source(%dma_start3A_287 : memref<20480x128xf32, #tpu.memory_space<hbm>>) target(%arg12 : memref<64x128xf32, #tpu.memory_space<vmem>>) offsets(%dma_start3A_284 : memref<64xi32, #tpu.memory_space<vmem>>) semaphore(%arg16 : memref<!tpu.dma_semaphore, #tpu.memory_space<semaphore_mem>>)
      } else {
      }
    }
    %scan3A_163 = arith.constant 14 : i32
    "tpu.region"() ({
      %run_scoped3A = tpu.sem_alloc : memref<!tpu.dma_semaphore, #tpu.memory_space<semaphore_mem>>
      %dma_start3A_202 = arith.constant 280 : i32
      %dma_start3A_203 = arith.constant 0 : i32
      %dma_start3A_204 = tpu.memref_slice %arg3[%arg0, %arg1, %dma_start3A_202, %dma_start3A_203] : memref<2x16x336x64xi32, #tpu.memory_space<hbm>> -> memref<1x1x56x64xi32, #tpu.memory_space<hbm>>
      %dma_start3A_205 = tpu.memref_squeeze %dma_start3A_204 : memref<1x1x56x64xi32, #tpu.memory_space<hbm>> -> memref<56x64xi32, #tpu.memory_space<hbm>>
      %dma_start3A_206 = arith.constant 280 : i32
      %dma_start3A_207 = arith.constant 0 : i32
      %dma_start3A_208 = tpu.memref_slice %arg3[%arg0, %arg1, %dma_start3A_206, %dma_start3A_207] : memref<2x16x336x64xi32, #tpu.memory_space<hbm>> -> memref<1x1x56x64xi32, #tpu.memory_space<hbm>>
      %dma_start3A_209 = tpu.memref_squeeze %dma_start3A_208 : memref<1x1x56x64xi32, #tpu.memory_space<hbm>> -> memref<56x64xi32, #tpu.memory_space<hbm>>
      tpu.enqueue_dma source(%dma_start3A_209 : memref<56x64xi32, #tpu.memory_space<hbm>>) target(%arg7 : memref<56x64xi32, #tpu.memory_space<vmem>>) target_semaphore(%run_scoped3A : memref<!tpu.dma_semaphore, #tpu.memory_space<semaphore_mem>>)
      %dma_wait3A = arith.constant 280 : i32
      %dma_wait3A_210 = arith.constant 0 : i32
      %dma_wait3A_211 = tpu.memref_slice %arg3[%arg0, %arg1, %dma_wait3A, %dma_wait3A_210] : memref<2x16x336x64xi32, #tpu.memory_space<hbm>> -> memref<1x1x56x64xi32, #tpu.memory_space<hbm>>
      %dma_wait3A_212 = tpu.memref_squeeze %dma_wait3A_211 : memref<1x1x56x64xi32, #tpu.memory_space<hbm>> -> memref<56x64xi32, #tpu.memory_space<hbm>>
      %dma_wait3A_213 = arith.constant 280 : i32
      %dma_wait3A_214 = arith.constant 0 : i32
      %dma_wait3A_215 = tpu.memref_slice %arg3[%arg0, %arg1, %dma_wait3A_213, %dma_wait3A_214] : memref<2x16x336x64xi32, #tpu.memory_space<hbm>> -> memref<1x1x56x64xi32, #tpu.memory_space<hbm>>
      %dma_wait3A_216 = tpu.memref_squeeze %dma_wait3A_215 : memref<1x1x56x64xi32, #tpu.memory_space<hbm>> -> memref<56x64xi32, #tpu.memory_space<hbm>>
      tpu.wait_dma2 semaphore(%run_scoped3A : memref<!tpu.dma_semaphore, #tpu.memory_space<semaphore_mem>>) src(%dma_wait3A_216 : memref<56x64xi32, #tpu.memory_space<hbm>>) dst(%arg7 : memref<56x64xi32, #tpu.memory_space<vmem>>)
      tpu.yield
    }) : () -> ()
    "tpu.region"() ({
      %run_scoped3A = tpu.sem_alloc : memref<!tpu.dma_semaphore, #tpu.memory_space<semaphore_mem>>
      %dma_start3A_202 = arith.constant 280 : i32
      %dma_start3A_203 = arith.constant 0 : i32
      %dma_start3A_204 = tpu.memref_slice %arg4[%arg1, %dma_start3A_202, %dma_start3A_203] : memref<16x336x64xi32, #tpu.memory_space<hbm>> -> memref<1x56x64xi32, #tpu.memory_space<hbm>>
      %dma_start3A_205 = tpu.memref_squeeze %dma_start3A_204 : memref<1x56x64xi32, #tpu.memory_space<hbm>> -> memref<56x64xi32, #tpu.memory_space<hbm>>
      %dma_start3A_206 = arith.constant 280 : i32
      %dma_start3A_207 = arith.constant 0 : i32
      %dma_start3A_208 = tpu.memref_slice %arg4[%arg1, %dma_start3A_206, %dma_start3A_207] : memref<16x336x64xi32, #tpu.memory_space<hbm>> -> memref<1x56x64xi32, #tpu.memory_space<hbm>>
      %dma_start3A_209 = tpu.memref_squeeze %dma_start3A_208 : memref<1x56x64xi32, #tpu.memory_space<hbm>> -> memref<56x64xi32, #tpu.memory_space<hbm>>
      tpu.enqueue_dma source(%dma_start3A_209 : memref<56x64xi32, #tpu.memory_space<hbm>>) target(%arg8 : memref<56x64xi32, #tpu.memory_space<vmem>>) target_semaphore(%run_scoped3A : memref<!tpu.dma_semaphore, #tpu.memory_space<semaphore_mem>>)
      %dma_wait3A = arith.constant 280 : i32
      %dma_wait3A_210 = arith.constant 0 : i32
      %dma_wait3A_211 = tpu.memref_slice %arg4[%arg1, %dma_wait3A, %dma_wait3A_210] : memref<16x336x64xi32, #tpu.memory_space<hbm>> -> memref<1x56x64xi32, #tpu.memory_space<hbm>>
      %dma_wait3A_212 = tpu.memref_squeeze %dma_wait3A_211 : memref<1x56x64xi32, #tpu.memory_space<hbm>> -> memref<56x64xi32, #tpu.memory_space<hbm>>
      %dma_wait3A_213 = arith.constant 280 : i32
      %dma_wait3A_214 = arith.constant 0 : i32
      %dma_wait3A_215 = tpu.memref_slice %arg4[%arg1, %dma_wait3A_213, %dma_wait3A_214] : memref<16x336x64xi32, #tpu.memory_space<hbm>> -> memref<1x56x64xi32, #tpu.memory_space<hbm>>
      %dma_wait3A_216 = tpu.memref_squeeze %dma_wait3A_215 : memref<1x56x64xi32, #tpu.memory_space<hbm>> -> memref<56x64xi32, #tpu.memory_space<hbm>>
      tpu.wait_dma2 semaphore(%run_scoped3A : memref<!tpu.dma_semaphore, #tpu.memory_space<semaphore_mem>>) src(%dma_wait3A_216 : memref<56x64xi32, #tpu.memory_space<hbm>>) dst(%arg8 : memref<56x64xi32, #tpu.memory_space<vmem>>)
      tpu.yield
    }) : () -> ()
    %dma_start3A_164 = arith.constant 0 : i32
    %dma_start3A_165 = arith.constant 0 : i32
    %dma_start3A_166 = tpu.memref_slice %arg7[%dma_start3A_164, %dma_start3A_165] : memref<56x64xi32, #tpu.memory_space<vmem>> -> memref<1x64xi32, #tpu.memory_space<vmem>>
    %dma_start3A_167 = tpu.memref_squeeze %dma_start3A_166 : memref<1x64xi32, #tpu.memory_space<vmem>> -> memref<64xi32, #tpu.memory_space<vmem>>
    %dma_start3A_168 = arith.constant 0 : i32
    %dma_start3A_169 = arith.constant 0 : i32
    %dma_start3A_170 = tpu.memref_slice %arg2[%dma_start3A_168, %dma_start3A_169] : memref<20480x128xf32, #tpu.memory_space<hbm>> -> memref<20480x128xf32, #tpu.memory_space<hbm>>
    tpu.enqueue_indirect_dma source(%dma_start3A_170 : memref<20480x128xf32, #tpu.memory_space<hbm>>) target(%arg9 : memref<64x128xf32, #tpu.memory_space<vmem>>) offsets(%dma_start3A_167 : memref<64xi32, #tpu.memory_space<vmem>>) semaphore(%arg13 : memref<!tpu.dma_semaphore, #tpu.memory_space<semaphore_mem>>)
    %dma_start3A_171 = arith.constant 1 : i32
    %dma_start3A_172 = arith.constant 0 : i32
    %dma_start3A_173 = tpu.memref_slice %arg7[%dma_start3A_171, %dma_start3A_172] : memref<56x64xi32, #tpu.memory_space<vmem>> -> memref<1x64xi32, #tpu.memory_space<vmem>>
    %dma_start3A_174 = tpu.memref_squeeze %dma_start3A_173 : memref<1x64xi32, #tpu.memory_space<vmem>> -> memref<64xi32, #tpu.memory_space<vmem>>
    %dma_start3A_175 = arith.constant 0 : i32
    %dma_start3A_176 = arith.constant 0 : i32
    %dma_start3A_177 = tpu.memref_slice %arg2[%dma_start3A_175, %dma_start3A_176] : memref<20480x128xf32, #tpu.memory_space<hbm>> -> memref<20480x128xf32, #tpu.memory_space<hbm>>
    tpu.enqueue_indirect_dma source(%dma_start3A_177 : memref<20480x128xf32, #tpu.memory_space<hbm>>) target(%arg10 : memref<64x128xf32, #tpu.memory_space<vmem>>) offsets(%dma_start3A_174 : memref<64xi32, #tpu.memory_space<vmem>>) semaphore(%arg14 : memref<!tpu.dma_semaphore, #tpu.memory_space<semaphore_mem>>)
    %dma_start3A_178 = arith.constant 2 : i32
    %dma_start3A_179 = arith.constant 0 : i32
    %dma_start3A_180 = tpu.memref_slice %arg7[%dma_start3A_178, %dma_start3A_179] : memref<56x64xi32, #tpu.memory_space<vmem>> -> memref<1x64xi32, #tpu.memory_space<vmem>>
    %dma_start3A_181 = tpu.memref_squeeze %dma_start3A_180 : memref<1x64xi32, #tpu.memory_space<vmem>> -> memref<64xi32, #tpu.memory_space<vmem>>
    %dma_start3A_182 = arith.constant 0 : i32
    %dma_start3A_183 = arith.constant 0 : i32
    %dma_start3A_184 = tpu.memref_slice %arg2[%dma_start3A_182, %dma_start3A_183] : memref<20480x128xf32, #tpu.memory_space<hbm>> -> memref<20480x128xf32, #tpu.memory_space<hbm>>
    tpu.enqueue_indirect_dma source(%dma_start3A_184 : memref<20480x128xf32, #tpu.memory_space<hbm>>) target(%arg11 : memref<64x128xf32, #tpu.memory_space<vmem>>) offsets(%dma_start3A_181 : memref<64xi32, #tpu.memory_space<vmem>>) semaphore(%arg15 : memref<!tpu.dma_semaphore, #tpu.memory_space<semaphore_mem>>)
    %dma_start3A_185 = arith.constant 3 : i32
    %dma_start3A_186 = arith.constant 0 : i32
    %dma_start3A_187 = tpu.memref_slice %arg7[%dma_start3A_185, %dma_start3A_186] : memref<56x64xi32, #tpu.memory_space<vmem>> -> memref<1x64xi32, #tpu.memory_space<vmem>>
    %dma_start3A_188 = tpu.memref_squeeze %dma_start3A_187 : memref<1x64xi32, #tpu.memory_space<vmem>> -> memref<64xi32, #tpu.memory_space<vmem>>
    %dma_start3A_189 = arith.constant 0 : i32
    %dma_start3A_190 = arith.constant 0 : i32
    %dma_start3A_191 = tpu.memref_slice %arg2[%dma_start3A_189, %dma_start3A_190] : memref<20480x128xf32, #tpu.memory_space<hbm>> -> memref<20480x128xf32, #tpu.memory_space<hbm>>
    tpu.enqueue_indirect_dma source(%dma_start3A_191 : memref<20480x128xf32, #tpu.memory_space<hbm>>) target(%arg12 : memref<64x128xf32, #tpu.memory_space<vmem>>) offsets(%dma_start3A_188 : memref<64xi32, #tpu.memory_space<vmem>>) semaphore(%arg16 : memref<!tpu.dma_semaphore, #tpu.memory_space<semaphore_mem>>)
    %scan3A_192 = arith.constant 0 : i32
    %scan3A_193 = arith.constant 14 : i32
    %scan3A_194 = arith.addi %scan3A_192, %scan3A_193 : i32
    %scan3A_195 = arith.constant 1 : i32
    scf.for %scan3A_202 = %scan3A_192 to %scan3A_194 step %scan3A_195  : i32 {
      %mul3A_203 = arith.constant 4 : i32
      %mul3A_204 = arith.muli %scan3A_202, %mul3A_203 : i32
      %add3A = arith.constant 0 : i32
      %add3A_205 = arith.addi %add3A, %mul3A_204 : i32
      %add3A_206 = arith.constant 0 : i32
      %add3A_207 = arith.addi %add3A_205, %add3A_206 : i32
      %dma_wait3A = arith.constant 0 : i32
      %dma_wait3A_208 = tpu.memref_slice %arg7[%add3A_207, %dma_wait3A] : memref<56x64xi32, #tpu.memory_space<vmem>> -> memref<1x64xi32, #tpu.memory_space<vmem>>
      %dma_wait3A_209 = tpu.memref_squeeze %dma_wait3A_208 : memref<1x64xi32, #tpu.memory_space<vmem>> -> memref<64xi32, #tpu.memory_space<vmem>>
      %dma_wait3A_210 = arith.constant 0 : i32
      %dma_wait3A_211 = arith.constant 0 : i32
      %dma_wait3A_212 = tpu.memref_slice %arg2[%dma_wait3A_210, %dma_wait3A_211] : memref<20480x128xf32, #tpu.memory_space<hbm>> -> memref<20480x128xf32, #tpu.memory_space<hbm>>
      tpu.wait_indirect_dma semaphore(%arg13 : memref<!tpu.dma_semaphore, #tpu.memory_space<semaphore_mem>>) src(%dma_wait3A_212 : memref<20480x128xf32, #tpu.memory_space<hbm>>) dst(%arg9 : memref<64x128xf32, #tpu.memory_space<vmem>>)
      %add3A_213 = arith.constant 0 : i32
      %add3A_214 = arith.addi %add3A_205, %add3A_213 : i32
      "tpu.region"() ({
        %run_scoped3A = tpu.sem_alloc : memref<!tpu.dma_semaphore, #tpu.memory_space<semaphore_mem>>
        %dma_start3A_278 = arith.constant 0 : i32
        %dma_start3A_279 = tpu.memref_slice %arg8[%add3A_214, %dma_start3A_278] : memref<56x64xi32, #tpu.memory_space<vmem>> -> memref<1x64xi32, #tpu.memory_space<vmem>>
        %dma_start3A_280 = tpu.memref_squeeze %dma_start3A_279 : memref<1x64xi32, #tpu.memory_space<vmem>> -> memref<64xi32, #tpu.memory_space<vmem>>
        %dma_start3A_281 = arith.constant 0 : i32
        %dma_start3A_282 = arith.constant 0 : i32
        %dma_start3A_283 = tpu.memref_slice %arg17[%dma_start3A_281, %dma_start3A_282] : memref<10240x128xf32, #tpu.memory_space<vmem_shared>> -> memref<10240x128xf32, #tpu.memory_space<vmem_shared>>
        tpu.enqueue_indirect_dma source(%arg9 : memref<64x128xf32, #tpu.memory_space<vmem>>) target(%dma_start3A_283 : memref<10240x128xf32, #tpu.memory_space<vmem_shared>>) offsets(%dma_start3A_280 : memref<64xi32, #tpu.memory_space<vmem>>) semaphore(%run_scoped3A : memref<!tpu.dma_semaphore, #tpu.memory_space<semaphore_mem>>) {add = true}
        %dma_wait3A_284 = arith.constant 0 : i32
        %dma_wait3A_285 = tpu.memref_slice %arg8[%add3A_214, %dma_wait3A_284] : memref<56x64xi32, #tpu.memory_space<vmem>> -> memref<1x64xi32, #tpu.memory_space<vmem>>
        %dma_wait3A_286 = tpu.memref_squeeze %dma_wait3A_285 : memref<1x64xi32, #tpu.memory_space<vmem>> -> memref<64xi32, #tpu.memory_space<vmem>>
        %dma_wait3A_287 = arith.constant 0 : i32
        %dma_wait3A_288 = arith.constant 0 : i32
        %dma_wait3A_289 = tpu.memref_slice %arg17[%dma_wait3A_287, %dma_wait3A_288] : memref<10240x128xf32, #tpu.memory_space<vmem_shared>> -> memref<10240x128xf32, #tpu.memory_space<vmem_shared>>
        tpu.wait_indirect_dma semaphore(%run_scoped3A : memref<!tpu.dma_semaphore, #tpu.memory_space<semaphore_mem>>) src(%arg9 : memref<64x128xf32, #tpu.memory_space<vmem>>) dst(%dma_wait3A_289 : memref<10240x128xf32, #tpu.memory_space<vmem_shared>>)
        tpu.yield
      }) : () -> ()
      %add3A_215 = arith.constant 4 : i32
      %add3A_216 = arith.addi %add3A_205, %add3A_215 : i32
      %add3A_217 = arith.constant 0 : i32
      %add3A_218 = arith.addi %add3A_216, %add3A_217 : i32
      %lt3A = arith.constant 56 : i32
      %lt3A_219 = arith.cmpi slt, %add3A_218, %lt3A : i32
      %convert_element_type3A = arith.extui %lt3A_219 : i1 to i32
      %cond3A = arith.constant 0 : i32
      %cond3A_220 = arith.cmpi ne, %convert_element_type3A, %cond3A : i32
      scf.if %cond3A_220 {
        %add3A_278 = arith.constant 4 : i32
        %add3A_279 = arith.addi %add3A_205, %add3A_278 : i32
        %add3A_280 = arith.constant 0 : i32
        %add3A_281 = arith.addi %add3A_279, %add3A_280 : i32
        %dma_start3A_282 = arith.constant 0 : i32
        %dma_start3A_283 = tpu.memref_slice %arg7[%add3A_281, %dma_start3A_282] : memref<56x64xi32, #tpu.memory_space<vmem>> -> memref<1x64xi32, #tpu.memory_space<vmem>>
        %dma_start3A_284 = tpu.memref_squeeze %dma_start3A_283 : memref<1x64xi32, #tpu.memory_space<vmem>> -> memref<64xi32, #tpu.memory_space<vmem>>
        %dma_start3A_285 = arith.constant 0 : i32
        %dma_start3A_286 = arith.constant 0 : i32
        %dma_start3A_287 = tpu.memref_slice %arg2[%dma_start3A_285, %dma_start3A_286] : memref<20480x128xf32, #tpu.memory_space<hbm>> -> memref<20480x128xf32, #tpu.memory_space<hbm>>
        tpu.enqueue_indirect_dma source(%dma_start3A_287 : memref<20480x128xf32, #tpu.memory_space<hbm>>) target(%arg9 : memref<64x128xf32, #tpu.memory_space<vmem>>) offsets(%dma_start3A_284 : memref<64xi32, #tpu.memory_space<vmem>>) semaphore(%arg13 : memref<!tpu.dma_semaphore, #tpu.memory_space<semaphore_mem>>)
      } else {
      }
      %add3A_221 = arith.constant 1 : i32
      %add3A_222 = arith.addi %add3A_205, %add3A_221 : i32
      %dma_wait3A_223 = arith.constant 0 : i32
      %dma_wait3A_224 = tpu.memref_slice %arg7[%add3A_222, %dma_wait3A_223] : memref<56x64xi32, #tpu.memory_space<vmem>> -> memref<1x64xi32, #tpu.memory_space<vmem>>
      %dma_wait3A_225 = tpu.memref_squeeze %dma_wait3A_224 : memref<1x64xi32, #tpu.memory_space<vmem>> -> memref<64xi32, #tpu.memory_space<vmem>>
      %dma_wait3A_226 = arith.constant 0 : i32
      %dma_wait3A_227 = arith.constant 0 : i32
      %dma_wait3A_228 = tpu.memref_slice %arg2[%dma_wait3A_226, %dma_wait3A_227] : memref<20480x128xf32, #tpu.memory_space<hbm>> -> memref<20480x128xf32, #tpu.memory_space<hbm>>
      tpu.wait_indirect_dma semaphore(%arg14 : memref<!tpu.dma_semaphore, #tpu.memory_space<semaphore_mem>>) src(%dma_wait3A_228 : memref<20480x128xf32, #tpu.memory_space<hbm>>) dst(%arg10 : memref<64x128xf32, #tpu.memory_space<vmem>>)
      %add3A_229 = arith.constant 1 : i32
      %add3A_230 = arith.addi %add3A_205, %add3A_229 : i32
      "tpu.region"() ({
        %run_scoped3A = tpu.sem_alloc : memref<!tpu.dma_semaphore, #tpu.memory_space<semaphore_mem>>
        %dma_start3A_278 = arith.constant 0 : i32
        %dma_start3A_279 = tpu.memref_slice %arg8[%add3A_230, %dma_start3A_278] : memref<56x64xi32, #tpu.memory_space<vmem>> -> memref<1x64xi32, #tpu.memory_space<vmem>>
        %dma_start3A_280 = tpu.memref_squeeze %dma_start3A_279 : memref<1x64xi32, #tpu.memory_space<vmem>> -> memref<64xi32, #tpu.memory_space<vmem>>
        %dma_start3A_281 = arith.constant 0 : i32
        %dma_start3A_282 = arith.constant 0 : i32
        %dma_start3A_283 = tpu.memref_slice %arg17[%dma_start3A_281, %dma_start3A_282] : memref<10240x128xf32, #tpu.memory_space<vmem_shared>> -> memref<10240x128xf32, #tpu.memory_space<vmem_shared>>
        tpu.enqueue_indirect_dma source(%arg10 : memref<64x128xf32, #tpu.memory_space<vmem>>) target(%dma_start3A_283 : memref<10240x128xf32, #tpu.memory_space<vmem_shared>>) offsets(%dma_start3A_280 : memref<64xi32, #tpu.memory_space<vmem>>) semaphore(%run_scoped3A : memref<!tpu.dma_semaphore, #tpu.memory_space<semaphore_mem>>) {add = true}
        %dma_wait3A_284 = arith.constant 0 : i32
        %dma_wait3A_285 = tpu.memref_slice %arg8[%add3A_230, %dma_wait3A_284] : memref<56x64xi32, #tpu.memory_space<vmem>> -> memref<1x64xi32, #tpu.memory_space<vmem>>
        %dma_wait3A_286 = tpu.memref_squeeze %dma_wait3A_285 : memref<1x64xi32, #tpu.memory_space<vmem>> -> memref<64xi32, #tpu.memory_space<vmem>>
        %dma_wait3A_287 = arith.constant 0 : i32
        %dma_wait3A_288 = arith.constant 0 : i32
        %dma_wait3A_289 = tpu.memref_slice %arg17[%dma_wait3A_287, %dma_wait3A_288] : memref<10240x128xf32, #tpu.memory_space<vmem_shared>> -> memref<10240x128xf32, #tpu.memory_space<vmem_shared>>
        tpu.wait_indirect_dma semaphore(%run_scoped3A : memref<!tpu.dma_semaphore, #tpu.memory_space<semaphore_mem>>) src(%arg10 : memref<64x128xf32, #tpu.memory_space<vmem>>) dst(%dma_wait3A_289 : memref<10240x128xf32, #tpu.memory_space<vmem_shared>>)
        tpu.yield
      }) : () -> ()
      %add3A_231 = arith.constant 4 : i32
      %add3A_232 = arith.addi %add3A_205, %add3A_231 : i32
      %add3A_233 = arith.constant 1 : i32
      %add3A_234 = arith.addi %add3A_232, %add3A_233 : i32
      %lt3A_235 = arith.constant 56 : i32
      %lt3A_236 = arith.cmpi slt, %add3A_234, %lt3A_235 : i32
      %convert_element_type3A_237 = arith.extui %lt3A_236 : i1 to i32
      %cond3A_238 = arith.constant 0 : i32
      %cond3A_239 = arith.cmpi ne, %convert_element_type3A_237, %cond3A_238 : i32
      scf.if %cond3A_239 {
        %add3A_278 = arith.constant 4 : i32
        %add3A_279 = arith.addi %add3A_205, %add3A_278 : i32
        %add3A_280 = arith.constant 1 : i32
        %add3A_281 = arith.addi %add3A_279, %add3A_280 : i32
        %dma_start3A_282 = arith.constant 0 : i32
        %dma_start3A_283 = tpu.memref_slice %arg7[%add3A_281, %dma_start3A_282] : memref<56x64xi32, #tpu.memory_space<vmem>> -> memref<1x64xi32, #tpu.memory_space<vmem>>
        %dma_start3A_284 = tpu.memref_squeeze %dma_start3A_283 : memref<1x64xi32, #tpu.memory_space<vmem>> -> memref<64xi32, #tpu.memory_space<vmem>>
        %dma_start3A_285 = arith.constant 0 : i32
        %dma_start3A_286 = arith.constant 0 : i32
        %dma_start3A_287 = tpu.memref_slice %arg2[%dma_start3A_285, %dma_start3A_286] : memref<20480x128xf32, #tpu.memory_space<hbm>> -> memref<20480x128xf32, #tpu.memory_space<hbm>>
        tpu.enqueue_indirect_dma source(%dma_start3A_287 : memref<20480x128xf32, #tpu.memory_space<hbm>>) target(%arg10 : memref<64x128xf32, #tpu.memory_space<vmem>>) offsets(%dma_start3A_284 : memref<64xi32, #tpu.memory_space<vmem>>) semaphore(%arg14 : memref<!tpu.dma_semaphore, #tpu.memory_space<semaphore_mem>>)
      } else {
      }
      %add3A_240 = arith.constant 2 : i32
      %add3A_241 = arith.addi %add3A_205, %add3A_240 : i32
      %dma_wait3A_242 = arith.constant 0 : i32
      %dma_wait3A_243 = tpu.memref_slice %arg7[%add3A_241, %dma_wait3A_242] : memref<56x64xi32, #tpu.memory_space<vmem>> -> memref<1x64xi32, #tpu.memory_space<vmem>>
      %dma_wait3A_244 = tpu.memref_squeeze %dma_wait3A_243 : memref<1x64xi32, #tpu.memory_space<vmem>> -> memref<64xi32, #tpu.memory_space<vmem>>
      %dma_wait3A_245 = arith.constant 0 : i32
      %dma_wait3A_246 = arith.constant 0 : i32
      %dma_wait3A_247 = tpu.memref_slice %arg2[%dma_wait3A_245, %dma_wait3A_246] : memref<20480x128xf32, #tpu.memory_space<hbm>> -> memref<20480x128xf32, #tpu.memory_space<hbm>>
      tpu.wait_indirect_dma semaphore(%arg15 : memref<!tpu.dma_semaphore, #tpu.memory_space<semaphore_mem>>) src(%dma_wait3A_247 : memref<20480x128xf32, #tpu.memory_space<hbm>>) dst(%arg11 : memref<64x128xf32, #tpu.memory_space<vmem>>)
      %add3A_248 = arith.constant 2 : i32
      %add3A_249 = arith.addi %add3A_205, %add3A_248 : i32
      "tpu.region"() ({
        %run_scoped3A = tpu.sem_alloc : memref<!tpu.dma_semaphore, #tpu.memory_space<semaphore_mem>>
        %dma_start3A_278 = arith.constant 0 : i32
        %dma_start3A_279 = tpu.memref_slice %arg8[%add3A_249, %dma_start3A_278] : memref<56x64xi32, #tpu.memory_space<vmem>> -> memref<1x64xi32, #tpu.memory_space<vmem>>
        %dma_start3A_280 = tpu.memref_squeeze %dma_start3A_279 : memref<1x64xi32, #tpu.memory_space<vmem>> -> memref<64xi32, #tpu.memory_space<vmem>>
        %dma_start3A_281 = arith.constant 0 : i32
        %dma_start3A_282 = arith.constant 0 : i32
        %dma_start3A_283 = tpu.memref_slice %arg17[%dma_start3A_281, %dma_start3A_282] : memref<10240x128xf32, #tpu.memory_space<vmem_shared>> -> memref<10240x128xf32, #tpu.memory_space<vmem_shared>>
        tpu.enqueue_indirect_dma source(%arg11 : memref<64x128xf32, #tpu.memory_space<vmem>>) target(%dma_start3A_283 : memref<10240x128xf32, #tpu.memory_space<vmem_shared>>) offsets(%dma_start3A_280 : memref<64xi32, #tpu.memory_space<vmem>>) semaphore(%run_scoped3A : memref<!tpu.dma_semaphore, #tpu.memory_space<semaphore_mem>>) {add = true}
        %dma_wait3A_284 = arith.constant 0 : i32
        %dma_wait3A_285 = tpu.memref_slice %arg8[%add3A_249, %dma_wait3A_284] : memref<56x64xi32, #tpu.memory_space<vmem>> -> memref<1x64xi32, #tpu.memory_space<vmem>>
        %dma_wait3A_286 = tpu.memref_squeeze %dma_wait3A_285 : memref<1x64xi32, #tpu.memory_space<vmem>> -> memref<64xi32, #tpu.memory_space<vmem>>
        %dma_wait3A_287 = arith.constant 0 : i32
        %dma_wait3A_288 = arith.constant 0 : i32
        %dma_wait3A_289 = tpu.memref_slice %arg17[%dma_wait3A_287, %dma_wait3A_288] : memref<10240x128xf32, #tpu.memory_space<vmem_shared>> -> memref<10240x128xf32, #tpu.memory_space<vmem_shared>>
        tpu.wait_indirect_dma semaphore(%run_scoped3A : memref<!tpu.dma_semaphore, #tpu.memory_space<semaphore_mem>>) src(%arg11 : memref<64x128xf32, #tpu.memory_space<vmem>>) dst(%dma_wait3A_289 : memref<10240x128xf32, #tpu.memory_space<vmem_shared>>)
        tpu.yield
      }) : () -> ()
      %add3A_250 = arith.constant 4 : i32
      %add3A_251 = arith.addi %add3A_205, %add3A_250 : i32
      %add3A_252 = arith.constant 2 : i32
      %add3A_253 = arith.addi %add3A_251, %add3A_252 : i32
      %lt3A_254 = arith.constant 56 : i32
      %lt3A_255 = arith.cmpi slt, %add3A_253, %lt3A_254 : i32
      %convert_element_type3A_256 = arith.extui %lt3A_255 : i1 to i32
      %cond3A_257 = arith.constant 0 : i32
      %cond3A_258 = arith.cmpi ne, %convert_element_type3A_256, %cond3A_257 : i32
      scf.if %cond3A_258 {
        %add3A_278 = arith.constant 4 : i32
        %add3A_279 = arith.addi %add3A_205, %add3A_278 : i32
        %add3A_280 = arith.constant 2 : i32
        %add3A_281 = arith.addi %add3A_279, %add3A_280 : i32
        %dma_start3A_282 = arith.constant 0 : i32
        %dma_start3A_283 = tpu.memref_slice %arg7[%add3A_281, %dma_start3A_282] : memref<56x64xi32, #tpu.memory_space<vmem>> -> memref<1x64xi32, #tpu.memory_space<vmem>>
        %dma_start3A_284 = tpu.memref_squeeze %dma_start3A_283 : memref<1x64xi32, #tpu.memory_space<vmem>> -> memref<64xi32, #tpu.memory_space<vmem>>
        %dma_start3A_285 = arith.constant 0 : i32
        %dma_start3A_286 = arith.constant 0 : i32
        %dma_start3A_287 = tpu.memref_slice %arg2[%dma_start3A_285, %dma_start3A_286] : memref<20480x128xf32, #tpu.memory_space<hbm>> -> memref<20480x128xf32, #tpu.memory_space<hbm>>
        tpu.enqueue_indirect_dma source(%dma_start3A_287 : memref<20480x128xf32, #tpu.memory_space<hbm>>) target(%arg11 : memref<64x128xf32, #tpu.memory_space<vmem>>) offsets(%dma_start3A_284 : memref<64xi32, #tpu.memory_space<vmem>>) semaphore(%arg15 : memref<!tpu.dma_semaphore, #tpu.memory_space<semaphore_mem>>)
      } else {
      }
      %add3A_259 = arith.constant 3 : i32
      %add3A_260 = arith.addi %add3A_205, %add3A_259 : i32
      %dma_wait3A_261 = arith.constant 0 : i32
      %dma_wait3A_262 = tpu.memref_slice %arg7[%add3A_260, %dma_wait3A_261] : memref<56x64xi32, #tpu.memory_space<vmem>> -> memref<1x64xi32, #tpu.memory_space<vmem>>
      %dma_wait3A_263 = tpu.memref_squeeze %dma_wait3A_262 : memref<1x64xi32, #tpu.memory_space<vmem>> -> memref<64xi32, #tpu.memory_space<vmem>>
      %dma_wait3A_264 = arith.constant 0 : i32
      %dma_wait3A_265 = arith.constant 0 : i32
      %dma_wait3A_266 = tpu.memref_slice %arg2[%dma_wait3A_264, %dma_wait3A_265] : memref<20480x128xf32, #tpu.memory_space<hbm>> -> memref<20480x128xf32, #tpu.memory_space<hbm>>
      tpu.wait_indirect_dma semaphore(%arg16 : memref<!tpu.dma_semaphore, #tpu.memory_space<semaphore_mem>>) src(%dma_wait3A_266 : memref<20480x128xf32, #tpu.memory_space<hbm>>) dst(%arg12 : memref<64x128xf32, #tpu.memory_space<vmem>>)
      %add3A_267 = arith.constant 3 : i32
      %add3A_268 = arith.addi %add3A_205, %add3A_267 : i32
      "tpu.region"() ({
        %run_scoped3A = tpu.sem_alloc : memref<!tpu.dma_semaphore, #tpu.memory_space<semaphore_mem>>
        %dma_start3A_278 = arith.constant 0 : i32
        %dma_start3A_279 = tpu.memref_slice %arg8[%add3A_268, %dma_start3A_278] : memref<56x64xi32, #tpu.memory_space<vmem>> -> memref<1x64xi32, #tpu.memory_space<vmem>>
        %dma_start3A_280 = tpu.memref_squeeze %dma_start3A_279 : memref<1x64xi32, #tpu.memory_space<vmem>> -> memref<64xi32, #tpu.memory_space<vmem>>
        %dma_start3A_281 = arith.constant 0 : i32
        %dma_start3A_282 = arith.constant 0 : i32
        %dma_start3A_283 = tpu.memref_slice %arg17[%dma_start3A_281, %dma_start3A_282] : memref<10240x128xf32, #tpu.memory_space<vmem_shared>> -> memref<10240x128xf32, #tpu.memory_space<vmem_shared>>
        tpu.enqueue_indirect_dma source(%arg12 : memref<64x128xf32, #tpu.memory_space<vmem>>) target(%dma_start3A_283 : memref<10240x128xf32, #tpu.memory_space<vmem_shared>>) offsets(%dma_start3A_280 : memref<64xi32, #tpu.memory_space<vmem>>) semaphore(%run_scoped3A : memref<!tpu.dma_semaphore, #tpu.memory_space<semaphore_mem>>) {add = true}
        %dma_wait3A_284 = arith.constant 0 : i32
        %dma_wait3A_285 = tpu.memref_slice %arg8[%add3A_268, %dma_wait3A_284] : memref<56x64xi32, #tpu.memory_space<vmem>> -> memref<1x64xi32, #tpu.memory_space<vmem>>
        %dma_wait3A_286 = tpu.memref_squeeze %dma_wait3A_285 : memref<1x64xi32, #tpu.memory_space<vmem>> -> memref<64xi32, #tpu.memory_space<vmem>>
        %dma_wait3A_287 = arith.constant 0 : i32
        %dma_wait3A_288 = arith.constant 0 : i32
        %dma_wait3A_289 = tpu.memref_slice %arg17[%dma_wait3A_287, %dma_wait3A_288] : memref<10240x128xf32, #tpu.memory_space<vmem_shared>> -> memref<10240x128xf32, #tpu.memory_space<vmem_shared>>
        tpu.wait_indirect_dma semaphore(%run_scoped3A : memref<!tpu.dma_semaphore, #tpu.memory_space<semaphore_mem>>) src(%arg12 : memref<64x128xf32, #tpu.memory_space<vmem>>) dst(%dma_wait3A_289 : memref<10240x128xf32, #tpu.memory_space<vmem_shared>>)
        tpu.yield
      }) : () -> ()
      %add3A_269 = arith.constant 4 : i32
      %add3A_270 = arith.addi %add3A_205, %add3A_269 : i32
      %add3A_271 = arith.constant 3 : i32
      %add3A_272 = arith.addi %add3A_270, %add3A_271 : i32
      %lt3A_273 = arith.constant 56 : i32
      %lt3A_274 = arith.cmpi slt, %add3A_272, %lt3A_273 : i32
      %convert_element_type3A_275 = arith.extui %lt3A_274 : i1 to i32
      %cond3A_276 = arith.constant 0 : i32
      %cond3A_277 = arith.cmpi ne, %convert_element_type3A_275, %cond3A_276 : i32
      scf.if %cond3A_277 {
        %add3A_278 = arith.constant 4 : i32
        %add3A_279 = arith.addi %add3A_205, %add3A_278 : i32
        %add3A_280 = arith.constant 3 : i32
        %add3A_281 = arith.addi %add3A_279, %add3A_280 : i32
        %dma_start3A_282 = arith.constant 0 : i32
        %dma_start3A_283 = tpu.memref_slice %arg7[%add3A_281, %dma_start3A_282] : memref<56x64xi32, #tpu.memory_space<vmem>> -> memref<1x64xi32, #tpu.memory_space<vmem>>
        %dma_start3A_284 = tpu.memref_squeeze %dma_start3A_283 : memref<1x64xi32, #tpu.memory_space<vmem>> -> memref<64xi32, #tpu.memory_space<vmem>>
        %dma_start3A_285 = arith.constant 0 : i32
        %dma_start3A_286 = arith.constant 0 : i32
        %dma_start3A_287 = tpu.memref_slice %arg2[%dma_start3A_285, %dma_start3A_286] : memref<20480x128xf32, #tpu.memory_space<hbm>> -> memref<20480x128xf32, #tpu.memory_space<hbm>>
        tpu.enqueue_indirect_dma source(%dma_start3A_287 : memref<20480x128xf32, #tpu.memory_space<hbm>>) target(%arg12 : memref<64x128xf32, #tpu.memory_space<vmem>>) offsets(%dma_start3A_284 : memref<64xi32, #tpu.memory_space<vmem>>) semaphore(%arg16 : memref<!tpu.dma_semaphore, #tpu.memory_space<semaphore_mem>>)
      } else {
      }
    }
    %scan3A_196 = arith.constant 14 : i32
    %barrier3A_197 = arith.constant 0 : index
    tpu.barrier barrier_id(%barrier3A_197)
    %mul3A_198 = arith.constant 640 : i32
    %mul3A_199 = arith.muli %arg1, %mul3A_198 : i32
    %mul3A_200 = arith.constant 640 : i32
    %mul3A_201 = arith.muli %arg1, %mul3A_200 : i32
    "tpu.region"() ({
      %run_scoped3A = tpu.sem_alloc : memref<!tpu.dma_semaphore, #tpu.memory_space<semaphore_mem>>
      %dma_start3A_202 = arith.constant 0 : i32
      %dma_start3A_203 = tpu.memref_slice %arg6[%arg0, %mul3A_201, %dma_start3A_202] : memref<2x10240x128xf32, #tpu.memory_space<hbm>> -> memref<1x640x128xf32, #tpu.memory_space<hbm>>
      %dma_start3A_204 = tpu.memref_squeeze %dma_start3A_203 : memref<1x640x128xf32, #tpu.memory_space<hbm>> -> memref<640x128xf32, #tpu.memory_space<hbm>>
      %dma_start3A_205 = arith.constant 0 : i32
      %dma_start3A_206 = tpu.memref_slice %arg17[%mul3A_199, %dma_start3A_205] : memref<10240x128xf32, #tpu.memory_space<vmem_shared>> -> memref<640x128xf32, #tpu.memory_space<vmem_shared>>
      tpu.enqueue_dma source(%dma_start3A_206 : memref<640x128xf32, #tpu.memory_space<vmem_shared>>) target(%dma_start3A_204 : memref<640x128xf32, #tpu.memory_space<hbm>>) target_semaphore(%run_scoped3A : memref<!tpu.dma_semaphore, #tpu.memory_space<semaphore_mem>>)
      %dma_wait3A = arith.constant 0 : i32
      %dma_wait3A_207 = tpu.memref_slice %arg6[%arg0, %mul3A_201, %dma_wait3A] : memref<2x10240x128xf32, #tpu.memory_space<hbm>> -> memref<1x640x128xf32, #tpu.memory_space<hbm>>
      %dma_wait3A_208 = tpu.memref_squeeze %dma_wait3A_207 : memref<1x640x128xf32, #tpu.memory_space<hbm>> -> memref<640x128xf32, #tpu.memory_space<hbm>>
      %dma_wait3A_209 = arith.constant 0 : i32
      %dma_wait3A_210 = tpu.memref_slice %arg17[%mul3A_199, %dma_wait3A_209] : memref<10240x128xf32, #tpu.memory_space<vmem_shared>> -> memref<640x128xf32, #tpu.memory_space<vmem_shared>>
      tpu.wait_dma2 semaphore(%run_scoped3A : memref<!tpu.dma_semaphore, #tpu.memory_space<semaphore_mem>>) src(%dma_wait3A_210 : memref<640x128xf32, #tpu.memory_space<vmem_shared>>) dst(%dma_wait3A_208 : memref<640x128xf32, #tpu.memory_space<hbm>>)
      tpu.yield
    }) : () -> ()
    return
  }
}

#map = affine_map<(d0, d1) -> (0, 0)>
#map1 = affine_map<(d0, d1) -> (0, 0, 0)>
module attributes {stable_mosaic.version = 14 : i64} {
  func.func @_scatter_edge(%arg0: i32, %arg1: i32, %arg2: memref<10240x128xf32, #tpu.memory_space<hbm>>, %arg3: memref<32x112x96xi32, #tpu.memory_space<hbm>>, %arg4: memref<32x112x96xi32, #tpu.memory_space<hbm>>, %arg5: memref<640x128xf32, #tpu.memory_space<hbm>>, %arg6: memref<2x10240x128xf32, #tpu.memory_space<hbm>>, %arg7: memref<56x96xi32, #tpu.memory_space<vmem>>, %arg8: memref<56x96xi32, #tpu.memory_space<vmem>>, %arg9: memref<96x128xf32, #tpu.memory_space<vmem>>, %arg10: memref<96x128xf32, #tpu.memory_space<vmem>>, %arg11: memref<!tpu.dma_semaphore, #tpu.memory_space<semaphore_mem>>, %arg12: memref<!tpu.dma_semaphore, #tpu.memory_space<semaphore_mem>>, %arg13: memref<10240x128xf32, #tpu.memory_space<vmem_shared>>) attributes {dimension_semantics = [#tpu.dimension_semantics<core_parallel>, #tpu.dimension_semantics<subcore_parallel>], iteration_bounds = array<i64: 2, 16>, scalar_prefetch = 0 : i64, scratch_operands = 7 : i64, tpu.core_type = #tpu.core_type<sc_vector_subcore>, window_params = [{transform_indices = #map}, {transform_indices = #map1}, {transform_indices = #map1}, {transform_indices = #map}, {transform_indices = #map1}]} {
    %mul3A = arith.constant 16 : i32
    %mul3A_0 = arith.muli %arg0, %mul3A : i32
    %add3A = arith.addi %mul3A_0, %arg1 : i32
    %mul3A_1 = arith.constant 640 : i32
    %mul3A_2 = arith.muli %arg1, %mul3A_1 : i32
    "tpu.region"() ({
      %run_scoped3A = tpu.sem_alloc : memref<!tpu.dma_semaphore, #tpu.memory_space<semaphore_mem>>
      %dma_start3A_44 = arith.constant 0 : i32
      %dma_start3A_45 = tpu.memref_slice %arg13[%mul3A_2, %dma_start3A_44] : memref<10240x128xf32, #tpu.memory_space<vmem_shared>> -> memref<640x128xf32, #tpu.memory_space<vmem_shared>>
      tpu.enqueue_dma source(%arg5 : memref<640x128xf32, #tpu.memory_space<hbm>>) target(%dma_start3A_45 : memref<640x128xf32, #tpu.memory_space<vmem_shared>>) target_semaphore(%run_scoped3A : memref<!tpu.dma_semaphore, #tpu.memory_space<semaphore_mem>>)
      %dma_wait3A = arith.constant 0 : i32
      %dma_wait3A_46 = tpu.memref_slice %arg13[%mul3A_2, %dma_wait3A] : memref<10240x128xf32, #tpu.memory_space<vmem_shared>> -> memref<640x128xf32, #tpu.memory_space<vmem_shared>>
      tpu.wait_dma2 semaphore(%run_scoped3A : memref<!tpu.dma_semaphore, #tpu.memory_space<semaphore_mem>>) src(%arg5 : memref<640x128xf32, #tpu.memory_space<hbm>>) dst(%dma_wait3A_46 : memref<640x128xf32, #tpu.memory_space<vmem_shared>>)
      tpu.yield
    }) : () -> ()
    %barrier3A = arith.constant 0 : index
    tpu.barrier barrier_id(%barrier3A)
    "tpu.region"() ({
      %run_scoped3A = tpu.sem_alloc : memref<!tpu.dma_semaphore, #tpu.memory_space<semaphore_mem>>
      %dma_start3A_44 = arith.constant 0 : i32
      %dma_start3A_45 = arith.constant 0 : i32
      %dma_start3A_46 = tpu.memref_slice %arg3[%add3A, %dma_start3A_44, %dma_start3A_45] : memref<32x112x96xi32, #tpu.memory_space<hbm>> -> memref<1x56x96xi32, #tpu.memory_space<hbm>>
      %dma_start3A_47 = tpu.memref_squeeze %dma_start3A_46 : memref<1x56x96xi32, #tpu.memory_space<hbm>> -> memref<56x96xi32, #tpu.memory_space<hbm>>
      %dma_start3A_48 = arith.constant 0 : i32
      %dma_start3A_49 = arith.constant 0 : i32
      %dma_start3A_50 = tpu.memref_slice %arg3[%add3A, %dma_start3A_48, %dma_start3A_49] : memref<32x112x96xi32, #tpu.memory_space<hbm>> -> memref<1x56x96xi32, #tpu.memory_space<hbm>>
      %dma_start3A_51 = tpu.memref_squeeze %dma_start3A_50 : memref<1x56x96xi32, #tpu.memory_space<hbm>> -> memref<56x96xi32, #tpu.memory_space<hbm>>
      tpu.enqueue_dma source(%dma_start3A_51 : memref<56x96xi32, #tpu.memory_space<hbm>>) target(%arg7 : memref<56x96xi32, #tpu.memory_space<vmem>>) target_semaphore(%run_scoped3A : memref<!tpu.dma_semaphore, #tpu.memory_space<semaphore_mem>>)
      %dma_wait3A = arith.constant 0 : i32
      %dma_wait3A_52 = arith.constant 0 : i32
      %dma_wait3A_53 = tpu.memref_slice %arg3[%add3A, %dma_wait3A, %dma_wait3A_52] : memref<32x112x96xi32, #tpu.memory_space<hbm>> -> memref<1x56x96xi32, #tpu.memory_space<hbm>>
      %dma_wait3A_54 = tpu.memref_squeeze %dma_wait3A_53 : memref<1x56x96xi32, #tpu.memory_space<hbm>> -> memref<56x96xi32, #tpu.memory_space<hbm>>
      %dma_wait3A_55 = arith.constant 0 : i32
      %dma_wait3A_56 = arith.constant 0 : i32
      %dma_wait3A_57 = tpu.memref_slice %arg3[%add3A, %dma_wait3A_55, %dma_wait3A_56] : memref<32x112x96xi32, #tpu.memory_space<hbm>> -> memref<1x56x96xi32, #tpu.memory_space<hbm>>
      %dma_wait3A_58 = tpu.memref_squeeze %dma_wait3A_57 : memref<1x56x96xi32, #tpu.memory_space<hbm>> -> memref<56x96xi32, #tpu.memory_space<hbm>>
      tpu.wait_dma2 semaphore(%run_scoped3A : memref<!tpu.dma_semaphore, #tpu.memory_space<semaphore_mem>>) src(%dma_wait3A_58 : memref<56x96xi32, #tpu.memory_space<hbm>>) dst(%arg7 : memref<56x96xi32, #tpu.memory_space<vmem>>)
      tpu.yield
    }) : () -> ()
    "tpu.region"() ({
      %run_scoped3A = tpu.sem_alloc : memref<!tpu.dma_semaphore, #tpu.memory_space<semaphore_mem>>
      %dma_start3A_44 = arith.constant 0 : i32
      %dma_start3A_45 = arith.constant 0 : i32
      %dma_start3A_46 = tpu.memref_slice %arg4[%add3A, %dma_start3A_44, %dma_start3A_45] : memref<32x112x96xi32, #tpu.memory_space<hbm>> -> memref<1x56x96xi32, #tpu.memory_space<hbm>>
      %dma_start3A_47 = tpu.memref_squeeze %dma_start3A_46 : memref<1x56x96xi32, #tpu.memory_space<hbm>> -> memref<56x96xi32, #tpu.memory_space<hbm>>
      %dma_start3A_48 = arith.constant 0 : i32
      %dma_start3A_49 = arith.constant 0 : i32
      %dma_start3A_50 = tpu.memref_slice %arg4[%add3A, %dma_start3A_48, %dma_start3A_49] : memref<32x112x96xi32, #tpu.memory_space<hbm>> -> memref<1x56x96xi32, #tpu.memory_space<hbm>>
      %dma_start3A_51 = tpu.memref_squeeze %dma_start3A_50 : memref<1x56x96xi32, #tpu.memory_space<hbm>> -> memref<56x96xi32, #tpu.memory_space<hbm>>
      tpu.enqueue_dma source(%dma_start3A_51 : memref<56x96xi32, #tpu.memory_space<hbm>>) target(%arg8 : memref<56x96xi32, #tpu.memory_space<vmem>>) target_semaphore(%run_scoped3A : memref<!tpu.dma_semaphore, #tpu.memory_space<semaphore_mem>>)
      %dma_wait3A = arith.constant 0 : i32
      %dma_wait3A_52 = arith.constant 0 : i32
      %dma_wait3A_53 = tpu.memref_slice %arg4[%add3A, %dma_wait3A, %dma_wait3A_52] : memref<32x112x96xi32, #tpu.memory_space<hbm>> -> memref<1x56x96xi32, #tpu.memory_space<hbm>>
      %dma_wait3A_54 = tpu.memref_squeeze %dma_wait3A_53 : memref<1x56x96xi32, #tpu.memory_space<hbm>> -> memref<56x96xi32, #tpu.memory_space<hbm>>
      %dma_wait3A_55 = arith.constant 0 : i32
      %dma_wait3A_56 = arith.constant 0 : i32
      %dma_wait3A_57 = tpu.memref_slice %arg4[%add3A, %dma_wait3A_55, %dma_wait3A_56] : memref<32x112x96xi32, #tpu.memory_space<hbm>> -> memref<1x56x96xi32, #tpu.memory_space<hbm>>
      %dma_wait3A_58 = tpu.memref_squeeze %dma_wait3A_57 : memref<1x56x96xi32, #tpu.memory_space<hbm>> -> memref<56x96xi32, #tpu.memory_space<hbm>>
      tpu.wait_dma2 semaphore(%run_scoped3A : memref<!tpu.dma_semaphore, #tpu.memory_space<semaphore_mem>>) src(%dma_wait3A_58 : memref<56x96xi32, #tpu.memory_space<hbm>>) dst(%arg8 : memref<56x96xi32, #tpu.memory_space<vmem>>)
      tpu.yield
    }) : () -> ()
    %dma_start3A = arith.constant 0 : i32
    %dma_start3A_3 = arith.constant 0 : i32
    %dma_start3A_4 = tpu.memref_slice %arg7[%dma_start3A, %dma_start3A_3] : memref<56x96xi32, #tpu.memory_space<vmem>> -> memref<1x96xi32, #tpu.memory_space<vmem>>
    %dma_start3A_5 = tpu.memref_squeeze %dma_start3A_4 : memref<1x96xi32, #tpu.memory_space<vmem>> -> memref<96xi32, #tpu.memory_space<vmem>>
    %dma_start3A_6 = arith.constant 0 : i32
    %dma_start3A_7 = arith.constant 0 : i32
    %dma_start3A_8 = tpu.memref_slice %arg2[%dma_start3A_6, %dma_start3A_7] : memref<10240x128xf32, #tpu.memory_space<hbm>> -> memref<10240x128xf32, #tpu.memory_space<hbm>>
    tpu.enqueue_indirect_dma source(%dma_start3A_8 : memref<10240x128xf32, #tpu.memory_space<hbm>>) target(%arg9 : memref<96x128xf32, #tpu.memory_space<vmem>>) offsets(%dma_start3A_5 : memref<96xi32, #tpu.memory_space<vmem>>) semaphore(%arg11 : memref<!tpu.dma_semaphore, #tpu.memory_space<semaphore_mem>>)
    %dma_start3A_9 = arith.constant 1 : i32
    %dma_start3A_10 = arith.constant 0 : i32
    %dma_start3A_11 = tpu.memref_slice %arg7[%dma_start3A_9, %dma_start3A_10] : memref<56x96xi32, #tpu.memory_space<vmem>> -> memref<1x96xi32, #tpu.memory_space<vmem>>
    %dma_start3A_12 = tpu.memref_squeeze %dma_start3A_11 : memref<1x96xi32, #tpu.memory_space<vmem>> -> memref<96xi32, #tpu.memory_space<vmem>>
    %dma_start3A_13 = arith.constant 0 : i32
    %dma_start3A_14 = arith.constant 0 : i32
    %dma_start3A_15 = tpu.memref_slice %arg2[%dma_start3A_13, %dma_start3A_14] : memref<10240x128xf32, #tpu.memory_space<hbm>> -> memref<10240x128xf32, #tpu.memory_space<hbm>>
    tpu.enqueue_indirect_dma source(%dma_start3A_15 : memref<10240x128xf32, #tpu.memory_space<hbm>>) target(%arg10 : memref<96x128xf32, #tpu.memory_space<vmem>>) offsets(%dma_start3A_12 : memref<96xi32, #tpu.memory_space<vmem>>) semaphore(%arg12 : memref<!tpu.dma_semaphore, #tpu.memory_space<semaphore_mem>>)
    %scan3A = arith.constant 0 : i32
    %scan3A_16 = arith.constant 28 : i32
    %scan3A_17 = arith.addi %scan3A, %scan3A_16 : i32
    %scan3A_18 = arith.constant 1 : i32
    scf.for %scan3A_44 = %scan3A to %scan3A_17 step %scan3A_18  : i32 {
      %mul3A_45 = arith.constant 2 : i32
      %mul3A_46 = arith.muli %scan3A_44, %mul3A_45 : i32
      %add3A_47 = arith.constant 0 : i32
      %add3A_48 = arith.addi %add3A_47, %mul3A_46 : i32
      %add3A_49 = arith.constant 0 : i32
      %add3A_50 = arith.addi %add3A_48, %add3A_49 : i32
      %dma_wait3A = arith.constant 0 : i32
      %dma_wait3A_51 = tpu.memref_slice %arg7[%add3A_50, %dma_wait3A] : memref<56x96xi32, #tpu.memory_space<vmem>> -> memref<1x96xi32, #tpu.memory_space<vmem>>
      %dma_wait3A_52 = tpu.memref_squeeze %dma_wait3A_51 : memref<1x96xi32, #tpu.memory_space<vmem>> -> memref<96xi32, #tpu.memory_space<vmem>>
      %dma_wait3A_53 = arith.constant 0 : i32
      %dma_wait3A_54 = arith.constant 0 : i32
      %dma_wait3A_55 = tpu.memref_slice %arg2[%dma_wait3A_53, %dma_wait3A_54] : memref<10240x128xf32, #tpu.memory_space<hbm>> -> memref<10240x128xf32, #tpu.memory_space<hbm>>
      tpu.wait_indirect_dma semaphore(%arg11 : memref<!tpu.dma_semaphore, #tpu.memory_space<semaphore_mem>>) src(%dma_wait3A_55 : memref<10240x128xf32, #tpu.memory_space<hbm>>) dst(%arg9 : memref<96x128xf32, #tpu.memory_space<vmem>>)
      %add3A_56 = arith.constant 0 : i32
      %add3A_57 = arith.addi %add3A_48, %add3A_56 : i32
      "tpu.region"() ({
        %run_scoped3A = tpu.sem_alloc : memref<!tpu.dma_semaphore, #tpu.memory_space<semaphore_mem>>
        %dma_start3A_83 = arith.constant 0 : i32
        %dma_start3A_84 = tpu.memref_slice %arg8[%add3A_57, %dma_start3A_83] : memref<56x96xi32, #tpu.memory_space<vmem>> -> memref<1x96xi32, #tpu.memory_space<vmem>>
        %dma_start3A_85 = tpu.memref_squeeze %dma_start3A_84 : memref<1x96xi32, #tpu.memory_space<vmem>> -> memref<96xi32, #tpu.memory_space<vmem>>
        %dma_start3A_86 = arith.constant 0 : i32
        %dma_start3A_87 = arith.constant 0 : i32
        %dma_start3A_88 = tpu.memref_slice %arg13[%dma_start3A_86, %dma_start3A_87] : memref<10240x128xf32, #tpu.memory_space<vmem_shared>> -> memref<10240x128xf32, #tpu.memory_space<vmem_shared>>
        tpu.enqueue_indirect_dma source(%arg9 : memref<96x128xf32, #tpu.memory_space<vmem>>) target(%dma_start3A_88 : memref<10240x128xf32, #tpu.memory_space<vmem_shared>>) offsets(%dma_start3A_85 : memref<96xi32, #tpu.memory_space<vmem>>) semaphore(%run_scoped3A : memref<!tpu.dma_semaphore, #tpu.memory_space<semaphore_mem>>) {add = true}
        %dma_wait3A_89 = arith.constant 0 : i32
        %dma_wait3A_90 = tpu.memref_slice %arg8[%add3A_57, %dma_wait3A_89] : memref<56x96xi32, #tpu.memory_space<vmem>> -> memref<1x96xi32, #tpu.memory_space<vmem>>
        %dma_wait3A_91 = tpu.memref_squeeze %dma_wait3A_90 : memref<1x96xi32, #tpu.memory_space<vmem>> -> memref<96xi32, #tpu.memory_space<vmem>>
        %dma_wait3A_92 = arith.constant 0 : i32
        %dma_wait3A_93 = arith.constant 0 : i32
        %dma_wait3A_94 = tpu.memref_slice %arg13[%dma_wait3A_92, %dma_wait3A_93] : memref<10240x128xf32, #tpu.memory_space<vmem_shared>> -> memref<10240x128xf32, #tpu.memory_space<vmem_shared>>
        tpu.wait_indirect_dma semaphore(%run_scoped3A : memref<!tpu.dma_semaphore, #tpu.memory_space<semaphore_mem>>) src(%arg9 : memref<96x128xf32, #tpu.memory_space<vmem>>) dst(%dma_wait3A_94 : memref<10240x128xf32, #tpu.memory_space<vmem_shared>>)
        tpu.yield
      }) : () -> ()
      %add3A_58 = arith.constant 2 : i32
      %add3A_59 = arith.addi %add3A_48, %add3A_58 : i32
      %add3A_60 = arith.constant 0 : i32
      %add3A_61 = arith.addi %add3A_59, %add3A_60 : i32
      %lt3A = arith.constant 56 : i32
      %lt3A_62 = arith.cmpi slt, %add3A_61, %lt3A : i32
      %convert_element_type3A = arith.extui %lt3A_62 : i1 to i32
      %cond3A = arith.constant 0 : i32
      %cond3A_63 = arith.cmpi ne, %convert_element_type3A, %cond3A : i32
      scf.if %cond3A_63 {
        %add3A_83 = arith.constant 2 : i32
        %add3A_84 = arith.addi %add3A_48, %add3A_83 : i32
        %add3A_85 = arith.constant 0 : i32
        %add3A_86 = arith.addi %add3A_84, %add3A_85 : i32
        %dma_start3A_87 = arith.constant 0 : i32
        %dma_start3A_88 = tpu.memref_slice %arg7[%add3A_86, %dma_start3A_87] : memref<56x96xi32, #tpu.memory_space<vmem>> -> memref<1x96xi32, #tpu.memory_space<vmem>>
        %dma_start3A_89 = tpu.memref_squeeze %dma_start3A_88 : memref<1x96xi32, #tpu.memory_space<vmem>> -> memref<96xi32, #tpu.memory_space<vmem>>
        %dma_start3A_90 = arith.constant 0 : i32
        %dma_start3A_91 = arith.constant 0 : i32
        %dma_start3A_92 = tpu.memref_slice %arg2[%dma_start3A_90, %dma_start3A_91] : memref<10240x128xf32, #tpu.memory_space<hbm>> -> memref<10240x128xf32, #tpu.memory_space<hbm>>
        tpu.enqueue_indirect_dma source(%dma_start3A_92 : memref<10240x128xf32, #tpu.memory_space<hbm>>) target(%arg9 : memref<96x128xf32, #tpu.memory_space<vmem>>) offsets(%dma_start3A_89 : memref<96xi32, #tpu.memory_space<vmem>>) semaphore(%arg11 : memref<!tpu.dma_semaphore, #tpu.memory_space<semaphore_mem>>)
      } else {
      }
      %add3A_64 = arith.constant 1 : i32
      %add3A_65 = arith.addi %add3A_48, %add3A_64 : i32
      %dma_wait3A_66 = arith.constant 0 : i32
      %dma_wait3A_67 = tpu.memref_slice %arg7[%add3A_65, %dma_wait3A_66] : memref<56x96xi32, #tpu.memory_space<vmem>> -> memref<1x96xi32, #tpu.memory_space<vmem>>
      %dma_wait3A_68 = tpu.memref_squeeze %dma_wait3A_67 : memref<1x96xi32, #tpu.memory_space<vmem>> -> memref<96xi32, #tpu.memory_space<vmem>>
      %dma_wait3A_69 = arith.constant 0 : i32
      %dma_wait3A_70 = arith.constant 0 : i32
      %dma_wait3A_71 = tpu.memref_slice %arg2[%dma_wait3A_69, %dma_wait3A_70] : memref<10240x128xf32, #tpu.memory_space<hbm>> -> memref<10240x128xf32, #tpu.memory_space<hbm>>
      tpu.wait_indirect_dma semaphore(%arg12 : memref<!tpu.dma_semaphore, #tpu.memory_space<semaphore_mem>>) src(%dma_wait3A_71 : memref<10240x128xf32, #tpu.memory_space<hbm>>) dst(%arg10 : memref<96x128xf32, #tpu.memory_space<vmem>>)
      %add3A_72 = arith.constant 1 : i32
      %add3A_73 = arith.addi %add3A_48, %add3A_72 : i32
      "tpu.region"() ({
        %run_scoped3A = tpu.sem_alloc : memref<!tpu.dma_semaphore, #tpu.memory_space<semaphore_mem>>
        %dma_start3A_83 = arith.constant 0 : i32
        %dma_start3A_84 = tpu.memref_slice %arg8[%add3A_73, %dma_start3A_83] : memref<56x96xi32, #tpu.memory_space<vmem>> -> memref<1x96xi32, #tpu.memory_space<vmem>>
        %dma_start3A_85 = tpu.memref_squeeze %dma_start3A_84 : memref<1x96xi32, #tpu.memory_space<vmem>> -> memref<96xi32, #tpu.memory_space<vmem>>
        %dma_start3A_86 = arith.constant 0 : i32
        %dma_start3A_87 = arith.constant 0 : i32
        %dma_start3A_88 = tpu.memref_slice %arg13[%dma_start3A_86, %dma_start3A_87] : memref<10240x128xf32, #tpu.memory_space<vmem_shared>> -> memref<10240x128xf32, #tpu.memory_space<vmem_shared>>
        tpu.enqueue_indirect_dma source(%arg10 : memref<96x128xf32, #tpu.memory_space<vmem>>) target(%dma_start3A_88 : memref<10240x128xf32, #tpu.memory_space<vmem_shared>>) offsets(%dma_start3A_85 : memref<96xi32, #tpu.memory_space<vmem>>) semaphore(%run_scoped3A : memref<!tpu.dma_semaphore, #tpu.memory_space<semaphore_mem>>) {add = true}
        %dma_wait3A_89 = arith.constant 0 : i32
        %dma_wait3A_90 = tpu.memref_slice %arg8[%add3A_73, %dma_wait3A_89] : memref<56x96xi32, #tpu.memory_space<vmem>> -> memref<1x96xi32, #tpu.memory_space<vmem>>
        %dma_wait3A_91 = tpu.memref_squeeze %dma_wait3A_90 : memref<1x96xi32, #tpu.memory_space<vmem>> -> memref<96xi32, #tpu.memory_space<vmem>>
        %dma_wait3A_92 = arith.constant 0 : i32
        %dma_wait3A_93 = arith.constant 0 : i32
        %dma_wait3A_94 = tpu.memref_slice %arg13[%dma_wait3A_92, %dma_wait3A_93] : memref<10240x128xf32, #tpu.memory_space<vmem_shared>> -> memref<10240x128xf32, #tpu.memory_space<vmem_shared>>
        tpu.wait_indirect_dma semaphore(%run_scoped3A : memref<!tpu.dma_semaphore, #tpu.memory_space<semaphore_mem>>) src(%arg10 : memref<96x128xf32, #tpu.memory_space<vmem>>) dst(%dma_wait3A_94 : memref<10240x128xf32, #tpu.memory_space<vmem_shared>>)
        tpu.yield
      }) : () -> ()
      %add3A_74 = arith.constant 2 : i32
      %add3A_75 = arith.addi %add3A_48, %add3A_74 : i32
      %add3A_76 = arith.constant 1 : i32
      %add3A_77 = arith.addi %add3A_75, %add3A_76 : i32
      %lt3A_78 = arith.constant 56 : i32
      %lt3A_79 = arith.cmpi slt, %add3A_77, %lt3A_78 : i32
      %convert_element_type3A_80 = arith.extui %lt3A_79 : i1 to i32
      %cond3A_81 = arith.constant 0 : i32
      %cond3A_82 = arith.cmpi ne, %convert_element_type3A_80, %cond3A_81 : i32
      scf.if %cond3A_82 {
        %add3A_83 = arith.constant 2 : i32
        %add3A_84 = arith.addi %add3A_48, %add3A_83 : i32
        %add3A_85 = arith.constant 1 : i32
        %add3A_86 = arith.addi %add3A_84, %add3A_85 : i32
        %dma_start3A_87 = arith.constant 0 : i32
        %dma_start3A_88 = tpu.memref_slice %arg7[%add3A_86, %dma_start3A_87] : memref<56x96xi32, #tpu.memory_space<vmem>> -> memref<1x96xi32, #tpu.memory_space<vmem>>
        %dma_start3A_89 = tpu.memref_squeeze %dma_start3A_88 : memref<1x96xi32, #tpu.memory_space<vmem>> -> memref<96xi32, #tpu.memory_space<vmem>>
        %dma_start3A_90 = arith.constant 0 : i32
        %dma_start3A_91 = arith.constant 0 : i32
        %dma_start3A_92 = tpu.memref_slice %arg2[%dma_start3A_90, %dma_start3A_91] : memref<10240x128xf32, #tpu.memory_space<hbm>> -> memref<10240x128xf32, #tpu.memory_space<hbm>>
        tpu.enqueue_indirect_dma source(%dma_start3A_92 : memref<10240x128xf32, #tpu.memory_space<hbm>>) target(%arg10 : memref<96x128xf32, #tpu.memory_space<vmem>>) offsets(%dma_start3A_89 : memref<96xi32, #tpu.memory_space<vmem>>) semaphore(%arg12 : memref<!tpu.dma_semaphore, #tpu.memory_space<semaphore_mem>>)
      } else {
      }
    }
    %scan3A_19 = arith.constant 28 : i32
    "tpu.region"() ({
      %run_scoped3A = tpu.sem_alloc : memref<!tpu.dma_semaphore, #tpu.memory_space<semaphore_mem>>
      %dma_start3A_44 = arith.constant 56 : i32
      %dma_start3A_45 = arith.constant 0 : i32
      %dma_start3A_46 = tpu.memref_slice %arg3[%add3A, %dma_start3A_44, %dma_start3A_45] : memref<32x112x96xi32, #tpu.memory_space<hbm>> -> memref<1x56x96xi32, #tpu.memory_space<hbm>>
      %dma_start3A_47 = tpu.memref_squeeze %dma_start3A_46 : memref<1x56x96xi32, #tpu.memory_space<hbm>> -> memref<56x96xi32, #tpu.memory_space<hbm>>
      %dma_start3A_48 = arith.constant 56 : i32
      %dma_start3A_49 = arith.constant 0 : i32
      %dma_start3A_50 = tpu.memref_slice %arg3[%add3A, %dma_start3A_48, %dma_start3A_49] : memref<32x112x96xi32, #tpu.memory_space<hbm>> -> memref<1x56x96xi32, #tpu.memory_space<hbm>>
      %dma_start3A_51 = tpu.memref_squeeze %dma_start3A_50 : memref<1x56x96xi32, #tpu.memory_space<hbm>> -> memref<56x96xi32, #tpu.memory_space<hbm>>
      tpu.enqueue_dma source(%dma_start3A_51 : memref<56x96xi32, #tpu.memory_space<hbm>>) target(%arg7 : memref<56x96xi32, #tpu.memory_space<vmem>>) target_semaphore(%run_scoped3A : memref<!tpu.dma_semaphore, #tpu.memory_space<semaphore_mem>>)
      %dma_wait3A = arith.constant 56 : i32
      %dma_wait3A_52 = arith.constant 0 : i32
      %dma_wait3A_53 = tpu.memref_slice %arg3[%add3A, %dma_wait3A, %dma_wait3A_52] : memref<32x112x96xi32, #tpu.memory_space<hbm>> -> memref<1x56x96xi32, #tpu.memory_space<hbm>>
      %dma_wait3A_54 = tpu.memref_squeeze %dma_wait3A_53 : memref<1x56x96xi32, #tpu.memory_space<hbm>> -> memref<56x96xi32, #tpu.memory_space<hbm>>
      %dma_wait3A_55 = arith.constant 56 : i32
      %dma_wait3A_56 = arith.constant 0 : i32
      %dma_wait3A_57 = tpu.memref_slice %arg3[%add3A, %dma_wait3A_55, %dma_wait3A_56] : memref<32x112x96xi32, #tpu.memory_space<hbm>> -> memref<1x56x96xi32, #tpu.memory_space<hbm>>
      %dma_wait3A_58 = tpu.memref_squeeze %dma_wait3A_57 : memref<1x56x96xi32, #tpu.memory_space<hbm>> -> memref<56x96xi32, #tpu.memory_space<hbm>>
      tpu.wait_dma2 semaphore(%run_scoped3A : memref<!tpu.dma_semaphore, #tpu.memory_space<semaphore_mem>>) src(%dma_wait3A_58 : memref<56x96xi32, #tpu.memory_space<hbm>>) dst(%arg7 : memref<56x96xi32, #tpu.memory_space<vmem>>)
      tpu.yield
    }) : () -> ()
    "tpu.region"() ({
      %run_scoped3A = tpu.sem_alloc : memref<!tpu.dma_semaphore, #tpu.memory_space<semaphore_mem>>
      %dma_start3A_44 = arith.constant 56 : i32
      %dma_start3A_45 = arith.constant 0 : i32
      %dma_start3A_46 = tpu.memref_slice %arg4[%add3A, %dma_start3A_44, %dma_start3A_45] : memref<32x112x96xi32, #tpu.memory_space<hbm>> -> memref<1x56x96xi32, #tpu.memory_space<hbm>>
      %dma_start3A_47 = tpu.memref_squeeze %dma_start3A_46 : memref<1x56x96xi32, #tpu.memory_space<hbm>> -> memref<56x96xi32, #tpu.memory_space<hbm>>
      %dma_start3A_48 = arith.constant 56 : i32
      %dma_start3A_49 = arith.constant 0 : i32
      %dma_start3A_50 = tpu.memref_slice %arg4[%add3A, %dma_start3A_48, %dma_start3A_49] : memref<32x112x96xi32, #tpu.memory_space<hbm>> -> memref<1x56x96xi32, #tpu.memory_space<hbm>>
      %dma_start3A_51 = tpu.memref_squeeze %dma_start3A_50 : memref<1x56x96xi32, #tpu.memory_space<hbm>> -> memref<56x96xi32, #tpu.memory_space<hbm>>
      tpu.enqueue_dma source(%dma_start3A_51 : memref<56x96xi32, #tpu.memory_space<hbm>>) target(%arg8 : memref<56x96xi32, #tpu.memory_space<vmem>>) target_semaphore(%run_scoped3A : memref<!tpu.dma_semaphore, #tpu.memory_space<semaphore_mem>>)
      %dma_wait3A = arith.constant 56 : i32
      %dma_wait3A_52 = arith.constant 0 : i32
      %dma_wait3A_53 = tpu.memref_slice %arg4[%add3A, %dma_wait3A, %dma_wait3A_52] : memref<32x112x96xi32, #tpu.memory_space<hbm>> -> memref<1x56x96xi32, #tpu.memory_space<hbm>>
      %dma_wait3A_54 = tpu.memref_squeeze %dma_wait3A_53 : memref<1x56x96xi32, #tpu.memory_space<hbm>> -> memref<56x96xi32, #tpu.memory_space<hbm>>
      %dma_wait3A_55 = arith.constant 56 : i32
      %dma_wait3A_56 = arith.constant 0 : i32
      %dma_wait3A_57 = tpu.memref_slice %arg4[%add3A, %dma_wait3A_55, %dma_wait3A_56] : memref<32x112x96xi32, #tpu.memory_space<hbm>> -> memref<1x56x96xi32, #tpu.memory_space<hbm>>
      %dma_wait3A_58 = tpu.memref_squeeze %dma_wait3A_57 : memref<1x56x96xi32, #tpu.memory_space<hbm>> -> memref<56x96xi32, #tpu.memory_space<hbm>>
      tpu.wait_dma2 semaphore(%run_scoped3A : memref<!tpu.dma_semaphore, #tpu.memory_space<semaphore_mem>>) src(%dma_wait3A_58 : memref<56x96xi32, #tpu.memory_space<hbm>>) dst(%arg8 : memref<56x96xi32, #tpu.memory_space<vmem>>)
      tpu.yield
    }) : () -> ()
    %dma_start3A_20 = arith.constant 0 : i32
    %dma_start3A_21 = arith.constant 0 : i32
    %dma_start3A_22 = tpu.memref_slice %arg7[%dma_start3A_20, %dma_start3A_21] : memref<56x96xi32, #tpu.memory_space<vmem>> -> memref<1x96xi32, #tpu.memory_space<vmem>>
    %dma_start3A_23 = tpu.memref_squeeze %dma_start3A_22 : memref<1x96xi32, #tpu.memory_space<vmem>> -> memref<96xi32, #tpu.memory_space<vmem>>
    %dma_start3A_24 = arith.constant 0 : i32
    %dma_start3A_25 = arith.constant 0 : i32
    %dma_start3A_26 = tpu.memref_slice %arg2[%dma_start3A_24, %dma_start3A_25] : memref<10240x128xf32, #tpu.memory_space<hbm>> -> memref<10240x128xf32, #tpu.memory_space<hbm>>
    tpu.enqueue_indirect_dma source(%dma_start3A_26 : memref<10240x128xf32, #tpu.memory_space<hbm>>) target(%arg9 : memref<96x128xf32, #tpu.memory_space<vmem>>) offsets(%dma_start3A_23 : memref<96xi32, #tpu.memory_space<vmem>>) semaphore(%arg11 : memref<!tpu.dma_semaphore, #tpu.memory_space<semaphore_mem>>)
    %dma_start3A_27 = arith.constant 1 : i32
    %dma_start3A_28 = arith.constant 0 : i32
    %dma_start3A_29 = tpu.memref_slice %arg7[%dma_start3A_27, %dma_start3A_28] : memref<56x96xi32, #tpu.memory_space<vmem>> -> memref<1x96xi32, #tpu.memory_space<vmem>>
    %dma_start3A_30 = tpu.memref_squeeze %dma_start3A_29 : memref<1x96xi32, #tpu.memory_space<vmem>> -> memref<96xi32, #tpu.memory_space<vmem>>
    %dma_start3A_31 = arith.constant 0 : i32
    %dma_start3A_32 = arith.constant 0 : i32
    %dma_start3A_33 = tpu.memref_slice %arg2[%dma_start3A_31, %dma_start3A_32] : memref<10240x128xf32, #tpu.memory_space<hbm>> -> memref<10240x128xf32, #tpu.memory_space<hbm>>
    tpu.enqueue_indirect_dma source(%dma_start3A_33 : memref<10240x128xf32, #tpu.memory_space<hbm>>) target(%arg10 : memref<96x128xf32, #tpu.memory_space<vmem>>) offsets(%dma_start3A_30 : memref<96xi32, #tpu.memory_space<vmem>>) semaphore(%arg12 : memref<!tpu.dma_semaphore, #tpu.memory_space<semaphore_mem>>)
    %scan3A_34 = arith.constant 0 : i32
    %scan3A_35 = arith.constant 28 : i32
    %scan3A_36 = arith.addi %scan3A_34, %scan3A_35 : i32
    %scan3A_37 = arith.constant 1 : i32
    scf.for %scan3A_44 = %scan3A_34 to %scan3A_36 step %scan3A_37  : i32 {
      %mul3A_45 = arith.constant 2 : i32
      %mul3A_46 = arith.muli %scan3A_44, %mul3A_45 : i32
      %add3A_47 = arith.constant 0 : i32
      %add3A_48 = arith.addi %add3A_47, %mul3A_46 : i32
      %add3A_49 = arith.constant 0 : i32
      %add3A_50 = arith.addi %add3A_48, %add3A_49 : i32
      %dma_wait3A = arith.constant 0 : i32
      %dma_wait3A_51 = tpu.memref_slice %arg7[%add3A_50, %dma_wait3A] : memref<56x96xi32, #tpu.memory_space<vmem>> -> memref<1x96xi32, #tpu.memory_space<vmem>>
      %dma_wait3A_52 = tpu.memref_squeeze %dma_wait3A_51 : memref<1x96xi32, #tpu.memory_space<vmem>> -> memref<96xi32, #tpu.memory_space<vmem>>
      %dma_wait3A_53 = arith.constant 0 : i32
      %dma_wait3A_54 = arith.constant 0 : i32
      %dma_wait3A_55 = tpu.memref_slice %arg2[%dma_wait3A_53, %dma_wait3A_54] : memref<10240x128xf32, #tpu.memory_space<hbm>> -> memref<10240x128xf32, #tpu.memory_space<hbm>>
      tpu.wait_indirect_dma semaphore(%arg11 : memref<!tpu.dma_semaphore, #tpu.memory_space<semaphore_mem>>) src(%dma_wait3A_55 : memref<10240x128xf32, #tpu.memory_space<hbm>>) dst(%arg9 : memref<96x128xf32, #tpu.memory_space<vmem>>)
      %add3A_56 = arith.constant 0 : i32
      %add3A_57 = arith.addi %add3A_48, %add3A_56 : i32
      "tpu.region"() ({
        %run_scoped3A = tpu.sem_alloc : memref<!tpu.dma_semaphore, #tpu.memory_space<semaphore_mem>>
        %dma_start3A_83 = arith.constant 0 : i32
        %dma_start3A_84 = tpu.memref_slice %arg8[%add3A_57, %dma_start3A_83] : memref<56x96xi32, #tpu.memory_space<vmem>> -> memref<1x96xi32, #tpu.memory_space<vmem>>
        %dma_start3A_85 = tpu.memref_squeeze %dma_start3A_84 : memref<1x96xi32, #tpu.memory_space<vmem>> -> memref<96xi32, #tpu.memory_space<vmem>>
        %dma_start3A_86 = arith.constant 0 : i32
        %dma_start3A_87 = arith.constant 0 : i32
        %dma_start3A_88 = tpu.memref_slice %arg13[%dma_start3A_86, %dma_start3A_87] : memref<10240x128xf32, #tpu.memory_space<vmem_shared>> -> memref<10240x128xf32, #tpu.memory_space<vmem_shared>>
        tpu.enqueue_indirect_dma source(%arg9 : memref<96x128xf32, #tpu.memory_space<vmem>>) target(%dma_start3A_88 : memref<10240x128xf32, #tpu.memory_space<vmem_shared>>) offsets(%dma_start3A_85 : memref<96xi32, #tpu.memory_space<vmem>>) semaphore(%run_scoped3A : memref<!tpu.dma_semaphore, #tpu.memory_space<semaphore_mem>>) {add = true}
        %dma_wait3A_89 = arith.constant 0 : i32
        %dma_wait3A_90 = tpu.memref_slice %arg8[%add3A_57, %dma_wait3A_89] : memref<56x96xi32, #tpu.memory_space<vmem>> -> memref<1x96xi32, #tpu.memory_space<vmem>>
        %dma_wait3A_91 = tpu.memref_squeeze %dma_wait3A_90 : memref<1x96xi32, #tpu.memory_space<vmem>> -> memref<96xi32, #tpu.memory_space<vmem>>
        %dma_wait3A_92 = arith.constant 0 : i32
        %dma_wait3A_93 = arith.constant 0 : i32
        %dma_wait3A_94 = tpu.memref_slice %arg13[%dma_wait3A_92, %dma_wait3A_93] : memref<10240x128xf32, #tpu.memory_space<vmem_shared>> -> memref<10240x128xf32, #tpu.memory_space<vmem_shared>>
        tpu.wait_indirect_dma semaphore(%run_scoped3A : memref<!tpu.dma_semaphore, #tpu.memory_space<semaphore_mem>>) src(%arg9 : memref<96x128xf32, #tpu.memory_space<vmem>>) dst(%dma_wait3A_94 : memref<10240x128xf32, #tpu.memory_space<vmem_shared>>)
        tpu.yield
      }) : () -> ()
      %add3A_58 = arith.constant 2 : i32
      %add3A_59 = arith.addi %add3A_48, %add3A_58 : i32
      %add3A_60 = arith.constant 0 : i32
      %add3A_61 = arith.addi %add3A_59, %add3A_60 : i32
      %lt3A = arith.constant 56 : i32
      %lt3A_62 = arith.cmpi slt, %add3A_61, %lt3A : i32
      %convert_element_type3A = arith.extui %lt3A_62 : i1 to i32
      %cond3A = arith.constant 0 : i32
      %cond3A_63 = arith.cmpi ne, %convert_element_type3A, %cond3A : i32
      scf.if %cond3A_63 {
        %add3A_83 = arith.constant 2 : i32
        %add3A_84 = arith.addi %add3A_48, %add3A_83 : i32
        %add3A_85 = arith.constant 0 : i32
        %add3A_86 = arith.addi %add3A_84, %add3A_85 : i32
        %dma_start3A_87 = arith.constant 0 : i32
        %dma_start3A_88 = tpu.memref_slice %arg7[%add3A_86, %dma_start3A_87] : memref<56x96xi32, #tpu.memory_space<vmem>> -> memref<1x96xi32, #tpu.memory_space<vmem>>
        %dma_start3A_89 = tpu.memref_squeeze %dma_start3A_88 : memref<1x96xi32, #tpu.memory_space<vmem>> -> memref<96xi32, #tpu.memory_space<vmem>>
        %dma_start3A_90 = arith.constant 0 : i32
        %dma_start3A_91 = arith.constant 0 : i32
        %dma_start3A_92 = tpu.memref_slice %arg2[%dma_start3A_90, %dma_start3A_91] : memref<10240x128xf32, #tpu.memory_space<hbm>> -> memref<10240x128xf32, #tpu.memory_space<hbm>>
        tpu.enqueue_indirect_dma source(%dma_start3A_92 : memref<10240x128xf32, #tpu.memory_space<hbm>>) target(%arg9 : memref<96x128xf32, #tpu.memory_space<vmem>>) offsets(%dma_start3A_89 : memref<96xi32, #tpu.memory_space<vmem>>) semaphore(%arg11 : memref<!tpu.dma_semaphore, #tpu.memory_space<semaphore_mem>>)
      } else {
      }
      %add3A_64 = arith.constant 1 : i32
      %add3A_65 = arith.addi %add3A_48, %add3A_64 : i32
      %dma_wait3A_66 = arith.constant 0 : i32
      %dma_wait3A_67 = tpu.memref_slice %arg7[%add3A_65, %dma_wait3A_66] : memref<56x96xi32, #tpu.memory_space<vmem>> -> memref<1x96xi32, #tpu.memory_space<vmem>>
      %dma_wait3A_68 = tpu.memref_squeeze %dma_wait3A_67 : memref<1x96xi32, #tpu.memory_space<vmem>> -> memref<96xi32, #tpu.memory_space<vmem>>
      %dma_wait3A_69 = arith.constant 0 : i32
      %dma_wait3A_70 = arith.constant 0 : i32
      %dma_wait3A_71 = tpu.memref_slice %arg2[%dma_wait3A_69, %dma_wait3A_70] : memref<10240x128xf32, #tpu.memory_space<hbm>> -> memref<10240x128xf32, #tpu.memory_space<hbm>>
      tpu.wait_indirect_dma semaphore(%arg12 : memref<!tpu.dma_semaphore, #tpu.memory_space<semaphore_mem>>) src(%dma_wait3A_71 : memref<10240x128xf32, #tpu.memory_space<hbm>>) dst(%arg10 : memref<96x128xf32, #tpu.memory_space<vmem>>)
      %add3A_72 = arith.constant 1 : i32
      %add3A_73 = arith.addi %add3A_48, %add3A_72 : i32
      "tpu.region"() ({
        %run_scoped3A = tpu.sem_alloc : memref<!tpu.dma_semaphore, #tpu.memory_space<semaphore_mem>>
        %dma_start3A_83 = arith.constant 0 : i32
        %dma_start3A_84 = tpu.memref_slice %arg8[%add3A_73, %dma_start3A_83] : memref<56x96xi32, #tpu.memory_space<vmem>> -> memref<1x96xi32, #tpu.memory_space<vmem>>
        %dma_start3A_85 = tpu.memref_squeeze %dma_start3A_84 : memref<1x96xi32, #tpu.memory_space<vmem>> -> memref<96xi32, #tpu.memory_space<vmem>>
        %dma_start3A_86 = arith.constant 0 : i32
        %dma_start3A_87 = arith.constant 0 : i32
        %dma_start3A_88 = tpu.memref_slice %arg13[%dma_start3A_86, %dma_start3A_87] : memref<10240x128xf32, #tpu.memory_space<vmem_shared>> -> memref<10240x128xf32, #tpu.memory_space<vmem_shared>>
        tpu.enqueue_indirect_dma source(%arg10 : memref<96x128xf32, #tpu.memory_space<vmem>>) target(%dma_start3A_88 : memref<10240x128xf32, #tpu.memory_space<vmem_shared>>) offsets(%dma_start3A_85 : memref<96xi32, #tpu.memory_space<vmem>>) semaphore(%run_scoped3A : memref<!tpu.dma_semaphore, #tpu.memory_space<semaphore_mem>>) {add = true}
        %dma_wait3A_89 = arith.constant 0 : i32
        %dma_wait3A_90 = tpu.memref_slice %arg8[%add3A_73, %dma_wait3A_89] : memref<56x96xi32, #tpu.memory_space<vmem>> -> memref<1x96xi32, #tpu.memory_space<vmem>>
        %dma_wait3A_91 = tpu.memref_squeeze %dma_wait3A_90 : memref<1x96xi32, #tpu.memory_space<vmem>> -> memref<96xi32, #tpu.memory_space<vmem>>
        %dma_wait3A_92 = arith.constant 0 : i32
        %dma_wait3A_93 = arith.constant 0 : i32
        %dma_wait3A_94 = tpu.memref_slice %arg13[%dma_wait3A_92, %dma_wait3A_93] : memref<10240x128xf32, #tpu.memory_space<vmem_shared>> -> memref<10240x128xf32, #tpu.memory_space<vmem_shared>>
        tpu.wait_indirect_dma semaphore(%run_scoped3A : memref<!tpu.dma_semaphore, #tpu.memory_space<semaphore_mem>>) src(%arg10 : memref<96x128xf32, #tpu.memory_space<vmem>>) dst(%dma_wait3A_94 : memref<10240x128xf32, #tpu.memory_space<vmem_shared>>)
        tpu.yield
      }) : () -> ()
      %add3A_74 = arith.constant 2 : i32
      %add3A_75 = arith.addi %add3A_48, %add3A_74 : i32
      %add3A_76 = arith.constant 1 : i32
      %add3A_77 = arith.addi %add3A_75, %add3A_76 : i32
      %lt3A_78 = arith.constant 56 : i32
      %lt3A_79 = arith.cmpi slt, %add3A_77, %lt3A_78 : i32
      %convert_element_type3A_80 = arith.extui %lt3A_79 : i1 to i32
      %cond3A_81 = arith.constant 0 : i32
      %cond3A_82 = arith.cmpi ne, %convert_element_type3A_80, %cond3A_81 : i32
      scf.if %cond3A_82 {
        %add3A_83 = arith.constant 2 : i32
        %add3A_84 = arith.addi %add3A_48, %add3A_83 : i32
        %add3A_85 = arith.constant 1 : i32
        %add3A_86 = arith.addi %add3A_84, %add3A_85 : i32
        %dma_start3A_87 = arith.constant 0 : i32
        %dma_start3A_88 = tpu.memref_slice %arg7[%add3A_86, %dma_start3A_87] : memref<56x96xi32, #tpu.memory_space<vmem>> -> memref<1x96xi32, #tpu.memory_space<vmem>>
        %dma_start3A_89 = tpu.memref_squeeze %dma_start3A_88 : memref<1x96xi32, #tpu.memory_space<vmem>> -> memref<96xi32, #tpu.memory_space<vmem>>
        %dma_start3A_90 = arith.constant 0 : i32
        %dma_start3A_91 = arith.constant 0 : i32
        %dma_start3A_92 = tpu.memref_slice %arg2[%dma_start3A_90, %dma_start3A_91] : memref<10240x128xf32, #tpu.memory_space<hbm>> -> memref<10240x128xf32, #tpu.memory_space<hbm>>
        tpu.enqueue_indirect_dma source(%dma_start3A_92 : memref<10240x128xf32, #tpu.memory_space<hbm>>) target(%arg10 : memref<96x128xf32, #tpu.memory_space<vmem>>) offsets(%dma_start3A_89 : memref<96xi32, #tpu.memory_space<vmem>>) semaphore(%arg12 : memref<!tpu.dma_semaphore, #tpu.memory_space<semaphore_mem>>)
      } else {
      }
    }
    %scan3A_38 = arith.constant 28 : i32
    %barrier3A_39 = arith.constant 0 : index
    tpu.barrier barrier_id(%barrier3A_39)
    %mul3A_40 = arith.constant 640 : i32
    %mul3A_41 = arith.muli %arg1, %mul3A_40 : i32
    %mul3A_42 = arith.constant 640 : i32
    %mul3A_43 = arith.muli %arg1, %mul3A_42 : i32
    "tpu.region"() ({
      %run_scoped3A = tpu.sem_alloc : memref<!tpu.dma_semaphore, #tpu.memory_space<semaphore_mem>>
      %dma_start3A_44 = arith.constant 0 : i32
      %dma_start3A_45 = tpu.memref_slice %arg6[%arg0, %mul3A_43, %dma_start3A_44] : memref<2x10240x128xf32, #tpu.memory_space<hbm>> -> memref<1x640x128xf32, #tpu.memory_space<hbm>>
      %dma_start3A_46 = tpu.memref_squeeze %dma_start3A_45 : memref<1x640x128xf32, #tpu.memory_space<hbm>> -> memref<640x128xf32, #tpu.memory_space<hbm>>
      %dma_start3A_47 = arith.constant 0 : i32
      %dma_start3A_48 = tpu.memref_slice %arg13[%mul3A_41, %dma_start3A_47] : memref<10240x128xf32, #tpu.memory_space<vmem_shared>> -> memref<640x128xf32, #tpu.memory_space<vmem_shared>>
      tpu.enqueue_dma source(%dma_start3A_48 : memref<640x128xf32, #tpu.memory_space<vmem_shared>>) target(%dma_start3A_46 : memref<640x128xf32, #tpu.memory_space<hbm>>) target_semaphore(%run_scoped3A : memref<!tpu.dma_semaphore, #tpu.memory_space<semaphore_mem>>)
      %dma_wait3A = arith.constant 0 : i32
      %dma_wait3A_49 = tpu.memref_slice %arg6[%arg0, %mul3A_43, %dma_wait3A] : memref<2x10240x128xf32, #tpu.memory_space<hbm>> -> memref<1x640x128xf32, #tpu.memory_space<hbm>>
      %dma_wait3A_50 = tpu.memref_squeeze %dma_wait3A_49 : memref<1x640x128xf32, #tpu.memory_space<hbm>> -> memref<640x128xf32, #tpu.memory_space<hbm>>
      %dma_wait3A_51 = arith.constant 0 : i32
      %dma_wait3A_52 = tpu.memref_slice %arg13[%mul3A_41, %dma_wait3A_51] : memref<10240x128xf32, #tpu.memory_space<vmem_shared>> -> memref<640x128xf32, #tpu.memory_space<vmem_shared>>
      tpu.wait_dma2 semaphore(%run_scoped3A : memref<!tpu.dma_semaphore, #tpu.memory_space<semaphore_mem>>) src(%dma_wait3A_52 : memref<640x128xf32, #tpu.memory_space<vmem_shared>>) dst(%dma_wait3A_50 : memref<640x128xf32, #tpu.memory_space<hbm>>)
      tpu.yield
    }) : () -> ()
    return
  }
}

module attributes {stable_mosaic.version = 14 : i64} {
  func.func @_k1_body(%arg0: i32, %arg1: memref<1024x128xf32, #tpu.memory_space<vmem>>, %arg2: memref<2x1024x128xf32, #tpu.memory_space<vmem>>, %arg3: memref<1024x1xf32, #tpu.memory_space<vmem>>, %arg4: memref<1024x128xf32, #tpu.memory_space<vmem>>) attributes {dimension_semantics = [#tpu.dimension_semantics<arbitrary>], iteration_bounds = array<i64: 10>, scalar_prefetch = 0 : i64, scratch_operands = 0 : i64, tpu.core_type = #tpu.core_type<tc>, window_params = [{transform_indices = @transform_0, window_bounds = array<i64: 1024, 128>}, {transform_indices = @transform_1, window_bounds = array<i64: 2, 1024, 128>}, {transform_indices = @transform_2, window_bounds = array<i64: 1024, 1>}, {transform_indices = @transform_3, window_bounds = array<i64: 1024, 128>}]} {
    %get3A = arith.constant 0 : index
    %get3A_0 = arith.constant 0 : index
    %get3A_1 = arith.constant 0 : index
    %get3A_2 = vector.load %arg2[%get3A, %get3A_0, %get3A_1] : memref<2x1024x128xf32, #tpu.memory_space<vmem>>, vector<1x1024x1xf32>
    %get3A_3 = vector.shape_cast %get3A_2 : vector<1x1024x1xf32> to vector<1024x1xf32>
    %get3A_4 = arith.constant 1 : index
    %get3A_5 = arith.constant 0 : index
    %get3A_6 = arith.constant 0 : index
    %get3A_7 = vector.load %arg2[%get3A_4, %get3A_5, %get3A_6] : memref<2x1024x128xf32, #tpu.memory_space<vmem>>, vector<1x1024x1xf32>
    %get3A_8 = vector.shape_cast %get3A_7 : vector<1x1024x1xf32> to vector<1024x1xf32>
    %add3A = arith.addf %get3A_3, %get3A_8 : vector<1024x1xf32>
    %gt3A = arith.constant 0.000000e+00 : f32
    %gt3A_9 = vector.broadcast %gt3A : f32 to vector<1024x1xf32>
    %gt3A_10 = arith.cmpf ogt, %add3A, %gt3A_9 : vector<1024x1xf32>
    %rsqrt3A = math.rsqrt %add3A : vector<1024x1xf32>
    %jit3A = arith.constant 0.000000e+00 : f32
    %broadcast_in_dim3A = vector.broadcast %jit3A : f32 to vector<1024x1xf32>
    %select_n3A = arith.select %gt3A_10, %rsqrt3A, %broadcast_in_dim3A : vector<1024x1xi1>, vector<1024x1xf32>
    %swap3A = arith.constant 0 : index
    %swap3A_11 = arith.constant 0 : index
    %swap3A_12 = vector.load %arg3[%swap3A, %swap3A_11] : memref<1024x1xf32, #tpu.memory_space<vmem>>, vector<1024x1xf32>
    tpu.vector_store %arg3[%swap3A, %swap3A_11], %select_n3A {strides = array<i32>} : memref<1024x1xf32, #tpu.memory_space<vmem>>, vector<1024x1xf32>,
    %get3A_13 = arith.constant 0 : index
    %get3A_14 = arith.constant 0 : index
    %get3A_15 = vector.load %arg1[%get3A_13, %get3A_14] : memref<1024x128xf32, #tpu.memory_space<vmem>>, vector<1024x128xf32>
    %mul3A = vector.broadcast %select_n3A : vector<1024x1xf32> to vector<1024x128xf32>
    %mul3A_16 = arith.mulf %get3A_15, %mul3A : vector<1024x128xf32>
    %swap3A_17 = arith.constant 0 : index
    %swap3A_18 = arith.constant 0 : index
    %swap3A_19 = vector.load %arg4[%swap3A_17, %swap3A_18] : memref<1024x128xf32, #tpu.memory_space<vmem>>, vector<1024x128xf32>
    tpu.vector_store %arg4[%swap3A_17, %swap3A_18], %mul3A_16 {strides = array<i32>} : memref<1024x128xf32, #tpu.memory_space<vmem>>, vector<1024x128xf32>,
    return
  }
  func.func @transform_0(%arg0: i32) -> (i32, i32) {
    %c0_i32 = arith.constant 0 : i32
    %c0_i32_0 = arith.constant 0 : i32
    return %arg0, %c0_i32 : i32, i32
  }
  func.func @transform_1(%arg0: i32) -> (i32, i32, i32) {
    %c0_i32 = arith.constant 0 : i32
    %c0_i32_0 = arith.constant 0 : i32
    %c0_i32_1 = arith.constant 0 : i32
    return %c0_i32, %arg0, %c0_i32_0 : i32, i32, i32
  }
  func.func @transform_2(%arg0: i32) -> (i32, i32) {
    %c0_i32 = arith.constant 0 : i32
    %c0_i32_0 = arith.constant 0 : i32
    return %arg0, %c0_i32 : i32, i32
  }
  func.func @transform_3(%arg0: i32) -> (i32, i32) {
    %c0_i32 = arith.constant 0 : i32
    %c0_i32_0 = arith.constant 0 : i32
    return %arg0, %c0_i32 : i32, i32
  }
}

module attributes {stable_mosaic.version = 14 : i64} {
  func.func @_k2_body(%arg0: i32, %arg1: memref<2x1024x128xf32, #tpu.memory_space<vmem>>, %arg2: memref<1024x1xf32, #tpu.memory_space<vmem>>, %arg3: memref<1x256xf32, #tpu.memory_space<vmem>>, %arg4: memref<128x256xf32, #tpu.memory_space<vmem>>, %arg5: memref<256x256xf32, #tpu.memory_space<vmem>>, %arg6: memref<2x1024x128xf32, #tpu.memory_space<vmem>>) attributes {dimension_semantics = [#tpu.dimension_semantics<arbitrary>], iteration_bounds = array<i64: 10>, scalar_prefetch = 0 : i64, scratch_operands = 0 : i64, tpu.core_type = #tpu.core_type<tc>, window_params = [{transform_indices = @transform_0, window_bounds = array<i64: 2, 1024, 128>}, {transform_indices = @transform_1, window_bounds = array<i64: 1024, 1>}, {pipeline_mode = #tpu.pipeline_mode<synchronous>, transform_indices = @transform_2, window_bounds = array<i64: 1, 256>}, {pipeline_mode = #tpu.pipeline_mode<synchronous>, transform_indices = @transform_3, window_bounds = array<i64: 128, 256>}, {pipeline_mode = #tpu.pipeline_mode<synchronous>, transform_indices = @transform_4, window_bounds = array<i64: 256, 256>}, {transform_indices = @transform_5, window_bounds = array<i64: 2, 1024, 128>}]} {
    %get3A = arith.constant 0 : index
    %get3A_0 = arith.constant 0 : index
    %get3A_1 = vector.load %arg2[%get3A, %get3A_0] : memref<1024x1xf32, #tpu.memory_space<vmem>>, vector<1024x1xf32>
    %get3A_2 = arith.constant 0 : index
    %get3A_3 = arith.constant 0 : index
    %get3A_4 = arith.constant 0 : index
    %get3A_5 = vector.load %arg1[%get3A_2, %get3A_3, %get3A_4] : memref<2x1024x128xf32, #tpu.memory_space<vmem>>, vector<1x1024x128xf32>
    %get3A_6 = vector.shape_cast %get3A_5 : vector<1x1024x128xf32> to vector<1024x128xf32>
    %get3A_7 = arith.constant 1 : index
    %get3A_8 = arith.constant 0 : index
    %get3A_9 = arith.constant 0 : index
    %get3A_10 = vector.load %arg1[%get3A_7, %get3A_8, %get3A_9] : memref<2x1024x128xf32, #tpu.memory_space<vmem>>, vector<1x1024x128xf32>
    %get3A_11 = vector.shape_cast %get3A_10 : vector<1x1024x128xf32> to vector<1024x128xf32>
    %add3A = arith.addf %get3A_6, %get3A_11 : vector<1024x128xf32>
    %get3A_12 = arith.constant 0 : index
    %get3A_13 = arith.constant 0 : index
    %get3A_14 = vector.load %arg4[%get3A_12, %get3A_13] : memref<128x256xf32, #tpu.memory_space<vmem>>, vector<128x256xf32>
    %dot_general3A = arith.constant dense<0.000000e+00> : vector<1024x256xf32>
    %dot_general3A_15 = tpu.matmul %add3A, %get3A_14, %dot_general3A {dimension_numbers = #tpu.dot_dimension_numbers<[1], [0], [0], [1], [0, 0, 1, 1], [], []>, precision = #tpu.contract_precision<fp32>, transpose_lhs_hint = false} : vector<1024x128xf32>, vector<128x256xf32>, vector<1024x256xf32> -> vector<1024x256xf32>
    %mul3A = vector.broadcast %get3A_1 : vector<1024x1xf32> to vector<1024x256xf32>
    %mul3A_16 = arith.mulf %dot_general3A_15, %mul3A : vector<1024x256xf32>
    %get3A_17 = arith.constant 0 : index
    %get3A_18 = arith.constant 0 : index
    %get3A_19 = vector.load %arg3[%get3A_17, %get3A_18] : memref<1x256xf32, #tpu.memory_space<vmem>>, vector<1x256xf32>
    %add3A_20 = vector.broadcast %get3A_19 : vector<1x256xf32> to vector<1024x256xf32>
    %add3A_21 = arith.addf %mul3A_16, %add3A_20 : vector<1024x256xf32>
    %max3A = arith.constant 0.000000e+00 : f32
    %max3A_22 = vector.broadcast %max3A : f32 to vector<1024x256xf32>
    %max3A_23 = arith.maximumf %add3A_21, %max3A_22 : vector<1024x256xf32>
    %slice3A = vector.extract_strided_slice %max3A_23 {offsets = [0, 0], sizes = [1024, 128], strides = [1, 1]} : vector<1024x256xf32> to vector<1024x128xf32>
    %get3A_24 = arith.constant 0 : index
    %get3A_25 = arith.constant 0 : index
    %get3A_26 = vector.load %arg5[%get3A_24, %get3A_25] : memref<256x256xf32, #tpu.memory_space<vmem>>, vector<128x256xf32>
    %dot_general3A_27 = arith.constant dense<0.000000e+00> : vector<1024x256xf32>
    %dot_general3A_28 = tpu.matmul %slice3A, %get3A_26, %dot_general3A_27 {dimension_numbers = #tpu.dot_dimension_numbers<[1], [0], [0], [1], [0, 0, 1, 1], [], []>, precision = #tpu.contract_precision<fp32>, transpose_lhs_hint = false} : vector<1024x128xf32>, vector<128x256xf32>, vector<1024x256xf32> -> vector<1024x256xf32>
    %slice3A_29 = vector.extract_strided_slice %max3A_23 {offsets = [0, 128], sizes = [1024, 128], strides = [1, 1]} : vector<1024x256xf32> to vector<1024x128xf32>
    %get3A_30 = arith.constant 128 : index
    %get3A_31 = arith.constant 0 : index
    %get3A_32 = vector.load %arg5[%get3A_30, %get3A_31] : memref<256x256xf32, #tpu.memory_space<vmem>>, vector<128x256xf32>
    %dot_general3A_33 = arith.constant dense<0.000000e+00> : vector<1024x256xf32>
    %dot_general3A_34 = tpu.matmul %slice3A_29, %get3A_32, %dot_general3A_33 {dimension_numbers = #tpu.dot_dimension_numbers<[1], [0], [0], [1], [0, 0, 1, 1], [], []>, precision = #tpu.contract_precision<fp32>, transpose_lhs_hint = false} : vector<1024x128xf32>, vector<128x256xf32>, vector<1024x256xf32> -> vector<1024x256xf32>
    %add3A_35 = arith.addf %dot_general3A_28, %dot_general3A_34 : vector<1024x256xf32>
    %mul3A_36 = vector.broadcast %get3A_1 : vector<1024x1xf32> to vector<1024x256xf32>
    %mul3A_37 = arith.mulf %add3A_35, %mul3A_36 : vector<1024x256xf32>
    %slice3A_38 = vector.extract_strided_slice %mul3A_37 {offsets = [0, 0], sizes = [1024, 128], strides = [1, 1]} : vector<1024x256xf32> to vector<1024x128xf32>
    %swap3A = arith.constant 0 : index
    %swap3A_39 = arith.constant 0 : index
    %swap3A_40 = arith.constant 0 : index
    %swap3A_41 = vector.load %arg6[%swap3A, %swap3A_39, %swap3A_40] : memref<2x1024x128xf32, #tpu.memory_space<vmem>>, vector<1x1024x128xf32>
    %swap3A_42 = vector.shape_cast %swap3A_41 : vector<1x1024x128xf32> to vector<1024x128xf32>
    %swap3A_43 = vector.shape_cast %slice3A_38 : vector<1024x128xf32> to vector<1x1024x128xf32>
    tpu.vector_store %arg6[%swap3A, %swap3A_39, %swap3A_40], %swap3A_43 {strides = array<i32>} : memref<2x1024x128xf32, #tpu.memory_space<vmem>>, vector<1x1024x128xf32>,
    %slice3A_44 = vector.extract_strided_slice %mul3A_37 {offsets = [0, 128], sizes = [1024, 128], strides = [1, 1]} : vector<1024x256xf32> to vector<1024x128xf32>
    %swap3A_45 = arith.constant 1 : index
    %swap3A_46 = arith.constant 0 : index
    %swap3A_47 = arith.constant 0 : index
    %swap3A_48 = vector.load %arg6[%swap3A_45, %swap3A_46, %swap3A_47] : memref<2x1024x128xf32, #tpu.memory_space<vmem>>, vector<1x1024x128xf32>
    %swap3A_49 = vector.shape_cast %swap3A_48 : vector<1x1024x128xf32> to vector<1024x128xf32>
    %swap3A_50 = vector.shape_cast %slice3A_44 : vector<1024x128xf32> to vector<1x1024x128xf32>
    tpu.vector_store %arg6[%swap3A_45, %swap3A_46, %swap3A_47], %swap3A_50 {strides = array<i32>} : memref<2x1024x128xf32, #tpu.memory_space<vmem>>, vector<1x1024x128xf32>,
    return
  }
  func.func @transform_0(%arg0: i32) -> (i32, i32, i32) {
    %c0_i32 = arith.constant 0 : i32
    %c0_i32_0 = arith.constant 0 : i32
    %c0_i32_1 = arith.constant 0 : i32
    return %c0_i32, %arg0, %c0_i32_0 : i32, i32, i32
  }
  func.func @transform_1(%arg0: i32) -> (i32, i32) {
    %c0_i32 = arith.constant 0 : i32
    %c0_i32_0 = arith.constant 0 : i32
    return %arg0, %c0_i32 : i32, i32
  }
  func.func @transform_2(%arg0: i32) -> (i32, i32) {
    %c0_i32 = arith.constant 0 : i32
    %c0_i32_0 = arith.constant 0 : i32
    %c0_i32_1 = arith.constant 0 : i32
    return %c0_i32, %c0_i32_0 : i32, i32
  }
  func.func @transform_3(%arg0: i32) -> (i32, i32) {
    %c0_i32 = arith.constant 0 : i32
    %c0_i32_0 = arith.constant 0 : i32
    %c0_i32_1 = arith.constant 0 : i32
    return %c0_i32, %c0_i32_0 : i32, i32
  }
  func.func @transform_4(%arg0: i32) -> (i32, i32) {
    %c0_i32 = arith.constant 0 : i32
    %c0_i32_0 = arith.constant 0 : i32
    %c0_i32_1 = arith.constant 0 : i32
    return %c0_i32, %c0_i32_0 : i32, i32
  }
  func.func @transform_5(%arg0: i32) -> (i32, i32, i32) {
    %c0_i32 = arith.constant 0 : i32
    %c0_i32_0 = arith.constant 0 : i32
    %c0_i32_1 = arith.constant 0 : i32
    return %c0_i32, %arg0, %c0_i32_0 : i32, i32, i32
  }
}

module attributes {stable_mosaic.version = 14 : i64} {
  func.func @body(%arg0: i32, %arg1: memref<2x1024x128xf32, #tpu.memory_space<vmem>>, %arg2: memref<1024x1xf32, #tpu.memory_space<vmem>>, %arg3: memref<1x256xf32, #tpu.memory_space<vmem>>, %arg4: memref<256x128xf32, #tpu.memory_space<vmem>>, %arg5: memref<1024x128xf32, #tpu.memory_space<vmem>>) attributes {dimension_semantics = [#tpu.dimension_semantics<arbitrary>], iteration_bounds = array<i64: 10>, scalar_prefetch = 0 : i64, scratch_operands = 0 : i64, tpu.core_type = #tpu.core_type<tc>, window_params = [{transform_indices = @transform_0, window_bounds = array<i64: 2, 1024, 128>}, {transform_indices = @transform_1, window_bounds = array<i64: 1024, 1>}, {pipeline_mode = #tpu.pipeline_mode<synchronous>, transform_indices = @transform_2, window_bounds = array<i64: 1, 256>}, {pipeline_mode = #tpu.pipeline_mode<synchronous>, transform_indices = @transform_3, window_bounds = array<i64: 256, 128>}, {transform_indices = @transform_4, window_bounds = array<i64: 1024, 128>}]} {
    %get3A = arith.constant 0 : index
    %get3A_0 = arith.constant 0 : index
    %get3A_1 = vector.load %arg2[%get3A, %get3A_0] : memref<1024x1xf32, #tpu.memory_space<vmem>>, vector<1024x1xf32>
    %get3A_2 = arith.constant 0 : index
    %get3A_3 = arith.constant 0 : index
    %get3A_4 = arith.constant 0 : index
    %get3A_5 = vector.load %arg1[%get3A_2, %get3A_3, %get3A_4] : memref<2x1024x128xf32, #tpu.memory_space<vmem>>, vector<1x1024x128xf32>
    %get3A_6 = vector.shape_cast %get3A_5 : vector<1x1024x128xf32> to vector<1024x128xf32>
    %mul3A = vector.broadcast %get3A_1 : vector<1024x1xf32> to vector<1024x128xf32>
    %mul3A_7 = arith.mulf %get3A_6, %mul3A : vector<1024x128xf32>
    %get3A_8 = arith.constant 0 : index
    %get3A_9 = arith.constant 0 : index
    %get3A_10 = vector.load %arg3[%get3A_8, %get3A_9] : memref<1x256xf32, #tpu.memory_space<vmem>>, vector<1x128xf32>
    %add3A = vector.broadcast %get3A_10 : vector<1x128xf32> to vector<1024x128xf32>
    %add3A_11 = arith.addf %mul3A_7, %add3A : vector<1024x128xf32>
    %max3A = arith.constant 0.000000e+00 : f32
    %max3A_12 = vector.broadcast %max3A : f32 to vector<1024x128xf32>
    %max3A_13 = arith.maximumf %add3A_11, %max3A_12 : vector<1024x128xf32>
    %get3A_14 = arith.constant 1 : index
    %get3A_15 = arith.constant 0 : index
    %get3A_16 = arith.constant 0 : index
    %get3A_17 = vector.load %arg1[%get3A_14, %get3A_15, %get3A_16] : memref<2x1024x128xf32, #tpu.memory_space<vmem>>, vector<1x1024x128xf32>
    %get3A_18 = vector.shape_cast %get3A_17 : vector<1x1024x128xf32> to vector<1024x128xf32>
    %mul3A_19 = vector.broadcast %get3A_1 : vector<1024x1xf32> to vector<1024x128xf32>
    %mul3A_20 = arith.mulf %get3A_18, %mul3A_19 : vector<1024x128xf32>
    %get3A_21 = arith.constant 0 : index
    %get3A_22 = arith.constant 128 : index
    %get3A_23 = vector.load %arg3[%get3A_21, %get3A_22] : memref<1x256xf32, #tpu.memory_space<vmem>>, vector<1x128xf32>
    %add3A_24 = vector.broadcast %get3A_23 : vector<1x128xf32> to vector<1024x128xf32>
    %add3A_25 = arith.addf %mul3A_20, %add3A_24 : vector<1024x128xf32>
    %max3A_26 = arith.constant 0.000000e+00 : f32
    %max3A_27 = vector.broadcast %max3A_26 : f32 to vector<1024x128xf32>
    %max3A_28 = arith.maximumf %add3A_25, %max3A_27 : vector<1024x128xf32>
    %get3A_29 = arith.constant 0 : index
    %get3A_30 = arith.constant 0 : index
    %get3A_31 = vector.load %arg4[%get3A_29, %get3A_30] : memref<256x128xf32, #tpu.memory_space<vmem>>, vector<128x128xf32>
    %dot_general3A = arith.constant dense<0.000000e+00> : vector<1024x128xf32>
    %dot_general3A_32 = tpu.matmul %max3A_13, %get3A_31, %dot_general3A {dimension_numbers = #tpu.dot_dimension_numbers<[1], [0], [0], [1], [0, 0, 1, 1], [], []>, precision = #tpu.contract_precision<fp32>, transpose_lhs_hint = false} : vector<1024x128xf32>, vector<128x128xf32>, vector<1024x128xf32> -> vector<1024x128xf32>
    %get3A_33 = arith.constant 128 : index
    %get3A_34 = arith.constant 0 : index
    %get3A_35 = vector.load %arg4[%get3A_33, %get3A_34] : memref<256x128xf32, #tpu.memory_space<vmem>>, vector<128x128xf32>
    %dot_general3A_36 = arith.constant dense<0.000000e+00> : vector<1024x128xf32>
    %dot_general3A_37 = tpu.matmul %max3A_28, %get3A_35, %dot_general3A_36 {dimension_numbers = #tpu.dot_dimension_numbers<[1], [0], [0], [1], [0, 0, 1, 1], [], []>, precision = #tpu.contract_precision<fp32>, transpose_lhs_hint = false} : vector<1024x128xf32>, vector<128x128xf32>, vector<1024x128xf32> -> vector<1024x128xf32>
    %add3A_38 = arith.addf %dot_general3A_32, %dot_general3A_37 : vector<1024x128xf32>
    %mul3A_39 = vector.broadcast %get3A_1 : vector<1024x1xf32> to vector<1024x128xf32>
    %mul3A_40 = arith.mulf %add3A_38, %mul3A_39 : vector<1024x128xf32>
    %swap3A = arith.constant 0 : index
    %swap3A_41 = arith.constant 0 : index
    %swap3A_42 = vector.load %arg5[%swap3A, %swap3A_41] : memref<1024x128xf32, #tpu.memory_space<vmem>>, vector<1024x128xf32>
    tpu.vector_store %arg5[%swap3A, %swap3A_41], %mul3A_40 {strides = array<i32>} : memref<1024x128xf32, #tpu.memory_space<vmem>>, vector<1024x128xf32>,
    return
  }
  func.func @transform_0(%arg0: i32) -> (i32, i32, i32) {
    %c0_i32 = arith.constant 0 : i32
    %c0_i32_0 = arith.constant 0 : i32
    %c0_i32_1 = arith.constant 0 : i32
    return %c0_i32, %arg0, %c0_i32_0 : i32, i32, i32
  }
  func.func @transform_1(%arg0: i32) -> (i32, i32) {
    %c0_i32 = arith.constant 0 : i32
    %c0_i32_0 = arith.constant 0 : i32
    return %arg0, %c0_i32 : i32, i32
  }
  func.func @transform_2(%arg0: i32) -> (i32, i32) {
    %c0_i32 = arith.constant 0 : i32
    %c0_i32_0 = arith.constant 0 : i32
    %c0_i32_1 = arith.constant 0 : i32
    return %c0_i32, %c0_i32_0 : i32, i32
  }
  func.func @transform_3(%arg0: i32) -> (i32, i32) {
    %c0_i32 = arith.constant 0 : i32
    %c0_i32_0 = arith.constant 0 : i32
    %c0_i32_1 = arith.constant 0 : i32
    return %c0_i32, %c0_i32_0 : i32, i32
  }
  func.func @transform_4(%arg0: i32) -> (i32, i32) {
    %c0_i32 = arith.constant 0 : i32
    %c0_i32_0 = arith.constant 0 : i32
    return %arg0, %c0_i32 : i32, i32
  }
}

module attributes {stable_mosaic.version = 14 : i64} {
  func.func @_k4_body(%arg0: i32, %arg1: memref<2x1024x128xf32, #tpu.memory_space<vmem>>, %arg2: memref<1024x1xf32, #tpu.memory_space<vmem>>, %arg3: memref<1x128xf32, #tpu.memory_space<vmem>>, %arg4: memref<1024x128xf32, #tpu.memory_space<vmem>>) attributes {dimension_semantics = [#tpu.dimension_semantics<arbitrary>], iteration_bounds = array<i64: 10>, scalar_prefetch = 0 : i64, scratch_operands = 0 : i64, tpu.core_type = #tpu.core_type<tc>, window_params = [{transform_indices = @transform_0, window_bounds = array<i64: 2, 1024, 128>}, {transform_indices = @transform_1, window_bounds = array<i64: 1024, 1>}, {pipeline_mode = #tpu.pipeline_mode<synchronous>, transform_indices = @transform_2, window_bounds = array<i64: 1, 128>}, {transform_indices = @transform_3, window_bounds = array<i64: 1024, 128>}]} {
    %get3A = arith.constant 0 : index
    %get3A_0 = arith.constant 0 : index
    %get3A_1 = arith.constant 0 : index
    %get3A_2 = vector.load %arg1[%get3A, %get3A_0, %get3A_1] : memref<2x1024x128xf32, #tpu.memory_space<vmem>>, vector<1x1024x128xf32>
    %get3A_3 = vector.shape_cast %get3A_2 : vector<1x1024x128xf32> to vector<1024x128xf32>
    %get3A_4 = arith.constant 1 : index
    %get3A_5 = arith.constant 0 : index
    %get3A_6 = arith.constant 0 : index
    %get3A_7 = vector.load %arg1[%get3A_4, %get3A_5, %get3A_6] : memref<2x1024x128xf32, #tpu.memory_space<vmem>>, vector<1x1024x128xf32>
    %get3A_8 = vector.shape_cast %get3A_7 : vector<1x1024x128xf32> to vector<1024x128xf32>
    %add3A = arith.addf %get3A_3, %get3A_8 : vector<1024x128xf32>
    %get3A_9 = arith.constant 0 : index
    %get3A_10 = arith.constant 0 : index
    %get3A_11 = vector.load %arg2[%get3A_9, %get3A_10] : memref<1024x1xf32, #tpu.memory_space<vmem>>, vector<1024x1xf32>
    %mul3A = vector.broadcast %get3A_11 : vector<1024x1xf32> to vector<1024x128xf32>
    %mul3A_12 = arith.mulf %add3A, %mul3A : vector<1024x128xf32>
    %get3A_13 = arith.constant 0 : index
    %get3A_14 = arith.constant 0 : index
    %get3A_15 = vector.load %arg3[%get3A_13, %get3A_14] : memref<1x128xf32, #tpu.memory_space<vmem>>, vector<1x128xf32>
    %add3A_16 = vector.broadcast %get3A_15 : vector<1x128xf32> to vector<1024x128xf32>
    %add3A_17 = arith.addf %mul3A_12, %add3A_16 : vector<1024x128xf32>
    %max3A = arith.constant 0.000000e+00 : f32
    %max3A_18 = vector.broadcast %max3A : f32 to vector<1024x128xf32>
    %max3A_19 = arith.maximumf %add3A_17, %max3A_18 : vector<1024x128xf32>
    %swap3A = arith.constant 0 : index
    %swap3A_20 = arith.constant 0 : index
    %swap3A_21 = vector.load %arg4[%swap3A, %swap3A_20] : memref<1024x128xf32, #tpu.memory_space<vmem>>, vector<1024x128xf32>
    tpu.vector_store %arg4[%swap3A, %swap3A_20], %max3A_19 {strides = array<i32>} : memref<1024x128xf32, #tpu.memory_space<vmem>>, vector<1024x128xf32>,
    return
  }
  func.func @transform_0(%arg0: i32) -> (i32, i32, i32) {
    %c0_i32 = arith.constant 0 : i32
    %c0_i32_0 = arith.constant 0 : i32
    %c0_i32_1 = arith.constant 0 : i32
    return %c0_i32, %arg0, %c0_i32_0 : i32, i32, i32
  }
  func.func @transform_1(%arg0: i32) -> (i32, i32) {
    %c0_i32 = arith.constant 0 : i32
    %c0_i32_0 = arith.constant 0 : i32
    return %arg0, %c0_i32 : i32, i32
  }
  func.func @transform_2(%arg0: i32) -> (i32, i32) {
    %c0_i32 = arith.constant 0 : i32
    %c0_i32_0 = arith.constant 0 : i32
    %c0_i32_1 = arith.constant 0 : i32
    return %c0_i32, %c0_i32_0 : i32, i32
  }
  func.func @transform_3(%arg0: i32) -> (i32, i32) {
    %c0_i32 = arith.constant 0 : i32
    %c0_i32_0 = arith.constant 0 : i32
    return %arg0, %c0_i32 : i32, i32
  }
}

</mosaic_0001>

<sc_bundles>
// kernel: kernel.10.cloned.1.call-start
scs
__scs_entry_jumppad:
0x0: {  	(pc) =	sbr.rel $0x88, $3  }
0x1: {  	(tag) =	ssettag $0x0;
	lr =	simm.s32 $0x1  }
0x2: {  	[smem:$0x3F99] =	sst lr;
	_ =	strace $0xD0000000  }
0x3: {  	_ = 	snop  }
0x4: {  	_ = 	snop  }
0x5: {  	_ = 	snop  }
0x6: {  	_ = 	snop  }
0x7: {  	_ = 	snop  }
__scs_overlays_trampoline_lowered:
0x8: {  	[smem:$0x3FA8] =	sst s0  }
0x9: {  	[smem:$0x3FA9] =	sst s1  }
0xa: {  	[smem:$0x3FAA] =	sst s2  }
0xb: {  	[smem:$0x3FAB] =	sst s3  }
0xc: {  	[smem:$0x3FAC] =	sst s4  }
0xd: {  	[smem:$0x3FAD] =	sst s5  }
0xe: {  	[smem:$0x3FAE] =	sst s6  }
0xf: {  	[smem:$0x3FAF] =	sst s7  }
0x10: {  	[smem:$0x3FB0] =	sst s8  }
0x11: {  	[smem:$0x3FB1] =	sst s9;
	s0 =	simm.s32 @!p0 $0x0  }
0x12: {  	s1 =	sld [smem:$0x3F97];
	s0 =	simm.s32 @p0 $0x1  }
0x13: {  	[smem:$0x3FB2] =	sst s0;
	s0 =	simm.s32 @!p1 $0x0  }
0x14: {  	s2 =	sld [smem:$0x3F96];
	s0 =	simm.s32 @p1 $0x1  }
0x15: {  	[smem:$0x3FB3] =	sst s0;
	s0 =	simm.s32 @!p2 $0x0  }
0x16: {  	s3 =	sld [smem:$0x3FDB];
	s0 =	simm.s32 @p2 $0x1  }
0x17: {  	s4 =	simm.s32 $0x1BF5;
	[smem:$0x3FB5] =	sst s0  }
0x18: {  	s0 =	sld [smem:$0x3F98];
	_ =	swait.ge [sflag:s4], $0x0  }
0x19: {  	s7 =	sld [smem:$0x3F99]  }
0x1a: {  	s8 =	sadd.s32 $0xFFFFE003, lr  }
0x1b: {  	s9 =	sadd.s32 $0xFFFFFEF7, lr;
	s5 =	simm.s32 $0xFFFFFFFF;
	p2 =	slt.u32 s8, $0xFFFFF086  }
0x1c: {  	p1 =	slt.u32 s9, $0xF7A;
	s5 =	simm.s32 @!p2 $0x0  }
0x1d: {  	s5 =	simm.s32 @p1 $0x1;
	p0 =	seq.s32 s7, s2  }
0x1e: {  	s7 =	smul.u32 @!p0 $0xF7A, s2;
	p2 =	seq.s32 @!p0 s5, $0x0  }
0x1f: {  	s9 =	smul.u32 $0xF7A, s1;
	s8 =	simm.s32 @!p0 $0x1BF5;
	p2 =	por !p2, p0  }
0x20: {  	[sflag:s8] =	ssyncset.s32 @!p0 $0xFFFFF086;
	s6 =	sadd.s32 @!p0 s3, s7;
	s7 =	simm.s32 @!p0 $0x108  }
0x21: {  	s3 =	sadd.s32 s3, s9;
	s6 =	sadd.s32 @!p0 $0x88, s6;
	s7 =	simm.s32 @p2 $0x1082  }
0x22: {  	[simem:s7], [sflag:s8] =	dma.local @!p0 [hbm:s6], $0xF7A  }
0x23: {  	s9 =	sor.u32 $0xD0000000, s2;
	s6 =	simm.s32 $0x108;
	_ =	swait.ge @!p0 [sflag:s8], $0x0  }
0x24: {  	s3 =	sadd.s32 $0x88, s3;
	s6 =	simm.s32 @!p1 $0x1082;
	[sflag:s4] =	ssyncset.s32 $0xFFFFF086  }
0x25: {  	[simem:s6], [sflag:s4] =	dma.local [hbm:s3], $0xF7A  }
0x26: {  	[smem:$0x3F99] =	sst s1;
	(tag) =	ssettag s2;
	_ =	strace s9  }
0x27: {  	s1 =	sld [smem:$0x3FA9]  }
0x28: {  	s2 =	sld [smem:$0x3FAA]  }
0x29: {  	s4 =	sld [smem:$0x3FAC]  }
0x2a: {  	p0 =	seq.s32 s5, $0x0;
	s5 =	sld [smem:$0x3FAD]  }
0x2b: {  	s6 =	sld [smem:$0x3FAE]  }
0x2c: {  	s7 =	sld [smem:$0x3FAF]  }
0x2d: {  	s3 =	simm.s32 $0x108;
	s8 =	sld [smem:$0x3FB0]  }
0x2e: {  	s3 =	simm.s32 @!p0 $0x1082;
	s9 =	sld [smem:$0x3FB1]  }
0x2f: {  	lr =	sadd.s32 s0, s3;
	s0 =	sld [smem:$0x3FA8]  }
0x30: {  	s3 =	sld [smem:$0x3FAB]  }
0x31: {  	[smem:$0x3FB4] =	sst s10  }
0x32: {  	s10 =	sld [smem:$0x3FB2];
	_ =	sdelay $0x3  }
0x33: {  	p0 =	seq.s32 s10, $0x1;
	s10 =	sld [smem:$0x3FB4];
	_ =	sdelay $0x3  }
0x34: {  	[smem:$0x3FB4] =	sst s10  }
0x35: {  	s10 =	sld [smem:$0x3FB3];
	_ =	sdelay $0x3  }
0x36: {  	p1 =	seq.s32 s10, $0x1;
	s10 =	sld [smem:$0x3FB4];
	_ =	sdelay $0x3  }
0x37: {  	[smem:$0x3FB4] =	sst s10  }
0x38: {  	s10 =	sld [smem:$0x3FB5]  }
0x39: {  	_ = 	snop;
	(pc) =	sbr.ind lr, $3  }
0x3a: {  	_ = 	snop  }
0x3b: {  	_ = 	snop  }
0x3c: {  	p2 =	seq.s32 s10, $0x1;
	s10 =	sld [smem:$0x3FB4]  }
0x3d: {  	_ =	shalt  }
0x3e: {  	_ =	shalt  }
0x3f: {  	_ =	shalt  }
0x40: {  	_ =	shalt  }
0x41: {  	_ =	shalt  }
0x42: {  	_ =	shalt  }
0x43: {  	_ =	shalt  }
0x44: {  	_ =	shalt  }
0x45: {  	_ =	shalt  }
0x46: {  	_ =	shalt  }
0x47: {  	_ =	shalt  }
0x48: {  	_ =	shalt  }
0x49: {  	_ =	shalt  }
0x4a: {  	_ =	shalt  }
0x4b: {  	_ =	shalt  }
0x4c: {  	_ =	shalt  }
0x4d: {  	_ =	shalt  }
0x4e: {  	_ =	shalt  }
0x4f: {  	_ =	shalt  }
0x50: {  	_ =	shalt  }
0x51: {  	_ =	shalt  }
0x52: {  	_ =	shalt  }
0x53: {  	_ =	shalt  }
0x54: {  	_ =	shalt  }
0x55: {  	_ =	shalt  }
0x56: {  	_ =	shalt  }
0x57: {  	_ =	shalt  }
0x58: {  	_ =	shalt  }
0x59: {  	_ =	shalt  }
0x5a: {  	_ =	shalt  }
0x5b: {  	_ =	shalt  }
0x5c: {  	_ =	shalt  }
0x5d: {  	_ =	shalt  }
0x5e: {  	_ =	shalt  }
0x5f: {  	_ =	shalt  }
0x60: {  	_ =	shalt  }
0x61: {  	_ =	shalt  }
0x62: {  	_ =	shalt  }
0x63: {  	_ =	shalt  }
0x64: {  	_ =	shalt  }
0x65: {  	_ =	shalt  }
0x66: {  	_ =	shalt  }
0x67: {  	_ =	shalt  }
0x68: {  	_ =	shalt  }
0x69: {  	_ =	shalt  }
0x6a: {  	_ =	shalt  }
0x6b: {  	_ =	shalt  }
0x6c: {  	_ =	shalt  }
0x6d: {  	_ =	shalt  }
0x6e: {  	_ =	shalt  }
0x6f: {  	_ =	shalt  }
0x70: {  	_ =	shalt  }
0x71: {  	_ =	shalt  }
0x72: {  	_ =	shalt  }
0x73: {  	_ =	shalt  }
0x74: {  	_ =	shalt  }
0x75: {  	_ =	shalt  }
0x76: {  	_ =	shalt  }
0x77: {  	_ =	shalt  }
0x78: {  	_ =	shalt  }
0x79: {  	_ =	shalt  }
0x7a: {  	_ =	shalt  }
0x7b: {  	_ =	shalt  }
0x7c: {  	_ =	shalt  }
0x7d: {  	_ =	shalt  }
0x7e: {  	_ =	shalt  }
0x7f: {  	_ =	shalt  }
0x80: {  	_ =	shalt  }
0x81: {  	_ =	shalt  }
0x82: {  	_ =	shalt  }
0x83: {  	_ =	shalt  }
0x84: {  	_ =	shalt  }
0x85: {  	_ =	shalt  }
0x86: {  	_ =	shalt  }
0x87: {  	_ =	shalt  }
.Lfunc_end0:
.L_simem_size_0:
called_computation_lowered:
.L_overlay_start_0:
0x88: {  	s2 =	sld [smem:$0x3FD9]  }
0x89: {  	s3 =	sld [smem:$0x3FFE];
	_ =	sdelay $0x1  }
0x8a: {  	s1 =	srdreg.scid  }
0x8b: {  	s0 =	sand.u32 $0x1, s1  }
0x8c: {  	s17 =	sshll.u32 s0, $0xA;
	s2 =	sadd.s32 s3, s2  }
0x8d: {  	s2 =	sadd.s32 s2, s17  }
0x8e: {  	[smem:$0x3FC0] =	sst s2  }
0x8f: {  	_ = 	snop  }
0x90: {  	s2 =	sld [smem:$0x3FD0];
	(tm) =	ssettm $0x1  }
0x91: {  	s18 =	sld [smem:$0x3FFB];
	_ =	sdelay $0x3  }
0x92: {  	_ =	strace s18  }
0x93: {  	s3 =	sld [smem:$0x3FFC];
	_ =	sdelay $0x3  }
0x94: {  	_ =	strace s3  }
0x95: {  	s3 =	sld [smem:$0x3FFD];
	_ =	sdelay $0x3  }
0x96: {  	_ =	strace s3  }
0x97: {  	_ =	strace $0x8FFFFFFF  }
0x98: {  	s19 =	sld [smem:$0x3FDB];
	_ =	sdelay $0x1  }
0x99: {  	s4 =	simm.s32 $_scs_section_size  }
0x9a: {  	s5 =	simm.s32 $_size__tile_overlayer_lowered;
	s6 =	simm.s32 $_tile_overlayer_lowered  }
0x9b: {  	s22 =	simm.s32 $0x1BFF;
	s21 =	sshll.u32 s6, $0x1;
	s3 =	sadd.s32 s4, s19  }
0x9c: {  	s7 =	simm.s32 $0x0;
	s20 =	sshll.u32 s5, $0x1;
	s5 =	sadd.s32 s21, s3  }
0x9d: {  	[timem:s7], [sflag:s22] =	dma.local [hbm:s5], s20  }
0x9e: {  	_ =	swait.ge [sflag:s22], s20  }
0x9f: {  	s4 =	ssub.s32 $0x0, s20;
	[sflag:s22] =	ssyncset.done $0x0  }
0xa0: {  	[sflag:s22] =	ssyncadd.s32 s4;
	_ =	sdelay $0x1  }
0xa1: {  	s23 =	simm.s32 $0x1B8B  }
0xa2: {  	_ =	swait.ge [sflag:s23], $0x1  }
0xa3: {  	[sflag:s23] =	ssyncset.done $0x0  }
0xa4: {  	s25 =	simm.s32 $0x1B8E;
	s24 =	sld [smem:$0x3FFE];
	[sflag:s23] =	ssyncadd.s32 $0xFFFFFFFF  }
0xa5: {  	s26 =	simm.s32 $execute0_lowered;
	[smem:$0x3FD2] =	sst s25  }
0xa6: {  	s5 =	sshll.u32 s26, $0x1;
	_ =	strace $0x80000046;
	[dreg:$0x1] =	wrdreg $0xFFFFFFFF  }
0xa7: {  	s28 =	simm.s32 $_size_execute0_lowered;
	s3 =	sadd.s32 s3, s5;
	[dreg:$0x0] =	wrdreg $0x0  }
0xa8: {  	s5 =	sshll.u32 s28, $0x1;
	[dreg:$0x2] =	wrdreg s3  }
0xa9: {  	[dreg:$0x3] =	wrdreg s5  }
0xaa: {  	[dreg:$0x4] =	wrdreg $0xC0  }
0xab: {  	_ =	task [dreg:s7], $0x5FFFF  }
0xac: {  	[dreg:$0x1] =	wrdreg $0xFFFFFFFF  }
0xad: {  	[dreg:$0x0] =	wrdreg $0x60  }
0xae: {  	[dreg:$0x2] =	wrdreg s24  }
0xaf: {  	[dreg:$0x3] =	wrdreg s2  }
0xb0: {  	[dreg:$0x4] =	wrdreg $0x68000  }
0xb1: {  	[dreg:$0x5] =	wrdreg $0x9  }
0xb2: {  	_ =	task.clear_ibuf [dreg:s7], $0x6FFFF;
	_ =	strace $0x90000046  }
0xb3: {  	s29 =	simm.s32 $0x9;
	_ =	strace $0x80000048  }
0xb4: {  	_ =	swait.ge [sflag:s29], $0x1  }
0xb5: {  	[sflag:s29] =	ssyncadd.s32 $0xFFFFFFFF  }
0xb6: {  	_ =	strace $0x90000048  }
0xb7: {  	_ =	sfence  }
0xb8: {  	s30 =	sld [smem:$0x0];
	_ =	sdelay $0x2  }
0xb9: {  	s31 =	sshll.u32 s1, $0xD;
	s1 =	sshrl.u32 s1, $0x2  }
0xba: {  	s3 =	sand.u32 $0x4000, s31;
	s1 =	sadd.s32 s1, s30  }
0xbb: {  	s0 =	sor.u32 s3, s0;
	s1 =	sshll.u32 s1, $0x11  }
0xbc: {  	s0 =	sor.u32 s1, s0  }
0xbd: {  	s0 =	sadd.s32 $0x8F2B, s0  }
0xbe: {  	[sflag:s0] =	ssyncadd.remote.s32 $0x1  }
0xbf: {  	_ =	sfence.sel $0xFFFF  }
0xc0: {  	[dreg:$0x0] =	wrdreg $0xFFFFFFFF;
	(pc) =	sbr.abs _section_cstart, $3  }
0xc1: {  	[dreg:$0x1] =	wrdreg $0xFFFFFFFF  }
0xc2: {  	_ =	task.clear_ibuf [dreg:s7], $0x2FFFF;
	_ =	strace $0x9FFFFFFF  }
0xc3: {  	(tm) =	ssettm $0x7FFFFFFF  }
tec
execute0_lowered:
.L_overlay_start_1:
0x0: {  	(tag) =	ssettag $0x1  }
0x1: {  	s7 =	rddreg [dreg:$0x0]  }
0x2: {  	s0 =	srdreg.scid;
	s2 =	rddreg [dreg:$0x1]  }
0x3: {  	s3 =	rddreg [dreg:$0x2];
	s4 =	simm.s32 $0x0;
	s6 =	sand.u32 $0x1, s0  }
0x4: {  	s13 =	simm.s32 $0x60;
	s0 =	stileid.u32;
	s8 =	smul.u32 $0x140000, s6  }
0x5: {  	s14 =	simm.s32 $0x0;
	[smem:$0x7FF] =	sst s4;
	s9 =	smul.u32 $0x14000, s0  }
0x6: {  	s1 =	sshll.u32 s6, $0x4;
	s29 =	smul.u32 $0x50000, s0;
	s6 =	ssub.s32 $0x2, s6  }
0x7: {  	s31 =	sshll.u32 s0, $0x6;
	s1 =	sor.u32 s0, s1;
	s30 =	sshrl.u32 s6, $0x1  }
0x8: {  	s5 =	smul.u32 $0x700, s1;
	s1 =	rddreg [dreg:$0x3];
	_ =	strace $0x80000047  }
0x9: {  	s8 =	sadd.s32 s9, s8;
	s9 =	sshrl.u32 s29, $0x2;
	s11 =	ssub.s32 s6, s30  }
0xa: {  	s6 =	sor.u32 $0x1C01, s31;
	s8 =	sshrl.u32 s8, $0x3;
	s12 =	sadd.s32 s9, s3  }
0xb: {  	s9 =	smax.u32 s11, $0x1;
	s11 =	simm.s32 $0x1;
	s10 =	sadd.s32 s5, s7  }
0xc: {  	s5 =	sadd.s32 $0x10800, s7;
	s8 =	sadd.s32 s8, s7;
	s7 =	sadd.s32 $0x2800, s10  }
0xd: {  	s8 =	sadd.s32 $0x13000, s8;
	s10 =	sshrl.u32 s12, $0x3;
	s12 =	simm.s32 $0x3800  }
.LBB2_1:
0xe: {  	[spmem:s10], [sflag:s6] =	dma.local [hbm:s5], $0x2800  }
0xf: {  	_ =	swait.ge [sflag:s11], $0x2800  }
0x10: {  	[sflag:s11] =	ssyncset.done $0x0  }
0x11: {  	[sflag:s11] =	ssyncadd.s32 $0xFFFFD800  }
0x12: {  	[tilespmem:s12], [sflag:$0x1] =	stream.linear.gather [hbm4b:s2+s4], $0x3000, $0x38;
	[tilespmem:$0x1A800] =	vst v63  }
0x13: {  	_ =	swait.ge [sflag:s11], $0x3000  }
0x14: {  	[sflag:s11] =	ssyncset.done $0x0  }
0x15: {  	[sflag:s11] =	ssyncadd.s32 $0xFFFFD000  }
0x16: {  	[tilespmem:s4], [sflag:$0x1] =	stream.linear.gather [hbm4b:s7+s4], $0x3800, $0x38;
	[tilespmem:$0x1A800] =	vst v63  }
0x17: {  	_ =	swait.ge [sflag:s11], $0x3800  }
0x18: {  	[sflag:s11] =	ssyncset.done $0x0  }
0x19: {  	[sflag:s11] =	ssyncadd.s32 $0xFFFFC800  }
0x1a: {  	s15 =	simm.s32 $0x0;
	[bflag:$0x0] =	sbarrier.arrive $0xFFFF  }
0x1b: {  	[spmem:s3] =	stream.indirect.scatter.add.f32 [tilespmem:s12], [sflag:$0x1], $0x80, s15, s13, $0xb8;
	[tilespmem:$0x1A800] =	vst v63  }
0x1c: {  	_ =	swait.ge [sflag:s11], $0x3000  }
0x1d: {  	s15 =	simm.s32 $0x200;
	[sflag:s11] =	ssyncset.done $0x0  }
.LBB2_2:
0x1e: {  	s16 =	sshra.s32 s15, $0x2;
	[sflag:s11] =	ssyncadd.s32 $0xFFFFD000;
	p0 =	sne.s32 s15, $0xDE00  }
0x1f: {  	[spmem:s3] =	stream.indirect.scatter.add.f32 [tilespmem:s12], [sflag:$0x1], $0x80, s16, s13, $0xb8;
	[tilespmem:$0x1A800] =	vst v63  }
.Ltmp0:
0x20: {  	_ = 	snop;
	(pc) =	sbr.rel @p0 .LBB2_2-.Ltmp0, $4  }
0x21: {  	_ = 	snop  }
0x22: {  	s15 =	sadd.s32 $0x200, s15  }
0x23: {  	_ =	swait.ge [sflag:s11], $0x3000  }
0x24: {  	[sflag:s11] =	ssyncset.done $0x0  }
0x25: {  	s14 =	sadd.s32 $0x1, s14  }
0x26: {  	[sflag:s11] =	ssyncadd.s32 $0xFFFFD000;
	p0 =	sne.s32 s14, s9  }
.Ltmp1:
0x27: {  	[bflag:$0x0] =	sbarrier.arrive $0xFFFF;
	(pc) =	sbr.rel @p0 .LBB2_1-.Ltmp1, $4  }
0x28: {  	[hbm:s8], [sflag:s6] =	dma.local [spmem:s10], $0x2800  }
0x29: {  	_ =	swait.ge [sflag:s11], $0x2800  }
0x2a: {  	[sflag:s11] =	ssyncset.done $0x0  }
0x2b: {  	[sflag:s11] =	ssyncadd.s32 $0xFFFFD800  }
0x2c: {  	_ =	sfence.sel $0x180000  }
0x2d: {  	[bflag:$0x0] =	sbarrier.arrive $0xFFFF  }
0x2e: {  	p0 =	sne.s32 s0, $0x0;
	_ =	strace $0x90000047  }
0x2f: {  	s0 =	sadd.s32 @!p0 $0x100000, s1;
	[bflag:$0x2] =	sbarrier.arrive $0xFFFF  }
0x30: {  	[sflag:s0] =	ssyncadd.tile.s32 @!p0 $0x1;
	_ =	shalt  }
.Lfunc_end2:
_tile_overlayer_lowered:
.L_overlay_start_2:
0x31: {  	(tag) =	ssettag $0x2  }
0x32: {  	s0 =	rddreg [dreg:$0x0];
	s2 =	stileid.u32  }
0x33: {  	s1 =	rddreg [dreg:$0x1];
	p0 =	sne.s32 s2, $0x0  }
0x34: {  	s3 =	rddreg [dreg:$0x2];
	[bflag:$0x3] =	sbarrier.arrive $0xFFFF;
	s2 =	simm.s32 @!p0 $0x1C01  }
0x35: {  	[timem:s3], [sflag:s2] =	dma.local @!p0 [hbm:s0], s1  }
0x36: {  	s0 =	simm.s32 @!p0 $0x1  }
0x37: {  	_ =	swait.ge @!p0 [sflag:s0], s1  }
0x38: {  	s1 =	ssub.s32 @!p0 $0x0, s1;
	[sflag:s0] =	ssyncset.done @!p0 $0x0  }
0x39: {  	[sflag:s0] =	ssyncadd.s32 @!p0 s1  }
0x3a: {  	[bflag:$0x3] =	sbarrier.arrive $0xFFFF  }
0x3b: {  	_ =	shalt  }

// kernel: kernel.13.cloned.1.call-start
scs
__scs_entry_jumppad:
0x0: {  	(pc) =	sbr.rel $0x88, $3  }
0x1: {  	(tag) =	ssettag $0x0;
	lr =	simm.s32 $0x1  }
0x2: {  	[smem:$0x3F99] =	sst lr;
	_ =	strace $0xD0000000  }
0x3: {  	_ = 	snop  }
0x4: {  	_ = 	snop  }
0x5: {  	_ = 	snop  }
0x6: {  	_ = 	snop  }
0x7: {  	_ = 	snop  }
__scs_overlays_trampoline_lowered:
0x8: {  	[smem:$0x3FA8] =	sst s0  }
0x9: {  	[smem:$0x3FA9] =	sst s1  }
0xa: {  	[smem:$0x3FAA] =	sst s2  }
0xb: {  	[smem:$0x3FAB] =	sst s3  }
0xc: {  	[smem:$0x3FAC] =	sst s4  }
0xd: {  	[smem:$0x3FAD] =	sst s5  }
0xe: {  	[smem:$0x3FAE] =	sst s6  }
0xf: {  	[smem:$0x3FAF] =	sst s7  }
0x10: {  	[smem:$0x3FB0] =	sst s8  }
0x11: {  	[smem:$0x3FB1] =	sst s9;
	s0 =	simm.s32 @!p0 $0x0  }
0x12: {  	s1 =	sld [smem:$0x3F97];
	s0 =	simm.s32 @p0 $0x1  }
0x13: {  	[smem:$0x3FB2] =	sst s0;
	s0 =	simm.s32 @!p1 $0x0  }
0x14: {  	s2 =	sld [smem:$0x3F96];
	s0 =	simm.s32 @p1 $0x1  }
0x15: {  	[smem:$0x3FB3] =	sst s0;
	s0 =	simm.s32 @!p2 $0x0  }
0x16: {  	s3 =	sld [smem:$0x3FDB];
	s0 =	simm.s32 @p2 $0x1  }
0x17: {  	s4 =	simm.s32 $0x1BF5;
	[smem:$0x3FB5] =	sst s0  }
0x18: {  	s0 =	sld [smem:$0x3F98];
	_ =	swait.ge [sflag:s4], $0x0  }
0x19: {  	s7 =	sld [smem:$0x3F99]  }
0x1a: {  	s8 =	sadd.s32 $0xFFFFE003, lr  }
0x1b: {  	s9 =	sadd.s32 $0xFFFFFEF7, lr;
	s5 =	simm.s32 $0xFFFFFFFF;
	p2 =	slt.u32 s8, $0xFFFFF086  }
0x1c: {  	p1 =	slt.u32 s9, $0xF7A;
	s5 =	simm.s32 @!p2 $0x0  }
0x1d: {  	s5 =	simm.s32 @p1 $0x1;
	p0 =	seq.s32 s7, s2  }
0x1e: {  	s7 =	smul.u32 @!p0 $0xF7A, s2;
	p2 =	seq.s32 @!p0 s5, $0x0  }
0x1f: {  	s9 =	smul.u32 $0xF7A, s1;
	s8 =	simm.s32 @!p0 $0x1BF5;
	p2 =	por !p2, p0  }
0x20: {  	[sflag:s8] =	ssyncset.s32 @!p0 $0xFFFFF086;
	s6 =	sadd.s32 @!p0 s3, s7;
	s7 =	simm.s32 @!p0 $0x108  }
0x21: {  	s3 =	sadd.s32 s3, s9;
	s6 =	sadd.s32 @!p0 $0x88, s6;
	s7 =	simm.s32 @p2 $0x1082  }
0x22: {  	[simem:s7], [sflag:s8] =	dma.local @!p0 [hbm:s6], $0xF7A  }
0x23: {  	s9 =	sor.u32 $0xD0000000, s2;
	s6 =	simm.s32 $0x108;
	_ =	swait.ge @!p0 [sflag:s8], $0x0  }
0x24: {  	s3 =	sadd.s32 $0x88, s3;
	s6 =	simm.s32 @!p1 $0x1082;
	[sflag:s4] =	ssyncset.s32 $0xFFFFF086  }
0x25: {  	[simem:s6], [sflag:s4] =	dma.local [hbm:s3], $0xF7A  }
0x26: {  	[smem:$0x3F99] =	sst s1;
	(tag) =	ssettag s2;
	_ =	strace s9  }
0x27: {  	s1 =	sld [smem:$0x3FA9]  }
0x28: {  	s2 =	sld [smem:$0x3FAA]  }
0x29: {  	s4 =	sld [smem:$0x3FAC]  }
0x2a: {  	p0 =	seq.s32 s5, $0x0;
	s5 =	sld [smem:$0x3FAD]  }
0x2b: {  	s6 =	sld [smem:$0x3FAE]  }
0x2c: {  	s7 =	sld [smem:$0x3FAF]  }
0x2d: {  	s3 =	simm.s32 $0x108;
	s8 =	sld [smem:$0x3FB0]  }
0x2e: {  	s3 =	simm.s32 @!p0 $0x1082;
	s9 =	sld [smem:$0x3FB1]  }
0x2f: {  	lr =	sadd.s32 s0, s3;
	s0 =	sld [smem:$0x3FA8]  }
0x30: {  	s3 =	sld [smem:$0x3FAB]  }
0x31: {  	[smem:$0x3FB4] =	sst s10  }
0x32: {  	s10 =	sld [smem:$0x3FB2];
	_ =	sdelay $0x3  }
0x33: {  	p0 =	seq.s32 s10, $0x1;
	s10 =	sld [smem:$0x3FB4];
	_ =	sdelay $0x3  }
0x34: {  	[smem:$0x3FB4] =	sst s10  }
0x35: {  	s10 =	sld [smem:$0x3FB3];
	_ =	sdelay $0x3  }
0x36: {  	p1 =	seq.s32 s10, $0x1;
	s10 =	sld [smem:$0x3FB4];
	_ =	sdelay $0x3  }
0x37: {  	[smem:$0x3FB4] =	sst s10  }
0x38: {  	s10 =	sld [smem:$0x3FB5]  }
0x39: {  	_ = 	snop;
	(pc) =	sbr.ind lr, $3  }
0x3a: {  	_ = 	snop  }
0x3b: {  	_ = 	snop  }
0x3c: {  	p2 =	seq.s32 s10, $0x1;
	s10 =	sld [smem:$0x3FB4]  }
0x3d: {  	_ =	shalt  }
0x3e: {  	_ =	shalt  }
0x3f: {  	_ =	shalt  }
0x40: {  	_ =	shalt  }
0x41: {  	_ =	shalt  }
0x42: {  	_ =	shalt  }
0x43: {  	_ =	shalt  }
0x44: {  	_ =	shalt  }
0x45: {  	_ =	shalt  }
0x46: {  	_ =	shalt  }
0x47: {  	_ =	shalt  }
0x48: {  	_ =	shalt  }
0x49: {  	_ =	shalt  }
0x4a: {  	_ =	shalt  }
0x4b: {  	_ =	shalt  }
0x4c: {  	_ =	shalt  }
0x4d: {  	_ =	shalt  }
0x4e: {  	_ =	shalt  }
0x4f: {  	_ =	shalt  }
0x50: {  	_ =	shalt  }
0x51: {  	_ =	shalt  }
0x52: {  	_ =	shalt  }
0x53: {  	_ =	shalt  }
0x54: {  	_ =	shalt  }
0x55: {  	_ =	shalt  }
0x56: {  	_ =	shalt  }
0x57: {  	_ =	shalt  }
0x58: {  	_ =	shalt  }
0x59: {  	_ =	shalt  }
0x5a: {  	_ =	shalt  }
0x5b: {  	_ =	shalt  }
0x5c: {  	_ =	shalt  }
0x5d: {  	_ =	shalt  }
0x5e: {  	_ =	shalt  }
0x5f: {  	_ =	shalt  }
0x60: {  	_ =	shalt  }
0x61: {  	_ =	shalt  }
0x62: {  	_ =	shalt  }
0x63: {  	_ =	shalt  }
0x64: {  	_ =	shalt  }
0x65: {  	_ =	shalt  }
0x66: {  	_ =	shalt  }
0x67: {  	_ =	shalt  }
0x68: {  	_ =	shalt  }
0x69: {  	_ =	shalt  }
0x6a: {  	_ =	shalt  }
0x6b: {  	_ =	shalt  }
0x6c: {  	_ =	shalt  }
0x6d: {  	_ =	shalt  }
0x6e: {  	_ =	shalt  }
0x6f: {  	_ =	shalt  }
0x70: {  	_ =	shalt  }
0x71: {  	_ =	shalt  }
0x72: {  	_ =	shalt  }
0x73: {  	_ =	shalt  }
0x74: {  	_ =	shalt  }
0x75: {  	_ =	shalt  }
0x76: {  	_ =	shalt  }
0x77: {  	_ =	shalt  }
0x78: {  	_ =	shalt  }
0x79: {  	_ =	shalt  }
0x7a: {  	_ =	shalt  }
0x7b: {  	_ =	shalt  }
0x7c: {  	_ =	shalt  }
0x7d: {  	_ =	shalt  }
0x7e: {  	_ =	shalt  }
0x7f: {  	_ =	shalt  }
0x80: {  	_ =	shalt  }
0x81: {  	_ =	shalt  }
0x82: {  	_ =	shalt  }
0x83: {  	_ =	shalt  }
0x84: {  	_ =	shalt  }
0x85: {  	_ =	shalt  }
0x86: {  	_ =	shalt  }
0x87: {  	_ =	shalt  }
.Lfunc_end0:
.L_simem_size_0:
called_computation.1_lowered:
.L_overlay_start_0:
0x88: {  	s2 =	sld [smem:$0x3FD9]  }
0x89: {  	s3 =	sld [smem:$0x3FFE];
	_ =	sdelay $0x1  }
0x8a: {  	s1 =	srdreg.scid  }
0x8b: {  	s0 =	sand.u32 $0x1, s1  }
0x8c: {  	s16 =	sshll.u32 s0, $0xA;
	s2 =	sadd.s32 s3, s2  }
0x8d: {  	s2 =	sadd.s32 s2, s16  }
0x8e: {  	[smem:$0x3FC0] =	sst s2  }
0x8f: {  	_ = 	snop  }
0x90: {  	(tm) =	ssettm $0x1  }
0x91: {  	s17 =	sld [smem:$0x3FFB];
	_ =	sdelay $0x3  }
0x92: {  	_ =	strace s17  }
0x93: {  	s2 =	sld [smem:$0x3FFC];
	_ =	sdelay $0x3  }
0x94: {  	_ =	strace s2  }
0x95: {  	s2 =	sld [smem:$0x3FFD];
	_ =	sdelay $0x3  }
0x96: {  	_ =	strace s2  }
0x97: {  	_ =	strace $0x8FFFFFFF  }
0x98: {  	s18 =	sld [smem:$0x3FDB];
	_ =	sdelay $0x1  }
0x99: {  	s19 =	simm.s32 $_scs_section_size  }
0x9a: {  	s4 =	simm.s32 $_size__tile_overlayer_lowered;
	s5 =	simm.s32 $_tile_overlayer_lowered  }
0x9b: {  	s22 =	simm.s32 $0x1BFF;
	s21 =	sshll.u32 s5, $0x1;
	s2 =	sadd.s32 s19, s18  }
0x9c: {  	s6 =	simm.s32 $0x0;
	s20 =	sshll.u32 s4, $0x1;
	s4 =	sadd.s32 s21, s2  }
0x9d: {  	[timem:s6], [sflag:s22] =	dma.local [hbm:s4], s20  }
0x9e: {  	_ =	swait.ge [sflag:s22], s20  }
0x9f: {  	s3 =	ssub.s32 $0x0, s20;
	[sflag:s22] =	ssyncset.done $0x0  }
0xa0: {  	[sflag:s22] =	ssyncadd.s32 s3;
	_ =	sdelay $0x1  }
0xa1: {  	s23 =	simm.s32 $0x1B8B  }
0xa2: {  	_ =	swait.ge [sflag:s23], $0x1  }
0xa3: {  	[sflag:s23] =	ssyncset.done $0x0  }
0xa4: {  	s25 =	simm.s32 $0x1B8E;
	s24 =	sld [smem:$0x3FFE];
	[sflag:s23] =	ssyncadd.s32 $0xFFFFFFFF  }
0xa5: {  	s26 =	simm.s32 $execute0_lowered;
	[smem:$0x3FD2] =	sst s25  }
0xa6: {  	s4 =	sshll.u32 s26, $0x1;
	_ =	strace $0x80000049;
	[dreg:$0x1] =	wrdreg $0xFFFFFFFF  }
0xa7: {  	s28 =	simm.s32 $_size_execute0_lowered;
	s2 =	sadd.s32 s2, s4;
	[dreg:$0x0] =	wrdreg $0x0  }
0xa8: {  	s4 =	sshll.u32 s28, $0x1;
	[dreg:$0x2] =	wrdreg s2  }
0xa9: {  	[dreg:$0x3] =	wrdreg s4  }
0xaa: {  	[dreg:$0x4] =	wrdreg $0xC0  }
0xab: {  	_ =	task [dreg:s6], $0x5FFFF  }
0xac: {  	[dreg:$0x1] =	wrdreg $0xFFFFFFFF  }
0xad: {  	[dreg:$0x0] =	wrdreg $0x60  }
0xae: {  	[dreg:$0x2] =	wrdreg s24  }
0xaf: {  	[dreg:$0x3] =	wrdreg $0x98000  }
0xb0: {  	[dreg:$0x4] =	wrdreg $0x9  }
0xb1: {  	_ =	task.clear_ibuf [dreg:s6], $0x5FFFF;
	_ =	strace $0x90000049  }
0xb2: {  	s29 =	simm.s32 $0x9;
	_ =	strace $0x8000004B  }
0xb3: {  	_ =	swait.ge [sflag:s29], $0x1  }
0xb4: {  	[sflag:s29] =	ssyncadd.s32 $0xFFFFFFFF  }
0xb5: {  	_ =	strace $0x9000004B  }
0xb6: {  	_ =	sfence  }
0xb7: {  	s30 =	sld [smem:$0x0];
	_ =	sdelay $0x2  }
0xb8: {  	s31 =	sshll.u32 s1, $0xD;
	s1 =	sshrl.u32 s1, $0x2  }
0xb9: {  	s3 =	sand.u32 $0x4000, s31;
	s1 =	sadd.s32 s1, s30  }
0xba: {  	s0 =	sor.u32 s3, s0;
	s1 =	sshll.u32 s1, $0x11  }
0xbb: {  	s0 =	sor.u32 s1, s0  }
0xbc: {  	s0 =	sadd.s32 $0x8F2B, s0  }
0xbd: {  	[sflag:s0] =	ssyncadd.remote.s32 $0x1  }
0xbe: {  	_ =	sfence.sel $0xFFFF  }
0xbf: {  	[dreg:$0x0] =	wrdreg $0xFFFFFFFF;
	(pc) =	sbr.abs _section_cstart, $3  }
0xc0: {  	[dreg:$0x1] =	wrdreg $0xFFFFFFFF  }
0xc1: {  	_ =	task.clear_ibuf [dreg:s6], $0x2FFFF;
	_ =	strace $0x9FFFFFFF  }
0xc2: {  	(tm) =	ssettm $0x7FFFFFFF  }
0xc3: {  	_ =	shalt  }
tec
execute0_lowered:
.L_overlay_start_1:
0x0: {  	(tag) =	ssettag $0x1  }
0x1: {  	s6 =	rddreg [dreg:$0x0]  }
0x2: {  	s1 =	rddreg [dreg:$0x1]  }
0x3: {  	s2 =	srdreg.scid;
	s0 =	rddreg [dreg:$0x2]  }
0x4: {  	s3 =	simm.s32 $0x0;
	s15 =	simm.s32 $0x1C00;
	s16 =	simm.s32 $0x60  }
0x5: {  	s17 =	simm.s32 $0x3800;
	s18 =	simm.s32 $0x80;
	s19 =	simm.s32 $0x6800  }
0x6: {  	s20 =	simm.s32 $0x1;
	s21 =	simm.s32 $0x2;
	s22 =	simm.s32 $0x3700  }
0x7: {  	s5 =	sand.u32 $0x1, s2;
	s2 =	stileid.u32;
	[smem:$0x7FF] =	sst s3  }
0x8: {  	s4 =	sadd.s32 $0x13000, s6;
	s9 =	sadd.s32 $0x63000, s6;
	s7 =	smul.u32 $0x140000, s5  }
0x9: {  	s10 =	sadd.s32 $0x2800, s6;
	s8 =	smul.u32 $0x14000, s2;
	_ =	strace $0x8000004A  }
0xa: {  	s23 =	sshll.u32 s5, $0x4;
	s11 =	ssub.s32 $0x2, s5;
	s25 =	smul.u32 $0x50000, s2  }
0xb: {  	s5 =	sadd.s32 $0x10800, s6;
	s28 =	sshll.u32 s2, $0x6;
	s24 =	sor.u32 s2, s23  }
0xc: {  	s12 =	sshrl.u32 s11, $0x1;
	s23 =	simm.s32 $0x3780;
	s7 =	sadd.s32 s8, s7  }
0xd: {  	s13 =	smul.u32 $0x3800, s24;
	s12 =	ssub.s32 s11, s12;
	s26 =	sshrl.u32 s25, $0x2  }
0xe: {  	s24 =	simm.s32 $0x0;
	s7 =	sshrl.u32 s7, $0x3;
	s30 =	sadd.s32 s26, s1  }
0xf: {  	s12 =	smax.u32 s12, $0x1;
	s14 =	sadd.s32 s7, s6;
	s29 =	sshrl.u32 s13, $0x3  }
0x10: {  	s6 =	sor.u32 $0x1C03, s28;
	s13 =	sshrl.u32 s30, $0x3;
	s31 =	sadd.s32 $0x380, s29  }
0x11: {  	s7 =	sadd.s32 s9, s29;
	s8 =	sadd.s32 s10, s29;
	s11 =	sadd.s32 $0x71000, s14  }
0x12: {  	s14 =	simm.s32 $0x3;
	s9 =	sadd.s32 s9, s31;
	s10 =	sadd.s32 s10, s31  }
.LBB2_1:
0x13: {  	[spmem:s13], [sflag:s6] =	dma.local [hbm:s5], $0x2800  }
0x14: {  	_ =	swait.ge [sflag:s14], $0x2800  }
0x15: {  	[sflag:s14] =	ssyncset.done $0x0  }
0x16: {  	[sflag:s14] =	ssyncadd.s32 $0xFFFFD800  }
0x17: {  	[bflag:$0x0] =	sbarrier.arrive $0xFFFF  }
0x18: {  	[tilespmem:s3], [sflag:$0x3] =	stream.linear.gather [hbm4b:s7+s3], $0x1C00, $0x38;
	[tilespmem:$0x1D800] =	vst v63  }
0x19: {  	_ =	swait.ge [sflag:s14], $0x1C00  }
0x1a: {  	[sflag:s14] =	ssyncset.done $0x0  }
0x1b: {  	[sflag:s14] =	ssyncadd.s32 $0xFFFFE400  }
0x1c: {  	[tilespmem:s15], [sflag:$0x3] =	stream.linear.gather [hbm4b:s8+s3], $0x1C00, $0x38;
	[tilespmem:$0x1D800] =	vst v63  }
0x1d: {  	_ =	swait.ge [sflag:s14], $0x1C00  }
0x1e: {  	[sflag:s14] =	ssyncset.done $0x0  }
0x1f: {  	[sflag:s14] =	ssyncadd.s32 $0xFFFFE400  }
0x20: {  	[tilespmem:s17], [sflag:$0x1] =	stream.indirect.gather [hbm4b:s4+s16], $0x80, s3, s16, $0xb8;
	[tilespmem:$0x1D800] =	vst v63  }
0x21: {  	_ = 	snop  }
0x22: {  	[tilespmem:s19], [sflag:$0x2] =	stream.indirect.gather [hbm4b:s4+s16], $0x80, s18, s16, $0xb8;
	[tilespmem:$0x1D800] =	vst v63  }
0x23: {  	_ =	swait.ge [sflag:s20], $0x3000  }
0x24: {  	[sflag:s20] =	ssyncset.done $0x0  }
0x25: {  	s25 =	simm.s32 $0x1C00;
	[sflag:s20] =	ssyncadd.s32 $0xFFFFD000  }
0x26: {  	[spmem:s1] =	stream.indirect.scatter.add.f32 [tilespmem:s17], [sflag:$0x3], $0x80, s25, s16, $0xb8;
	[tilespmem:$0x1D800] =	vst v63  }
0x27: {  	_ =	swait.ge [sflag:s14], $0x3000  }
0x28: {  	[sflag:s14] =	ssyncset.done $0x0  }
0x29: {  	s30 =	simm.s32 $0x100;
	[sflag:s14] =	ssyncadd.s32 $0xFFFFD000  }
0x2a: {  	[tilespmem:s17], [sflag:$0x1] =	stream.indirect.gather [hbm4b:s4+s16], $0x80, s30, s16, $0xb8;
	[tilespmem:$0x1D800] =	vst v63  }
0x2b: {  	_ =	swait.ge [sflag:s21], $0x3000  }
0x2c: {  	[sflag:s21] =	ssyncset.done $0x0  }
0x2d: {  	s31 =	simm.s32 $0x1C80;
	[sflag:s21] =	ssyncadd.s32 $0xFFFFD000  }
0x2e: {  	[spmem:s1] =	stream.indirect.scatter.add.f32 [tilespmem:s19], [sflag:$0x3], $0x80, s31, s16, $0xb8;
	[tilespmem:$0x1D800] =	vst v63  }
0x2f: {  	_ =	swait.ge [sflag:s14], $0x3000  }
0x30: {  	[sflag:s14] =	ssyncset.done $0x0  }
0x31: {  	s26 =	simm.s32 $0x180;
	s25 =	simm.s32 $0x400;
	[sflag:s14] =	ssyncadd.s32 $0xFFFFD000  }
.LBB2_2:
0x32: {  	[tilespmem:s19], [sflag:$0x2] =	stream.indirect.gather [hbm4b:s4+s16], $0x80, s26, s16, $0xb8;
	[tilespmem:$0x1D800] =	vst v63  }
0x33: {  	s26 =	smov.u32 s25  }
0x34: {  	p0 =	sne.s32 s25, $0x6800;
	s25 =	sadd.s32 $0x400, s25;
	_ =	swait.ge [sflag:s20], $0x3000  }
0x35: {  	s26 =	sshra.s32 s26, $0x2;
	[sflag:s20] =	ssyncset.done $0x0  }
0x36: {  	s28 =	sadd.s32 $0x1C00, s26;
	[sflag:s20] =	ssyncadd.s32 $0xFFFFD000  }
0x37: {  	[spmem:s1] =	stream.indirect.scatter.add.f32 [tilespmem:s17], [sflag:$0x3], $0x80, s28, s16, $0xb8;
	[tilespmem:$0x1D800] =	vst v63  }
0x38: {  	_ =	swait.ge [sflag:s14], $0x3000  }
0x39: {  	[sflag:s14] =	ssyncset.done $0x0  }
0x3a: {  	s28 =	sadd.s32 $0x100, s26;
	[sflag:s14] =	ssyncadd.s32 $0xFFFFD000  }
0x3b: {  	[tilespmem:s17], [sflag:$0x1] =	stream.indirect.gather [hbm4b:s4+s16], $0x80, s28, s16, $0xb8;
	[tilespmem:$0x1D800] =	vst v63  }
0x3c: {  	_ =	swait.ge [sflag:s21], $0x3000  }
0x3d: {  	[sflag:s21] =	ssyncset.done $0x0  }
.Ltmp0:
0x3e: {  	s28 =	sadd.s32 $0x1C80, s26;
	[sflag:s21] =	ssyncadd.s32 $0xFFFFD000;
	(pc) =	sbr.rel @p0 .LBB2_2-.Ltmp0, $4  }
0x3f: {  	[spmem:s1] =	stream.indirect.scatter.add.f32 [tilespmem:s19], [sflag:$0x3], $0x80, s28, s16, $0xb8;
	[tilespmem:$0x1D800] =	vst v63  }
0x40: {  	_ =	swait.ge [sflag:s14], $0x3000  }
0x41: {  	[sflag:s14] =	ssyncset.done $0x0  }
0x42: {  	s26 =	sadd.s32 $0x180, s26;
	[sflag:s14] =	ssyncadd.s32 $0xFFFFD000  }
0x43: {  	[tilespmem:s19], [sflag:$0x2] =	stream.indirect.gather [hbm4b:s4+s16], $0x80, s26, s16, $0xb8;
	[tilespmem:$0x1D800] =	vst v63  }
0x44: {  	_ =	swait.ge [sflag:s20], $0x3000  }
0x45: {  	[sflag:s20] =	ssyncset.done $0x0  }
0x46: {  	[sflag:s20] =	ssyncadd.s32 $0xFFFFD000  }
0x47: {  	[spmem:s1] =	stream.indirect.scatter.add.f32 [tilespmem:s17], [sflag:$0x3], $0x80, s22, s16, $0xb8;
	[tilespmem:$0x1D800] =	vst v63  }
0x48: {  	_ =	swait.ge [sflag:s14], $0x3000  }
0x49: {  	[sflag:s14] =	ssyncset.done $0x0  }
0x4a: {  	[sflag:s14] =	ssyncadd.s32 $0xFFFFD000  }
0x4b: {  	_ =	swait.ge [sflag:s21], $0x3000  }
0x4c: {  	[sflag:s21] =	ssyncset.done $0x0  }
0x4d: {  	[sflag:s21] =	ssyncadd.s32 $0xFFFFD000  }
0x4e: {  	[spmem:s1] =	stream.indirect.scatter.add.f32 [tilespmem:s19], [sflag:$0x3], $0x80, s23, s16, $0xb8;
	[tilespmem:$0x1D800] =	vst v63  }
0x4f: {  	_ =	swait.ge [sflag:s14], $0x3000  }
0x50: {  	[sflag:s14] =	ssyncset.done $0x0  }
0x51: {  	s25 =	simm.s32 $0x0;
	[sflag:s14] =	ssyncadd.s32 $0xFFFFD000  }
0x52: {  	[tilespmem:s25], [sflag:$0x3] =	stream.linear.gather [hbm4b:s9+s25], $0x1C00, $0x38;
	[tilespmem:$0x1D800] =	vst v63  }
0x53: {  	_ =	swait.ge [sflag:s14], $0x1C00  }
0x54: {  	[sflag:s14] =	ssyncset.done $0x0  }
0x55: {  	[sflag:s14] =	ssyncadd.s32 $0xFFFFE400  }
0x56: {  	[tilespmem:s15], [sflag:$0x3] =	stream.linear.gather [hbm4b:s10+s25], $0x1C00, $0x38;
	[tilespmem:$0x1D800] =	vst v63  }
0x57: {  	_ =	swait.ge [sflag:s14], $0x1C00  }
0x58: {  	[sflag:s14] =	ssyncset.done $0x0  }
0x59: {  	[sflag:s14] =	ssyncadd.s32 $0xFFFFE400  }
0x5a: {  	[tilespmem:s17], [sflag:$0x1] =	stream.indirect.gather [hbm4b:s4+s16], $0x80, s25, s16, $0xb8;
	[tilespmem:$0x1D800] =	vst v63  }
0x5b: {  	_ = 	snop  }
0x5c: {  	[tilespmem:s19], [sflag:$0x2] =	stream.indirect.gather [hbm4b:s4+s16], $0x80, s18, s16, $0xb8;
	[tilespmem:$0x1D800] =	vst v63  }
0x5d: {  	_ =	swait.ge [sflag:s20], $0x3000  }
0x5e: {  	[sflag:s20] =	ssyncset.done $0x0  }
0x5f: {  	s29 =	simm.s32 $0x1C00;
	[sflag:s20] =	ssyncadd.s32 $0xFFFFD000  }
0x60: {  	[spmem:s1] =	stream.indirect.scatter.add.f32 [tilespmem:s17], [sflag:$0x3], $0x80, s29, s16, $0xb8;
	[tilespmem:$0x1D800] =	vst v63  }
0x61: {  	_ =	swait.ge [sflag:s14], $0x3000  }
0x62: {  	[sflag:s14] =	ssyncset.done $0x0  }
0x63: {  	s30 =	simm.s32 $0x100;
	[sflag:s14] =	ssyncadd.s32 $0xFFFFD000  }
0x64: {  	[tilespmem:s17], [sflag:$0x1] =	stream.indirect.gather [hbm4b:s4+s16], $0x80, s30, s16, $0xb8;
	[tilespmem:$0x1D800] =	vst v63  }
0x65: {  	_ =	swait.ge [sflag:s21], $0x3000  }
0x66: {  	[sflag:s21] =	ssyncset.done $0x0  }
0x67: {  	s31 =	simm.s32 $0x1C80;
	[sflag:s21] =	ssyncadd.s32 $0xFFFFD000  }
0x68: {  	[spmem:s1] =	stream.indirect.scatter.add.f32 [tilespmem:s19], [sflag:$0x3], $0x80, s31, s16, $0xb8;
	[tilespmem:$0x1D800] =	vst v63  }
0x69: {  	_ =	swait.ge [sflag:s14], $0x3000  }
0x6a: {  	[sflag:s14] =	ssyncset.done $0x0  }
0x6b: {  	s26 =	simm.s32 $0x180;
	s25 =	simm.s32 $0x400;
	[sflag:s14] =	ssyncadd.s32 $0xFFFFD000  }
.LBB2_4:
0x6c: {  	[tilespmem:s19], [sflag:$0x2] =	stream.indirect.gather [hbm4b:s4+s16], $0x80, s26, s16, $0xb8;
	[tilespmem:$0x1D800] =	vst v63  }
0x6d: {  	s26 =	smov.u32 s25  }
0x6e: {  	p0 =	sne.s32 s25, $0x6800;
	s25 =	sadd.s32 $0x400, s25;
	_ =	swait.ge [sflag:s20], $0x3000  }
0x6f: {  	s26 =	sshra.s32 s26, $0x2;
	[sflag:s20] =	ssyncset.done $0x0  }
0x70: {  	s28 =	sadd.s32 $0x1C00, s26;
	[sflag:s20] =	ssyncadd.s32 $0xFFFFD000  }
0x71: {  	[spmem:s1] =	stream.indirect.scatter.add.f32 [tilespmem:s17], [sflag:$0x3], $0x80, s28, s16, $0xb8;
	[tilespmem:$0x1D800] =	vst v63  }
0x72: {  	_ =	swait.ge [sflag:s14], $0x3000  }
0x73: {  	[sflag:s14] =	ssyncset.done $0x0  }
0x74: {  	s28 =	sadd.s32 $0x100, s26;
	[sflag:s14] =	ssyncadd.s32 $0xFFFFD000  }
0x75: {  	[tilespmem:s17], [sflag:$0x1] =	stream.indirect.gather [hbm4b:s4+s16], $0x80, s28, s16, $0xb8;
	[tilespmem:$0x1D800] =	vst v63  }
0x76: {  	_ =	swait.ge [sflag:s21], $0x3000  }
0x77: {  	[sflag:s21] =	ssyncset.done $0x0  }
.Ltmp1:
0x78: {  	s28 =	sadd.s32 $0x1C80, s26;
	[sflag:s21] =	ssyncadd.s32 $0xFFFFD000;
	(pc) =	sbr.rel @p0 .LBB2_4-.Ltmp1, $4  }
0x79: {  	[spmem:s1] =	stream.indirect.scatter.add.f32 [tilespmem:s19], [sflag:$0x3], $0x80, s28, s16, $0xb8;
	[tilespmem:$0x1D800] =	vst v63  }
0x7a: {  	_ =	swait.ge [sflag:s14], $0x3000  }
0x7b: {  	[sflag:s14] =	ssyncset.done $0x0  }
0x7c: {  	s26 =	sadd.s32 $0x180, s26;
	[sflag:s14] =	ssyncadd.s32 $0xFFFFD000  }
0x7d: {  	[tilespmem:s19], [sflag:$0x2] =	stream.indirect.gather [hbm4b:s4+s16], $0x80, s26, s16, $0xb8;
	[tilespmem:$0x1D800] =	vst v63  }
0x7e: {  	_ =	swait.ge [sflag:s20], $0x3000  }
0x7f: {  	[sflag:s20] =	ssyncset.done $0x0  }
0x80: {  	[sflag:s20] =	ssyncadd.s32 $0xFFFFD000  }
0x81: {  	[spmem:s1] =	stream.indirect.scatter.add.f32 [tilespmem:s17], [sflag:$0x3], $0x80, s22, s16, $0xb8;
	[tilespmem:$0x1D800] =	vst v63  }
0x82: {  	_ =	swait.ge [sflag:s14], $0x3000  }
0x83: {  	[sflag:s14] =	ssyncset.done $0x0  }
0x84: {  	[sflag:s14] =	ssyncadd.s32 $0xFFFFD000  }
0x85: {  	_ =	swait.ge [sflag:s21], $0x3000  }
0x86: {  	[sflag:s21] =	ssyncset.done $0x0  }
0x87: {  	[sflag:s21] =	ssyncadd.s32 $0xFFFFD000  }
0x88: {  	[spmem:s1] =	stream.indirect.scatter.add.f32 [tilespmem:s19], [sflag:$0x3], $0x80, s23, s16, $0xb8;
	[tilespmem:$0x1D800] =	vst v63  }
0x89: {  	_ =	swait.ge [sflag:s14], $0x3000  }
0x8a: {  	s24 =	sadd.s32 $0x1, s24;
	[sflag:s14] =	ssyncset.done $0x0  }
0x8b: {  	p0 =	sne.s32 s24, s12;
	[sflag:s14] =	ssyncadd.s32 $0xFFFFD000  }
.Ltmp2:
0x8c: {  	[bflag:$0x0] =	sbarrier.arrive $0xFFFF;
	(pc) =	sbr.rel @p0 .LBB2_1-.Ltmp2, $4  }
0x8d: {  	[hbm:s11], [sflag:s6] =	dma.local [spmem:s13], $0x2800  }
0x8e: {  	_ =	swait.ge [sflag:s14], $0x2800  }
0x8f: {  	[sflag:s14] =	ssyncset.done $0x0  }
0x90: {  	[sflag:s14] =	ssyncadd.s32 $0xFFFFD800  }
0x91: {  	_ =	sfence.sel $0x180000  }
0x92: {  	[bflag:$0x0] =	sbarrier.arrive $0xFFFF  }
0x93: {  	p0 =	sne.s32 s2, $0x0;
	_ =	strace $0x9000004A  }
0x94: {  	s0 =	sadd.s32 @!p0 $0x100000, s0;
	[bflag:$0x2] =	sbarrier.arrive $0xFFFF  }
0x95: {  	[sflag:s0] =	ssyncadd.tile.s32 @!p0 $0x1;
	_ =	shalt  }
.Lfunc_end2:
_tile_overlayer_lowered:
.L_overlay_start_2:
0x96: {  	(tag) =	ssettag $0x2  }
0x97: {  	s0 =	rddreg [dreg:$0x0];
	s2 =	stileid.u32  }
0x98: {  	s1 =	rddreg [dreg:$0x1];
	p0 =	sne.s32 s2, $0x0  }
0x99: {  	s3 =	rddreg [dreg:$0x2];
	[bflag:$0x3] =	sbarrier.arrive $0xFFFF;
	s2 =	simm.s32 @!p0 $0x1C03  }
0x9a: {  	[timem:s3], [sflag:s2] =	dma.local @!p0 [hbm:s0], s1  }
0x9b: {  	s0 =	simm.s32 @!p0 $0x3  }
0x9c: {  	_ =	swait.ge @!p0 [sflag:s0], s1  }
0x9d: {  	s1 =	ssub.s32 @!p0 $0x0, s1;
	[sflag:s0] =	ssyncset.done @!p0 $0x0  }
0x9e: {  	[sflag:s0] =	ssyncadd.s32 @!p0 s1  }
0x9f: {  	[bflag:$0x3] =	sbarrier.arrive $0xFFFF  }
0xa0: {  	_ =	shalt  }

// kernel: kernel.16.cloned.1.call-start
scs
__scs_entry_jumppad:
0x0: {  	(pc) =	sbr.rel $0x88, $3  }
0x1: {  	(tag) =	ssettag $0x0;
	lr =	simm.s32 $0x1  }
0x2: {  	[smem:$0x3F99] =	sst lr;
	_ =	strace $0xD0000000  }
0x3: {  	_ = 	snop  }
0x4: {  	_ = 	snop  }
0x5: {  	_ = 	snop  }
0x6: {  	_ = 	snop  }
0x7: {  	_ = 	snop  }
__scs_overlays_trampoline_lowered:
0x8: {  	[smem:$0x3FA8] =	sst s0  }
0x9: {  	[smem:$0x3FA9] =	sst s1  }
0xa: {  	[smem:$0x3FAA] =	sst s2  }
0xb: {  	[smem:$0x3FAB] =	sst s3  }
0xc: {  	[smem:$0x3FAC] =	sst s4  }
0xd: {  	[smem:$0x3FAD] =	sst s5  }
0xe: {  	[smem:$0x3FAE] =	sst s6  }
0xf: {  	[smem:$0x3FAF] =	sst s7  }
0x10: {  	[smem:$0x3FB0] =	sst s8  }
0x11: {  	[smem:$0x3FB1] =	sst s9;
	s0 =	simm.s32 @!p0 $0x0  }
0x12: {  	s1 =	sld [smem:$0x3F97];
	s0 =	simm.s32 @p0 $0x1  }
0x13: {  	[smem:$0x3FB2] =	sst s0;
	s0 =	simm.s32 @!p1 $0x0  }
0x14: {  	s2 =	sld [smem:$0x3F96];
	s0 =	simm.s32 @p1 $0x1  }
0x15: {  	[smem:$0x3FB3] =	sst s0;
	s0 =	simm.s32 @!p2 $0x0  }
0x16: {  	s3 =	sld [smem:$0x3FDB];
	s0 =	simm.s32 @p2 $0x1  }
0x17: {  	s4 =	simm.s32 $0x1BF5;
	[smem:$0x3FB5] =	sst s0  }
0x18: {  	s0 =	sld [smem:$0x3F98];
	_ =	swait.ge [sflag:s4], $0x0  }
0x19: {  	s7 =	sld [smem:$0x3F99]  }
0x1a: {  	s8 =	sadd.s32 $0xFFFFE003, lr  }
0x1b: {  	s9 =	sadd.s32 $0xFFFFFEF7, lr;
	s5 =	simm.s32 $0xFFFFFFFF;
	p2 =	slt.u32 s8, $0xFFFFF086  }
0x1c: {  	p1 =	slt.u32 s9, $0xF7A;
	s5 =	simm.s32 @!p2 $0x0  }
0x1d: {  	s5 =	simm.s32 @p1 $0x1;
	p0 =	seq.s32 s7, s2  }
0x1e: {  	s7 =	smul.u32 @!p0 $0xF7A, s2;
	p2 =	seq.s32 @!p0 s5, $0x0  }
0x1f: {  	s9 =	smul.u32 $0xF7A, s1;
	s8 =	simm.s32 @!p0 $0x1BF5;
	p2 =	por !p2, p0  }
0x20: {  	[sflag:s8] =	ssyncset.s32 @!p0 $0xFFFFF086;
	s6 =	sadd.s32 @!p0 s3, s7;
	s7 =	simm.s32 @!p0 $0x108  }
0x21: {  	s3 =	sadd.s32 s3, s9;
	s6 =	sadd.s32 @!p0 $0x88, s6;
	s7 =	simm.s32 @p2 $0x1082  }
0x22: {  	[simem:s7], [sflag:s8] =	dma.local @!p0 [hbm:s6], $0xF7A  }
0x23: {  	s9 =	sor.u32 $0xD0000000, s2;
	s6 =	simm.s32 $0x108;
	_ =	swait.ge @!p0 [sflag:s8], $0x0  }
0x24: {  	s3 =	sadd.s32 $0x88, s3;
	s6 =	simm.s32 @!p1 $0x1082;
	[sflag:s4] =	ssyncset.s32 $0xFFFFF086  }
0x25: {  	[simem:s6], [sflag:s4] =	dma.local [hbm:s3], $0xF7A  }
0x26: {  	[smem:$0x3F99] =	sst s1;
	(tag) =	ssettag s2;
	_ =	strace s9  }
0x27: {  	s1 =	sld [smem:$0x3FA9]  }
0x28: {  	s2 =	sld [smem:$0x3FAA]  }
0x29: {  	s4 =	sld [smem:$0x3FAC]  }
0x2a: {  	p0 =	seq.s32 s5, $0x0;
	s5 =	sld [smem:$0x3FAD]  }
0x2b: {  	s6 =	sld [smem:$0x3FAE]  }
0x2c: {  	s7 =	sld [smem:$0x3FAF]  }
0x2d: {  	s3 =	simm.s32 $0x108;
	s8 =	sld [smem:$0x3FB0]  }
0x2e: {  	s3 =	simm.s32 @!p0 $0x1082;
	s9 =	sld [smem:$0x3FB1]  }
0x2f: {  	lr =	sadd.s32 s0, s3;
	s0 =	sld [smem:$0x3FA8]  }
0x30: {  	s3 =	sld [smem:$0x3FAB]  }
0x31: {  	[smem:$0x3FB4] =	sst s10  }
0x32: {  	s10 =	sld [smem:$0x3FB2];
	_ =	sdelay $0x3  }
0x33: {  	p0 =	seq.s32 s10, $0x1;
	s10 =	sld [smem:$0x3FB4];
	_ =	sdelay $0x3  }
0x34: {  	[smem:$0x3FB4] =	sst s10  }
0x35: {  	s10 =	sld [smem:$0x3FB3];
	_ =	sdelay $0x3  }
0x36: {  	p1 =	seq.s32 s10, $0x1;
	s10 =	sld [smem:$0x3FB4];
	_ =	sdelay $0x3  }
0x37: {  	[smem:$0x3FB4] =	sst s10  }
0x38: {  	s10 =	sld [smem:$0x3FB5]  }
0x39: {  	_ = 	snop;
	(pc) =	sbr.ind lr, $3  }
0x3a: {  	_ = 	snop  }
0x3b: {  	_ = 	snop  }
0x3c: {  	p2 =	seq.s32 s10, $0x1;
	s10 =	sld [smem:$0x3FB4]  }
0x3d: {  	_ =	shalt  }
0x3e: {  	_ =	shalt  }
0x3f: {  	_ =	shalt  }
0x40: {  	_ =	shalt  }
0x41: {  	_ =	shalt  }
0x42: {  	_ =	shalt  }
0x43: {  	_ =	shalt  }
0x44: {  	_ =	shalt  }
0x45: {  	_ =	shalt  }
0x46: {  	_ =	shalt  }
0x47: {  	_ =	shalt  }
0x48: {  	_ =	shalt  }
0x49: {  	_ =	shalt  }
0x4a: {  	_ =	shalt  }
0x4b: {  	_ =	shalt  }
0x4c: {  	_ =	shalt  }
0x4d: {  	_ =	shalt  }
0x4e: {  	_ =	shalt  }
0x4f: {  	_ =	shalt  }
0x50: {  	_ =	shalt  }
0x51: {  	_ =	shalt  }
0x52: {  	_ =	shalt  }
0x53: {  	_ =	shalt  }
0x54: {  	_ =	shalt  }
0x55: {  	_ =	shalt  }
0x56: {  	_ =	shalt  }
0x57: {  	_ =	shalt  }
0x58: {  	_ =	shalt  }
0x59: {  	_ =	shalt  }
0x5a: {  	_ =	shalt  }
0x5b: {  	_ =	shalt  }
0x5c: {  	_ =	shalt  }
0x5d: {  	_ =	shalt  }
0x5e: {  	_ =	shalt  }
0x5f: {  	_ =	shalt  }
0x60: {  	_ =	shalt  }
0x61: {  	_ =	shalt  }
0x62: {  	_ =	shalt  }
0x63: {  	_ =	shalt  }
0x64: {  	_ =	shalt  }
0x65: {  	_ =	shalt  }
0x66: {  	_ =	shalt  }
0x67: {  	_ =	shalt  }
0x68: {  	_ =	shalt  }
0x69: {  	_ =	shalt  }
0x6a: {  	_ =	shalt  }
0x6b: {  	_ =	shalt  }
0x6c: {  	_ =	shalt  }
0x6d: {  	_ =	shalt  }
0x6e: {  	_ =	shalt  }
0x6f: {  	_ =	shalt  }
0x70: {  	_ =	shalt  }
0x71: {  	_ =	shalt  }
0x72: {  	_ =	shalt  }
0x73: {  	_ =	shalt  }
0x74: {  	_ =	shalt  }
0x75: {  	_ =	shalt  }
0x76: {  	_ =	shalt  }
0x77: {  	_ =	shalt  }
0x78: {  	_ =	shalt  }
0x79: {  	_ =	shalt  }
0x7a: {  	_ =	shalt  }
0x7b: {  	_ =	shalt  }
0x7c: {  	_ =	shalt  }
0x7d: {  	_ =	shalt  }
0x7e: {  	_ =	shalt  }
0x7f: {  	_ =	shalt  }
0x80: {  	_ =	shalt  }
0x81: {  	_ =	shalt  }
0x82: {  	_ =	shalt  }
0x83: {  	_ =	shalt  }
0x84: {  	_ =	shalt  }
0x85: {  	_ =	shalt  }
0x86: {  	_ =	shalt  }
0x87: {  	_ =	shalt  }
.Lfunc_end0:
.L_simem_size_0:
called_computation.2_lowered:
.L_overlay_start_0:
0x88: {  	s2 =	sld [smem:$0x3FD9]  }
0x89: {  	s3 =	sld [smem:$0x3FFE];
	_ =	sdelay $0x1  }
0x8a: {  	s1 =	srdreg.scid  }
0x8b: {  	s0 =	sand.u32 $0x1, s1  }
0x8c: {  	s17 =	sshll.u32 s0, $0xA;
	s2 =	sadd.s32 s3, s2  }
0x8d: {  	s2 =	sadd.s32 s2, s17  }
0x8e: {  	[smem:$0x3FC0] =	sst s2  }
0x8f: {  	_ = 	snop  }
0x90: {  	s2 =	sld [smem:$0x3FD0];
	(tm) =	ssettm $0x1  }
0x91: {  	s18 =	sld [smem:$0x3FFB];
	_ =	sdelay $0x3  }
0x92: {  	_ =	strace s18  }
0x93: {  	s3 =	sld [smem:$0x3FFC];
	_ =	sdelay $0x3  }
0x94: {  	_ =	strace s3  }
0x95: {  	s3 =	sld [smem:$0x3FFD];
	_ =	sdelay $0x3  }
0x96: {  	_ =	strace s3  }
0x97: {  	_ =	strace $0x8FFFFFFF  }
0x98: {  	s19 =	sld [smem:$0x3FDB];
	_ =	sdelay $0x1  }
0x99: {  	s4 =	simm.s32 $_scs_section_size  }
0x9a: {  	s5 =	simm.s32 $_size__tile_overlayer_lowered;
	s6 =	simm.s32 $_tile_overlayer_lowered  }
0x9b: {  	s22 =	simm.s32 $0x1BFF;
	s21 =	sshll.u32 s6, $0x1;
	s3 =	sadd.s32 s4, s19  }
0x9c: {  	s7 =	simm.s32 $0x0;
	s20 =	sshll.u32 s5, $0x1;
	s5 =	sadd.s32 s21, s3  }
0x9d: {  	[timem:s7], [sflag:s22] =	dma.local [hbm:s5], s20  }
0x9e: {  	_ =	swait.ge [sflag:s22], s20  }
0x9f: {  	s4 =	ssub.s32 $0x0, s20;
	[sflag:s22] =	ssyncset.done $0x0  }
0xa0: {  	[sflag:s22] =	ssyncadd.s32 s4;
	_ =	sdelay $0x1  }
0xa1: {  	s23 =	simm.s32 $0x1B8B  }
0xa2: {  	_ =	swait.ge [sflag:s23], $0x1  }
0xa3: {  	[sflag:s23] =	ssyncset.done $0x0  }
0xa4: {  	s25 =	simm.s32 $0x1B8E;
	s24 =	sld [smem:$0x3FFE];
	[sflag:s23] =	ssyncadd.s32 $0xFFFFFFFF  }
0xa5: {  	s26 =	simm.s32 $execute0_lowered;
	[smem:$0x3FD2] =	sst s25  }
0xa6: {  	s5 =	sshll.u32 s26, $0x1;
	_ =	strace $0x8000004C;
	[dreg:$0x1] =	wrdreg $0xFFFFFFFF  }
0xa7: {  	s28 =	simm.s32 $_size_execute0_lowered;
	s3 =	sadd.s32 s3, s5;
	[dreg:$0x0] =	wrdreg $0x0  }
0xa8: {  	s5 =	sshll.u32 s28, $0x1;
	[dreg:$0x2] =	wrdreg s3  }
0xa9: {  	[dreg:$0x3] =	wrdreg s5  }
0xaa: {  	[dreg:$0x4] =	wrdreg $0xC0  }
0xab: {  	_ =	task [dreg:s7], $0x5FFFF  }
0xac: {  	[dreg:$0x1] =	wrdreg $0xFFFFFFFF  }
0xad: {  	[dreg:$0x0] =	wrdreg $0x60  }
0xae: {  	[dreg:$0x2] =	wrdreg s24  }
0xaf: {  	[dreg:$0x3] =	wrdreg s2  }
0xb0: {  	[dreg:$0x4] =	wrdreg $0xB8000  }
0xb1: {  	[dreg:$0x5] =	wrdreg $0x9  }
0xb2: {  	_ =	task.clear_ibuf [dreg:s7], $0x6FFFF;
	_ =	strace $0x9000004C  }
0xb3: {  	s29 =	simm.s32 $0x9;
	_ =	strace $0x8000004E  }
0xb4: {  	_ =	swait.ge [sflag:s29], $0x1  }
0xb5: {  	[sflag:s29] =	ssyncadd.s32 $0xFFFFFFFF  }
0xb6: {  	_ =	strace $0x9000004E  }
0xb7: {  	_ =	sfence  }
0xb8: {  	s30 =	sld [smem:$0x0];
	_ =	sdelay $0x2  }
0xb9: {  	s31 =	sshll.u32 s1, $0xD;
	s1 =	sshrl.u32 s1, $0x2  }
0xba: {  	s3 =	sand.u32 $0x4000, s31;
	s1 =	sadd.s32 s1, s30  }
0xbb: {  	s0 =	sor.u32 s3, s0;
	s1 =	sshll.u32 s1, $0x11  }
0xbc: {  	s0 =	sor.u32 s1, s0  }
0xbd: {  	s0 =	sadd.s32 $0x8F2B, s0  }
0xbe: {  	[sflag:s0] =	ssyncadd.remote.s32 $0x1  }
0xbf: {  	_ =	sfence.sel $0xFFFF  }
0xc0: {  	[dreg:$0x0] =	wrdreg $0xFFFFFFFF;
	(pc) =	sbr.abs _section_cstart, $3  }
0xc1: {  	[dreg:$0x1] =	wrdreg $0xFFFFFFFF  }
0xc2: {  	_ =	task.clear_ibuf [dreg:s7], $0x2FFFF;
	_ =	strace $0x9FFFFFFF  }
0xc3: {  	(tm) =	ssettm $0x7FFFFFFF  }
tec
execute0_lowered:
.L_overlay_start_1:
0x0: {  	(tag) =	ssettag $0x1  }
0x1: {  	s0 =	rddreg [dreg:$0x0]  }
0x2: {  	s1 =	srdreg.scid;
	s5 =	rddreg [dreg:$0x1]  }
0x3: {  	s11 =	stileid.u32;
	s2 =	rddreg [dreg:$0x2];
	s3 =	simm.s32 $0x0  }
0x4: {  	s28 =	simm.s32 $0x5800;
	s29 =	simm.s32 $0x100;
	s6 =	smul.u32 $0xA800, s11  }
0x5: {  	s30 =	simm.s32 $0x7800;
	s31 =	simm.s32 $0x180;
	s9 =	smul.u32 $0x14000, s11  }
0x6: {  	s1 =	sand.u32 $0x1, s1;
	[smem:$0x7FF] =	sst s3;
	s10 =	smul.u32 $0x50000, s11  }
0x7: {  	s12 =	sadd.s32 $0x10800, s0;
	s14 =	sshll.u32 s11, $0x6;
	s4 =	smul.u32 $0xA8000, s1  }
0x8: {  	s11 =	simm.s32 $0x3680;
	s7 =	smul.u32 $0x140000, s1;
	_ =	strace $0x8000004D  }
0x9: {  	s1 =	ssub.s32 $0x2, s1;
	[dreg:$0x4] =	wrdreg s12;
	s12 =	simm.s32 $0x3700  }
0xa: {  	s26 =	sshrl.u32 s1, $0x1;
	s13 =	sshrl.u32 s10, $0x2;
	s8 =	sadd.s32 s6, s4  }
0xb: {  	s15 =	sshrl.u32 s6, $0x3;
	s7 =	sadd.s32 s9, s7;
	s8 =	sshrl.u32 s8, $0x3  }
0xc: {  	s10 =	simm.s32 $0x3600;
	s7 =	sshrl.u32 s7, $0x3;
	s8 =	sadd.s32 s8, s0  }
0xd: {  	s4 =	sadd.s32 $0x13000, s0;
	s0 =	sadd.s32 s7, s0;
	s17 =	sadd.s32 $0xC1000, s8  }
0xe: {  	s7 =	sadd.s32 s5, s15;
	s18 =	sadd.s32 $0xC1380, s8;
	[dreg:$0x5] =	wrdreg s17  }
0xf: {  	s1 =	ssub.s32 s1, s26;
	s19 =	sadd.s32 $0x380, s7;
	[dreg:$0x6] =	wrdreg s18  }
0x10: {  	s16 =	sadd.s32 s13, s2;
	s20 =	sadd.s32 $0xC1700, s8;
	[dreg:$0x7] =	wrdreg s19  }
0x11: {  	s6 =	sor.u32 $0x1C05, s14;
	s21 =	sadd.s32 $0x700, s7;
	[dreg:$0x8] =	wrdreg s20  }
0x12: {  	s9 =	simm.s32 $0x4;
	s22 =	sadd.s32 $0xC1A80, s8;
	[dreg:$0x9] =	wrdreg s21  }
0x13: {  	s13 =	simm.s32 $0x3780;
	s23 =	sadd.s32 $0xA80, s7;
	[dreg:$0xa] =	wrdreg s22  }
0x14: {  	s14 =	simm.s32 $0x0;
	s24 =	sadd.s32 $0xC1E00, s8;
	[dreg:$0xb] =	wrdreg s23  }
0x15: {  	s5 =	simm.s32 $0x2;
	s25 =	sadd.s32 $0xE00, s7;
	[dreg:$0xc] =	wrdreg s24  }
0x16: {  	s26 =	sadd.s32 $0xC2180, s8;
	s8 =	simm.s32 $0x3;
	[dreg:$0xd] =	wrdreg s25  }
0x17: {  	[dreg:$0xe] =	wrdreg s26;
	s18 =	sadd.s32 $0x1180, s7;
	s19 =	sadd.s32 $0x71000, s0  }
0x18: {  	s20 =	smax.u32 s1, $0x1;
	s21 =	sshrl.u32 s16, $0x3;
	s22 =	simm.s32 $0x5  }
0x19: {  	s23 =	simm.s32 $0x1C00;
	s24 =	simm.s32 $0x40;
	s25 =	simm.s32 $0x3800  }
0x1a: {  	s26 =	simm.s32 $0x80;
	s1 =	simm.s32 $0x9800;
	s0 =	simm.s32 $0x1  }
.LBB2_1:
0x1b: {  	s15 =	rddreg [dreg:$0x4]  }
0x1c: {  	[spmem:s21], [sflag:s6] =	dma.local [hbm:s15], $0x2800  }
0x1d: {  	_ =	swait.ge [sflag:s22], $0x2800  }
0x1e: {  	[sflag:s22] =	ssyncset.done $0x0  }
0x1f: {  	[sflag:s22] =	ssyncadd.s32 $0xFFFFD800  }
0x20: {  	[bflag:$0x0] =	sbarrier.arrive $0xFFFF  }
0x21: {  	s16 =	rddreg [dreg:$0x5]  }
0x22: {  	[tilespmem:s3], [sflag:$0x5] =	stream.linear.gather [hbm4b:s16+s3], $0x1C00, $0x38;
	[tilespmem:$0x1F800] =	vst v63  }
0x23: {  	_ =	swait.ge [sflag:s22], $0x1C00  }
0x24: {  	[sflag:s22] =	ssyncset.done $0x0  }
0x25: {  	[sflag:s22] =	ssyncadd.s32 $0xFFFFE400  }
0x26: {  	[tilespmem:s23], [sflag:$0x5] =	stream.linear.gather [hbm4b:s7+s3], $0x1C00, $0x38;
	[tilespmem:$0x1F800] =	vst v63  }
0x27: {  	_ =	swait.ge [sflag:s22], $0x1C00  }
0x28: {  	[sflag:s22] =	ssyncset.done $0x0  }
0x29: {  	[sflag:s22] =	ssyncadd.s32 $0xFFFFE400  }
0x2a: {  	[tilespmem:s25], [sflag:$0x1] =	stream.indirect.gather [hbm4b:s4+s24], $0x80, s3, s24, $0xb8;
	[tilespmem:$0x1F800] =	vst v63  }
0x2b: {  	_ = 	snop  }
0x2c: {  	[tilespmem:s28], [sflag:$0x2] =	stream.indirect.gather [hbm4b:s4+s24], $0x80, s26, s24, $0xb8;
	[tilespmem:$0x1F800] =	vst v63  }
0x2d: {  	_ = 	snop  }
0x2e: {  	[tilespmem:s30], [sflag:$0x3] =	stream.indirect.gather [hbm4b:s4+s24], $0x80, s29, s24, $0xb8;
	[tilespmem:$0x1F800] =	vst v63  }
0x2f: {  	_ = 	snop  }
0x30: {  	[tilespmem:s1], [sflag:$0x4] =	stream.indirect.gather [hbm4b:s4+s24], $0x80, s31, s24, $0xb8;
	[tilespmem:$0x1F800] =	vst v63  }
0x31: {  	_ =	swait.ge [sflag:s0], $0x2000  }
0x32: {  	[sflag:s0] =	ssyncset.done $0x0  }
0x33: {  	s17 =	simm.s32 $0x1C00;
	[sflag:s0] =	ssyncadd.s32 $0xFFFFE000  }
0x34: {  	[spmem:s2] =	stream.indirect.scatter.add.f32 [tilespmem:s25], [sflag:$0x5], $0x80, s17, s24, $0xb8;
	[tilespmem:$0x1F800] =	vst v63  }
0x35: {  	_ =	swait.ge [sflag:s22], $0x2000  }
0x36: {  	[sflag:s22] =	ssyncset.done $0x0  }
0x37: {  	s16 =	simm.s32 $0x200;
	[sflag:s22] =	ssyncadd.s32 $0xFFFFE000  }
0x38: {  	[tilespmem:s25], [sflag:$0x1] =	stream.indirect.gather [hbm4b:s4+s24], $0x80, s16, s24, $0xb8;
	[tilespmem:$0x1F800] =	vst v63  }
0x39: {  	_ =	swait.ge [sflag:s5], $0x2000  }
0x3a: {  	[sflag:s5] =	ssyncset.done $0x0  }
0x3b: {  	s17 =	simm.s32 $0x1C80;
	[sflag:s5] =	ssyncadd.s32 $0xFFFFE000  }
0x3c: {  	[spmem:s2] =	stream.indirect.scatter.add.f32 [tilespmem:s28], [sflag:$0x5], $0x80, s17, s24, $0xb8;
	[tilespmem:$0x1F800] =	vst v63  }
0x3d: {  	_ =	swait.ge [sflag:s22], $0x2000  }
0x3e: {  	[sflag:s22] =	ssyncset.done $0x0  }
0x3f: {  	s16 =	simm.s32 $0x280;
	[sflag:s22] =	ssyncadd.s32 $0xFFFFE000  }
0x40: {  	[tilespmem:s28], [sflag:$0x2] =	stream.indirect.gather [hbm4b:s4+s24], $0x80, s16, s24, $0xb8;
	[tilespmem:$0x1F800] =	vst v63  }
0x41: {  	_ =	swait.ge [sflag:s8], $0x2000  }
0x42: {  	[sflag:s8] =	ssyncset.done $0x0  }
0x43: {  	s17 =	simm.s32 $0x1D00;
	[sflag:s8] =	ssyncadd.s32 $0xFFFFE000  }
0x44: {  	[spmem:s2] =	stream.indirect.scatter.add.f32 [tilespmem:s30], [sflag:$0x5], $0x80, s17, s24, $0xb8;
	[tilespmem:$0x1F800] =	vst v63  }
0x45: {  	_ =	swait.ge [sflag:s22], $0x2000  }
0x46: {  	[sflag:s22] =	ssyncset.done $0x0  }
0x47: {  	s16 =	simm.s32 $0x300;
	[sflag:s22] =	ssyncadd.s32 $0xFFFFE000  }
0x48: {  	[tilespmem:s30], [sflag:$0x3] =	stream.indirect.gather [hbm4b:s4+s24], $0x80, s16, s24, $0xb8;
	[tilespmem:$0x1F800] =	vst v63  }
0x49: {  	_ =	swait.ge [sflag:s9], $0x2000  }
0x4a: {  	[sflag:s9] =	ssyncset.done $0x0  }
0x4b: {  	s17 =	simm.s32 $0x1D80;
	[sflag:s9] =	ssyncadd.s32 $0xFFFFE000  }
0x4c: {  	[spmem:s2] =	stream.indirect.scatter.add.f32 [tilespmem:s1], [sflag:$0x5], $0x80, s17, s24, $0xb8;
	[tilespmem:$0x1F800] =	vst v63  }
0x4d: {  	_ =	swait.ge [sflag:s22], $0x2000  }
0x4e: {  	[sflag:s22] =	ssyncset.done $0x0  }
0x4f: {  	s15 =	simm.s32 $0x800;
	s16 =	simm.s32 $0x380;
	[sflag:s22] =	ssyncadd.s32 $0xFFFFE000  }
.LBB2_2:
0x50: {  	[tilespmem:s1], [sflag:$0x4] =	stream.indirect.gather [hbm4b:s4+s24], $0x80, s16, s24, $0xb8;
	[tilespmem:$0x1F800] =	vst v63  }
0x51: {  	s16 =	smov.u32 s15  }
0x52: {  	p0 =	sne.s32 s15, $0x6000;
	s15 =	sadd.s32 $0x800, s15;
	_ =	swait.ge [sflag:s0], $0x2000  }
0x53: {  	s16 =	sshra.s32 s16, $0x2;
	[sflag:s0] =	ssyncset.done $0x0  }
0x54: {  	s17 =	sadd.s32 $0x1C00, s16;
	[sflag:s0] =	ssyncadd.s32 $0xFFFFE000  }
0x55: {  	[spmem:s2] =	stream.indirect.scatter.add.f32 [tilespmem:s25], [sflag:$0x5], $0x80, s17, s24, $0xb8;
	[tilespmem:$0x1F800] =	vst v63  }
0x56: {  	_ =	swait.ge [sflag:s22], $0x2000  }
0x57: {  	[sflag:s22] =	ssyncset.done $0x0  }
0x58: {  	s17 =	sadd.s32 $0x200, s16;
	[sflag:s22] =	ssyncadd.s32 $0xFFFFE000  }
0x59: {  	[tilespmem:s25], [sflag:$0x1] =	stream.indirect.gather [hbm4b:s4+s24], $0x80, s17, s24, $0xb8;
	[tilespmem:$0x1F800] =	vst v63  }
0x5a: {  	_ =	swait.ge [sflag:s5], $0x2000  }
0x5b: {  	[sflag:s5] =	ssyncset.done $0x0  }
0x5c: {  	s17 =	sadd.s32 $0x1C80, s16;
	[sflag:s5] =	ssyncadd.s32 $0xFFFFE000  }
0x5d: {  	[spmem:s2] =	stream.indirect.scatter.add.f32 [tilespmem:s28], [sflag:$0x5], $0x80, s17, s24, $0xb8;
	[tilespmem:$0x1F800] =	vst v63  }
0x5e: {  	_ =	swait.ge [sflag:s22], $0x2000  }
0x5f: {  	[sflag:s22] =	ssyncset.done $0x0  }
0x60: {  	s17 =	sadd.s32 $0x280, s16;
	[sflag:s22] =	ssyncadd.s32 $0xFFFFE000  }
0x61: {  	[tilespmem:s28], [sflag:$0x2] =	stream.indirect.gather [hbm4b:s4+s24], $0x80, s17, s24, $0xb8;
	[tilespmem:$0x1F800] =	vst v63  }
0x62: {  	_ =	swait.ge [sflag:s8], $0x2000  }
0x63: {  	[sflag:s8] =	ssyncset.done $0x0  }
0x64: {  	s17 =	sadd.s32 $0x1D00, s16;
	[sflag:s8] =	ssyncadd.s32 $0xFFFFE000  }
0x65: {  	[spmem:s2] =	stream.indirect.scatter.add.f32 [tilespmem:s30], [sflag:$0x5], $0x80, s17, s24, $0xb8;
	[tilespmem:$0x1F800] =	vst v63  }
0x66: {  	_ =	swait.ge [sflag:s22], $0x2000  }
0x67: {  	[sflag:s22] =	ssyncset.done $0x0  }
0x68: {  	s17 =	sadd.s32 $0x300, s16;
	[sflag:s22] =	ssyncadd.s32 $0xFFFFE000  }
0x69: {  	[tilespmem:s30], [sflag:$0x3] =	stream.indirect.gather [hbm4b:s4+s24], $0x80, s17, s24, $0xb8;
	[tilespmem:$0x1F800] =	vst v63  }
0x6a: {  	_ =	swait.ge [sflag:s9], $0x2000  }
0x6b: {  	[sflag:s9] =	ssyncset.done $0x0  }
.Ltmp0:
0x6c: {  	s17 =	sadd.s32 $0x1D80, s16;
	[sflag:s9] =	ssyncadd.s32 $0xFFFFE000;
	(pc) =	sbr.rel @p0 .LBB2_2-.Ltmp0, $4  }
0x6d: {  	[spmem:s2] =	stream.indirect.scatter.add.f32 [tilespmem:s1], [sflag:$0x5], $0x80, s17, s24, $0xb8;
	[tilespmem:$0x1F800] =	vst v63  }
0x6e: {  	_ =	swait.ge [sflag:s22], $0x2000  }
0x6f: {  	[sflag:s22] =	ssyncset.done $0x0  }
0x70: {  	s16 =	sadd.s32 $0x380, s16;
	[sflag:s22] =	ssyncadd.s32 $0xFFFFE000  }
0x71: {  	[tilespmem:s1], [sflag:$0x4] =	stream.indirect.gather [hbm4b:s4+s24], $0x80, s16, s24, $0xb8;
	[tilespmem:$0x1F800] =	vst v63  }
0x72: {  	_ =	swait.ge [sflag:s0], $0x2000  }
0x73: {  	[sflag:s0] =	ssyncset.done $0x0  }
0x74: {  	[sflag:s0] =	ssyncadd.s32 $0xFFFFE000  }
0x75: {  	[spmem:s2] =	stream.indirect.scatter.add.f32 [tilespmem:s25], [sflag:$0x5], $0x80, s10, s24, $0xb8;
	[tilespmem:$0x1F800] =	vst v63  }
0x76: {  	_ =	swait.ge [sflag:s22], $0x2000  }
0x77: {  	[sflag:s22] =	ssyncset.done $0x0  }
0x78: {  	[sflag:s22] =	ssyncadd.s32 $0xFFFFE000  }
0x79: {  	_ =	swait.ge [sflag:s5], $0x2000  }
0x7a: {  	[sflag:s5] =	ssyncset.done $0x0  }
0x7b: {  	[sflag:s5] =	ssyncadd.s32 $0xFFFFE000  }
0x7c: {  	[spmem:s2] =	stream.indirect.scatter.add.f32 [tilespmem:s28], [sflag:$0x5], $0x80, s11, s24, $0xb8;
	[tilespmem:$0x1F800] =	vst v63  }
0x7d: {  	_ =	swait.ge [sflag:s22], $0x2000  }
0x7e: {  	[sflag:s22] =	ssyncset.done $0x0  }
0x7f: {  	[sflag:s22] =	ssyncadd.s32 $0xFFFFE000  }
0x80: {  	_ =	swait.ge [sflag:s8], $0x2000  }
0x81: {  	[sflag:s8] =	ssyncset.done $0x0  }
0x82: {  	[sflag:s8] =	ssyncadd.s32 $0xFFFFE000  }
0x83: {  	[spmem:s2] =	stream.indirect.scatter.add.f32 [tilespmem:s30], [sflag:$0x5], $0x80, s12, s24, $0xb8;
	[tilespmem:$0x1F800] =	vst v63  }
0x84: {  	_ =	swait.ge [sflag:s22], $0x2000  }
0x85: {  	[sflag:s22] =	ssyncset.done $0x0  }
0x86: {  	[sflag:s22] =	ssyncadd.s32 $0xFFFFE000  }
0x87: {  	_ =	swait.ge [sflag:s9], $0x2000  }
0x88: {  	[sflag:s9] =	ssyncset.done $0x0  }
0x89: {  	[sflag:s9] =	ssyncadd.s32 $0xFFFFE000  }
0x8a: {  	[spmem:s2] =	stream.indirect.scatter.add.f32 [tilespmem:s1], [sflag:$0x5], $0x80, s13, s24, $0xb8;
	[tilespmem:$0x1F800] =	vst v63  }
0x8b: {  	_ =	swait.ge [sflag:s22], $0x2000  }
0x8c: {  	[sflag:s22] =	ssyncset.done $0x0  }
0x8d: {  	s15 =	simm.s32 $0x0;
	s17 =	rddreg [dreg:$0x6];
	[sflag:s22] =	ssyncadd.s32 $0xFFFFE000  }
0x8e: {  	[tilespmem:s15], [sflag:$0x5] =	stream.linear.gather [hbm4b:s17+s15], $0x1C00, $0x38;
	[tilespmem:$0x1F800] =	vst v63  }
0x8f: {  	_ =	swait.ge [sflag:s22], $0x1C00  }
0x90: {  	[sflag:s22] =	ssyncset.done $0x0  }
0x91: {  	s17 =	rddreg [dreg:$0x7];
	[sflag:s22] =	ssyncadd.s32 $0xFFFFE400  }
0x92: {  	[tilespmem:s23], [sflag:$0x5] =	stream.linear.gather [hbm4b:s17+s15], $0x1C00, $0x38;
	[tilespmem:$0x1F800] =	vst v63  }
0x93: {  	_ =	swait.ge [sflag:s22], $0x1C00  }
0x94: {  	[sflag:s22] =	ssyncset.done $0x0  }
0x95: {  	[sflag:s22] =	ssyncadd.s32 $0xFFFFE400  }
0x96: {  	[tilespmem:s25], [sflag:$0x1] =	stream.indirect.gather [hbm4b:s4+s24], $0x80, s15, s24, $0xb8;
	[tilespmem:$0x1F800] =	vst v63  }
0x97: {  	_ = 	snop  }
0x98: {  	[tilespmem:s28], [sflag:$0x2] =	stream.indirect.gather [hbm4b:s4+s24], $0x80, s26, s24, $0xb8;
	[tilespmem:$0x1F800] =	vst v63  }
0x99: {  	_ = 	snop  }
0x9a: {  	[tilespmem:s30], [sflag:$0x3] =	stream.indirect.gather [hbm4b:s4+s24], $0x80, s29, s24, $0xb8;
	[tilespmem:$0x1F800] =	vst v63  }
0x9b: {  	_ = 	snop  }
0x9c: {  	[tilespmem:s1], [sflag:$0x4] =	stream.indirect.gather [hbm4b:s4+s24], $0x80, s31, s24, $0xb8;
	[tilespmem:$0x1F800] =	vst v63  }
0x9d: {  	_ =	swait.ge [sflag:s0], $0x2000  }
0x9e: {  	[sflag:s0] =	ssyncset.done $0x0  }
0x9f: {  	s17 =	simm.s32 $0x1C00;
	[sflag:s0] =	ssyncadd.s32 $0xFFFFE000  }
0xa0: {  	[spmem:s2] =	stream.indirect.scatter.add.f32 [tilespmem:s25], [sflag:$0x5], $0x80, s17, s24, $0xb8;
	[tilespmem:$0x1F800] =	vst v63  }
0xa1: {  	_ =	swait.ge [sflag:s22], $0x2000  }
0xa2: {  	[sflag:s22] =	ssyncset.done $0x0  }
0xa3: {  	s16 =	simm.s32 $0x200;
	[sflag:s22] =	ssyncadd.s32 $0xFFFFE000  }
0xa4: {  	[tilespmem:s25], [sflag:$0x1] =	stream.indirect.gather [hbm4b:s4+s24], $0x80, s16, s24, $0xb8;
	[tilespmem:$0x1F800] =	vst v63  }
0xa5: {  	_ =	swait.ge [sflag:s5], $0x2000  }
0xa6: {  	[sflag:s5] =	ssyncset.done $0x0  }
0xa7: {  	s17 =	simm.s32 $0x1C80;
	[sflag:s5] =	ssyncadd.s32 $0xFFFFE000  }
0xa8: {  	[spmem:s2] =	stream.indirect.scatter.add.f32 [tilespmem:s28], [sflag:$0x5], $0x80, s17, s24, $0xb8;
	[tilespmem:$0x1F800] =	vst v63  }
0xa9: {  	_ =	swait.ge [sflag:s22], $0x2000  }
0xaa: {  	[sflag:s22] =	ssyncset.done $0x0  }
0xab: {  	s16 =	simm.s32 $0x280;
	[sflag:s22] =	ssyncadd.s32 $0xFFFFE000  }
0xac: {  	[tilespmem:s28], [sflag:$0x2] =	stream.indirect.gather [hbm4b:s4+s24], $0x80, s16, s24, $0xb8;
	[tilespmem:$0x1F800] =	vst v63  }
0xad: {  	_ =	swait.ge [sflag:s8], $0x2000  }
0xae: {  	[sflag:s8] =	ssyncset.done $0x0  }
0xaf: {  	s17 =	simm.s32 $0x1D00;
	[sflag:s8] =	ssyncadd.s32 $0xFFFFE000  }
0xb0: {  	[spmem:s2] =	stream.indirect.scatter.add.f32 [tilespmem:s30], [sflag:$0x5], $0x80, s17, s24, $0xb8;
	[tilespmem:$0x1F800] =	vst v63  }
0xb1: {  	_ =	swait.ge [sflag:s22], $0x2000  }
0xb2: {  	[sflag:s22] =	ssyncset.done $0x0  }
0xb3: {  	s16 =	simm.s32 $0x300;
	[sflag:s22] =	ssyncadd.s32 $0xFFFFE000  }
0xb4: {  	[tilespmem:s30], [sflag:$0x3] =	stream.indirect.gather [hbm4b:s4+s24], $0x80, s16, s24, $0xb8;
	[tilespmem:$0x1F800] =	vst v63  }
0xb5: {  	_ =	swait.ge [sflag:s9], $0x2000  }
0xb6: {  	[sflag:s9] =	ssyncset.done $0x0  }
0xb7: {  	s17 =	simm.s32 $0x1D80;
	[sflag:s9] =	ssyncadd.s32 $0xFFFFE000  }
0xb8: {  	[spmem:s2] =	stream.indirect.scatter.add.f32 [tilespmem:s1], [sflag:$0x5], $0x80, s17, s24, $0xb8;
	[tilespmem:$0x1F800] =	vst v63  }
0xb9: {  	_ =	swait.ge [sflag:s22], $0x2000  }
0xba: {  	[sflag:s22] =	ssyncset.done $0x0  }
0xbb: {  	s15 =	simm.s32 $0x800;
	s16 =	simm.s32 $0x380;
	[sflag:s22] =	ssyncadd.s32 $0xFFFFE000  }
.LBB2_4:
0xbc: {  	[tilespmem:s1], [sflag:$0x4] =	stream.indirect.gather [hbm4b:s4+s24], $0x80, s16, s24, $0xb8;
	[tilespmem:$0x1F800] =	vst v63  }
0xbd: {  	s16 =	smov.u32 s15  }
0xbe: {  	p0 =	sne.s32 s15, $0x6000;
	s15 =	sadd.s32 $0x800, s15;
	_ =	swait.ge [sflag:s0], $0x2000  }
0xbf: {  	s16 =	sshra.s32 s16, $0x2;
	[sflag:s0] =	ssyncset.done $0x0  }
0xc0: {  	s17 =	sadd.s32 $0x1C00, s16;
	[sflag:s0] =	ssyncadd.s32 $0xFFFFE000  }
0xc1: {  	[spmem:s2] =	stream.indirect.scatter.add.f32 [tilespmem:s25], [sflag:$0x5], $0x80, s17, s24, $0xb8;
	[tilespmem:$0x1F800] =	vst v63  }
0xc2: {  	_ =	swait.ge [sflag:s22], $0x2000  }
0xc3: {  	[sflag:s22] =	ssyncset.done $0x0  }
0xc4: {  	s17 =	sadd.s32 $0x200, s16;
	[sflag:s22] =	ssyncadd.s32 $0xFFFFE000  }
0xc5: {  	[tilespmem:s25], [sflag:$0x1] =	stream.indirect.gather [hbm4b:s4+s24], $0x80, s17, s24, $0xb8;
	[tilespmem:$0x1F800] =	vst v63  }
0xc6: {  	_ =	swait.ge [sflag:s5], $0x2000  }
0xc7: {  	[sflag:s5] =	ssyncset.done $0x0  }
0xc8: {  	s17 =	sadd.s32 $0x1C80, s16;
	[sflag:s5] =	ssyncadd.s32 $0xFFFFE000  }
0xc9: {  	[spmem:s2] =	stream.indirect.scatter.add.f32 [tilespmem:s28], [sflag:$0x5], $0x80, s17, s24, $0xb8;
	[tilespmem:$0x1F800] =	vst v63  }
0xca: {  	_ =	swait.ge [sflag:s22], $0x2000  }
0xcb: {  	[sflag:s22] =	ssyncset.done $0x0  }
0xcc: {  	s17 =	sadd.s32 $0x280, s16;
	[sflag:s22] =	ssyncadd.s32 $0xFFFFE000  }
0xcd: {  	[tilespmem:s28], [sflag:$0x2] =	stream.indirect.gather [hbm4b:s4+s24], $0x80, s17, s24, $0xb8;
	[tilespmem:$0x1F800] =	vst v63  }
0xce: {  	_ =	swait.ge [sflag:s8], $0x2000  }
0xcf: {  	[sflag:s8] =	ssyncset.done $0x0  }
0xd0: {  	s17 =	sadd.s32 $0x1D00, s16;
	[sflag:s8] =	ssyncadd.s32 $0xFFFFE000  }
0xd1: {  	[spmem:s2] =	stream.indirect.scatter.add.f32 [tilespmem:s30], [sflag:$0x5], $0x80, s17, s24, $0xb8;
	[tilespmem:$0x1F800] =	vst v63  }
0xd2: {  	_ =	swait.ge [sflag:s22], $0x2000  }
0xd3: {  	[sflag:s22] =	ssyncset.done $0x0  }
0xd4: {  	s17 =	sadd.s32 $0x300, s16;
	[sflag:s22] =	ssyncadd.s32 $0xFFFFE000  }
0xd5: {  	[tilespmem:s30], [sflag:$0x3] =	stream.indirect.gather [hbm4b:s4+s24], $0x80, s17, s24, $0xb8;
	[tilespmem:$0x1F800] =	vst v63  }
0xd6: {  	_ =	swait.ge [sflag:s9], $0x2000  }
0xd7: {  	[sflag:s9] =	ssyncset.done $0x0  }
.Ltmp1:
0xd8: {  	s17 =	sadd.s32 $0x1D80, s16;
	[sflag:s9] =	ssyncadd.s32 $0xFFFFE000;
	(pc) =	sbr.rel @p0 .LBB2_4-.Ltmp1, $4  }
0xd9: {  	[spmem:s2] =	stream.indirect.scatter.add.f32 [tilespmem:s1], [sflag:$0x5], $0x80, s17, s24, $0xb8;
	[tilespmem:$0x1F800] =	vst v63  }
0xda: {  	_ =	swait.ge [sflag:s22], $0x2000  }
0xdb: {  	[sflag:s22] =	ssyncset.done $0x0  }
0xdc: {  	s16 =	sadd.s32 $0x380, s16;
	[sflag:s22] =	ssyncadd.s32 $0xFFFFE000  }
0xdd: {  	[tilespmem:s1], [sflag:$0x4] =	stream.indirect.gather [hbm4b:s4+s24], $0x80, s16, s24, $0xb8;
	[tilespmem:$0x1F800] =	vst v63  }
0xde: {  	_ =	swait.ge [sflag:s0], $0x2000  }
0xdf: {  	[sflag:s0] =	ssyncset.done $0x0  }
0xe0: {  	[sflag:s0] =	ssyncadd.s32 $0xFFFFE000  }
0xe1: {  	[spmem:s2] =	stream.indirect.scatter.add.f32 [tilespmem:s25], [sflag:$0x5], $0x80, s10, s24, $0xb8;
	[tilespmem:$0x1F800] =	vst v63  }
0xe2: {  	_ =	swait.ge [sflag:s22], $0x2000  }
0xe3: {  	[sflag:s22] =	ssyncset.done $0x0  }
0xe4: {  	[sflag:s22] =	ssyncadd.s32 $0xFFFFE000  }
0xe5: {  	_ =	swait.ge [sflag:s5], $0x2000  }
0xe6: {  	[sflag:s5] =	ssyncset.done $0x0  }
0xe7: {  	[sflag:s5] =	ssyncadd.s32 $0xFFFFE000  }
0xe8: {  	[spmem:s2] =	stream.indirect.scatter.add.f32 [tilespmem:s28], [sflag:$0x5], $0x80, s11, s24, $0xb8;
	[tilespmem:$0x1F800] =	vst v63  }
0xe9: {  	_ =	swait.ge [sflag:s22], $0x2000  }
0xea: {  	[sflag:s22] =	ssyncset.done $0x0  }
0xeb: {  	[sflag:s22] =	ssyncadd.s32 $0xFFFFE000  }
0xec: {  	_ =	swait.ge [sflag:s8], $0x2000  }
0xed: {  	[sflag:s8] =	ssyncset.done $0x0  }
0xee: {  	[sflag:s8] =	ssyncadd.s32 $0xFFFFE000  }
0xef: {  	[spmem:s2] =	stream.indirect.scatter.add.f32 [tilespmem:s30], [sflag:$0x5], $0x80, s12, s24, $0xb8;
	[tilespmem:$0x1F800] =	vst v63  }
0xf0: {  	_ =	swait.ge [sflag:s22], $0x2000  }
0xf1: {  	[sflag:s22] =	ssyncset.done $0x0  }
0xf2: {  	[sflag:s22] =	ssyncadd.s32 $0xFFFFE000  }
0xf3: {  	_ =	swait.ge [sflag:s9], $0x2000  }
0xf4: {  	[sflag:s9] =	ssyncset.done $0x0  }
0xf5: {  	[sflag:s9] =	ssyncadd.s32 $0xFFFFE000  }
0xf6: {  	[spmem:s2] =	stream.indirect.scatter.add.f32 [tilespmem:s1], [sflag:$0x5], $0x80, s13, s24, $0xb8;
	[tilespmem:$0x1F800] =	vst v63  }
0xf7: {  	_ =	swait.ge [sflag:s22], $0x2000  }
0xf8: {  	[sflag:s22] =	ssyncset.done $0x0  }
0xf9: {  	s15 =	simm.s32 $0x0;
	s17 =	rddreg [dreg:$0x8];
	[sflag:s22] =	ssyncadd.s32 $0xFFFFE000  }
0xfa: {  	[tilespmem:s15], [sflag:$0x5] =	stream.linear.gather [hbm4b:s17+s15], $0x1C00, $0x38;
	[tilespmem:$0x1F800] =	vst v63  }
0xfb: {  	_ =	swait.ge [sflag:s22], $0x1C00  }
0xfc: {  	[sflag:s22] =	ssyncset.done $0x0  }
0xfd: {  	s17 =	rddreg [dreg:$0x9];
	[sflag:s22] =	ssyncadd.s32 $0xFFFFE400  }
0xfe: {  	[tilespmem:s23], [sflag:$0x5] =	stream.linear.gather [hbm4b:s17+s15], $0x1C00, $0x38;
	[tilespmem:$0x1F800] =	vst v63  }
0xff: {  	_ =	swait.ge [sflag:s22], $0x1C00  }
0x100: {  	[sflag:s22] =	ssyncset.done $0x0  }
0x101: {  	[sflag:s22] =	ssyncadd.s32 $0xFFFFE400  }
0x102: {  	[tilespmem:s25], [sflag:$0x1] =	stream.indirect.gather [hbm4b:s4+s24], $0x80, s15, s24, $0xb8;
	[tilespmem:$0x1F800] =	vst v63  }
0x103: {  	_ = 	snop  }
0x104: {  	[tilespmem:s28], [sflag:$0x2] =	stream.indirect.gather [hbm4b:s4+s24], $0x80, s26, s24, $0xb8;
	[tilespmem:$0x1F800] =	vst v63  }
0x105: {  	_ = 	snop  }
0x106: {  	[tilespmem:s30], [sflag:$0x3] =	stream.indirect.gather [hbm4b:s4+s24], $0x80, s29, s24, $0xb8;
	[tilespmem:$0x1F800] =	vst v63  }
0x107: {  	_ = 	snop  }
0x108: {  	[tilespmem:s1], [sflag:$0x4] =	stream.indirect.gather [hbm4b:s4+s24], $0x80, s31, s24, $0xb8;
	[tilespmem:$0x1F800] =	vst v63  }
0x109: {  	_ =	swait.ge [sflag:s0], $0x2000  }
0x10a: {  	[sflag:s0] =	ssyncset.done $0x0  }
0x10b: {  	s17 =	simm.s32 $0x1C00;
	[sflag:s0] =	ssyncadd.s32 $0xFFFFE000  }
0x10c: {  	[spmem:s2] =	stream.indirect.scatter.add.f32 [tilespmem:s25], [sflag:$0x5], $0x80, s17, s24, $0xb8;
	[tilespmem:$0x1F800] =	vst v63  }
0x10d: {  	_ =	swait.ge [sflag:s22], $0x2000  }
0x10e: {  	[sflag:s22] =	ssyncset.done $0x0  }
0x10f: {  	s16 =	simm.s32 $0x200;
	[sflag:s22] =	ssyncadd.s32 $0xFFFFE000  }
0x110: {  	[tilespmem:s25], [sflag:$0x1] =	stream.indirect.gather [hbm4b:s4+s24], $0x80, s16, s24, $0xb8;
	[tilespmem:$0x1F800] =	vst v63  }
0x111: {  	_ =	swait.ge [sflag:s5], $0x2000  }
0x112: {  	[sflag:s5] =	ssyncset.done $0x0  }
0x113: {  	s17 =	simm.s32 $0x1C80;
	[sflag:s5] =	ssyncadd.s32 $0xFFFFE000  }
0x114: {  	[spmem:s2] =	stream.indirect.scatter.add.f32 [tilespmem:s28], [sflag:$0x5], $0x80, s17, s24, $0xb8;
	[tilespmem:$0x1F800] =	vst v63  }
0x115: {  	_ =	swait.ge [sflag:s22], $0x2000  }
0x116: {  	[sflag:s22] =	ssyncset.done $0x0  }
0x117: {  	s16 =	simm.s32 $0x280;
	[sflag:s22] =	ssyncadd.s32 $0xFFFFE000  }
0x118: {  	[tilespmem:s28], [sflag:$0x2] =	stream.indirect.gather [hbm4b:s4+s24], $0x80, s16, s24, $0xb8;
	[tilespmem:$0x1F800] =	vst v63  }
0x119: {  	_ =	swait.ge [sflag:s8], $0x2000  }
0x11a: {  	[sflag:s8] =	ssyncset.done $0x0  }
0x11b: {  	s17 =	simm.s32 $0x1D00;
	[sflag:s8] =	ssyncadd.s32 $0xFFFFE000  }
0x11c: {  	[spmem:s2] =	stream.indirect.scatter.add.f32 [tilespmem:s30], [sflag:$0x5], $0x80, s17, s24, $0xb8;
	[tilespmem:$0x1F800] =	vst v63  }
0x11d: {  	_ =	swait.ge [sflag:s22], $0x2000  }
0x11e: {  	[sflag:s22] =	ssyncset.done $0x0  }
0x11f: {  	s16 =	simm.s32 $0x300;
	[sflag:s22] =	ssyncadd.s32 $0xFFFFE000  }
0x120: {  	[tilespmem:s30], [sflag:$0x3] =	stream.indirect.gather [hbm4b:s4+s24], $0x80, s16, s24, $0xb8;
	[tilespmem:$0x1F800] =	vst v63  }
0x121: {  	_ =	swait.ge [sflag:s9], $0x2000  }
0x122: {  	[sflag:s9] =	ssyncset.done $0x0  }
0x123: {  	s17 =	simm.s32 $0x1D80;
	[sflag:s9] =	ssyncadd.s32 $0xFFFFE000  }
0x124: {  	[spmem:s2] =	stream.indirect.scatter.add.f32 [tilespmem:s1], [sflag:$0x5], $0x80, s17, s24, $0xb8;
	[tilespmem:$0x1F800] =	vst v63  }
0x125: {  	_ =	swait.ge [sflag:s22], $0x2000  }
0x126: {  	[sflag:s22] =	ssyncset.done $0x0  }
0x127: {  	s15 =	simm.s32 $0x800;
	s16 =	simm.s32 $0x380;
	[sflag:s22] =	ssyncadd.s32 $0xFFFFE000  }
.LBB2_6:
0x128: {  	[tilespmem:s1], [sflag:$0x4] =	stream.indirect.gather [hbm4b:s4+s24], $0x80, s16, s24, $0xb8;
	[tilespmem:$0x1F800] =	vst v63  }
0x129: {  	s16 =	smov.u32 s15  }
0x12a: {  	p0 =	sne.s32 s15, $0x6000;
	s15 =	sadd.s32 $0x800, s15;
	_ =	swait.ge [sflag:s0], $0x2000  }
0x12b: {  	s16 =	sshra.s32 s16, $0x2;
	[sflag:s0] =	ssyncset.done $0x0  }
0x12c: {  	s17 =	sadd.s32 $0x1C00, s16;
	[sflag:s0] =	ssyncadd.s32 $0xFFFFE000  }
0x12d: {  	[spmem:s2] =	stream.indirect.scatter.add.f32 [tilespmem:s25], [sflag:$0x5], $0x80, s17, s24, $0xb8;
	[tilespmem:$0x1F800] =	vst v63  }
0x12e: {  	_ =	swait.ge [sflag:s22], $0x2000  }
0x12f: {  	[sflag:s22] =	ssyncset.done $0x0  }
0x130: {  	s17 =	sadd.s32 $0x200, s16;
	[sflag:s22] =	ssyncadd.s32 $0xFFFFE000  }
0x131: {  	[tilespmem:s25], [sflag:$0x1] =	stream.indirect.gather [hbm4b:s4+s24], $0x80, s17, s24, $0xb8;
	[tilespmem:$0x1F800] =	vst v63  }
0x132: {  	_ =	swait.ge [sflag:s5], $0x2000  }
0x133: {  	[sflag:s5] =	ssyncset.done $0x0  }
0x134: {  	s17 =	sadd.s32 $0x1C80, s16;
	[sflag:s5] =	ssyncadd.s32 $0xFFFFE000  }
0x135: {  	[spmem:s2] =	stream.indirect.scatter.add.f32 [tilespmem:s28], [sflag:$0x5], $0x80, s17, s24, $0xb8;
	[tilespmem:$0x1F800] =	vst v63  }
0x136: {  	_ =	swait.ge [sflag:s22], $0x2000  }
0x137: {  	[sflag:s22] =	ssyncset.done $0x0  }
0x138: {  	s17 =	sadd.s32 $0x280, s16;
	[sflag:s22] =	ssyncadd.s32 $0xFFFFE000  }
0x139: {  	[tilespmem:s28], [sflag:$0x2] =	stream.indirect.gather [hbm4b:s4+s24], $0x80, s17, s24, $0xb8;
	[tilespmem:$0x1F800] =	vst v63  }
0x13a: {  	_ =	swait.ge [sflag:s8], $0x2000  }
0x13b: {  	[sflag:s8] =	ssyncset.done $0x0  }
0x13c: {  	s17 =	sadd.s32 $0x1D00, s16;
	[sflag:s8] =	ssyncadd.s32 $0xFFFFE000  }
0x13d: {  	[spmem:s2] =	stream.indirect.scatter.add.f32 [tilespmem:s30], [sflag:$0x5], $0x80, s17, s24, $0xb8;
	[tilespmem:$0x1F800] =	vst v63  }
0x13e: {  	_ =	swait.ge [sflag:s22], $0x2000  }
0x13f: {  	[sflag:s22] =	ssyncset.done $0x0  }
0x140: {  	s17 =	sadd.s32 $0x300, s16;
	[sflag:s22] =	ssyncadd.s32 $0xFFFFE000  }
0x141: {  	[tilespmem:s30], [sflag:$0x3] =	stream.indirect.gather [hbm4b:s4+s24], $0x80, s17, s24, $0xb8;
	[tilespmem:$0x1F800] =	vst v63  }
0x142: {  	_ =	swait.ge [sflag:s9], $0x2000  }
0x143: {  	[sflag:s9] =	ssyncset.done $0x0  }
.Ltmp2:
0x144: {  	s17 =	sadd.s32 $0x1D80, s16;
	[sflag:s9] =	ssyncadd.s32 $0xFFFFE000;
	(pc) =	sbr.rel @p0 .LBB2_6-.Ltmp2, $4  }
0x145: {  	[spmem:s2] =	stream.indirect.scatter.add.f32 [tilespmem:s1], [sflag:$0x5], $0x80, s17, s24, $0xb8;
	[tilespmem:$0x1F800] =	vst v63  }
0x146: {  	_ =	swait.ge [sflag:s22], $0x2000  }
0x147: {  	[sflag:s22] =	ssyncset.done $0x0  }
0x148: {  	s16 =	sadd.s32 $0x380, s16;
	[sflag:s22] =	ssyncadd.s32 $0xFFFFE000  }
0x149: {  	[tilespmem:s1], [sflag:$0x4] =	stream.indirect.gather [hbm4b:s4+s24], $0x80, s16, s24, $0xb8;
	[tilespmem:$0x1F800] =	vst v63  }
0x14a: {  	_ =	swait.ge [sflag:s0], $0x2000  }
0x14b: {  	[sflag:s0] =	ssyncset.done $0x0  }
0x14c: {  	[sflag:s0] =	ssyncadd.s32 $0xFFFFE000  }
0x14d: {  	[spmem:s2] =	stream.indirect.scatter.add.f32 [tilespmem:s25], [sflag:$0x5], $0x80, s10, s24, $0xb8;
	[tilespmem:$0x1F800] =	vst v63  }
0x14e: {  	_ =	swait.ge [sflag:s22], $0x2000  }
0x14f: {  	[sflag:s22] =	ssyncset.done $0x0  }
0x150: {  	[sflag:s22] =	ssyncadd.s32 $0xFFFFE000  }
0x151: {  	_ =	swait.ge [sflag:s5], $0x2000  }
0x152: {  	[sflag:s5] =	ssyncset.done $0x0  }
0x153: {  	[sflag:s5] =	ssyncadd.s32 $0xFFFFE000  }
0x154: {  	[spmem:s2] =	stream.indirect.scatter.add.f32 [tilespmem:s28], [sflag:$0x5], $0x80, s11, s24, $0xb8;
	[tilespmem:$0x1F800] =	vst v63  }
0x155: {  	_ =	swait.ge [sflag:s22], $0x2000  }
0x156: {  	[sflag:s22] =	ssyncset.done $0x0  }
0x157: {  	[sflag:s22] =	ssyncadd.s32 $0xFFFFE000  }
0x158: {  	_ =	swait.ge [sflag:s8], $0x2000  }
0x159: {  	[sflag:s8] =	ssyncset.done $0x0  }
0x15a: {  	[sflag:s8] =	ssyncadd.s32 $0xFFFFE000  }
0x15b: {  	[spmem:s2] =	stream.indirect.scatter.add.f32 [tilespmem:s30], [sflag:$0x5], $0x80, s12, s24, $0xb8;
	[tilespmem:$0x1F800] =	vst v63  }
0x15c: {  	_ =	swait.ge [sflag:s22], $0x2000  }
0x15d: {  	[sflag:s22] =	ssyncset.done $0x0  }
0x15e: {  	[sflag:s22] =	ssyncadd.s32 $0xFFFFE000  }
0x15f: {  	_ =	swait.ge [sflag:s9], $0x2000  }
0x160: {  	[sflag:s9] =	ssyncset.done $0x0  }
0x161: {  	[sflag:s9] =	ssyncadd.s32 $0xFFFFE000  }
0x162: {  	[spmem:s2] =	stream.indirect.scatter.add.f32 [tilespmem:s1], [sflag:$0x5], $0x80, s13, s24, $0xb8;
	[tilespmem:$0x1F800] =	vst v63  }
0x163: {  	_ =	swait.ge [sflag:s22], $0x2000  }
0x164: {  	[sflag:s22] =	ssyncset.done $0x0  }
0x165: {  	s15 =	simm.s32 $0x0;
	s17 =	rddreg [dreg:$0xa];
	[sflag:s22] =	ssyncadd.s32 $0xFFFFE000  }
0x166: {  	[tilespmem:s15], [sflag:$0x5] =	stream.linear.gather [hbm4b:s17+s15], $0x1C00, $0x38;
	[tilespmem:$0x1F800] =	vst v63  }
0x167: {  	_ =	swait.ge [sflag:s22], $0x1C00  }
0x168: {  	[sflag:s22] =	ssyncset.done $0x0  }
0x169: {  	s17 =	rddreg [dreg:$0xb];
	[sflag:s22] =	ssyncadd.s32 $0xFFFFE400  }
0x16a: {  	[tilespmem:s23], [sflag:$0x5] =	stream.linear.gather [hbm4b:s17+s15], $0x1C00, $0x38;
	[tilespmem:$0x1F800] =	vst v63  }
0x16b: {  	_ =	swait.ge [sflag:s22], $0x1C00  }
0x16c: {  	[sflag:s22] =	ssyncset.done $0x0  }
0x16d: {  	[sflag:s22] =	ssyncadd.s32 $0xFFFFE400  }
0x16e: {  	[tilespmem:s25], [sflag:$0x1] =	stream.indirect.gather [hbm4b:s4+s24], $0x80, s15, s24, $0xb8;
	[tilespmem:$0x1F800] =	vst v63  }
0x16f: {  	_ = 	snop  }
0x170: {  	[tilespmem:s28], [sflag:$0x2] =	stream.indirect.gather [hbm4b:s4+s24], $0x80, s26, s24, $0xb8;
	[tilespmem:$0x1F800] =	vst v63  }
0x171: {  	_ = 	snop  }
0x172: {  	[tilespmem:s30], [sflag:$0x3] =	stream.indirect.gather [hbm4b:s4+s24], $0x80, s29, s24, $0xb8;
	[tilespmem:$0x1F800] =	vst v63  }
0x173: {  	_ = 	snop  }
0x174: {  	[tilespmem:s1], [sflag:$0x4] =	stream.indirect.gather [hbm4b:s4+s24], $0x80, s31, s24, $0xb8;
	[tilespmem:$0x1F800] =	vst v63  }
0x175: {  	_ =	swait.ge [sflag:s0], $0x2000  }
0x176: {  	[sflag:s0] =	ssyncset.done $0x0  }
0x177: {  	s17 =	simm.s32 $0x1C00;
	[sflag:s0] =	ssyncadd.s32 $0xFFFFE000  }
0x178: {  	[spmem:s2] =	stream.indirect.scatter.add.f32 [tilespmem:s25], [sflag:$0x5], $0x80, s17, s24, $0xb8;
	[tilespmem:$0x1F800] =	vst v63  }
0x179: {  	_ =	swait.ge [sflag:s22], $0x2000  }
0x17a: {  	[sflag:s22] =	ssyncset.done $0x0  }
0x17b: {  	s16 =	simm.s32 $0x200;
	[sflag:s22] =	ssyncadd.s32 $0xFFFFE000  }
0x17c: {  	[tilespmem:s25], [sflag:$0x1] =	stream.indirect.gather [hbm4b:s4+s24], $0x80, s16, s24, $0xb8;
	[tilespmem:$0x1F800] =	vst v63  }
0x17d: {  	_ =	swait.ge [sflag:s5], $0x2000  }
0x17e: {  	[sflag:s5] =	ssyncset.done $0x0  }
0x17f: {  	s17 =	simm.s32 $0x1C80;
	[sflag:s5] =	ssyncadd.s32 $0xFFFFE000  }
0x180: {  	[spmem:s2] =	stream.indirect.scatter.add.f32 [tilespmem:s28], [sflag:$0x5], $0x80, s17, s24, $0xb8;
	[tilespmem:$0x1F800] =	vst v63  }
0x181: {  	_ =	swait.ge [sflag:s22], $0x2000  }
0x182: {  	[sflag:s22] =	ssyncset.done $0x0  }
0x183: {  	s16 =	simm.s32 $0x280;
	[sflag:s22] =	ssyncadd.s32 $0xFFFFE000  }
0x184: {  	[tilespmem:s28], [sflag:$0x2] =	stream.indirect.gather [hbm4b:s4+s24], $0x80, s16, s24, $0xb8;
	[tilespmem:$0x1F800] =	vst v63  }
0x185: {  	_ =	swait.ge [sflag:s8], $0x2000  }
0x186: {  	[sflag:s8] =	ssyncset.done $0x0  }
0x187: {  	s17 =	simm.s32 $0x1D00;
	[sflag:s8] =	ssyncadd.s32 $0xFFFFE000  }
0x188: {  	[spmem:s2] =	stream.indirect.scatter.add.f32 [tilespmem:s30], [sflag:$0x5], $0x80, s17, s24, $0xb8;
	[tilespmem:$0x1F800] =	vst v63  }
0x189: {  	_ =	swait.ge [sflag:s22], $0x2000  }
0x18a: {  	[sflag:s22] =	ssyncset.done $0x0  }
0x18b: {  	s16 =	simm.s32 $0x300;
	[sflag:s22] =	ssyncadd.s32 $0xFFFFE000  }
0x18c: {  	[tilespmem:s30], [sflag:$0x3] =	stream.indirect.gather [hbm4b:s4+s24], $0x80, s16, s24, $0xb8;
	[tilespmem:$0x1F800] =	vst v63  }
0x18d: {  	_ =	swait.ge [sflag:s9], $0x2000  }
0x18e: {  	[sflag:s9] =	ssyncset.done $0x0  }
0x18f: {  	s17 =	simm.s32 $0x1D80;
	[sflag:s9] =	ssyncadd.s32 $0xFFFFE000  }
0x190: {  	[spmem:s2] =	stream.indirect.scatter.add.f32 [tilespmem:s1], [sflag:$0x5], $0x80, s17, s24, $0xb8;
	[tilespmem:$0x1F800] =	vst v63  }
0x191: {  	_ =	swait.ge [sflag:s22], $0x2000  }
0x192: {  	[sflag:s22] =	ssyncset.done $0x0  }
0x193: {  	s15 =	simm.s32 $0x800;
	s16 =	simm.s32 $0x380;
	[sflag:s22] =	ssyncadd.s32 $0xFFFFE000  }
.LBB2_8:
0x194: {  	[tilespmem:s1], [sflag:$0x4] =	stream.indirect.gather [hbm4b:s4+s24], $0x80, s16, s24, $0xb8;
	[tilespmem:$0x1F800] =	vst v63  }
0x195: {  	s16 =	smov.u32 s15  }
0x196: {  	p0 =	sne.s32 s15, $0x6000;
	s15 =	sadd.s32 $0x800, s15;
	_ =	swait.ge [sflag:s0], $0x2000  }
0x197: {  	s16 =	sshra.s32 s16, $0x2;
	[sflag:s0] =	ssyncset.done $0x0  }
0x198: {  	s17 =	sadd.s32 $0x1C00, s16;
	[sflag:s0] =	ssyncadd.s32 $0xFFFFE000  }
0x199: {  	[spmem:s2] =	stream.indirect.scatter.add.f32 [tilespmem:s25], [sflag:$0x5], $0x80, s17, s24, $0xb8;
	[tilespmem:$0x1F800] =	vst v63  }
0x19a: {  	_ =	swait.ge [sflag:s22], $0x2000  }
0x19b: {  	[sflag:s22] =	ssyncset.done $0x0  }
0x19c: {  	s17 =	sadd.s32 $0x200, s16;
	[sflag:s22] =	ssyncadd.s32 $0xFFFFE000  }
0x19d: {  	[tilespmem:s25], [sflag:$0x1] =	stream.indirect.gather [hbm4b:s4+s24], $0x80, s17, s24, $0xb8;
	[tilespmem:$0x1F800] =	vst v63  }
0x19e: {  	_ =	swait.ge [sflag:s5], $0x2000  }
0x19f: {  	[sflag:s5] =	ssyncset.done $0x0  }
0x1a0: {  	s17 =	sadd.s32 $0x1C80, s16;
	[sflag:s5] =	ssyncadd.s32 $0xFFFFE000  }
0x1a1: {  	[spmem:s2] =	stream.indirect.scatter.add.f32 [tilespmem:s28], [sflag:$0x5], $0x80, s17, s24, $0xb8;
	[tilespmem:$0x1F800] =	vst v63  }
0x1a2: {  	_ =	swait.ge [sflag:s22], $0x2000  }
0x1a3: {  	[sflag:s22] =	ssyncset.done $0x0  }
0x1a4: {  	s17 =	sadd.s32 $0x280, s16;
	[sflag:s22] =	ssyncadd.s32 $0xFFFFE000  }
0x1a5: {  	[tilespmem:s28], [sflag:$0x2] =	stream.indirect.gather [hbm4b:s4+s24], $0x80, s17, s24, $0xb8;
	[tilespmem:$0x1F800] =	vst v63  }
0x1a6: {  	_ =	swait.ge [sflag:s8], $0x2000  }
0x1a7: {  	[sflag:s8] =	ssyncset.done $0x0  }
0x1a8: {  	s17 =	sadd.s32 $0x1D00, s16;
	[sflag:s8] =	ssyncadd.s32 $0xFFFFE000  }
0x1a9: {  	[spmem:s2] =	stream.indirect.scatter.add.f32 [tilespmem:s30], [sflag:$0x5], $0x80, s17, s24, $0xb8;
	[tilespmem:$0x1F800] =	vst v63  }
0x1aa: {  	_ =	swait.ge [sflag:s22], $0x2000  }
0x1ab: {  	[sflag:s22] =	ssyncset.done $0x0  }
0x1ac: {  	s17 =	sadd.s32 $0x300, s16;
	[sflag:s22] =	ssyncadd.s32 $0xFFFFE000  }
0x1ad: {  	[tilespmem:s30], [sflag:$0x3] =	stream.indirect.gather [hbm4b:s4+s24], $0x80, s17, s24, $0xb8;
	[tilespmem:$0x1F800] =	vst v63  }
0x1ae: {  	_ =	swait.ge [sflag:s9], $0x2000  }
0x1af: {  	[sflag:s9] =	ssyncset.done $0x0  }
.Ltmp3:
0x1b0: {  	s17 =	sadd.s32 $0x1D80, s16;
	[sflag:s9] =	ssyncadd.s32 $0xFFFFE000;
	(pc) =	sbr.rel @p0 .LBB2_8-.Ltmp3, $4  }
0x1b1: {  	[spmem:s2] =	stream.indirect.scatter.add.f32 [tilespmem:s1], [sflag:$0x5], $0x80, s17, s24, $0xb8;
	[tilespmem:$0x1F800] =	vst v63  }
0x1b2: {  	_ =	swait.ge [sflag:s22], $0x2000  }
0x1b3: {  	[sflag:s22] =	ssyncset.done $0x0  }
0x1b4: {  	s16 =	sadd.s32 $0x380, s16;
	[sflag:s22] =	ssyncadd.s32 $0xFFFFE000  }
0x1b5: {  	[tilespmem:s1], [sflag:$0x4] =	stream.indirect.gather [hbm4b:s4+s24], $0x80, s16, s24, $0xb8;
	[tilespmem:$0x1F800] =	vst v63  }
0x1b6: {  	_ =	swait.ge [sflag:s0], $0x2000  }
0x1b7: {  	[sflag:s0] =	ssyncset.done $0x0  }
0x1b8: {  	[sflag:s0] =	ssyncadd.s32 $0xFFFFE000  }
0x1b9: {  	[spmem:s2] =	stream.indirect.scatter.add.f32 [tilespmem:s25], [sflag:$0x5], $0x80, s10, s24, $0xb8;
	[tilespmem:$0x1F800] =	vst v63  }
0x1ba: {  	_ =	swait.ge [sflag:s22], $0x2000  }
0x1bb: {  	[sflag:s22] =	ssyncset.done $0x0  }
0x1bc: {  	[sflag:s22] =	ssyncadd.s32 $0xFFFFE000  }
0x1bd: {  	_ =	swait.ge [sflag:s5], $0x2000  }
0x1be: {  	[sflag:s5] =	ssyncset.done $0x0  }
0x1bf: {  	[sflag:s5] =	ssyncadd.s32 $0xFFFFE000  }
0x1c0: {  	[spmem:s2] =	stream.indirect.scatter.add.f32 [tilespmem:s28], [sflag:$0x5], $0x80, s11, s24, $0xb8;
	[tilespmem:$0x1F800] =	vst v63  }
0x1c1: {  	_ =	swait.ge [sflag:s22], $0x2000  }
0x1c2: {  	[sflag:s22] =	ssyncset.done $0x0  }
0x1c3: {  	[sflag:s22] =	ssyncadd.s32 $0xFFFFE000  }
0x1c4: {  	_ =	swait.ge [sflag:s8], $0x2000  }
0x1c5: {  	[sflag:s8] =	ssyncset.done $0x0  }
0x1c6: {  	[sflag:s8] =	ssyncadd.s32 $0xFFFFE000  }
0x1c7: {  	[spmem:s2] =	stream.indirect.scatter.add.f32 [tilespmem:s30], [sflag:$0x5], $0x80, s12, s24, $0xb8;
	[tilespmem:$0x1F800] =	vst v63  }
0x1c8: {  	_ =	swait.ge [sflag:s22], $0x2000  }
0x1c9: {  	[sflag:s22] =	ssyncset.done $0x0  }
0x1ca: {  	[sflag:s22] =	ssyncadd.s32 $0xFFFFE000  }
0x1cb: {  	_ =	swait.ge [sflag:s9], $0x2000  }
0x1cc: {  	[sflag:s9] =	ssyncset.done $0x0  }
0x1cd: {  	[sflag:s9] =	ssyncadd.s32 $0xFFFFE000  }
0x1ce: {  	[spmem:s2] =	stream.indirect.scatter.add.f32 [tilespmem:s1], [sflag:$0x5], $0x80, s13, s24, $0xb8;
	[tilespmem:$0x1F800] =	vst v63  }
0x1cf: {  	_ =	swait.ge [sflag:s22], $0x2000  }
0x1d0: {  	[sflag:s22] =	ssyncset.done $0x0  }
0x1d1: {  	s15 =	simm.s32 $0x0;
	s17 =	rddreg [dreg:$0xc];
	[sflag:s22] =	ssyncadd.s32 $0xFFFFE000  }
0x1d2: {  	[tilespmem:s15], [sflag:$0x5] =	stream.linear.gather [hbm4b:s17+s15], $0x1C00, $0x38;
	[tilespmem:$0x1F800] =	vst v63  }
0x1d3: {  	_ =	swait.ge [sflag:s22], $0x1C00  }
0x1d4: {  	[sflag:s22] =	ssyncset.done $0x0  }
0x1d5: {  	s17 =	rddreg [dreg:$0xd];
	[sflag:s22] =	ssyncadd.s32 $0xFFFFE400  }
0x1d6: {  	[tilespmem:s23], [sflag:$0x5] =	stream.linear.gather [hbm4b:s17+s15], $0x1C00, $0x38;
	[tilespmem:$0x1F800] =	vst v63  }
0x1d7: {  	_ =	swait.ge [sflag:s22], $0x1C00  }
0x1d8: {  	[sflag:s22] =	ssyncset.done $0x0  }
0x1d9: {  	[sflag:s22] =	ssyncadd.s32 $0xFFFFE400  }
0x1da: {  	[tilespmem:s25], [sflag:$0x1] =	stream.indirect.gather [hbm4b:s4+s24], $0x80, s15, s24, $0xb8;
	[tilespmem:$0x1F800] =	vst v63  }
0x1db: {  	_ = 	snop  }
0x1dc: {  	[tilespmem:s28], [sflag:$0x2] =	stream.indirect.gather [hbm4b:s4+s24], $0x80, s26, s24, $0xb8;
	[tilespmem:$0x1F800] =	vst v63  }
0x1dd: {  	_ = 	snop  }
0x1de: {  	[tilespmem:s30], [sflag:$0x3] =	stream.indirect.gather [hbm4b:s4+s24], $0x80, s29, s24, $0xb8;
	[tilespmem:$0x1F800] =	vst v63  }
0x1df: {  	_ = 	snop  }
0x1e0: {  	[tilespmem:s1], [sflag:$0x4] =	stream.indirect.gather [hbm4b:s4+s24], $0x80, s31, s24, $0xb8;
	[tilespmem:$0x1F800] =	vst v63  }
0x1e1: {  	_ =	swait.ge [sflag:s0], $0x2000  }
0x1e2: {  	[sflag:s0] =	ssyncset.done $0x0  }
0x1e3: {  	s17 =	simm.s32 $0x1C00;
	[sflag:s0] =	ssyncadd.s32 $0xFFFFE000  }
0x1e4: {  	[spmem:s2] =	stream.indirect.scatter.add.f32 [tilespmem:s25], [sflag:$0x5], $0x80, s17, s24, $0xb8;
	[tilespmem:$0x1F800] =	vst v63  }
0x1e5: {  	_ =	swait.ge [sflag:s22], $0x2000  }
0x1e6: {  	[sflag:s22] =	ssyncset.done $0x0  }
0x1e7: {  	s16 =	simm.s32 $0x200;
	[sflag:s22] =	ssyncadd.s32 $0xFFFFE000  }
0x1e8: {  	[tilespmem:s25], [sflag:$0x1] =	stream.indirect.gather [hbm4b:s4+s24], $0x80, s16, s24, $0xb8;
	[tilespmem:$0x1F800] =	vst v63  }
0x1e9: {  	_ =	swait.ge [sflag:s5], $0x2000  }
0x1ea: {  	[sflag:s5] =	ssyncset.done $0x0  }
0x1eb: {  	s17 =	simm.s32 $0x1C80;
	[sflag:s5] =	ssyncadd.s32 $0xFFFFE000  }
0x1ec: {  	[spmem:s2] =	stream.indirect.scatter.add.f32 [tilespmem:s28], [sflag:$0x5], $0x80, s17, s24, $0xb8;
	[tilespmem:$0x1F800] =	vst v63  }
0x1ed: {  	_ =	swait.ge [sflag:s22], $0x2000  }
0x1ee: {  	[sflag:s22] =	ssyncset.done $0x0  }
0x1ef: {  	s16 =	simm.s32 $0x280;
	[sflag:s22] =	ssyncadd.s32 $0xFFFFE000  }
0x1f0: {  	[tilespmem:s28], [sflag:$0x2] =	stream.indirect.gather [hbm4b:s4+s24], $0x80, s16, s24, $0xb8;
	[tilespmem:$0x1F800] =	vst v63  }
0x1f1: {  	_ =	swait.ge [sflag:s8], $0x2000  }
0x1f2: {  	[sflag:s8] =	ssyncset.done $0x0  }
0x1f3: {  	s17 =	simm.s32 $0x1D00;
	[sflag:s8] =	ssyncadd.s32 $0xFFFFE000  }
0x1f4: {  	[spmem:s2] =	stream.indirect.scatter.add.f32 [tilespmem:s30], [sflag:$0x5], $0x80, s17, s24, $0xb8;
	[tilespmem:$0x1F800] =	vst v63  }
0x1f5: {  	_ =	swait.ge [sflag:s22], $0x2000  }
0x1f6: {  	[sflag:s22] =	ssyncset.done $0x0  }
0x1f7: {  	s16 =	simm.s32 $0x300;
	[sflag:s22] =	ssyncadd.s32 $0xFFFFE000  }
0x1f8: {  	[tilespmem:s30], [sflag:$0x3] =	stream.indirect.gather [hbm4b:s4+s24], $0x80, s16, s24, $0xb8;
	[tilespmem:$0x1F800] =	vst v63  }
0x1f9: {  	_ =	swait.ge [sflag:s9], $0x2000  }
0x1fa: {  	[sflag:s9] =	ssyncset.done $0x0  }
0x1fb: {  	s17 =	simm.s32 $0x1D80;
	[sflag:s9] =	ssyncadd.s32 $0xFFFFE000  }
0x1fc: {  	[spmem:s2] =	stream.indirect.scatter.add.f32 [tilespmem:s1], [sflag:$0x5], $0x80, s17, s24, $0xb8;
	[tilespmem:$0x1F800] =	vst v63  }
0x1fd: {  	_ =	swait.ge [sflag:s22], $0x2000  }
0x1fe: {  	[sflag:s22] =	ssyncset.done $0x0  }
0x1ff: {  	s15 =	simm.s32 $0x800;
	s16 =	simm.s32 $0x380;
	[sflag:s22] =	ssyncadd.s32 $0xFFFFE000  }
.LBB2_10:
0x200: {  	[tilespmem:s1], [sflag:$0x4] =	stream.indirect.gather [hbm4b:s4+s24], $0x80, s16, s24, $0xb8;
	[tilespmem:$0x1F800] =	vst v63  }
0x201: {  	s16 =	smov.u32 s15  }
0x202: {  	p0 =	sne.s32 s15, $0x6000;
	s15 =	sadd.s32 $0x800, s15;
	_ =	swait.ge [sflag:s0], $0x2000  }
0x203: {  	s16 =	sshra.s32 s16, $0x2;
	[sflag:s0] =	ssyncset.done $0x0  }
0x204: {  	s17 =	sadd.s32 $0x1C00, s16;
	[sflag:s0] =	ssyncadd.s32 $0xFFFFE000  }
0x205: {  	[spmem:s2] =	stream.indirect.scatter.add.f32 [tilespmem:s25], [sflag:$0x5], $0x80, s17, s24, $0xb8;
	[tilespmem:$0x1F800] =	vst v63  }
0x206: {  	_ =	swait.ge [sflag:s22], $0x2000  }
0x207: {  	[sflag:s22] =	ssyncset.done $0x0  }
0x208: {  	s17 =	sadd.s32 $0x200, s16;
	[sflag:s22] =	ssyncadd.s32 $0xFFFFE000  }
0x209: {  	[tilespmem:s25], [sflag:$0x1] =	stream.indirect.gather [hbm4b:s4+s24], $0x80, s17, s24, $0xb8;
	[tilespmem:$0x1F800] =	vst v63  }
0x20a: {  	_ =	swait.ge [sflag:s5], $0x2000  }
0x20b: {  	[sflag:s5] =	ssyncset.done $0x0  }
0x20c: {  	s17 =	sadd.s32 $0x1C80, s16;
	[sflag:s5] =	ssyncadd.s32 $0xFFFFE000  }
0x20d: {  	[spmem:s2] =	stream.indirect.scatter.add.f32 [tilespmem:s28], [sflag:$0x5], $0x80, s17, s24, $0xb8;
	[tilespmem:$0x1F800] =	vst v63  }
0x20e: {  	_ =	swait.ge [sflag:s22], $0x2000  }
0x20f: {  	[sflag:s22] =	ssyncset.done $0x0  }
0x210: {  	s17 =	sadd.s32 $0x280, s16;
	[sflag:s22] =	ssyncadd.s32 $0xFFFFE000  }
0x211: {  	[tilespmem:s28], [sflag:$0x2] =	stream.indirect.gather [hbm4b:s4+s24], $0x80, s17, s24, $0xb8;
	[tilespmem:$0x1F800] =	vst v63  }
0x212: {  	_ =	swait.ge [sflag:s8], $0x2000  }
0x213: {  	[sflag:s8] =	ssyncset.done $0x0  }
0x214: {  	s17 =	sadd.s32 $0x1D00, s16;
	[sflag:s8] =	ssyncadd.s32 $0xFFFFE000  }
0x215: {  	[spmem:s2] =	stream.indirect.scatter.add.f32 [tilespmem:s30], [sflag:$0x5], $0x80, s17, s24, $0xb8;
	[tilespmem:$0x1F800] =	vst v63  }
0x216: {  	_ =	swait.ge [sflag:s22], $0x2000  }
0x217: {  	[sflag:s22] =	ssyncset.done $0x0  }
0x218: {  	s17 =	sadd.s32 $0x300, s16;
	[sflag:s22] =	ssyncadd.s32 $0xFFFFE000  }
0x219: {  	[tilespmem:s30], [sflag:$0x3] =	stream.indirect.gather [hbm4b:s4+s24], $0x80, s17, s24, $0xb8;
	[tilespmem:$0x1F800] =	vst v63  }
0x21a: {  	_ =	swait.ge [sflag:s9], $0x2000  }
0x21b: {  	[sflag:s9] =	ssyncset.done $0x0  }
.Ltmp4:
0x21c: {  	s17 =	sadd.s32 $0x1D80, s16;
	[sflag:s9] =	ssyncadd.s32 $0xFFFFE000;
	(pc) =	sbr.rel @p0 .LBB2_10-.Ltmp4, $4  }
0x21d: {  	[spmem:s2] =	stream.indirect.scatter.add.f32 [tilespmem:s1], [sflag:$0x5], $0x80, s17, s24, $0xb8;
	[tilespmem:$0x1F800] =	vst v63  }
0x21e: {  	_ =	swait.ge [sflag:s22], $0x2000  }
0x21f: {  	[sflag:s22] =	ssyncset.done $0x0  }
0x220: {  	s16 =	sadd.s32 $0x380, s16;
	[sflag:s22] =	ssyncadd.s32 $0xFFFFE000  }
0x221: {  	[tilespmem:s1], [sflag:$0x4] =	stream.indirect.gather [hbm4b:s4+s24], $0x80, s16, s24, $0xb8;
	[tilespmem:$0x1F800] =	vst v63  }
0x222: {  	_ =	swait.ge [sflag:s0], $0x2000  }
0x223: {  	[sflag:s0] =	ssyncset.done $0x0  }
0x224: {  	[sflag:s0] =	ssyncadd.s32 $0xFFFFE000  }
0x225: {  	[spmem:s2] =	stream.indirect.scatter.add.f32 [tilespmem:s25], [sflag:$0x5], $0x80, s10, s24, $0xb8;
	[tilespmem:$0x1F800] =	vst v63  }
0x226: {  	_ =	swait.ge [sflag:s22], $0x2000  }
0x227: {  	[sflag:s22] =	ssyncset.done $0x0  }
0x228: {  	[sflag:s22] =	ssyncadd.s32 $0xFFFFE000  }
0x229: {  	_ =	swait.ge [sflag:s5], $0x2000  }
0x22a: {  	[sflag:s5] =	ssyncset.done $0x0  }
0x22b: {  	[sflag:s5] =	ssyncadd.s32 $0xFFFFE000  }
0x22c: {  	[spmem:s2] =	stream.indirect.scatter.add.f32 [tilespmem:s28], [sflag:$0x5], $0x80, s11, s24, $0xb8;
	[tilespmem:$0x1F800] =	vst v63  }
0x22d: {  	_ =	swait.ge [sflag:s22], $0x2000  }
0x22e: {  	[sflag:s22] =	ssyncset.done $0x0  }
0x22f: {  	[sflag:s22] =	ssyncadd.s32 $0xFFFFE000  }
0x230: {  	_ =	swait.ge [sflag:s8], $0x2000  }
0x231: {  	[sflag:s8] =	ssyncset.done $0x0  }
0x232: {  	[sflag:s8] =	ssyncadd.s32 $0xFFFFE000  }
0x233: {  	[spmem:s2] =	stream.indirect.scatter.add.f32 [tilespmem:s30], [sflag:$0x5], $0x80, s12, s24, $0xb8;
	[tilespmem:$0x1F800] =	vst v63  }
0x234: {  	_ =	swait.ge [sflag:s22], $0x2000  }
0x235: {  	[sflag:s22] =	ssyncset.done $0x0  }
0x236: {  	[sflag:s22] =	ssyncadd.s32 $0xFFFFE000  }
0x237: {  	_ =	swait.ge [sflag:s9], $0x2000  }
0x238: {  	[sflag:s9] =	ssyncset.done $0x0  }
0x239: {  	[sflag:s9] =	ssyncadd.s32 $0xFFFFE000  }
0x23a: {  	[spmem:s2] =	stream.indirect.scatter.add.f32 [tilespmem:s1], [sflag:$0x5], $0x80, s13, s24, $0xb8;
	[tilespmem:$0x1F800] =	vst v63  }
0x23b: {  	_ =	swait.ge [sflag:s22], $0x2000  }
0x23c: {  	[sflag:s22] =	ssyncset.done $0x0  }
0x23d: {  	s15 =	simm.s32 $0x0;
	s17 =	rddreg [dreg:$0xe];
	[sflag:s22] =	ssyncadd.s32 $0xFFFFE000  }
0x23e: {  	[tilespmem:s15], [sflag:$0x5] =	stream.linear.gather [hbm4b:s17+s15], $0x1C00, $0x38;
	[tilespmem:$0x1F800] =	vst v63  }
0x23f: {  	_ =	swait.ge [sflag:s22], $0x1C00  }
0x240: {  	[sflag:s22] =	ssyncset.done $0x0  }
0x241: {  	[sflag:s22] =	ssyncadd.s32 $0xFFFFE400  }
0x242: {  	[tilespmem:s23], [sflag:$0x5] =	stream.linear.gather [hbm4b:s18+s15], $0x1C00, $0x38;
	[tilespmem:$0x1F800] =	vst v63  }
0x243: {  	_ =	swait.ge [sflag:s22], $0x1C00  }
0x244: {  	[sflag:s22] =	ssyncset.done $0x0  }
0x245: {  	[sflag:s22] =	ssyncadd.s32 $0xFFFFE400  }
0x246: {  	[tilespmem:s25], [sflag:$0x1] =	stream.indirect.gather [hbm4b:s4+s24], $0x80, s15, s24, $0xb8;
	[tilespmem:$0x1F800] =	vst v63  }
0x247: {  	_ = 	snop  }
0x248: {  	[tilespmem:s28], [sflag:$0x2] =	stream.indirect.gather [hbm4b:s4+s24], $0x80, s26, s24, $0xb8;
	[tilespmem:$0x1F800] =	vst v63  }
0x249: {  	_ = 	snop  }
0x24a: {  	[tilespmem:s30], [sflag:$0x3] =	stream.indirect.gather [hbm4b:s4+s24], $0x80, s29, s24, $0xb8;
	[tilespmem:$0x1F800] =	vst v63  }
0x24b: {  	_ = 	snop  }
0x24c: {  	[tilespmem:s1], [sflag:$0x4] =	stream.indirect.gather [hbm4b:s4+s24], $0x80, s31, s24, $0xb8;
	[tilespmem:$0x1F800] =	vst v63  }
0x24d: {  	_ =	swait.ge [sflag:s0], $0x2000  }
0x24e: {  	[sflag:s0] =	ssyncset.done $0x0  }
0x24f: {  	s17 =	simm.s32 $0x1C00;
	[sflag:s0] =	ssyncadd.s32 $0xFFFFE000  }
0x250: {  	[spmem:s2] =	stream.indirect.scatter.add.f32 [tilespmem:s25], [sflag:$0x5], $0x80, s17, s24, $0xb8;
	[tilespmem:$0x1F800] =	vst v63  }
0x251: {  	_ =	swait.ge [sflag:s22], $0x2000  }
0x252: {  	[sflag:s22] =	ssyncset.done $0x0  }
0x253: {  	s16 =	simm.s32 $0x200;
	[sflag:s22] =	ssyncadd.s32 $0xFFFFE000  }
0x254: {  	[tilespmem:s25], [sflag:$0x1] =	stream.indirect.gather [hbm4b:s4+s24], $0x80, s16, s24, $0xb8;
	[tilespmem:$0x1F800] =	vst v63  }
0x255: {  	_ =	swait.ge [sflag:s5], $0x2000  }
0x256: {  	[sflag:s5] =	ssyncset.done $0x0  }
0x257: {  	s17 =	simm.s32 $0x1C80;
	[sflag:s5] =	ssyncadd.s32 $0xFFFFE000  }
0x258: {  	[spmem:s2] =	stream.indirect.scatter.add.f32 [tilespmem:s28], [sflag:$0x5], $0x80, s17, s24, $0xb8;
	[tilespmem:$0x1F800] =	vst v63  }
0x259: {  	_ =	swait.ge [sflag:s22], $0x2000  }
0x25a: {  	[sflag:s22] =	ssyncset.done $0x0  }
0x25b: {  	s16 =	simm.s32 $0x280;
	[sflag:s22] =	ssyncadd.s32 $0xFFFFE000  }
0x25c: {  	[tilespmem:s28], [sflag:$0x2] =	stream.indirect.gather [hbm4b:s4+s24], $0x80, s16, s24, $0xb8;
	[tilespmem:$0x1F800] =	vst v63  }
0x25d: {  	_ =	swait.ge [sflag:s8], $0x2000  }
0x25e: {  	[sflag:s8] =	ssyncset.done $0x0  }
0x25f: {  	s17 =	simm.s32 $0x1D00;
	[sflag:s8] =	ssyncadd.s32 $0xFFFFE000  }
0x260: {  	[spmem:s2] =	stream.indirect.scatter.add.f32 [tilespmem:s30], [sflag:$0x5], $0x80, s17, s24, $0xb8;
	[tilespmem:$0x1F800] =	vst v63  }
0x261: {  	_ =	swait.ge [sflag:s22], $0x2000  }
0x262: {  	[sflag:s22] =	ssyncset.done $0x0  }
0x263: {  	s16 =	simm.s32 $0x300;
	[sflag:s22] =	ssyncadd.s32 $0xFFFFE000  }
0x264: {  	[tilespmem:s30], [sflag:$0x3] =	stream.indirect.gather [hbm4b:s4+s24], $0x80, s16, s24, $0xb8;
	[tilespmem:$0x1F800] =	vst v63  }
0x265: {  	_ =	swait.ge [sflag:s9], $0x2000  }
0x266: {  	[sflag:s9] =	ssyncset.done $0x0  }
0x267: {  	s17 =	simm.s32 $0x1D80;
	[sflag:s9] =	ssyncadd.s32 $0xFFFFE000  }
0x268: {  	[spmem:s2] =	stream.indirect.scatter.add.f32 [tilespmem:s1], [sflag:$0x5], $0x80, s17, s24, $0xb8;
	[tilespmem:$0x1F800] =	vst v63  }
0x269: {  	_ =	swait.ge [sflag:s22], $0x2000  }
0x26a: {  	[sflag:s22] =	ssyncset.done $0x0  }
0x26b: {  	s15 =	simm.s32 $0x800;
	s16 =	simm.s32 $0x380;
	[sflag:s22] =	ssyncadd.s32 $0xFFFFE000  }
.LBB2_12:
0x26c: {  	[tilespmem:s1], [sflag:$0x4] =	stream.indirect.gather [hbm4b:s4+s24], $0x80, s16, s24, $0xb8;
	[tilespmem:$0x1F800] =	vst v63  }
0x26d: {  	s16 =	smov.u32 s15  }
0x26e: {  	p0 =	sne.s32 s15, $0x6000;
	s15 =	sadd.s32 $0x800, s15;
	_ =	swait.ge [sflag:s0], $0x2000  }
0x26f: {  	s16 =	sshra.s32 s16, $0x2;
	[sflag:s0] =	ssyncset.done $0x0  }
0x270: {  	s17 =	sadd.s32 $0x1C00, s16;
	[sflag:s0] =	ssyncadd.s32 $0xFFFFE000  }
0x271: {  	[spmem:s2] =	stream.indirect.scatter.add.f32 [tilespmem:s25], [sflag:$0x5], $0x80, s17, s24, $0xb8;
	[tilespmem:$0x1F800] =	vst v63  }
0x272: {  	_ =	swait.ge [sflag:s22], $0x2000  }
0x273: {  	[sflag:s22] =	ssyncset.done $0x0  }
0x274: {  	s17 =	sadd.s32 $0x200, s16;
	[sflag:s22] =	ssyncadd.s32 $0xFFFFE000  }
0x275: {  	[tilespmem:s25], [sflag:$0x1] =	stream.indirect.gather [hbm4b:s4+s24], $0x80, s17, s24, $0xb8;
	[tilespmem:$0x1F800] =	vst v63  }
0x276: {  	_ =	swait.ge [sflag:s5], $0x2000  }
0x277: {  	[sflag:s5] =	ssyncset.done $0x0  }
0x278: {  	s17 =	sadd.s32 $0x1C80, s16;
	[sflag:s5] =	ssyncadd.s32 $0xFFFFE000  }
0x279: {  	[spmem:s2] =	stream.indirect.scatter.add.f32 [tilespmem:s28], [sflag:$0x5], $0x80, s17, s24, $0xb8;
	[tilespmem:$0x1F800] =	vst v63  }
0x27a: {  	_ =	swait.ge [sflag:s22], $0x2000  }
0x27b: {  	[sflag:s22] =	ssyncset.done $0x0  }
0x27c: {  	s17 =	sadd.s32 $0x280, s16;
	[sflag:s22] =	ssyncadd.s32 $0xFFFFE000  }
0x27d: {  	[tilespmem:s28], [sflag:$0x2] =	stream.indirect.gather [hbm4b:s4+s24], $0x80, s17, s24, $0xb8;
	[tilespmem:$0x1F800] =	vst v63  }
0x27e: {  	_ =	swait.ge [sflag:s8], $0x2000  }
0x27f: {  	[sflag:s8] =	ssyncset.done $0x0  }
0x280: {  	s17 =	sadd.s32 $0x1D00, s16;
	[sflag:s8] =	ssyncadd.s32 $0xFFFFE000  }
0x281: {  	[spmem:s2] =	stream.indirect.scatter.add.f32 [tilespmem:s30], [sflag:$0x5], $0x80, s17, s24, $0xb8;
	[tilespmem:$0x1F800] =	vst v63  }
0x282: {  	_ =	swait.ge [sflag:s22], $0x2000  }
0x283: {  	[sflag:s22] =	ssyncset.done $0x0  }
0x284: {  	s17 =	sadd.s32 $0x300, s16;
	[sflag:s22] =	ssyncadd.s32 $0xFFFFE000  }
0x285: {  	[tilespmem:s30], [sflag:$0x3] =	stream.indirect.gather [hbm4b:s4+s24], $0x80, s17, s24, $0xb8;
	[tilespmem:$0x1F800] =	vst v63  }
0x286: {  	_ =	swait.ge [sflag:s9], $0x2000  }
0x287: {  	[sflag:s9] =	ssyncset.done $0x0  }
.Ltmp5:
0x288: {  	s17 =	sadd.s32 $0x1D80, s16;
	[sflag:s9] =	ssyncadd.s32 $0xFFFFE000;
	(pc) =	sbr.rel @p0 .LBB2_12-.Ltmp5, $4  }
0x289: {  	[spmem:s2] =	stream.indirect.scatter.add.f32 [tilespmem:s1], [sflag:$0x5], $0x80, s17, s24, $0xb8;
	[tilespmem:$0x1F800] =	vst v63  }
0x28a: {  	_ =	swait.ge [sflag:s22], $0x2000  }
0x28b: {  	[sflag:s22] =	ssyncset.done $0x0  }
0x28c: {  	s16 =	sadd.s32 $0x380, s16;
	[sflag:s22] =	ssyncadd.s32 $0xFFFFE000  }
0x28d: {  	[tilespmem:s1], [sflag:$0x4] =	stream.indirect.gather [hbm4b:s4+s24], $0x80, s16, s24, $0xb8;
	[tilespmem:$0x1F800] =	vst v63  }
0x28e: {  	_ =	swait.ge [sflag:s0], $0x2000  }
0x28f: {  	[sflag:s0] =	ssyncset.done $0x0  }
0x290: {  	[sflag:s0] =	ssyncadd.s32 $0xFFFFE000  }
0x291: {  	[spmem:s2] =	stream.indirect.scatter.add.f32 [tilespmem:s25], [sflag:$0x5], $0x80, s10, s24, $0xb8;
	[tilespmem:$0x1F800] =	vst v63  }
0x292: {  	_ =	swait.ge [sflag:s22], $0x2000  }
0x293: {  	[sflag:s22] =	ssyncset.done $0x0  }
0x294: {  	[sflag:s22] =	ssyncadd.s32 $0xFFFFE000  }
0x295: {  	_ =	swait.ge [sflag:s5], $0x2000  }
0x296: {  	[sflag:s5] =	ssyncset.done $0x0  }
0x297: {  	[sflag:s5] =	ssyncadd.s32 $0xFFFFE000  }
0x298: {  	[spmem:s2] =	stream.indirect.scatter.add.f32 [tilespmem:s28], [sflag:$0x5], $0x80, s11, s24, $0xb8;
	[tilespmem:$0x1F800] =	vst v63  }
0x299: {  	_ =	swait.ge [sflag:s22], $0x2000  }
0x29a: {  	[sflag:s22] =	ssyncset.done $0x0  }
0x29b: {  	[sflag:s22] =	ssyncadd.s32 $0xFFFFE000  }
0x29c: {  	_ =	swait.ge [sflag:s8], $0x2000  }
0x29d: {  	[sflag:s8] =	ssyncset.done $0x0  }
0x29e: {  	[sflag:s8] =	ssyncadd.s32 $0xFFFFE000  }
0x29f: {  	[spmem:s2] =	stream.indirect.scatter.add.f32 [tilespmem:s30], [sflag:$0x5], $0x80, s12, s24, $0xb8;
	[tilespmem:$0x1F800] =	vst v63  }
0x2a0: {  	_ =	swait.ge [sflag:s22], $0x2000  }
0x2a1: {  	[sflag:s22] =	ssyncset.done $0x0  }
0x2a2: {  	[sflag:s22] =	ssyncadd.s32 $0xFFFFE000  }
0x2a3: {  	_ =	swait.ge [sflag:s9], $0x2000  }
0x2a4: {  	[sflag:s9] =	ssyncset.done $0x0  }
0x2a5: {  	[sflag:s9] =	ssyncadd.s32 $0xFFFFE000  }
0x2a6: {  	[spmem:s2] =	stream.indirect.scatter.add.f32 [tilespmem:s1], [sflag:$0x5], $0x80, s13, s24, $0xb8;
	[tilespmem:$0x1F800] =	vst v63  }
0x2a7: {  	_ =	swait.ge [sflag:s22], $0x2000  }
0x2a8: {  	s14 =	sadd.s32 $0x1, s14;
	[sflag:s22] =	ssyncset.done $0x0  }
0x2a9: {  	p0 =	sne.s32 s14, s20;
	[sflag:s22] =	ssyncadd.s32 $0xFFFFE000  }
.Ltmp6:
0x2aa: {  	[bflag:$0x0] =	sbarrier.arrive $0xFFFF;
	(pc) =	sbr.rel @p0 .LBB2_1-.Ltmp6, $4  }
0x2ab: {  	[hbm:s19], [sflag:s6] =	dma.local [spmem:s21], $0x2800  }
0x2ac: {  	_ =	swait.ge [sflag:s22], $0x2800  }
0x2ad: {  	[sflag:s22] =	ssyncset.done $0x0  }
0x2ae: {  	[sflag:s22] =	ssyncadd.s32 $0xFFFFD800  }
0x2af: {  	_ =	sfence.sel $0x180000  }
0x2b0: {  	[bflag:$0x0] =	sbarrier.arrive $0xFFFF  }
0x2b1: {  	_ =	strace $0x9000004D  }
0x2b2: {  	s0 =	stileid.u32;
	[bflag:$0x2] =	sbarrier.arrive $0xFFFF  }
0x2b3: {  	p0 =	sne.s32 s0, $0x0;
	s0 =	rddreg [dreg:$0x3]  }
0x2b4: {  	s0 =	sadd.s32 @!p0 $0x100000, s0  }
0x2b5: {  	[sflag:s0] =	ssyncadd.tile.s32 @!p0 $0x1;
	_ =	shalt  }
.Lfunc_end2:
_tile_overlayer_lowered:
.L_overlay_start_2:
0x2b6: {  	(tag) =	ssettag $0x2  }
0x2b7: {  	s0 =	rddreg [dreg:$0x0];
	s2 =	stileid.u32  }
0x2b8: {  	s1 =	rddreg [dreg:$0x1];
	p0 =	sne.s32 s2, $0x0  }
0x2b9: {  	s3 =	rddreg [dreg:$0x2];
	[bflag:$0x3] =	sbarrier.arrive $0xFFFF;
	s2 =	simm.s32 @!p0 $0x1C05  }
0x2ba: {  	[timem:s3], [sflag:s2] =	dma.local @!p0 [hbm:s0], s1  }
0x2bb: {  	s0 =	simm.s32 @!p0 $0x5  }
0x2bc: {  	_ =	swait.ge @!p0 [sflag:s0], s1  }
0x2bd: {  	s1 =	ssub.s32 @!p0 $0x0, s1;
	[sflag:s0] =	ssyncset.done @!p0 $0x0  }
0x2be: {  	[sflag:s0] =	ssyncadd.s32 @!p0 s1  }
0x2bf: {  	[bflag:$0x3] =	sbarrier.arrive $0xFFFF  }
0x2c0: {  	_ =	shalt  }

// kernel: kernel.19.cloned.1.call-start
scs
__scs_entry_jumppad:
0x0: {  	(pc) =	sbr.rel $0x88, $3  }
0x1: {  	(tag) =	ssettag $0x0;
	lr =	simm.s32 $0x1  }
0x2: {  	[smem:$0x3F99] =	sst lr;
	_ =	strace $0xD0000000  }
0x3: {  	_ = 	snop  }
0x4: {  	_ = 	snop  }
0x5: {  	_ = 	snop  }
0x6: {  	_ = 	snop  }
0x7: {  	_ = 	snop  }
__scs_overlays_trampoline_lowered:
0x8: {  	[smem:$0x3FA8] =	sst s0  }
0x9: {  	[smem:$0x3FA9] =	sst s1  }
0xa: {  	[smem:$0x3FAA] =	sst s2  }
0xb: {  	[smem:$0x3FAB] =	sst s3  }
0xc: {  	[smem:$0x3FAC] =	sst s4  }
0xd: {  	[smem:$0x3FAD] =	sst s5  }
0xe: {  	[smem:$0x3FAE] =	sst s6  }
0xf: {  	[smem:$0x3FAF] =	sst s7  }
0x10: {  	[smem:$0x3FB0] =	sst s8  }
0x11: {  	[smem:$0x3FB1] =	sst s9;
	s0 =	simm.s32 @!p0 $0x0  }
0x12: {  	s1 =	sld [smem:$0x3F97];
	s0 =	simm.s32 @p0 $0x1  }
0x13: {  	[smem:$0x3FB2] =	sst s0;
	s0 =	simm.s32 @!p1 $0x0  }
0x14: {  	s2 =	sld [smem:$0x3F96];
	s0 =	simm.s32 @p1 $0x1  }
0x15: {  	[smem:$0x3FB3] =	sst s0;
	s0 =	simm.s32 @!p2 $0x0  }
0x16: {  	s3 =	sld [smem:$0x3FDB];
	s0 =	simm.s32 @p2 $0x1  }
0x17: {  	s4 =	simm.s32 $0x1BF5;
	[smem:$0x3FB5] =	sst s0  }
0x18: {  	s0 =	sld [smem:$0x3F98];
	_ =	swait.ge [sflag:s4], $0x0  }
0x19: {  	s7 =	sld [smem:$0x3F99]  }
0x1a: {  	s8 =	sadd.s32 $0xFFFFE003, lr  }
0x1b: {  	s9 =	sadd.s32 $0xFFFFFEF7, lr;
	s5 =	simm.s32 $0xFFFFFFFF;
	p2 =	slt.u32 s8, $0xFFFFF086  }
0x1c: {  	p1 =	slt.u32 s9, $0xF7A;
	s5 =	simm.s32 @!p2 $0x0  }
0x1d: {  	s5 =	simm.s32 @p1 $0x1;
	p0 =	seq.s32 s7, s2  }
0x1e: {  	s7 =	smul.u32 @!p0 $0xF7A, s2;
	p2 =	seq.s32 @!p0 s5, $0x0  }
0x1f: {  	s9 =	smul.u32 $0xF7A, s1;
	s8 =	simm.s32 @!p0 $0x1BF5;
	p2 =	por !p2, p0  }
0x20: {  	[sflag:s8] =	ssyncset.s32 @!p0 $0xFFFFF086;
	s6 =	sadd.s32 @!p0 s3, s7;
	s7 =	simm.s32 @!p0 $0x108  }
0x21: {  	s3 =	sadd.s32 s3, s9;
	s6 =	sadd.s32 @!p0 $0x88, s6;
	s7 =	simm.s32 @p2 $0x1082  }
0x22: {  	[simem:s7], [sflag:s8] =	dma.local @!p0 [hbm:s6], $0xF7A  }
0x23: {  	s9 =	sor.u32 $0xD0000000, s2;
	s6 =	simm.s32 $0x108;
	_ =	swait.ge @!p0 [sflag:s8], $0x0  }
0x24: {  	s3 =	sadd.s32 $0x88, s3;
	s6 =	simm.s32 @!p1 $0x1082;
	[sflag:s4] =	ssyncset.s32 $0xFFFFF086  }
0x25: {  	[simem:s6], [sflag:s4] =	dma.local [hbm:s3], $0xF7A  }
0x26: {  	[smem:$0x3F99] =	sst s1;
	(tag) =	ssettag s2;
	_ =	strace s9  }
0x27: {  	s1 =	sld [smem:$0x3FA9]  }
0x28: {  	s2 =	sld [smem:$0x3FAA]  }
0x29: {  	s4 =	sld [smem:$0x3FAC]  }
0x2a: {  	p0 =	seq.s32 s5, $0x0;
	s5 =	sld [smem:$0x3FAD]  }
0x2b: {  	s6 =	sld [smem:$0x3FAE]  }
0x2c: {  	s7 =	sld [smem:$0x3FAF]  }
0x2d: {  	s3 =	simm.s32 $0x108;
	s8 =	sld [smem:$0x3FB0]  }
0x2e: {  	s3 =	simm.s32 @!p0 $0x1082;
	s9 =	sld [smem:$0x3FB1]  }
0x2f: {  	lr =	sadd.s32 s0, s3;
	s0 =	sld [smem:$0x3FA8]  }
0x30: {  	s3 =	sld [smem:$0x3FAB]  }
0x31: {  	[smem:$0x3FB4] =	sst s10  }
0x32: {  	s10 =	sld [smem:$0x3FB2];
	_ =	sdelay $0x3  }
0x33: {  	p0 =	seq.s32 s10, $0x1;
	s10 =	sld [smem:$0x3FB4];
	_ =	sdelay $0x3  }
0x34: {  	[smem:$0x3FB4] =	sst s10  }
0x35: {  	s10 =	sld [smem:$0x3FB3];
	_ =	sdelay $0x3  }
0x36: {  	p1 =	seq.s32 s10, $0x1;
	s10 =	sld [smem:$0x3FB4];
	_ =	sdelay $0x3  }
0x37: {  	[smem:$0x3FB4] =	sst s10  }
0x38: {  	s10 =	sld [smem:$0x3FB5]  }
0x39: {  	_ = 	snop;
	(pc) =	sbr.ind lr, $3  }
0x3a: {  	_ = 	snop  }
0x3b: {  	_ = 	snop  }
0x3c: {  	p2 =	seq.s32 s10, $0x1;
	s10 =	sld [smem:$0x3FB4]  }
0x3d: {  	_ =	shalt  }
0x3e: {  	_ =	shalt  }
0x3f: {  	_ =	shalt  }
0x40: {  	_ =	shalt  }
0x41: {  	_ =	shalt  }
0x42: {  	_ =	shalt  }
0x43: {  	_ =	shalt  }
0x44: {  	_ =	shalt  }
0x45: {  	_ =	shalt  }
0x46: {  	_ =	shalt  }
0x47: {  	_ =	shalt  }
0x48: {  	_ =	shalt  }
0x49: {  	_ =	shalt  }
0x4a: {  	_ =	shalt  }
0x4b: {  	_ =	shalt  }
0x4c: {  	_ =	shalt  }
0x4d: {  	_ =	shalt  }
0x4e: {  	_ =	shalt  }
0x4f: {  	_ =	shalt  }
0x50: {  	_ =	shalt  }
0x51: {  	_ =	shalt  }
0x52: {  	_ =	shalt  }
0x53: {  	_ =	shalt  }
0x54: {  	_ =	shalt  }
0x55: {  	_ =	shalt  }
0x56: {  	_ =	shalt  }
0x57: {  	_ =	shalt  }
0x58: {  	_ =	shalt  }
0x59: {  	_ =	shalt  }
0x5a: {  	_ =	shalt  }
0x5b: {  	_ =	shalt  }
0x5c: {  	_ =	shalt  }
0x5d: {  	_ =	shalt  }
0x5e: {  	_ =	shalt  }
0x5f: {  	_ =	shalt  }
0x60: {  	_ =	shalt  }
0x61: {  	_ =	shalt  }
0x62: {  	_ =	shalt  }
0x63: {  	_ =	shalt  }
0x64: {  	_ =	shalt  }
0x65: {  	_ =	shalt  }
0x66: {  	_ =	shalt  }
0x67: {  	_ =	shalt  }
0x68: {  	_ =	shalt  }
0x69: {  	_ =	shalt  }
0x6a: {  	_ =	shalt  }
0x6b: {  	_ =	shalt  }
0x6c: {  	_ =	shalt  }
0x6d: {  	_ =	shalt  }
0x6e: {  	_ =	shalt  }
0x6f: {  	_ =	shalt  }
0x70: {  	_ =	shalt  }
0x71: {  	_ =	shalt  }
0x72: {  	_ =	shalt  }
0x73: {  	_ =	shalt  }
0x74: {  	_ =	shalt  }
0x75: {  	_ =	shalt  }
0x76: {  	_ =	shalt  }
0x77: {  	_ =	shalt  }
0x78: {  	_ =	shalt  }
0x79: {  	_ =	shalt  }
0x7a: {  	_ =	shalt  }
0x7b: {  	_ =	shalt  }
0x7c: {  	_ =	shalt  }
0x7d: {  	_ =	shalt  }
0x7e: {  	_ =	shalt  }
0x7f: {  	_ =	shalt  }
0x80: {  	_ =	shalt  }
0x81: {  	_ =	shalt  }
0x82: {  	_ =	shalt  }
0x83: {  	_ =	shalt  }
0x84: {  	_ =	shalt  }
0x85: {  	_ =	shalt  }
0x86: {  	_ =	shalt  }
0x87: {  	_ =	shalt  }
.Lfunc_end0:
.L_simem_size_0:
called_computation.3_lowered:
.L_overlay_start_0:
0x88: {  	s2 =	sld [smem:$0x3FD9]  }
0x89: {  	s3 =	sld [smem:$0x3FFE];
	_ =	sdelay $0x1  }
0x8a: {  	s1 =	srdreg.scid  }
0x8b: {  	s0 =	sand.u32 $0x1, s1  }
0x8c: {  	s16 =	sshll.u32 s0, $0xA;
	s2 =	sadd.s32 s3, s2  }
0x8d: {  	s2 =	sadd.s32 s2, s16  }
0x8e: {  	[smem:$0x3FC0] =	sst s2  }
0x8f: {  	_ = 	snop  }
0x90: {  	(tm) =	ssettm $0x1  }
0x91: {  	s17 =	sld [smem:$0x3FFB];
	_ =	sdelay $0x3  }
0x92: {  	_ =	strace s17  }
0x93: {  	s2 =	sld [smem:$0x3FFC];
	_ =	sdelay $0x3  }
0x94: {  	_ =	strace s2  }
0x95: {  	s2 =	sld [smem:$0x3FFD];
	_ =	sdelay $0x3  }
0x96: {  	_ =	strace s2  }
0x97: {  	_ =	strace $0x8FFFFFFF  }
0x98: {  	s18 =	sld [smem:$0x3FDB];
	_ =	sdelay $0x1  }
0x99: {  	s19 =	simm.s32 $_scs_section_size  }
0x9a: {  	s4 =	simm.s32 $_size__tile_overlayer_lowered;
	s5 =	simm.s32 $_tile_overlayer_lowered  }
0x9b: {  	s22 =	simm.s32 $0x1BFF;
	s21 =	sshll.u32 s5, $0x1;
	s2 =	sadd.s32 s19, s18  }
0x9c: {  	s6 =	simm.s32 $0x0;
	s20 =	sshll.u32 s4, $0x1;
	s4 =	sadd.s32 s21, s2  }
0x9d: {  	[timem:s6], [sflag:s22] =	dma.local [hbm:s4], s20  }
0x9e: {  	_ =	swait.ge [sflag:s22], s20  }
0x9f: {  	s3 =	ssub.s32 $0x0, s20;
	[sflag:s22] =	ssyncset.done $0x0  }
0xa0: {  	[sflag:s22] =	ssyncadd.s32 s3;
	_ =	sdelay $0x1  }
0xa1: {  	s23 =	simm.s32 $0x1B8B  }
0xa2: {  	_ =	swait.ge [sflag:s23], $0x1  }
0xa3: {  	[sflag:s23] =	ssyncset.done $0x0  }
0xa4: {  	s25 =	simm.s32 $0x1B8E;
	s24 =	sld [smem:$0x3FFE];
	[sflag:s23] =	ssyncadd.s32 $0xFFFFFFFF  }
0xa5: {  	s26 =	simm.s32 $execute0_lowered;
	[smem:$0x3FD2] =	sst s25  }
0xa6: {  	s4 =	sshll.u32 s26, $0x1;
	_ =	strace $0x8000004F;
	[dreg:$0x1] =	wrdreg $0xFFFFFFFF  }
0xa7: {  	s28 =	simm.s32 $_size_execute0_lowered;
	s2 =	sadd.s32 s2, s4;
	[dreg:$0x0] =	wrdreg $0x0  }
0xa8: {  	s4 =	sshll.u32 s28, $0x1;
	[dreg:$0x2] =	wrdreg s2  }
0xa9: {  	[dreg:$0x3] =	wrdreg s4  }
0xaa: {  	[dreg:$0x4] =	wrdreg $0xC0  }
0xab: {  	_ =	task [dreg:s6], $0x5FFFF  }
0xac: {  	[dreg:$0x1] =	wrdreg $0xFFFFFFFF  }
0xad: {  	[dreg:$0x0] =	wrdreg $0x60  }
0xae: {  	[dreg:$0x2] =	wrdreg s24  }
0xaf: {  	[dreg:$0x3] =	wrdreg $0x98000  }
0xb0: {  	[dreg:$0x4] =	wrdreg $0x9  }
0xb1: {  	_ =	task.clear_ibuf [dreg:s6], $0x5FFFF;
	_ =	strace $0x9000004F  }
0xb2: {  	s29 =	simm.s32 $0x9;
	_ =	strace $0x80000051  }
0xb3: {  	_ =	swait.ge [sflag:s29], $0x1  }
0xb4: {  	[sflag:s29] =	ssyncadd.s32 $0xFFFFFFFF  }
0xb5: {  	_ =	strace $0x90000051  }
0xb6: {  	_ =	sfence  }
0xb7: {  	s30 =	sld [smem:$0x0];
	_ =	sdelay $0x2  }
0xb8: {  	s31 =	sshll.u32 s1, $0xD;
	s1 =	sshrl.u32 s1, $0x2  }
0xb9: {  	s3 =	sand.u32 $0x4000, s31;
	s1 =	sadd.s32 s1, s30  }
0xba: {  	s0 =	sor.u32 s3, s0;
	s1 =	sshll.u32 s1, $0x11  }
0xbb: {  	s0 =	sor.u32 s1, s0  }
0xbc: {  	s0 =	sadd.s32 $0x8F2B, s0  }
0xbd: {  	[sflag:s0] =	ssyncadd.remote.s32 $0x1  }
0xbe: {  	_ =	sfence.sel $0xFFFF  }
0xbf: {  	[dreg:$0x0] =	wrdreg $0xFFFFFFFF;
	(pc) =	sbr.abs _section_cstart, $3  }
0xc0: {  	[dreg:$0x1] =	wrdreg $0xFFFFFFFF  }
0xc1: {  	_ =	task.clear_ibuf [dreg:s6], $0x2FFFF;
	_ =	strace $0x9FFFFFFF  }
0xc2: {  	(tm) =	ssettm $0x7FFFFFFF  }
0xc3: {  	_ =	shalt  }
tec
execute0_lowered:
.L_overlay_start_1:
0x0: {  	(tag) =	ssettag $0x1  }
0x1: {  	s6 =	rddreg [dreg:$0x0]  }
0x2: {  	s1 =	rddreg [dreg:$0x1]  }
0x3: {  	s2 =	srdreg.scid;
	s0 =	rddreg [dreg:$0x2]  }
0x4: {  	s3 =	simm.s32 $0x0;
	s15 =	simm.s32 $0x1C00;
	s16 =	simm.s32 $0x60  }
0x5: {  	s17 =	simm.s32 $0x3800;
	s18 =	simm.s32 $0x80;
	s19 =	simm.s32 $0x6800  }
0x6: {  	s20 =	simm.s32 $0x1;
	s21 =	simm.s32 $0x2;
	s22 =	simm.s32 $0x3700  }
0x7: {  	s5 =	sand.u32 $0x1, s2;
	s2 =	stileid.u32;
	[smem:$0x7FF] =	sst s3  }
0x8: {  	s4 =	sadd.s32 $0x13000, s6;
	s9 =	sadd.s32 $0x63000, s6;
	s7 =	smul.u32 $0x140000, s5  }
0x9: {  	s10 =	sadd.s32 $0x2800, s6;
	s8 =	smul.u32 $0x14000, s2;
	_ =	strace $0x80000050  }
0xa: {  	s23 =	sshll.u32 s5, $0x4;
	s11 =	ssub.s32 $0x2, s5;
	s25 =	smul.u32 $0x50000, s2  }
0xb: {  	s5 =	sadd.s32 $0x10800, s6;
	s28 =	sshll.u32 s2, $0x6;
	s24 =	sor.u32 s2, s23  }
0xc: {  	s12 =	sshrl.u32 s11, $0x1;
	s23 =	simm.s32 $0x3780;
	s7 =	sadd.s32 s8, s7  }
0xd: {  	s13 =	smul.u32 $0x3800, s24;
	s12 =	ssub.s32 s11, s12;
	s26 =	sshrl.u32 s25, $0x2  }
0xe: {  	s24 =	simm.s32 $0x0;
	s7 =	sshrl.u32 s7, $0x3;
	s30 =	sadd.s32 s26, s1  }
0xf: {  	s12 =	smax.u32 s12, $0x1;
	s14 =	sadd.s32 s7, s6;
	s29 =	sshrl.u32 s13, $0x3  }
0x10: {  	s6 =	sor.u32 $0x1C03, s28;
	s13 =	sshrl.u32 s30, $0x3;
	s31 =	sadd.s32 $0x380, s29  }
0x11: {  	s7 =	sadd.s32 s9, s29;
	s8 =	sadd.s32 s10, s29;
	s11 =	sadd.s32 $0x71000, s14  }
0x12: {  	s14 =	simm.s32 $0x3;
	s9 =	sadd.s32 s9, s31;
	s10 =	sadd.s32 s10, s31  }
.LBB2_1:
0x13: {  	[spmem:s13], [sflag:s6] =	dma.local [hbm:s5], $0x2800  }
0x14: {  	_ =	swait.ge [sflag:s14], $0x2800  }
0x15: {  	[sflag:s14] =	ssyncset.done $0x0  }
0x16: {  	[sflag:s14] =	ssyncadd.s32 $0xFFFFD800  }
0x17: {  	[bflag:$0x0] =	sbarrier.arrive $0xFFFF  }
0x18: {  	[tilespmem:s3], [sflag:$0x3] =	stream.linear.gather [hbm4b:s7+s3], $0x1C00, $0x38;
	[tilespmem:$0x1D800] =	vst v63  }
0x19: {  	_ =	swait.ge [sflag:s14], $0x1C00  }
0x1a: {  	[sflag:s14] =	ssyncset.done $0x0  }
0x1b: {  	[sflag:s14] =	ssyncadd.s32 $0xFFFFE400  }
0x1c: {  	[tilespmem:s15], [sflag:$0x3] =	stream.linear.gather [hbm4b:s8+s3], $0x1C00, $0x38;
	[tilespmem:$0x1D800] =	vst v63  }
0x1d: {  	_ =	swait.ge [sflag:s14], $0x1C00  }
0x1e: {  	[sflag:s14] =	ssyncset.done $0x0  }
0x1f: {  	[sflag:s14] =	ssyncadd.s32 $0xFFFFE400  }
0x20: {  	[tilespmem:s17], [sflag:$0x1] =	stream.indirect.gather [hbm4b:s4+s16], $0x80, s3, s16, $0xb8;
	[tilespmem:$0x1D800] =	vst v63  }
0x21: {  	_ = 	snop  }
0x22: {  	[tilespmem:s19], [sflag:$0x2] =	stream.indirect.gather [hbm4b:s4+s16], $0x80, s18, s16, $0xb8;
	[tilespmem:$0x1D800] =	vst v63  }
0x23: {  	_ =	swait.ge [sflag:s20], $0x3000  }
0x24: {  	[sflag:s20] =	ssyncset.done $0x0  }
0x25: {  	s25 =	simm.s32 $0x1C00;
	[sflag:s20] =	ssyncadd.s32 $0xFFFFD000  }
0x26: {  	[spmem:s1] =	stream.indirect.scatter.add.f32 [tilespmem:s17], [sflag:$0x3], $0x80, s25, s16, $0xb8;
	[tilespmem:$0x1D800] =	vst v63  }
0x27: {  	_ =	swait.ge [sflag:s14], $0x3000  }
0x28: {  	[sflag:s14] =	ssyncset.done $0x0  }
0x29: {  	s30 =	simm.s32 $0x100;
	[sflag:s14] =	ssyncadd.s32 $0xFFFFD000  }
0x2a: {  	[tilespmem:s17], [sflag:$0x1] =	stream.indirect.gather [hbm4b:s4+s16], $0x80, s30, s16, $0xb8;
	[tilespmem:$0x1D800] =	vst v63  }
0x2b: {  	_ =	swait.ge [sflag:s21], $0x3000  }
0x2c: {  	[sflag:s21] =	ssyncset.done $0x0  }
0x2d: {  	s31 =	simm.s32 $0x1C80;
	[sflag:s21] =	ssyncadd.s32 $0xFFFFD000  }
0x2e: {  	[spmem:s1] =	stream.indirect.scatter.add.f32 [tilespmem:s19], [sflag:$0x3], $0x80, s31, s16, $0xb8;
	[tilespmem:$0x1D800] =	vst v63  }
0x2f: {  	_ =	swait.ge [sflag:s14], $0x3000  }
0x30: {  	[sflag:s14] =	ssyncset.done $0x0  }
0x31: {  	s26 =	simm.s32 $0x180;
	s25 =	simm.s32 $0x400;
	[sflag:s14] =	ssyncadd.s32 $0xFFFFD000  }
.LBB2_2:
0x32: {  	[tilespmem:s19], [sflag:$0x2] =	stream.indirect.gather [hbm4b:s4+s16], $0x80, s26, s16, $0xb8;
	[tilespmem:$0x1D800] =	vst v63  }
0x33: {  	s26 =	smov.u32 s25  }
0x34: {  	p0 =	sne.s32 s25, $0x6800;
	s25 =	sadd.s32 $0x400, s25;
	_ =	swait.ge [sflag:s20], $0x3000  }
0x35: {  	s26 =	sshra.s32 s26, $0x2;
	[sflag:s20] =	ssyncset.done $0x0  }
0x36: {  	s28 =	sadd.s32 $0x1C00, s26;
	[sflag:s20] =	ssyncadd.s32 $0xFFFFD000  }
0x37: {  	[spmem:s1] =	stream.indirect.scatter.add.f32 [tilespmem:s17], [sflag:$0x3], $0x80, s28, s16, $0xb8;
	[tilespmem:$0x1D800] =	vst v63  }
0x38: {  	_ =	swait.ge [sflag:s14], $0x3000  }
0x39: {  	[sflag:s14] =	ssyncset.done $0x0  }
0x3a: {  	s28 =	sadd.s32 $0x100, s26;
	[sflag:s14] =	ssyncadd.s32 $0xFFFFD000  }
0x3b: {  	[tilespmem:s17], [sflag:$0x1] =	stream.indirect.gather [hbm4b:s4+s16], $0x80, s28, s16, $0xb8;
	[tilespmem:$0x1D800] =	vst v63  }
0x3c: {  	_ =	swait.ge [sflag:s21], $0x3000  }
0x3d: {  	[sflag:s21] =	ssyncset.done $0x0  }
.Ltmp0:
0x3e: {  	s28 =	sadd.s32 $0x1C80, s26;
	[sflag:s21] =	ssyncadd.s32 $0xFFFFD000;
	(pc) =	sbr.rel @p0 .LBB2_2-.Ltmp0, $4  }
0x3f: {  	[spmem:s1] =	stream.indirect.scatter.add.f32 [tilespmem:s19], [sflag:$0x3], $0x80, s28, s16, $0xb8;
	[tilespmem:$0x1D800] =	vst v63  }
0x40: {  	_ =	swait.ge [sflag:s14], $0x3000  }
0x41: {  	[sflag:s14] =	ssyncset.done $0x0  }
0x42: {  	s26 =	sadd.s32 $0x180, s26;
	[sflag:s14] =	ssyncadd.s32 $0xFFFFD000  }
0x43: {  	[tilespmem:s19], [sflag:$0x2] =	stream.indirect.gather [hbm4b:s4+s16], $0x80, s26, s16, $0xb8;
	[tilespmem:$0x1D800] =	vst v63  }
0x44: {  	_ =	swait.ge [sflag:s20], $0x3000  }
0x45: {  	[sflag:s20] =	ssyncset.done $0x0  }
0x46: {  	[sflag:s20] =	ssyncadd.s32 $0xFFFFD000  }
0x47: {  	[spmem:s1] =	stream.indirect.scatter.add.f32 [tilespmem:s17], [sflag:$0x3], $0x80, s22, s16, $0xb8;
	[tilespmem:$0x1D800] =	vst v63  }
0x48: {  	_ =	swait.ge [sflag:s14], $0x3000  }
0x49: {  	[sflag:s14] =	ssyncset.done $0x0  }
0x4a: {  	[sflag:s14] =	ssyncadd.s32 $0xFFFFD000  }
0x4b: {  	_ =	swait.ge [sflag:s21], $0x3000  }
0x4c: {  	[sflag:s21] =	ssyncset.done $0x0  }
0x4d: {  	[sflag:s21] =	ssyncadd.s32 $0xFFFFD000  }
0x4e: {  	[spmem:s1] =	stream.indirect.scatter.add.f32 [tilespmem:s19], [sflag:$0x3], $0x80, s23, s16, $0xb8;
	[tilespmem:$0x1D800] =	vst v63  }
0x4f: {  	_ =	swait.ge [sflag:s14], $0x3000  }
0x50: {  	[sflag:s14] =	ssyncset.done $0x0  }
0x51: {  	s25 =	simm.s32 $0x0;
	[sflag:s14] =	ssyncadd.s32 $0xFFFFD000  }
0x52: {  	[tilespmem:s25], [sflag:$0x3] =	stream.linear.gather [hbm4b:s9+s25], $0x1C00, $0x38;
	[tilespmem:$0x1D800] =	vst v63  }
0x53: {  	_ =	swait.ge [sflag:s14], $0x1C00  }
0x54: {  	[sflag:s14] =	ssyncset.done $0x0  }
0x55: {  	[sflag:s14] =	ssyncadd.s32 $0xFFFFE400  }
0x56: {  	[tilespmem:s15], [sflag:$0x3] =	stream.linear.gather [hbm4b:s10+s25], $0x1C00, $0x38;
	[tilespmem:$0x1D800] =	vst v63  }
0x57: {  	_ =	swait.ge [sflag:s14], $0x1C00  }
0x58: {  	[sflag:s14] =	ssyncset.done $0x0  }
0x59: {  	[sflag:s14] =	ssyncadd.s32 $0xFFFFE400  }
0x5a: {  	[tilespmem:s17], [sflag:$0x1] =	stream.indirect.gather [hbm4b:s4+s16], $0x80, s25, s16, $0xb8;
	[tilespmem:$0x1D800] =	vst v63  }
0x5b: {  	_ = 	snop  }
0x5c: {  	[tilespmem:s19], [sflag:$0x2] =	stream.indirect.gather [hbm4b:s4+s16], $0x80, s18, s16, $0xb8;
	[tilespmem:$0x1D800] =	vst v63  }
0x5d: {  	_ =	swait.ge [sflag:s20], $0x3000  }
0x5e: {  	[sflag:s20] =	ssyncset.done $0x0  }
0x5f: {  	s29 =	simm.s32 $0x1C00;
	[sflag:s20] =	ssyncadd.s32 $0xFFFFD000  }
0x60: {  	[spmem:s1] =	stream.indirect.scatter.add.f32 [tilespmem:s17], [sflag:$0x3], $0x80, s29, s16, $0xb8;
	[tilespmem:$0x1D800] =	vst v63  }
0x61: {  	_ =	swait.ge [sflag:s14], $0x3000  }
0x62: {  	[sflag:s14] =	ssyncset.done $0x0  }
0x63: {  	s30 =	simm.s32 $0x100;
	[sflag:s14] =	ssyncadd.s32 $0xFFFFD000  }
0x64: {  	[tilespmem:s17], [sflag:$0x1] =	stream.indirect.gather [hbm4b:s4+s16], $0x80, s30, s16, $0xb8;
	[tilespmem:$0x1D800] =	vst v63  }
0x65: {  	_ =	swait.ge [sflag:s21], $0x3000  }
0x66: {  	[sflag:s21] =	ssyncset.done $0x0  }
0x67: {  	s31 =	simm.s32 $0x1C80;
	[sflag:s21] =	ssyncadd.s32 $0xFFFFD000  }
0x68: {  	[spmem:s1] =	stream.indirect.scatter.add.f32 [tilespmem:s19], [sflag:$0x3], $0x80, s31, s16, $0xb8;
	[tilespmem:$0x1D800] =	vst v63  }
0x69: {  	_ =	swait.ge [sflag:s14], $0x3000  }
0x6a: {  	[sflag:s14] =	ssyncset.done $0x0  }
0x6b: {  	s26 =	simm.s32 $0x180;
	s25 =	simm.s32 $0x400;
	[sflag:s14] =	ssyncadd.s32 $0xFFFFD000  }
.LBB2_4:
0x6c: {  	[tilespmem:s19], [sflag:$0x2] =	stream.indirect.gather [hbm4b:s4+s16], $0x80, s26, s16, $0xb8;
	[tilespmem:$0x1D800] =	vst v63  }
0x6d: {  	s26 =	smov.u32 s25  }
0x6e: {  	p0 =	sne.s32 s25, $0x6800;
	s25 =	sadd.s32 $0x400, s25;
	_ =	swait.ge [sflag:s20], $0x3000  }
0x6f: {  	s26 =	sshra.s32 s26, $0x2;
	[sflag:s20] =	ssyncset.done $0x0  }
0x70: {  	s28 =	sadd.s32 $0x1C00, s26;
	[sflag:s20] =	ssyncadd.s32 $0xFFFFD000  }
0x71: {  	[spmem:s1] =	stream.indirect.scatter.add.f32 [tilespmem:s17], [sflag:$0x3], $0x80, s28, s16, $0xb8;
	[tilespmem:$0x1D800] =	vst v63  }
0x72: {  	_ =	swait.ge [sflag:s14], $0x3000  }
0x73: {  	[sflag:s14] =	ssyncset.done $0x0  }
0x74: {  	s28 =	sadd.s32 $0x100, s26;
	[sflag:s14] =	ssyncadd.s32 $0xFFFFD000  }
0x75: {  	[tilespmem:s17], [sflag:$0x1] =	stream.indirect.gather [hbm4b:s4+s16], $0x80, s28, s16, $0xb8;
	[tilespmem:$0x1D800] =	vst v63  }
0x76: {  	_ =	swait.ge [sflag:s21], $0x3000  }
0x77: {  	[sflag:s21] =	ssyncset.done $0x0  }
.Ltmp1:
0x78: {  	s28 =	sadd.s32 $0x1C80, s26;
	[sflag:s21] =	ssyncadd.s32 $0xFFFFD000;
	(pc) =	sbr.rel @p0 .LBB2_4-.Ltmp1, $4  }
0x79: {  	[spmem:s1] =	stream.indirect.scatter.add.f32 [tilespmem:s19], [sflag:$0x3], $0x80, s28, s16, $0xb8;
	[tilespmem:$0x1D800] =	vst v63  }
0x7a: {  	_ =	swait.ge [sflag:s14], $0x3000  }
0x7b: {  	[sflag:s14] =	ssyncset.done $0x0  }
0x7c: {  	s26 =	sadd.s32 $0x180, s26;
	[sflag:s14] =	ssyncadd.s32 $0xFFFFD000  }
0x7d: {  	[tilespmem:s19], [sflag:$0x2] =	stream.indirect.gather [hbm4b:s4+s16], $0x80, s26, s16, $0xb8;
	[tilespmem:$0x1D800] =	vst v63  }
0x7e: {  	_ =	swait.ge [sflag:s20], $0x3000  }
0x7f: {  	[sflag:s20] =	ssyncset.done $0x0  }
0x80: {  	[sflag:s20] =	ssyncadd.s32 $0xFFFFD000  }
0x81: {  	[spmem:s1] =	stream.indirect.scatter.add.f32 [tilespmem:s17], [sflag:$0x3], $0x80, s22, s16, $0xb8;
	[tilespmem:$0x1D800] =	vst v63  }
0x82: {  	_ =	swait.ge [sflag:s14], $0x3000  }
0x83: {  	[sflag:s14] =	ssyncset.done $0x0  }
0x84: {  	[sflag:s14] =	ssyncadd.s32 $0xFFFFD000  }
0x85: {  	_ =	swait.ge [sflag:s21], $0x3000  }
0x86: {  	[sflag:s21] =	ssyncset.done $0x0  }
0x87: {  	[sflag:s21] =	ssyncadd.s32 $0xFFFFD000  }
0x88: {  	[spmem:s1] =	stream.indirect.scatter.add.f32 [tilespmem:s19], [sflag:$0x3], $0x80, s23, s16, $0xb8;
	[tilespmem:$0x1D800] =	vst v63  }
0x89: {  	_ =	swait.ge [sflag:s14], $0x3000  }
0x8a: {  	s24 =	sadd.s32 $0x1, s24;
	[sflag:s14] =	ssyncset.done $0x0  }
0x8b: {  	p0 =	sne.s32 s24, s12;
	[sflag:s14] =	ssyncadd.s32 $0xFFFFD000  }
.Ltmp2:
0x8c: {  	[bflag:$0x0] =	sbarrier.arrive $0xFFFF;
	(pc) =	sbr.rel @p0 .LBB2_1-.Ltmp2, $4  }
0x8d: {  	[hbm:s11], [sflag:s6] =	dma.local [spmem:s13], $0x2800  }
0x8e: {  	_ =	swait.ge [sflag:s14], $0x2800  }
0x8f: {  	[sflag:s14] =	ssyncset.done $0x0  }
0x90: {  	[sflag:s14] =	ssyncadd.s32 $0xFFFFD800  }
0x91: {  	_ =	sfence.sel $0x180000  }
0x92: {  	[bflag:$0x0] =	sbarrier.arrive $0xFFFF  }
0x93: {  	p0 =	sne.s32 s2, $0x0;
	_ =	strace $0x90000050  }
0x94: {  	s0 =	sadd.s32 @!p0 $0x100000, s0;
	[bflag:$0x2] =	sbarrier.arrive $0xFFFF  }
0x95: {  	[sflag:s0] =	ssyncadd.tile.s32 @!p0 $0x1;
	_ =	shalt  }
.Lfunc_end2:
_tile_overlayer_lowered:
.L_overlay_start_2:
0x96: {  	(tag) =	ssettag $0x2  }
0x97: {  	s0 =	rddreg [dreg:$0x0];
	s2 =	stileid.u32  }
0x98: {  	s1 =	rddreg [dreg:$0x1];
	p0 =	sne.s32 s2, $0x0  }
0x99: {  	s3 =	rddreg [dreg:$0x2];
	[bflag:$0x3] =	sbarrier.arrive $0xFFFF;
	s2 =	simm.s32 @!p0 $0x1C03  }
0x9a: {  	[timem:s3], [sflag:s2] =	dma.local @!p0 [hbm:s0], s1  }
0x9b: {  	s0 =	simm.s32 @!p0 $0x3  }
0x9c: {  	_ =	swait.ge @!p0 [sflag:s0], s1  }
0x9d: {  	s1 =	ssub.s32 @!p0 $0x0, s1;
	[sflag:s0] =	ssyncset.done @!p0 $0x0  }
0x9e: {  	[sflag:s0] =	ssyncadd.s32 @!p0 s1  }
0x9f: {  	[bflag:$0x3] =	sbarrier.arrive $0xFFFF  }
0xa0: {  	_ =	shalt  }

</sc_bundles>
